<compile_context>
chip_gen: v7x
topology: tpu7x:2x2x1
jax: 0.10.2.dev20260603
libtpu: 0.0.44.dev20260713+nightly
codegen_flags: <defaults>
</compile_context>

<pallas_src>
import functools

import jax
import jax.numpy as jnp
from jax import lax
from jax.experimental import pallas as pl
from jax.experimental.pallas import tpu as pltpu
from jax.experimental.pallas import tpu_sc as plsc

K = 8
EPS = 1e-08

B, C, N_IN, N_OUT = 4, 256, 2562, 10242
BC = B * C
N_PAD = 10752
N_INP = 2688
BT = 256
NW = 32
ROWS_W = BC // NW
TCH = 384
NCH = N_PAD // TCH
NG = TCH // 16


def _knn_kernel(tp_ref, sp_ref, idx_ref, w_ref):
    tp = tp_ref[...]
    sp = sp_ref[...]
    tx, ty, tz = tp[:, 0:1], tp[:, 1:2], tp[:, 2:3]
    sx, sy, sz = sp[0:1, :], sp[1:2, :], sp[2:3, :]
    q2 = (tx * tx + tz * tz) + ty * ty
    s2 = (sx * sx + sz * sz) + sy * sy
    mm = jnp.dot(tp, sp, preferred_element_type=jnp.float32)
    d2 = (q2 - 2.0 * mm) + s2
    iota = lax.broadcasted_iota(jnp.int32, (BT, N_INP), 1).astype(jnp.float32)
    idxs, ws = [], []
    wsum = jnp.zeros((BT, 1), jnp.float32)
    for _ in range(K):
        minv = jnp.min(d2, axis=1, keepdims=True)
        cand = jnp.where(d2 <= minv, iota, jnp.float32(N_INP))
        idxf = jnp.min(cand, axis=1, keepdims=True)
        d2 = jnp.where(iota == idxf, jnp.float32(jnp.inf), d2)
        idx = jnp.minimum(idxf.astype(jnp.int32), N_IN - 1)
        wk = 1.0 / (jnp.sqrt(jnp.maximum(minv, 0.0)) + EPS)
        idxs.append(idx)
        ws.append(wk)
        wsum = wsum + wk
    idx_ref[...] = jnp.concatenate(idxs, axis=1)
    w_ref[...] = jnp.concatenate(ws, axis=1) / wsum


def _stage1(tpos_pad, spos_pad):
    nt = tpos_pad.shape[0]
    return pl.pallas_call(
        _knn_kernel,
        grid=(nt // BT,),
        in_specs=[
            pl.BlockSpec((BT, 8), lambda i: (i, 0)),
            pl.BlockSpec((8, N_INP), lambda i: (0, 0)),
        ],
        out_specs=[
            pl.BlockSpec((BT, K), lambda i: (i, 0)),
            pl.BlockSpec((BT, K), lambda i: (i, 0)),
        ],
        out_shape=[
            jax.ShapeDtypeStruct((nt, K), jnp.int32),
            jax.ShapeDtypeStruct((nt, K), jnp.float32),
        ],
    )(tpos_pad, spos_pad)


@functools.cache
def _make_sc_gather(nt=N_PAD):
    nch = nt // TCH

    def _sc_gather_body(xr_hbm, idx_hbm, w_hbm, out_hbm,
                        xrows, idx_a, idx_b, w_a, w_b, out_a, out_b,
                        sin_a, sin_b, sout_a, sout_b):
        wid = lax.axis_index("s") * 2 + lax.axis_index("c")
        r0 = wid * ROWS_W
        pltpu.sync_copy(xr_hbm.at[pl.ds(r0 * N_INP, ROWS_W * N_INP)], xrows)
        iota16 = lax.iota(jnp.int32, 16)
        bufs = [(idx_a, w_a, out_a, sin_a, sout_a),
                (idx_b, w_b, out_b, sin_b, sout_b)]

        def fire_in(cix, p):
            idxc, wc, _, sin, _ = bufs[p]
            c0 = cix * TCH
            return (pltpu.async_copy(idx_hbm.at[pl.ds(c0 * K, TCH * K)], idxc, sin),
                    pltpu.async_copy(w_hbm.at[pl.ds(c0 * K, TCH * K)], wc, sin))

        def wait_in(p):
            idxc, wc, _, sin, _ = bufs[p]
            pltpu.make_async_copy(idx_hbm.at[pl.ds(0, TCH * K)], idxc, sin).wait()
            pltpu.make_async_copy(w_hbm.at[pl.ds(0, TCH * K)], wc, sin).wait()

        def wait_out(p):
            _, _, outc, _, sout = bufs[p]
            pltpu.make_async_copy(
                outc, out_hbm.at[pl.ds(0, ROWS_W), pl.ds(0, TCH)], sout).wait()

        def compute(p, cix):
            idxc, wc, outc, _, sout = bufs[p]

            def g_body(g, _):
                lanes = (g * 16 + iota16) * K
                idxs = [plsc.load_gather(idxc, [lanes + kk]) for kk in range(K)]
                wvs = [plsc.load_gather(wc, [lanes + kk]) for kk in range(K)]
                col = g * 16

                def r_body(rq, _):
                    for u in range(8):
                        r = rq * 8 + u
                        rbase = r * N_INP
                        acc = plsc.load_gather(xrows, [rbase + idxs[0]]) * wvs[0]
                        for kk in range(1, K):
                            acc = acc + plsc.load_gather(xrows, [rbase + idxs[kk]]) * wvs[kk]
                        outc[r, pl.ds(col, 16)] = acc
                    return 0

                lax.fori_loop(0, ROWS_W // 8, r_body, 0)
                return 0

            lax.fori_loop(0, NG, g_body, 0)
            pltpu.async_copy(
                outc, out_hbm.at[pl.ds(r0, ROWS_W), pl.ds(cix * TCH, TCH)], sout)

        fire_in(0, 0)

        def pair_body(j, _):
            c_a = 2 * j
            wait_in(0)
            fire_in(c_a + 1, 1)
            pl.when(j >= 1)(lambda: None if wait_out(0) else None)
            compute(0, c_a)
            wait_in(1)
            pl.when(j + 1 < nch // 2)(lambda: None if fire_in(c_a + 2, 0) else None)
            pl.when(j >= 1)(lambda: None if wait_out(1) else None)
            compute(1, c_a + 1)
            return 0

        lax.fori_loop(0, nch // 2, pair_body, 0)
        wait_out(0)
        wait_out(1)

    return functools.partial(
        pl.kernel,
        mesh=plsc.VectorSubcoreMesh(core_axis_name="c", subcore_axis_name="s"),
        out_type=jax.ShapeDtypeStruct((BC, nt), jnp.float32),
        scratch_types=[
            pltpu.VMEM((ROWS_W * N_INP,), jnp.float32),
            pltpu.VMEM((TCH * K,), jnp.int32),
            pltpu.VMEM((TCH * K,), jnp.int32),
            pltpu.VMEM((TCH * K,), jnp.float32),
            pltpu.VMEM((TCH * K,), jnp.float32),
            pltpu.VMEM((ROWS_W, TCH), jnp.float32),
            pltpu.VMEM((ROWS_W, TCH), jnp.float32),
            pltpu.SemaphoreType.DMA,
            pltpu.SemaphoreType.DMA,
            pltpu.SemaphoreType.DMA,
            pltpu.SemaphoreType.DMA,
        ],
        compiler_params=pltpu.CompilerParams(needs_layout_passes=False),
    )(_sc_gather_body)


N_H = N_PAD // 2


def kernel(x, source_pos, target_pos):
    xpad = jnp.pad(x.reshape(BC, N_IN), ((0, 0), (0, N_INP - N_IN)))
    xflat = xpad.reshape(BC * N_INP)
    tpos_pad = jnp.zeros((N_PAD, 8), jnp.float32).at[:N_OUT, :3].set(target_pos)
    spos_pad = (jnp.zeros((8, N_INP), jnp.float32)
                .at[:3, :].set(100.0)
                .at[:3, :N_IN].set(source_pos.T))
    sc = _make_sc_gather(N_H)
    idx0, w0 = _stage1(tpos_pad[:N_H], spos_pad)
    out0 = sc(xflat, idx0.reshape(N_H * K), w0.reshape(N_H * K))
    idx1, w1 = _stage1(tpos_pad[N_H:], spos_pad)
    out1 = sc(xflat, idx1.reshape(N_H * K), w1.reshape(N_H * K))
    outp = jnp.concatenate([out0, out1], axis=1)
    return outp[:, :N_OUT].reshape(B, C, N_OUT)

# --- scband reference (transcript-rebuilt; emitter-appended) ---
"""Pipeline reference for scband-iwd-proj-layer-65876208386401 (READ-ONLY COPY).

The authoritative reference and input builder live on the scoring server;
editing this copy changes nothing except your own understanding.
"""

import jax, jax.numpy as jnp
import numpy as np

K_NEIGHBORS = 8
EPS = 1e-08


def setup_inputs(seed: int = 0) -> dict:
    key = jax.random.key(seed)
    k1, k2, k3 = jax.random.split(key, 3)
    B, C = 4, 256
    N_in, N_out = 2562, 10242  # icosahedral grid node counts, zoom 4 -> zoom 5
    x = jax.random.normal(k1, (B, C, N_in), dtype=jnp.float32)
    source_pos = jax.random.normal(k2, (N_in, 3), dtype=jnp.float32)
    source_pos = source_pos / (jnp.linalg.norm(source_pos, axis=-1, keepdims=True) + 1e-12)
    target_pos = jax.random.normal(k3, (N_out, 3), dtype=jnp.float32)
    target_pos = target_pos / (jnp.linalg.norm(target_pos, axis=-1, keepdims=True) + 1e-12)
    return {"x": x, "source_pos": source_pos, "target_pos": target_pos}


def reference(x, source_pos, target_pos):
    # IWD_ProjLayer.forward: x is unsqueezed to [B, C, N_in, 1] and passed through the
    # inverse-distance-weighted interpolator mapping input_zoom grid -> target_zoom grid.
    # Interpolator: brute-force kNN (search_zoom_rel=0 -> global search) over grid node
    # positions, then inverse-distance weighted average of the k nearest source features.
    xq = x[:, :, :, None]  # unsqueeze(dim=3) -> [B, C, N_in, 1]
    xq = xq[..., 0]        # interpolator consumes the node axis; squeeze trailing dim
    # pairwise squared distances [N_out, N_in]
    q2 = jnp.sum(target_pos * target_pos, axis=-1, keepdims=True)
    s2 = jnp.sum(source_pos * source_pos, axis=-1)[None, :]
    d2 = q2 - 2.0 * (target_pos @ source_pos.T) + s2
    neg_d2_top, idx = jax.lax.top_k(-d2, K_NEIGHBORS)  # [N_out, k]
    dist = jnp.sqrt(jnp.maximum(-neg_d2_top, 0.0))
    w = 1.0 / (dist + EPS)
    w = w / jnp.sum(w, axis=-1, keepdims=True)  # [N_out, k]
    gathered = xq[:, :, idx]  # gather -> [B, C, N_out, k]
    out = jnp.sum(gathered * w[None, None, :, :], axis=-1)  # [B, C, N_out]
    return out

if __name__ == "__main__":
    import jax
    _d = setup_inputs()
    print(jax.jit(kernel)(*tuple(_d.values())))

</pallas_src>

<mosaic_0001>
#map = affine_map<(d0, d1) -> (0)>
#map1 = affine_map<(d0, d1) -> (0, 0)>
module attributes {stable_mosaic.version = 14 : i64} {
  func.func @_sc_gather_body(%arg0: i32, %arg1: i32, %arg2: memref<2752512xf32, #tpu.memory_space<hbm>>, %arg3: memref<43008xi32, #tpu.memory_space<hbm>>, %arg4: memref<43008xf32, #tpu.memory_space<hbm>>, %arg5: memref<1024x5376xf32, #tpu.memory_space<hbm>>, %arg6: memref<86016xf32, #tpu.memory_space<vmem>>, %arg7: memref<3072xi32, #tpu.memory_space<vmem>>, %arg8: memref<3072xi32, #tpu.memory_space<vmem>>, %arg9: memref<3072xf32, #tpu.memory_space<vmem>>, %arg10: memref<3072xf32, #tpu.memory_space<vmem>>, %arg11: memref<32x384xf32, #tpu.memory_space<vmem>>, %arg12: memref<32x384xf32, #tpu.memory_space<vmem>>, %arg13: memref<!tpu.dma_semaphore, #tpu.memory_space<semaphore_mem>>, %arg14: memref<!tpu.dma_semaphore, #tpu.memory_space<semaphore_mem>>, %arg15: memref<!tpu.dma_semaphore, #tpu.memory_space<semaphore_mem>>, %arg16: memref<!tpu.dma_semaphore, #tpu.memory_space<semaphore_mem>>) attributes {dimension_semantics = [#tpu.dimension_semantics<core_parallel>, #tpu.dimension_semantics<subcore_parallel>], iteration_bounds = array<i64: 2, 16>, scalar_prefetch = 0 : i64, scratch_operands = 11 : i64, tpu.core_type = #tpu.core_type<sc_vector_subcore>, window_params = [{transform_indices = #map}, {transform_indices = #map}, {transform_indices = #map}, {transform_indices = #map1}]} {
    %mul3A = arith.constant 2 : i32
    %mul3A_0 = arith.muli %arg1, %mul3A : i32
    %add3A = arith.addi %mul3A_0, %arg0 : i32
    %mul3A_1 = arith.constant 32 : i32
    %mul3A_2 = arith.muli %add3A, %mul3A_1 : i32
    %mul3A_3 = arith.constant 2688 : i32
    %mul3A_4 = arith.muli %mul3A_2, %mul3A_3 : i32
    "tpu.region"() ({
      %run_scoped3A = tpu.sem_alloc : memref<!tpu.dma_semaphore, #tpu.memory_space<semaphore_mem>>
      %dma_start3A_29 = tpu.memref_slice %arg2[%mul3A_4] : memref<2752512xf32, #tpu.memory_space<hbm>> -> memref<86016xf32, #tpu.memory_space<hbm>>
      %dma_start3A_30 = tpu.memref_slice %arg2[%mul3A_4] : memref<2752512xf32, #tpu.memory_space<hbm>> -> memref<86016xf32, #tpu.memory_space<hbm>>
      tpu.enqueue_dma source(%dma_start3A_30 : memref<86016xf32, #tpu.memory_space<hbm>>) target(%arg6 : memref<86016xf32, #tpu.memory_space<vmem>>) target_semaphore(%run_scoped3A : memref<!tpu.dma_semaphore, #tpu.memory_space<semaphore_mem>>)
      %dma_wait3A_31 = tpu.memref_slice %arg2[%mul3A_4] : memref<2752512xf32, #tpu.memory_space<hbm>> -> memref<86016xf32, #tpu.memory_space<hbm>>
      %dma_wait3A_32 = tpu.memref_slice %arg2[%mul3A_4] : memref<2752512xf32, #tpu.memory_space<hbm>> -> memref<86016xf32, #tpu.memory_space<hbm>>
      tpu.wait_dma2 semaphore(%run_scoped3A : memref<!tpu.dma_semaphore, #tpu.memory_space<semaphore_mem>>) src(%dma_wait3A_32 : memref<86016xf32, #tpu.memory_space<hbm>>) dst(%arg6 : memref<86016xf32, #tpu.memory_space<vmem>>)
      tpu.yield
    }) : () -> ()
    %iota3A = tpu.iota {dimensions = array<i32: 0>} : vector<16xi32>
    %dma_start3A = arith.constant 0 : i32
    %dma_start3A_5 = tpu.memref_slice %arg3[%dma_start3A] : memref<43008xi32, #tpu.memory_space<hbm>> -> memref<3072xi32, #tpu.memory_space<hbm>>
    %dma_start3A_6 = arith.constant 0 : i32
    %dma_start3A_7 = tpu.memref_slice %arg3[%dma_start3A_6] : memref<43008xi32, #tpu.memory_space<hbm>> -> memref<3072xi32, #tpu.memory_space<hbm>>
    tpu.enqueue_dma source(%dma_start3A_7 : memref<3072xi32, #tpu.memory_space<hbm>>) target(%arg7 : memref<3072xi32, #tpu.memory_space<vmem>>) target_semaphore(%arg13 : memref<!tpu.dma_semaphore, #tpu.memory_space<semaphore_mem>>)
    %dma_start3A_8 = arith.constant 0 : i32
    %dma_start3A_9 = tpu.memref_slice %arg4[%dma_start3A_8] : memref<43008xf32, #tpu.memory_space<hbm>> -> memref<3072xf32, #tpu.memory_space<hbm>>
    %dma_start3A_10 = arith.constant 0 : i32
    %dma_start3A_11 = tpu.memref_slice %arg4[%dma_start3A_10] : memref<43008xf32, #tpu.memory_space<hbm>> -> memref<3072xf32, #tpu.memory_space<hbm>>
    tpu.enqueue_dma source(%dma_start3A_11 : memref<3072xf32, #tpu.memory_space<hbm>>) target(%arg9 : memref<3072xf32, #tpu.memory_space<vmem>>) target_semaphore(%arg13 : memref<!tpu.dma_semaphore, #tpu.memory_space<semaphore_mem>>)
    %scan3A = arith.constant 0 : i32
    %scan3A_12 = arith.constant 0 : i32
    %scan3A_13 = arith.constant 7 : i32
    %scan3A_14 = arith.addi %scan3A_12, %scan3A_13 : i32
    %scan3A_15 = arith.constant 1 : i32
    %scan3A_16 = scf.for %scan3A_29 = %scan3A_12 to %scan3A_14 step %scan3A_15 iter_args(%scan3A_30 = %scan3A) -> (i32)  : i32 {
      %mul3A_31 = arith.constant 2 : i32
      %mul3A_32 = arith.muli %mul3A_31, %scan3A_29 : i32
      %dma_wait3A_33 = arith.constant 0 : i32
      %dma_wait3A_34 = tpu.memref_slice %arg3[%dma_wait3A_33] : memref<43008xi32, #tpu.memory_space<hbm>> -> memref<3072xi32, #tpu.memory_space<hbm>>
      %dma_wait3A_35 = arith.constant 0 : i32
      %dma_wait3A_36 = tpu.memref_slice %arg3[%dma_wait3A_35] : memref<43008xi32, #tpu.memory_space<hbm>> -> memref<3072xi32, #tpu.memory_space<hbm>>
      tpu.wait_dma2 semaphore(%arg13 : memref<!tpu.dma_semaphore, #tpu.memory_space<semaphore_mem>>) src(%dma_wait3A_36 : memref<3072xi32, #tpu.memory_space<hbm>>) dst(%arg7 : memref<3072xi32, #tpu.memory_space<vmem>>)
      %dma_wait3A_37 = arith.constant 0 : i32
      %dma_wait3A_38 = tpu.memref_slice %arg4[%dma_wait3A_37] : memref<43008xf32, #tpu.memory_space<hbm>> -> memref<3072xf32, #tpu.memory_space<hbm>>
      %dma_wait3A_39 = arith.constant 0 : i32
      %dma_wait3A_40 = tpu.memref_slice %arg4[%dma_wait3A_39] : memref<43008xf32, #tpu.memory_space<hbm>> -> memref<3072xf32, #tpu.memory_space<hbm>>
      tpu.wait_dma2 semaphore(%arg13 : memref<!tpu.dma_semaphore, #tpu.memory_space<semaphore_mem>>) src(%dma_wait3A_40 : memref<3072xf32, #tpu.memory_space<hbm>>) dst(%arg9 : memref<3072xf32, #tpu.memory_space<vmem>>)
      %add3A_41 = arith.constant 1 : i32
      %add3A_42 = arith.addi %mul3A_32, %add3A_41 : i32
      %mul3A_43 = arith.constant 384 : i32
      %mul3A_44 = arith.muli %add3A_42, %mul3A_43 : i32
      %mul3A_45 = arith.constant 8 : i32
      %mul3A_46 = arith.muli %mul3A_44, %mul3A_45 : i32
      %dma_start3A_47 = tpu.memref_slice %arg3[%mul3A_46] : memref<43008xi32, #tpu.memory_space<hbm>> -> memref<3072xi32, #tpu.memory_space<hbm>>
      %dma_start3A_48 = tpu.memref_slice %arg3[%mul3A_46] : memref<43008xi32, #tpu.memory_space<hbm>> -> memref<3072xi32, #tpu.memory_space<hbm>>
      tpu.enqueue_dma source(%dma_start3A_48 : memref<3072xi32, #tpu.memory_space<hbm>>) target(%arg8 : memref<3072xi32, #tpu.memory_space<vmem>>) target_semaphore(%arg14 : memref<!tpu.dma_semaphore, #tpu.memory_space<semaphore_mem>>)
      %mul3A_49 = arith.constant 8 : i32
      %mul3A_50 = arith.muli %mul3A_44, %mul3A_49 : i32
      %dma_start3A_51 = tpu.memref_slice %arg4[%mul3A_50] : memref<43008xf32, #tpu.memory_space<hbm>> -> memref<3072xf32, #tpu.memory_space<hbm>>
      %dma_start3A_52 = tpu.memref_slice %arg4[%mul3A_50] : memref<43008xf32, #tpu.memory_space<hbm>> -> memref<3072xf32, #tpu.memory_space<hbm>>
      tpu.enqueue_dma source(%dma_start3A_52 : memref<3072xf32, #tpu.memory_space<hbm>>) target(%arg10 : memref<3072xf32, #tpu.memory_space<vmem>>) target_semaphore(%arg14 : memref<!tpu.dma_semaphore, #tpu.memory_space<semaphore_mem>>)
      %ge3A = arith.constant 1 : i32
      %ge3A_53 = arith.cmpi sge, %scan3A_29, %ge3A : i32
      %convert_element_type3A = arith.extui %ge3A_53 : i1 to i32
      %cond3A = arith.constant 0 : i32
      %cond3A_54 = arith.cmpi ne, %convert_element_type3A, %cond3A : i32
      scf.if %cond3A_54 {
        %dma_wait3A_99 = arith.constant 0 : i32
        %dma_wait3A_100 = arith.constant 0 : i32
        %dma_wait3A_101 = tpu.memref_slice %arg5[%dma_wait3A_99, %dma_wait3A_100] : memref<1024x5376xf32, #tpu.memory_space<hbm>> -> memref<32x384xf32, #tpu.memory_space<hbm>>
        %dma_wait3A_102 = arith.constant 0 : i32
        %dma_wait3A_103 = arith.constant 0 : i32
        %dma_wait3A_104 = tpu.memref_slice %arg5[%dma_wait3A_102, %dma_wait3A_103] : memref<1024x5376xf32, #tpu.memory_space<hbm>> -> memref<32x384xf32, #tpu.memory_space<hbm>>
        tpu.wait_dma2 semaphore(%arg15 : memref<!tpu.dma_semaphore, #tpu.memory_space<semaphore_mem>>) src(%arg11 : memref<32x384xf32, #tpu.memory_space<vmem>>) dst(%dma_wait3A_104 : memref<32x384xf32, #tpu.memory_space<hbm>>)
      } else {
      }
      %scan3A_55 = arith.constant 0 : i32
      %scan3A_56 = arith.constant 0 : i32
      %scan3A_57 = arith.constant 24 : i32
      %scan3A_58 = arith.addi %scan3A_56, %scan3A_57 : i32
      %scan3A_59 = arith.constant 1 : i32
      %scan3A_60 = scf.for %scan3A_99 = %scan3A_56 to %scan3A_58 step %scan3A_59 iter_args(%scan3A_100 = %scan3A_55) -> (i32)  : i32 {
        %mul3A_101 = arith.constant 16 : i32
        %mul3A_102 = arith.muli %scan3A_99, %mul3A_101 : i32
        %add3A_103 = vector.broadcast %mul3A_102 : i32 to vector<16xi32>
        %add3A_104 = arith.addi %add3A_103, %iota3A : vector<16xi32>
        %mul3A_105 = arith.constant 8 : i32
        %mul3A_106 = vector.broadcast %mul3A_105 : i32 to vector<16xi32>
        %mul3A_107 = arith.muli %add3A_104, %mul3A_106 : vector<16xi32>
        %add3A_108 = arith.constant 0 : i32
        %add3A_109 = vector.broadcast %add3A_108 : i32 to vector<16xi32>
        %add3A_110 = arith.addi %mul3A_107, %add3A_109 : vector<16xi32>
        %gather3A = tpu.vector_load_idx %arg7[%add3A_110] : memref<3072xi32, #tpu.memory_space<vmem>>[vector<16xi32>], vector<16xi32>,
        %add3A_111 = arith.constant 1 : i32
        %add3A_112 = vector.broadcast %add3A_111 : i32 to vector<16xi32>
        %add3A_113 = arith.addi %mul3A_107, %add3A_112 : vector<16xi32>
        %gather3A_114 = tpu.vector_load_idx %arg7[%add3A_113] : memref<3072xi32, #tpu.memory_space<vmem>>[vector<16xi32>], vector<16xi32>,
        %add3A_115 = arith.constant 2 : i32
        %add3A_116 = vector.broadcast %add3A_115 : i32 to vector<16xi32>
        %add3A_117 = arith.addi %mul3A_107, %add3A_116 : vector<16xi32>
        %gather3A_118 = tpu.vector_load_idx %arg7[%add3A_117] : memref<3072xi32, #tpu.memory_space<vmem>>[vector<16xi32>], vector<16xi32>,
        %add3A_119 = arith.constant 3 : i32
        %add3A_120 = vector.broadcast %add3A_119 : i32 to vector<16xi32>
        %add3A_121 = arith.addi %mul3A_107, %add3A_120 : vector<16xi32>
        %gather3A_122 = tpu.vector_load_idx %arg7[%add3A_121] : memref<3072xi32, #tpu.memory_space<vmem>>[vector<16xi32>], vector<16xi32>,
        %add3A_123 = arith.constant 4 : i32
        %add3A_124 = vector.broadcast %add3A_123 : i32 to vector<16xi32>
        %add3A_125 = arith.addi %mul3A_107, %add3A_124 : vector<16xi32>
        %gather3A_126 = tpu.vector_load_idx %arg7[%add3A_125] : memref<3072xi32, #tpu.memory_space<vmem>>[vector<16xi32>], vector<16xi32>,
        %add3A_127 = arith.constant 5 : i32
        %add3A_128 = vector.broadcast %add3A_127 : i32 to vector<16xi32>
        %add3A_129 = arith.addi %mul3A_107, %add3A_128 : vector<16xi32>
        %gather3A_130 = tpu.vector_load_idx %arg7[%add3A_129] : memref<3072xi32, #tpu.memory_space<vmem>>[vector<16xi32>], vector<16xi32>,
        %add3A_131 = arith.constant 6 : i32
        %add3A_132 = vector.broadcast %add3A_131 : i32 to vector<16xi32>
        %add3A_133 = arith.addi %mul3A_107, %add3A_132 : vector<16xi32>
        %gather3A_134 = tpu.vector_load_idx %arg7[%add3A_133] : memref<3072xi32, #tpu.memory_space<vmem>>[vector<16xi32>], vector<16xi32>,
        %add3A_135 = arith.constant 7 : i32
        %add3A_136 = vector.broadcast %add3A_135 : i32 to vector<16xi32>
        %add3A_137 = arith.addi %mul3A_107, %add3A_136 : vector<16xi32>
        %gather3A_138 = tpu.vector_load_idx %arg7[%add3A_137] : memref<3072xi32, #tpu.memory_space<vmem>>[vector<16xi32>], vector<16xi32>,
        %add3A_139 = arith.constant 0 : i32
        %add3A_140 = vector.broadcast %add3A_139 : i32 to vector<16xi32>
        %add3A_141 = arith.addi %mul3A_107, %add3A_140 : vector<16xi32>
        %gather3A_142 = tpu.vector_load_idx %arg9[%add3A_141] : memref<3072xf32, #tpu.memory_space<vmem>>[vector<16xi32>], vector<16xf32>,
        %add3A_143 = arith.constant 1 : i32
        %add3A_144 = vector.broadcast %add3A_143 : i32 to vector<16xi32>
        %add3A_145 = arith.addi %mul3A_107, %add3A_144 : vector<16xi32>
        %gather3A_146 = tpu.vector_load_idx %arg9[%add3A_145] : memref<3072xf32, #tpu.memory_space<vmem>>[vector<16xi32>], vector<16xf32>,
        %add3A_147 = arith.constant 2 : i32
        %add3A_148 = vector.broadcast %add3A_147 : i32 to vector<16xi32>
        %add3A_149 = arith.addi %mul3A_107, %add3A_148 : vector<16xi32>
        %gather3A_150 = tpu.vector_load_idx %arg9[%add3A_149] : memref<3072xf32, #tpu.memory_space<vmem>>[vector<16xi32>], vector<16xf32>,
        %add3A_151 = arith.constant 3 : i32
        %add3A_152 = vector.broadcast %add3A_151 : i32 to vector<16xi32>
        %add3A_153 = arith.addi %mul3A_107, %add3A_152 : vector<16xi32>
        %gather3A_154 = tpu.vector_load_idx %arg9[%add3A_153] : memref<3072xf32, #tpu.memory_space<vmem>>[vector<16xi32>], vector<16xf32>,
        %add3A_155 = arith.constant 4 : i32
        %add3A_156 = vector.broadcast %add3A_155 : i32 to vector<16xi32>
        %add3A_157 = arith.addi %mul3A_107, %add3A_156 : vector<16xi32>
        %gather3A_158 = tpu.vector_load_idx %arg9[%add3A_157] : memref<3072xf32, #tpu.memory_space<vmem>>[vector<16xi32>], vector<16xf32>,
        %add3A_159 = arith.constant 5 : i32
        %add3A_160 = vector.broadcast %add3A_159 : i32 to vector<16xi32>
        %add3A_161 = arith.addi %mul3A_107, %add3A_160 : vector<16xi32>
        %gather3A_162 = tpu.vector_load_idx %arg9[%add3A_161] : memref<3072xf32, #tpu.memory_space<vmem>>[vector<16xi32>], vector<16xf32>,
        %add3A_163 = arith.constant 6 : i32
        %add3A_164 = vector.broadcast %add3A_163 : i32 to vector<16xi32>
        %add3A_165 = arith.addi %mul3A_107, %add3A_164 : vector<16xi32>
        %gather3A_166 = tpu.vector_load_idx %arg9[%add3A_165] : memref<3072xf32, #tpu.memory_space<vmem>>[vector<16xi32>], vector<16xf32>,
        %add3A_167 = arith.constant 7 : i32
        %add3A_168 = vector.broadcast %add3A_167 : i32 to vector<16xi32>
        %add3A_169 = arith.addi %mul3A_107, %add3A_168 : vector<16xi32>
        %gather3A_170 = tpu.vector_load_idx %arg9[%add3A_169] : memref<3072xf32, #tpu.memory_space<vmem>>[vector<16xi32>], vector<16xf32>,
        %mul3A_171 = arith.constant 16 : i32
        %mul3A_172 = arith.muli %scan3A_99, %mul3A_171 : i32
        %scan3A_173 = arith.constant 0 : i32
        %scan3A_174 = arith.constant 0 : i32
        %scan3A_175 = arith.constant 4 : i32
        %scan3A_176 = arith.addi %scan3A_174, %scan3A_175 : i32
        %scan3A_177 = arith.constant 1 : i32
        %scan3A_178 = scf.for %scan3A_181 = %scan3A_174 to %scan3A_176 step %scan3A_177 iter_args(%scan3A_182 = %scan3A_173) -> (i32)  : i32 {
          %mul3A_183 = arith.constant 8 : i32
          %mul3A_184 = arith.muli %scan3A_181, %mul3A_183 : i32
          %add3A_185 = arith.constant 0 : i32
          %add3A_186 = arith.addi %mul3A_184, %add3A_185 : i32
          %mul3A_187 = arith.constant 2688 : i32
          %mul3A_188 = arith.muli %add3A_186, %mul3A_187 : i32
          %add3A_189 = vector.broadcast %mul3A_188 : i32 to vector<16xi32>
          %add3A_190 = arith.addi %add3A_189, %gather3A : vector<16xi32>
          %gather3A_191 = tpu.vector_load_idx %arg6[%add3A_190] : memref<86016xf32, #tpu.memory_space<vmem>>[vector<16xi32>], vector<16xf32>,
          %mul3A_192 = arith.mulf %gather3A_191, %gather3A_142 : vector<16xf32>
          %add3A_193 = vector.broadcast %mul3A_188 : i32 to vector<16xi32>
          %add3A_194 = arith.addi %add3A_193, %gather3A_114 : vector<16xi32>
          %gather3A_195 = tpu.vector_load_idx %arg6[%add3A_194] : memref<86016xf32, #tpu.memory_space<vmem>>[vector<16xi32>], vector<16xf32>,
          %mul3A_196 = arith.mulf %gather3A_195, %gather3A_146 : vector<16xf32>
          %add3A_197 = arith.addf %mul3A_192, %mul3A_196 : vector<16xf32>
          %add3A_198 = vector.broadcast %mul3A_188 : i32 to vector<16xi32>
          %add3A_199 = arith.addi %add3A_198, %gather3A_118 : vector<16xi32>
          %gather3A_200 = tpu.vector_load_idx %arg6[%add3A_199] : memref<86016xf32, #tpu.memory_space<vmem>>[vector<16xi32>], vector<16xf32>,
          %mul3A_201 = arith.mulf %gather3A_200, %gather3A_150 : vector<16xf32>
          %add3A_202 = arith.addf %add3A_197, %mul3A_201 : vector<16xf32>
          %add3A_203 = vector.broadcast %mul3A_188 : i32 to vector<16xi32>
          %add3A_204 = arith.addi %add3A_203, %gather3A_122 : vector<16xi32>
          %gather3A_205 = tpu.vector_load_idx %arg6[%add3A_204] : memref<86016xf32, #tpu.memory_space<vmem>>[vector<16xi32>], vector<16xf32>,
          %mul3A_206 = arith.mulf %gather3A_205, %gather3A_154 : vector<16xf32>
          %add3A_207 = arith.addf %add3A_202, %mul3A_206 : vector<16xf32>
          %add3A_208 = vector.broadcast %mul3A_188 : i32 to vector<16xi32>
          %add3A_209 = arith.addi %add3A_208, %gather3A_126 : vector<16xi32>
          %gather3A_210 = tpu.vector_load_idx %arg6[%add3A_209] : memref<86016xf32, #tpu.memory_space<vmem>>[vector<16xi32>], vector<16xf32>,
          %mul3A_211 = arith.mulf %gather3A_210, %gather3A_158 : vector<16xf32>
          %add3A_212 = arith.addf %add3A_207, %mul3A_211 : vector<16xf32>
          %add3A_213 = vector.broadcast %mul3A_188 : i32 to vector<16xi32>
          %add3A_214 = arith.addi %add3A_213, %gather3A_130 : vector<16xi32>
          %gather3A_215 = tpu.vector_load_idx %arg6[%add3A_214] : memref<86016xf32, #tpu.memory_space<vmem>>[vector<16xi32>], vector<16xf32>,
          %mul3A_216 = arith.mulf %gather3A_215, %gather3A_162 : vector<16xf32>
          %add3A_217 = arith.addf %add3A_212, %mul3A_216 : vector<16xf32>
          %add3A_218 = vector.broadcast %mul3A_188 : i32 to vector<16xi32>
          %add3A_219 = arith.addi %add3A_218, %gather3A_134 : vector<16xi32>
          %gather3A_220 = tpu.vector_load_idx %arg6[%add3A_219] : memref<86016xf32, #tpu.memory_space<vmem>>[vector<16xi32>], vector<16xf32>,
          %mul3A_221 = arith.mulf %gather3A_220, %gather3A_166 : vector<16xf32>
          %add3A_222 = arith.addf %add3A_217, %mul3A_221 : vector<16xf32>
          %add3A_223 = vector.broadcast %mul3A_188 : i32 to vector<16xi32>
          %add3A_224 = arith.addi %add3A_223, %gather3A_138 : vector<16xi32>
          %gather3A_225 = tpu.vector_load_idx %arg6[%add3A_224] : memref<86016xf32, #tpu.memory_space<vmem>>[vector<16xi32>], vector<16xf32>,
          %mul3A_226 = arith.mulf %gather3A_225, %gather3A_170 : vector<16xf32>
          %add3A_227 = arith.addf %add3A_222, %mul3A_226 : vector<16xf32>
          %swap3A = arith.index_cast %add3A_186 : i32 to index
          %swap3A_228 = arith.index_cast %mul3A_172 : i32 to index
          %swap3A_229 = tpu.vector_load %arg11[%swap3A, %swap3A_228] {strides = array<i32>} : memref<32x384xf32, #tpu.memory_space<vmem>>, vector<16xf32>,
          tpu.vector_store %arg11[%swap3A, %swap3A_228], %add3A_227 {strides = array<i32>} : memref<32x384xf32, #tpu.memory_space<vmem>>, vector<16xf32>,
          %mul3A_230 = arith.constant 8 : i32
          %mul3A_231 = arith.muli %scan3A_181, %mul3A_230 : i32
          %add3A_232 = arith.constant 1 : i32
          %add3A_233 = arith.addi %mul3A_231, %add3A_232 : i32
          %mul3A_234 = arith.constant 2688 : i32
          %mul3A_235 = arith.muli %add3A_233, %mul3A_234 : i32
          %add3A_236 = vector.broadcast %mul3A_235 : i32 to vector<16xi32>
          %add3A_237 = arith.addi %add3A_236, %gather3A : vector<16xi32>
          %gather3A_238 = tpu.vector_load_idx %arg6[%add3A_237] : memref<86016xf32, #tpu.memory_space<vmem>>[vector<16xi32>], vector<16xf32>,
          %mul3A_239 = arith.mulf %gather3A_238, %gather3A_142 : vector<16xf32>
          %add3A_240 = vector.broadcast %mul3A_235 : i32 to vector<16xi32>
          %add3A_241 = arith.addi %add3A_240, %gather3A_114 : vector<16xi32>
          %gather3A_242 = tpu.vector_load_idx %arg6[%add3A_241] : memref<86016xf32, #tpu.memory_space<vmem>>[vector<16xi32>], vector<16xf32>,
          %mul3A_243 = arith.mulf %gather3A_242, %gather3A_146 : vector<16xf32>
          %add3A_244 = arith.addf %mul3A_239, %mul3A_243 : vector<16xf32>
          %add3A_245 = vector.broadcast %mul3A_235 : i32 to vector<16xi32>
          %add3A_246 = arith.addi %add3A_245, %gather3A_118 : vector<16xi32>
          %gather3A_247 = tpu.vector_load_idx %arg6[%add3A_246] : memref<86016xf32, #tpu.memory_space<vmem>>[vector<16xi32>], vector<16xf32>,
          %mul3A_248 = arith.mulf %gather3A_247, %gather3A_150 : vector<16xf32>
          %add3A_249 = arith.addf %add3A_244, %mul3A_248 : vector<16xf32>
          %add3A_250 = vector.broadcast %mul3A_235 : i32 to vector<16xi32>
          %add3A_251 = arith.addi %add3A_250, %gather3A_122 : vector<16xi32>
          %gather3A_252 = tpu.vector_load_idx %arg6[%add3A_251] : memref<86016xf32, #tpu.memory_space<vmem>>[vector<16xi32>], vector<16xf32>,
          %mul3A_253 = arith.mulf %gather3A_252, %gather3A_154 : vector<16xf32>
          %add3A_254 = arith.addf %add3A_249, %mul3A_253 : vector<16xf32>
          %add3A_255 = vector.broadcast %mul3A_235 : i32 to vector<16xi32>
          %add3A_256 = arith.addi %add3A_255, %gather3A_126 : vector<16xi32>
          %gather3A_257 = tpu.vector_load_idx %arg6[%add3A_256] : memref<86016xf32, #tpu.memory_space<vmem>>[vector<16xi32>], vector<16xf32>,
          %mul3A_258 = arith.mulf %gather3A_257, %gather3A_158 : vector<16xf32>
          %add3A_259 = arith.addf %add3A_254, %mul3A_258 : vector<16xf32>
          %add3A_260 = vector.broadcast %mul3A_235 : i32 to vector<16xi32>
          %add3A_261 = arith.addi %add3A_260, %gather3A_130 : vector<16xi32>
          %gather3A_262 = tpu.vector_load_idx %arg6[%add3A_261] : memref<86016xf32, #tpu.memory_space<vmem>>[vector<16xi32>], vector<16xf32>,
          %mul3A_263 = arith.mulf %gather3A_262, %gather3A_162 : vector<16xf32>
          %add3A_264 = arith.addf %add3A_259, %mul3A_263 : vector<16xf32>
          %add3A_265 = vector.broadcast %mul3A_235 : i32 to vector<16xi32>
          %add3A_266 = arith.addi %add3A_265, %gather3A_134 : vector<16xi32>
          %gather3A_267 = tpu.vector_load_idx %arg6[%add3A_266] : memref<86016xf32, #tpu.memory_space<vmem>>[vector<16xi32>], vector<16xf32>,
          %mul3A_268 = arith.mulf %gather3A_267, %gather3A_166 : vector<16xf32>
          %add3A_269 = arith.addf %add3A_264, %mul3A_268 : vector<16xf32>
          %add3A_270 = vector.broadcast %mul3A_235 : i32 to vector<16xi32>
          %add3A_271 = arith.addi %add3A_270, %gather3A_138 : vector<16xi32>
          %gather3A_272 = tpu.vector_load_idx %arg6[%add3A_271] : memref<86016xf32, #tpu.memory_space<vmem>>[vector<16xi32>], vector<16xf32>,
          %mul3A_273 = arith.mulf %gather3A_272, %gather3A_170 : vector<16xf32>
          %add3A_274 = arith.addf %add3A_269, %mul3A_273 : vector<16xf32>
          %swap3A_275 = arith.index_cast %add3A_233 : i32 to index
          %swap3A_276 = arith.index_cast %mul3A_172 : i32 to index
          %swap3A_277 = tpu.vector_load %arg11[%swap3A_275, %swap3A_276] {strides = array<i32>} : memref<32x384xf32, #tpu.memory_space<vmem>>, vector<16xf32>,
          tpu.vector_store %arg11[%swap3A_275, %swap3A_276], %add3A_274 {strides = array<i32>} : memref<32x384xf32, #tpu.memory_space<vmem>>, vector<16xf32>,
          %mul3A_278 = arith.constant 8 : i32
          %mul3A_279 = arith.muli %scan3A_181, %mul3A_278 : i32
          %add3A_280 = arith.constant 2 : i32
          %add3A_281 = arith.addi %mul3A_279, %add3A_280 : i32
          %mul3A_282 = arith.constant 2688 : i32
          %mul3A_283 = arith.muli %add3A_281, %mul3A_282 : i32
          %add3A_284 = vector.broadcast %mul3A_283 : i32 to vector<16xi32>
          %add3A_285 = arith.addi %add3A_284, %gather3A : vector<16xi32>
          %gather3A_286 = tpu.vector_load_idx %arg6[%add3A_285] : memref<86016xf32, #tpu.memory_space<vmem>>[vector<16xi32>], vector<16xf32>,
          %mul3A_287 = arith.mulf %gather3A_286, %gather3A_142 : vector<16xf32>
          %add3A_288 = vector.broadcast %mul3A_283 : i32 to vector<16xi32>
          %add3A_289 = arith.addi %add3A_288, %gather3A_114 : vector<16xi32>
          %gather3A_290 = tpu.vector_load_idx %arg6[%add3A_289] : memref<86016xf32, #tpu.memory_space<vmem>>[vector<16xi32>], vector<16xf32>,
          %mul3A_291 = arith.mulf %gather3A_290, %gather3A_146 : vector<16xf32>
          %add3A_292 = arith.addf %mul3A_287, %mul3A_291 : vector<16xf32>
          %add3A_293 = vector.broadcast %mul3A_283 : i32 to vector<16xi32>
          %add3A_294 = arith.addi %add3A_293, %gather3A_118 : vector<16xi32>
          %gather3A_295 = tpu.vector_load_idx %arg6[%add3A_294] : memref<86016xf32, #tpu.memory_space<vmem>>[vector<16xi32>], vector<16xf32>,
          %mul3A_296 = arith.mulf %gather3A_295, %gather3A_150 : vector<16xf32>
          %add3A_297 = arith.addf %add3A_292, %mul3A_296 : vector<16xf32>
          %add3A_298 = vector.broadcast %mul3A_283 : i32 to vector<16xi32>
          %add3A_299 = arith.addi %add3A_298, %gather3A_122 : vector<16xi32>
          %gather3A_300 = tpu.vector_load_idx %arg6[%add3A_299] : memref<86016xf32, #tpu.memory_space<vmem>>[vector<16xi32>], vector<16xf32>,
          %mul3A_301 = arith.mulf %gather3A_300, %gather3A_154 : vector<16xf32>
          %add3A_302 = arith.addf %add3A_297, %mul3A_301 : vector<16xf32>
          %add3A_303 = vector.broadcast %mul3A_283 : i32 to vector<16xi32>
          %add3A_304 = arith.addi %add3A_303, %gather3A_126 : vector<16xi32>
          %gather3A_305 = tpu.vector_load_idx %arg6[%add3A_304] : memref<86016xf32, #tpu.memory_space<vmem>>[vector<16xi32>], vector<16xf32>,
          %mul3A_306 = arith.mulf %gather3A_305, %gather3A_158 : vector<16xf32>
          %add3A_307 = arith.addf %add3A_302, %mul3A_306 : vector<16xf32>
          %add3A_308 = vector.broadcast %mul3A_283 : i32 to vector<16xi32>
          %add3A_309 = arith.addi %add3A_308, %gather3A_130 : vector<16xi32>
          %gather3A_310 = tpu.vector_load_idx %arg6[%add3A_309] : memref<86016xf32, #tpu.memory_space<vmem>>[vector<16xi32>], vector<16xf32>,
          %mul3A_311 = arith.mulf %gather3A_310, %gather3A_162 : vector<16xf32>
          %add3A_312 = arith.addf %add3A_307, %mul3A_311 : vector<16xf32>
          %add3A_313 = vector.broadcast %mul3A_283 : i32 to vector<16xi32>
          %add3A_314 = arith.addi %add3A_313, %gather3A_134 : vector<16xi32>
          %gather3A_315 = tpu.vector_load_idx %arg6[%add3A_314] : memref<86016xf32, #tpu.memory_space<vmem>>[vector<16xi32>], vector<16xf32>,
          %mul3A_316 = arith.mulf %gather3A_315, %gather3A_166 : vector<16xf32>
          %add3A_317 = arith.addf %add3A_312, %mul3A_316 : vector<16xf32>
          %add3A_318 = vector.broadcast %mul3A_283 : i32 to vector<16xi32>
          %add3A_319 = arith.addi %add3A_318, %gather3A_138 : vector<16xi32>
          %gather3A_320 = tpu.vector_load_idx %arg6[%add3A_319] : memref<86016xf32, #tpu.memory_space<vmem>>[vector<16xi32>], vector<16xf32>,
          %mul3A_321 = arith.mulf %gather3A_320, %gather3A_170 : vector<16xf32>
          %add3A_322 = arith.addf %add3A_317, %mul3A_321 : vector<16xf32>
          %swap3A_323 = arith.index_cast %add3A_281 : i32 to index
          %swap3A_324 = arith.index_cast %mul3A_172 : i32 to index
          %swap3A_325 = tpu.vector_load %arg11[%swap3A_323, %swap3A_324] {strides = array<i32>} : memref<32x384xf32, #tpu.memory_space<vmem>>, vector<16xf32>,
          tpu.vector_store %arg11[%swap3A_323, %swap3A_324], %add3A_322 {strides = array<i32>} : memref<32x384xf32, #tpu.memory_space<vmem>>, vector<16xf32>,
          %mul3A_326 = arith.constant 8 : i32
          %mul3A_327 = arith.muli %scan3A_181, %mul3A_326 : i32
          %add3A_328 = arith.constant 3 : i32
          %add3A_329 = arith.addi %mul3A_327, %add3A_328 : i32
          %mul3A_330 = arith.constant 2688 : i32
          %mul3A_331 = arith.muli %add3A_329, %mul3A_330 : i32
          %add3A_332 = vector.broadcast %mul3A_331 : i32 to vector<16xi32>
          %add3A_333 = arith.addi %add3A_332, %gather3A : vector<16xi32>
          %gather3A_334 = tpu.vector_load_idx %arg6[%add3A_333] : memref<86016xf32, #tpu.memory_space<vmem>>[vector<16xi32>], vector<16xf32>,
          %mul3A_335 = arith.mulf %gather3A_334, %gather3A_142 : vector<16xf32>
          %add3A_336 = vector.broadcast %mul3A_331 : i32 to vector<16xi32>
          %add3A_337 = arith.addi %add3A_336, %gather3A_114 : vector<16xi32>
          %gather3A_338 = tpu.vector_load_idx %arg6[%add3A_337] : memref<86016xf32, #tpu.memory_space<vmem>>[vector<16xi32>], vector<16xf32>,
          %mul3A_339 = arith.mulf %gather3A_338, %gather3A_146 : vector<16xf32>
          %add3A_340 = arith.addf %mul3A_335, %mul3A_339 : vector<16xf32>
          %add3A_341 = vector.broadcast %mul3A_331 : i32 to vector<16xi32>
          %add3A_342 = arith.addi %add3A_341, %gather3A_118 : vector<16xi32>
          %gather3A_343 = tpu.vector_load_idx %arg6[%add3A_342] : memref<86016xf32, #tpu.memory_space<vmem>>[vector<16xi32>], vector<16xf32>,
          %mul3A_344 = arith.mulf %gather3A_343, %gather3A_150 : vector<16xf32>
          %add3A_345 = arith.addf %add3A_340, %mul3A_344 : vector<16xf32>
          %add3A_346 = vector.broadcast %mul3A_331 : i32 to vector<16xi32>
          %add3A_347 = arith.addi %add3A_346, %gather3A_122 : vector<16xi32>
          %gather3A_348 = tpu.vector_load_idx %arg6[%add3A_347] : memref<86016xf32, #tpu.memory_space<vmem>>[vector<16xi32>], vector<16xf32>,
          %mul3A_349 = arith.mulf %gather3A_348, %gather3A_154 : vector<16xf32>
          %add3A_350 = arith.addf %add3A_345, %mul3A_349 : vector<16xf32>
          %add3A_351 = vector.broadcast %mul3A_331 : i32 to vector<16xi32>
          %add3A_352 = arith.addi %add3A_351, %gather3A_126 : vector<16xi32>
          %gather3A_353 = tpu.vector_load_idx %arg6[%add3A_352] : memref<86016xf32, #tpu.memory_space<vmem>>[vector<16xi32>], vector<16xf32>,
          %mul3A_354 = arith.mulf %gather3A_353, %gather3A_158 : vector<16xf32>
          %add3A_355 = arith.addf %add3A_350, %mul3A_354 : vector<16xf32>
          %add3A_356 = vector.broadcast %mul3A_331 : i32 to vector<16xi32>
          %add3A_357 = arith.addi %add3A_356, %gather3A_130 : vector<16xi32>
          %gather3A_358 = tpu.vector_load_idx %arg6[%add3A_357] : memref<86016xf32, #tpu.memory_space<vmem>>[vector<16xi32>], vector<16xf32>,
          %mul3A_359 = arith.mulf %gather3A_358, %gather3A_162 : vector<16xf32>
          %add3A_360 = arith.addf %add3A_355, %mul3A_359 : vector<16xf32>
          %add3A_361 = vector.broadcast %mul3A_331 : i32 to vector<16xi32>
          %add3A_362 = arith.addi %add3A_361, %gather3A_134 : vector<16xi32>
          %gather3A_363 = tpu.vector_load_idx %arg6[%add3A_362] : memref<86016xf32, #tpu.memory_space<vmem>>[vector<16xi32>], vector<16xf32>,
          %mul3A_364 = arith.mulf %gather3A_363, %gather3A_166 : vector<16xf32>
          %add3A_365 = arith.addf %add3A_360, %mul3A_364 : vector<16xf32>
          %add3A_366 = vector.broadcast %mul3A_331 : i32 to vector<16xi32>
          %add3A_367 = arith.addi %add3A_366, %gather3A_138 : vector<16xi32>
          %gather3A_368 = tpu.vector_load_idx %arg6[%add3A_367] : memref<86016xf32, #tpu.memory_space<vmem>>[vector<16xi32>], vector<16xf32>,
          %mul3A_369 = arith.mulf %gather3A_368, %gather3A_170 : vector<16xf32>
          %add3A_370 = arith.addf %add3A_365, %mul3A_369 : vector<16xf32>
          %swap3A_371 = arith.index_cast %add3A_329 : i32 to index
          %swap3A_372 = arith.index_cast %mul3A_172 : i32 to index
          %swap3A_373 = tpu.vector_load %arg11[%swap3A_371, %swap3A_372] {strides = array<i32>} : memref<32x384xf32, #tpu.memory_space<vmem>>, vector<16xf32>,
          tpu.vector_store %arg11[%swap3A_371, %swap3A_372], %add3A_370 {strides = array<i32>} : memref<32x384xf32, #tpu.memory_space<vmem>>, vector<16xf32>,
          %mul3A_374 = arith.constant 8 : i32
          %mul3A_375 = arith.muli %scan3A_181, %mul3A_374 : i32
          %add3A_376 = arith.constant 4 : i32
          %add3A_377 = arith.addi %mul3A_375, %add3A_376 : i32
          %mul3A_378 = arith.constant 2688 : i32
          %mul3A_379 = arith.muli %add3A_377, %mul3A_378 : i32
          %add3A_380 = vector.broadcast %mul3A_379 : i32 to vector<16xi32>
          %add3A_381 = arith.addi %add3A_380, %gather3A : vector<16xi32>
          %gather3A_382 = tpu.vector_load_idx %arg6[%add3A_381] : memref<86016xf32, #tpu.memory_space<vmem>>[vector<16xi32>], vector<16xf32>,
          %mul3A_383 = arith.mulf %gather3A_382, %gather3A_142 : vector<16xf32>
          %add3A_384 = vector.broadcast %mul3A_379 : i32 to vector<16xi32>
          %add3A_385 = arith.addi %add3A_384, %gather3A_114 : vector<16xi32>
          %gather3A_386 = tpu.vector_load_idx %arg6[%add3A_385] : memref<86016xf32, #tpu.memory_space<vmem>>[vector<16xi32>], vector<16xf32>,
          %mul3A_387 = arith.mulf %gather3A_386, %gather3A_146 : vector<16xf32>
          %add3A_388 = arith.addf %mul3A_383, %mul3A_387 : vector<16xf32>
          %add3A_389 = vector.broadcast %mul3A_379 : i32 to vector<16xi32>
          %add3A_390 = arith.addi %add3A_389, %gather3A_118 : vector<16xi32>
          %gather3A_391 = tpu.vector_load_idx %arg6[%add3A_390] : memref<86016xf32, #tpu.memory_space<vmem>>[vector<16xi32>], vector<16xf32>,
          %mul3A_392 = arith.mulf %gather3A_391, %gather3A_150 : vector<16xf32>
          %add3A_393 = arith.addf %add3A_388, %mul3A_392 : vector<16xf32>
          %add3A_394 = vector.broadcast %mul3A_379 : i32 to vector<16xi32>
          %add3A_395 = arith.addi %add3A_394, %gather3A_122 : vector<16xi32>
          %gather3A_396 = tpu.vector_load_idx %arg6[%add3A_395] : memref<86016xf32, #tpu.memory_space<vmem>>[vector<16xi32>], vector<16xf32>,
          %mul3A_397 = arith.mulf %gather3A_396, %gather3A_154 : vector<16xf32>
          %add3A_398 = arith.addf %add3A_393, %mul3A_397 : vector<16xf32>
          %add3A_399 = vector.broadcast %mul3A_379 : i32 to vector<16xi32>
          %add3A_400 = arith.addi %add3A_399, %gather3A_126 : vector<16xi32>
          %gather3A_401 = tpu.vector_load_idx %arg6[%add3A_400] : memref<86016xf32, #tpu.memory_space<vmem>>[vector<16xi32>], vector<16xf32>,
          %mul3A_402 = arith.mulf %gather3A_401, %gather3A_158 : vector<16xf32>
          %add3A_403 = arith.addf %add3A_398, %mul3A_402 : vector<16xf32>
          %add3A_404 = vector.broadcast %mul3A_379 : i32 to vector<16xi32>
          %add3A_405 = arith.addi %add3A_404, %gather3A_130 : vector<16xi32>
          %gather3A_406 = tpu.vector_load_idx %arg6[%add3A_405] : memref<86016xf32, #tpu.memory_space<vmem>>[vector<16xi32>], vector<16xf32>,
          %mul3A_407 = arith.mulf %gather3A_406, %gather3A_162 : vector<16xf32>
          %add3A_408 = arith.addf %add3A_403, %mul3A_407 : vector<16xf32>
          %add3A_409 = vector.broadcast %mul3A_379 : i32 to vector<16xi32>
          %add3A_410 = arith.addi %add3A_409, %gather3A_134 : vector<16xi32>
          %gather3A_411 = tpu.vector_load_idx %arg6[%add3A_410] : memref<86016xf32, #tpu.memory_space<vmem>>[vector<16xi32>], vector<16xf32>,
          %mul3A_412 = arith.mulf %gather3A_411, %gather3A_166 : vector<16xf32>
          %add3A_413 = arith.addf %add3A_408, %mul3A_412 : vector<16xf32>
          %add3A_414 = vector.broadcast %mul3A_379 : i32 to vector<16xi32>
          %add3A_415 = arith.addi %add3A_414, %gather3A_138 : vector<16xi32>
          %gather3A_416 = tpu.vector_load_idx %arg6[%add3A_415] : memref<86016xf32, #tpu.memory_space<vmem>>[vector<16xi32>], vector<16xf32>,
          %mul3A_417 = arith.mulf %gather3A_416, %gather3A_170 : vector<16xf32>
          %add3A_418 = arith.addf %add3A_413, %mul3A_417 : vector<16xf32>
          %swap3A_419 = arith.index_cast %add3A_377 : i32 to index
          %swap3A_420 = arith.index_cast %mul3A_172 : i32 to index
          %swap3A_421 = tpu.vector_load %arg11[%swap3A_419, %swap3A_420] {strides = array<i32>} : memref<32x384xf32, #tpu.memory_space<vmem>>, vector<16xf32>,
          tpu.vector_store %arg11[%swap3A_419, %swap3A_420], %add3A_418 {strides = array<i32>} : memref<32x384xf32, #tpu.memory_space<vmem>>, vector<16xf32>,
          %mul3A_422 = arith.constant 8 : i32
          %mul3A_423 = arith.muli %scan3A_181, %mul3A_422 : i32
          %add3A_424 = arith.constant 5 : i32
          %add3A_425 = arith.addi %mul3A_423, %add3A_424 : i32
          %mul3A_426 = arith.constant 2688 : i32
          %mul3A_427 = arith.muli %add3A_425, %mul3A_426 : i32
          %add3A_428 = vector.broadcast %mul3A_427 : i32 to vector<16xi32>
          %add3A_429 = arith.addi %add3A_428, %gather3A : vector<16xi32>
          %gather3A_430 = tpu.vector_load_idx %arg6[%add3A_429] : memref<86016xf32, #tpu.memory_space<vmem>>[vector<16xi32>], vector<16xf32>,
          %mul3A_431 = arith.mulf %gather3A_430, %gather3A_142 : vector<16xf32>
          %add3A_432 = vector.broadcast %mul3A_427 : i32 to vector<16xi32>
          %add3A_433 = arith.addi %add3A_432, %gather3A_114 : vector<16xi32>
          %gather3A_434 = tpu.vector_load_idx %arg6[%add3A_433] : memref<86016xf32, #tpu.memory_space<vmem>>[vector<16xi32>], vector<16xf32>,
          %mul3A_435 = arith.mulf %gather3A_434, %gather3A_146 : vector<16xf32>
          %add3A_436 = arith.addf %mul3A_431, %mul3A_435 : vector<16xf32>
          %add3A_437 = vector.broadcast %mul3A_427 : i32 to vector<16xi32>
          %add3A_438 = arith.addi %add3A_437, %gather3A_118 : vector<16xi32>
          %gather3A_439 = tpu.vector_load_idx %arg6[%add3A_438] : memref<86016xf32, #tpu.memory_space<vmem>>[vector<16xi32>], vector<16xf32>,
          %mul3A_440 = arith.mulf %gather3A_439, %gather3A_150 : vector<16xf32>
          %add3A_441 = arith.addf %add3A_436, %mul3A_440 : vector<16xf32>
          %add3A_442 = vector.broadcast %mul3A_427 : i32 to vector<16xi32>
          %add3A_443 = arith.addi %add3A_442, %gather3A_122 : vector<16xi32>
          %gather3A_444 = tpu.vector_load_idx %arg6[%add3A_443] : memref<86016xf32, #tpu.memory_space<vmem>>[vector<16xi32>], vector<16xf32>,
          %mul3A_445 = arith.mulf %gather3A_444, %gather3A_154 : vector<16xf32>
          %add3A_446 = arith.addf %add3A_441, %mul3A_445 : vector<16xf32>
          %add3A_447 = vector.broadcast %mul3A_427 : i32 to vector<16xi32>
          %add3A_448 = arith.addi %add3A_447, %gather3A_126 : vector<16xi32>
          %gather3A_449 = tpu.vector_load_idx %arg6[%add3A_448] : memref<86016xf32, #tpu.memory_space<vmem>>[vector<16xi32>], vector<16xf32>,
          %mul3A_450 = arith.mulf %gather3A_449, %gather3A_158 : vector<16xf32>
          %add3A_451 = arith.addf %add3A_446, %mul3A_450 : vector<16xf32>
          %add3A_452 = vector.broadcast %mul3A_427 : i32 to vector<16xi32>
          %add3A_453 = arith.addi %add3A_452, %gather3A_130 : vector<16xi32>
          %gather3A_454 = tpu.vector_load_idx %arg6[%add3A_453] : memref<86016xf32, #tpu.memory_space<vmem>>[vector<16xi32>], vector<16xf32>,
          %mul3A_455 = arith.mulf %gather3A_454, %gather3A_162 : vector<16xf32>
          %add3A_456 = arith.addf %add3A_451, %mul3A_455 : vector<16xf32>
          %add3A_457 = vector.broadcast %mul3A_427 : i32 to vector<16xi32>
          %add3A_458 = arith.addi %add3A_457, %gather3A_134 : vector<16xi32>
          %gather3A_459 = tpu.vector_load_idx %arg6[%add3A_458] : memref<86016xf32, #tpu.memory_space<vmem>>[vector<16xi32>], vector<16xf32>,
          %mul3A_460 = arith.mulf %gather3A_459, %gather3A_166 : vector<16xf32>
          %add3A_461 = arith.addf %add3A_456, %mul3A_460 : vector<16xf32>
          %add3A_462 = vector.broadcast %mul3A_427 : i32 to vector<16xi32>
          %add3A_463 = arith.addi %add3A_462, %gather3A_138 : vector<16xi32>
          %gather3A_464 = tpu.vector_load_idx %arg6[%add3A_463] : memref<86016xf32, #tpu.memory_space<vmem>>[vector<16xi32>], vector<16xf32>,
          %mul3A_465 = arith.mulf %gather3A_464, %gather3A_170 : vector<16xf32>
          %add3A_466 = arith.addf %add3A_461, %mul3A_465 : vector<16xf32>
          %swap3A_467 = arith.index_cast %add3A_425 : i32 to index
          %swap3A_468 = arith.index_cast %mul3A_172 : i32 to index
          %swap3A_469 = tpu.vector_load %arg11[%swap3A_467, %swap3A_468] {strides = array<i32>} : memref<32x384xf32, #tpu.memory_space<vmem>>, vector<16xf32>,
          tpu.vector_store %arg11[%swap3A_467, %swap3A_468], %add3A_466 {strides = array<i32>} : memref<32x384xf32, #tpu.memory_space<vmem>>, vector<16xf32>,
          %mul3A_470 = arith.constant 8 : i32
          %mul3A_471 = arith.muli %scan3A_181, %mul3A_470 : i32
          %add3A_472 = arith.constant 6 : i32
          %add3A_473 = arith.addi %mul3A_471, %add3A_472 : i32
          %mul3A_474 = arith.constant 2688 : i32
          %mul3A_475 = arith.muli %add3A_473, %mul3A_474 : i32
          %add3A_476 = vector.broadcast %mul3A_475 : i32 to vector<16xi32>
          %add3A_477 = arith.addi %add3A_476, %gather3A : vector<16xi32>
          %gather3A_478 = tpu.vector_load_idx %arg6[%add3A_477] : memref<86016xf32, #tpu.memory_space<vmem>>[vector<16xi32>], vector<16xf32>,
          %mul3A_479 = arith.mulf %gather3A_478, %gather3A_142 : vector<16xf32>
          %add3A_480 = vector.broadcast %mul3A_475 : i32 to vector<16xi32>
          %add3A_481 = arith.addi %add3A_480, %gather3A_114 : vector<16xi32>
          %gather3A_482 = tpu.vector_load_idx %arg6[%add3A_481] : memref<86016xf32, #tpu.memory_space<vmem>>[vector<16xi32>], vector<16xf32>,
          %mul3A_483 = arith.mulf %gather3A_482, %gather3A_146 : vector<16xf32>
          %add3A_484 = arith.addf %mul3A_479, %mul3A_483 : vector<16xf32>
          %add3A_485 = vector.broadcast %mul3A_475 : i32 to vector<16xi32>
          %add3A_486 = arith.addi %add3A_485, %gather3A_118 : vector<16xi32>
          %gather3A_487 = tpu.vector_load_idx %arg6[%add3A_486] : memref<86016xf32, #tpu.memory_space<vmem>>[vector<16xi32>], vector<16xf32>,
          %mul3A_488 = arith.mulf %gather3A_487, %gather3A_150 : vector<16xf32>
          %add3A_489 = arith.addf %add3A_484, %mul3A_488 : vector<16xf32>
          %add3A_490 = vector.broadcast %mul3A_475 : i32 to vector<16xi32>
          %add3A_491 = arith.addi %add3A_490, %gather3A_122 : vector<16xi32>
          %gather3A_492 = tpu.vector_load_idx %arg6[%add3A_491] : memref<86016xf32, #tpu.memory_space<vmem>>[vector<16xi32>], vector<16xf32>,
          %mul3A_493 = arith.mulf %gather3A_492, %gather3A_154 : vector<16xf32>
          %add3A_494 = arith.addf %add3A_489, %mul3A_493 : vector<16xf32>
          %add3A_495 = vector.broadcast %mul3A_475 : i32 to vector<16xi32>
          %add3A_496 = arith.addi %add3A_495, %gather3A_126 : vector<16xi32>
          %gather3A_497 = tpu.vector_load_idx %arg6[%add3A_496] : memref<86016xf32, #tpu.memory_space<vmem>>[vector<16xi32>], vector<16xf32>,
          %mul3A_498 = arith.mulf %gather3A_497, %gather3A_158 : vector<16xf32>
          %add3A_499 = arith.addf %add3A_494, %mul3A_498 : vector<16xf32>
          %add3A_500 = vector.broadcast %mul3A_475 : i32 to vector<16xi32>
          %add3A_501 = arith.addi %add3A_500, %gather3A_130 : vector<16xi32>
          %gather3A_502 = tpu.vector_load_idx %arg6[%add3A_501] : memref<86016xf32, #tpu.memory_space<vmem>>[vector<16xi32>], vector<16xf32>,
          %mul3A_503 = arith.mulf %gather3A_502, %gather3A_162 : vector<16xf32>
          %add3A_504 = arith.addf %add3A_499, %mul3A_503 : vector<16xf32>
          %add3A_505 = vector.broadcast %mul3A_475 : i32 to vector<16xi32>
          %add3A_506 = arith.addi %add3A_505, %gather3A_134 : vector<16xi32>
          %gather3A_507 = tpu.vector_load_idx %arg6[%add3A_506] : memref<86016xf32, #tpu.memory_space<vmem>>[vector<16xi32>], vector<16xf32>,
          %mul3A_508 = arith.mulf %gather3A_507, %gather3A_166 : vector<16xf32>
          %add3A_509 = arith.addf %add3A_504, %mul3A_508 : vector<16xf32>
          %add3A_510 = vector.broadcast %mul3A_475 : i32 to vector<16xi32>
          %add3A_511 = arith.addi %add3A_510, %gather3A_138 : vector<16xi32>
          %gather3A_512 = tpu.vector_load_idx %arg6[%add3A_511] : memref<86016xf32, #tpu.memory_space<vmem>>[vector<16xi32>], vector<16xf32>,
          %mul3A_513 = arith.mulf %gather3A_512, %gather3A_170 : vector<16xf32>
          %add3A_514 = arith.addf %add3A_509, %mul3A_513 : vector<16xf32>
          %swap3A_515 = arith.index_cast %add3A_473 : i32 to index
          %swap3A_516 = arith.index_cast %mul3A_172 : i32 to index
          %swap3A_517 = tpu.vector_load %arg11[%swap3A_515, %swap3A_516] {strides = array<i32>} : memref<32x384xf32, #tpu.memory_space<vmem>>, vector<16xf32>,
          tpu.vector_store %arg11[%swap3A_515, %swap3A_516], %add3A_514 {strides = array<i32>} : memref<32x384xf32, #tpu.memory_space<vmem>>, vector<16xf32>,
          %mul3A_518 = arith.constant 8 : i32
          %mul3A_519 = arith.muli %scan3A_181, %mul3A_518 : i32
          %add3A_520 = arith.constant 7 : i32
          %add3A_521 = arith.addi %mul3A_519, %add3A_520 : i32
          %mul3A_522 = arith.constant 2688 : i32
          %mul3A_523 = arith.muli %add3A_521, %mul3A_522 : i32
          %add3A_524 = vector.broadcast %mul3A_523 : i32 to vector<16xi32>
          %add3A_525 = arith.addi %add3A_524, %gather3A : vector<16xi32>
          %gather3A_526 = tpu.vector_load_idx %arg6[%add3A_525] : memref<86016xf32, #tpu.memory_space<vmem>>[vector<16xi32>], vector<16xf32>,
          %mul3A_527 = arith.mulf %gather3A_526, %gather3A_142 : vector<16xf32>
          %add3A_528 = vector.broadcast %mul3A_523 : i32 to vector<16xi32>
          %add3A_529 = arith.addi %add3A_528, %gather3A_114 : vector<16xi32>
          %gather3A_530 = tpu.vector_load_idx %arg6[%add3A_529] : memref<86016xf32, #tpu.memory_space<vmem>>[vector<16xi32>], vector<16xf32>,
          %mul3A_531 = arith.mulf %gather3A_530, %gather3A_146 : vector<16xf32>
          %add3A_532 = arith.addf %mul3A_527, %mul3A_531 : vector<16xf32>
          %add3A_533 = vector.broadcast %mul3A_523 : i32 to vector<16xi32>
          %add3A_534 = arith.addi %add3A_533, %gather3A_118 : vector<16xi32>
          %gather3A_535 = tpu.vector_load_idx %arg6[%add3A_534] : memref<86016xf32, #tpu.memory_space<vmem>>[vector<16xi32>], vector<16xf32>,
          %mul3A_536 = arith.mulf %gather3A_535, %gather3A_150 : vector<16xf32>
          %add3A_537 = arith.addf %add3A_532, %mul3A_536 : vector<16xf32>
          %add3A_538 = vector.broadcast %mul3A_523 : i32 to vector<16xi32>
          %add3A_539 = arith.addi %add3A_538, %gather3A_122 : vector<16xi32>
          %gather3A_540 = tpu.vector_load_idx %arg6[%add3A_539] : memref<86016xf32, #tpu.memory_space<vmem>>[vector<16xi32>], vector<16xf32>,
          %mul3A_541 = arith.mulf %gather3A_540, %gather3A_154 : vector<16xf32>
          %add3A_542 = arith.addf %add3A_537, %mul3A_541 : vector<16xf32>
          %add3A_543 = vector.broadcast %mul3A_523 : i32 to vector<16xi32>
          %add3A_544 = arith.addi %add3A_543, %gather3A_126 : vector<16xi32>
          %gather3A_545 = tpu.vector_load_idx %arg6[%add3A_544] : memref<86016xf32, #tpu.memory_space<vmem>>[vector<16xi32>], vector<16xf32>,
          %mul3A_546 = arith.mulf %gather3A_545, %gather3A_158 : vector<16xf32>
          %add3A_547 = arith.addf %add3A_542, %mul3A_546 : vector<16xf32>
          %add3A_548 = vector.broadcast %mul3A_523 : i32 to vector<16xi32>
          %add3A_549 = arith.addi %add3A_548, %gather3A_130 : vector<16xi32>
          %gather3A_550 = tpu.vector_load_idx %arg6[%add3A_549] : memref<86016xf32, #tpu.memory_space<vmem>>[vector<16xi32>], vector<16xf32>,
          %mul3A_551 = arith.mulf %gather3A_550, %gather3A_162 : vector<16xf32>
          %add3A_552 = arith.addf %add3A_547, %mul3A_551 : vector<16xf32>
          %add3A_553 = vector.broadcast %mul3A_523 : i32 to vector<16xi32>
          %add3A_554 = arith.addi %add3A_553, %gather3A_134 : vector<16xi32>
          %gather3A_555 = tpu.vector_load_idx %arg6[%add3A_554] : memref<86016xf32, #tpu.memory_space<vmem>>[vector<16xi32>], vector<16xf32>,
          %mul3A_556 = arith.mulf %gather3A_555, %gather3A_166 : vector<16xf32>
          %add3A_557 = arith.addf %add3A_552, %mul3A_556 : vector<16xf32>
          %add3A_558 = vector.broadcast %mul3A_523 : i32 to vector<16xi32>
          %add3A_559 = arith.addi %add3A_558, %gather3A_138 : vector<16xi32>
          %gather3A_560 = tpu.vector_load_idx %arg6[%add3A_559] : memref<86016xf32, #tpu.memory_space<vmem>>[vector<16xi32>], vector<16xf32>,
          %mul3A_561 = arith.mulf %gather3A_560, %gather3A_170 : vector<16xf32>
          %add3A_562 = arith.addf %add3A_557, %mul3A_561 : vector<16xf32>
          %swap3A_563 = arith.index_cast %add3A_521 : i32 to index
          %swap3A_564 = arith.index_cast %mul3A_172 : i32 to index
          %swap3A_565 = tpu.vector_load %arg11[%swap3A_563, %swap3A_564] {strides = array<i32>} : memref<32x384xf32, #tpu.memory_space<vmem>>, vector<16xf32>,
          tpu.vector_store %arg11[%swap3A_563, %swap3A_564], %add3A_562 {strides = array<i32>} : memref<32x384xf32, #tpu.memory_space<vmem>>, vector<16xf32>,
          %scan3A_566 = arith.constant 0 : i32
          scf.yield %scan3A_566 : i32
        }
        %scan3A_179 = arith.constant 4 : i32
        %scan3A_180 = arith.constant 0 : i32
        scf.yield %scan3A_180 : i32
      }
      %scan3A_61 = arith.constant 24 : i32
      %mul3A_62 = arith.constant 384 : i32
      %mul3A_63 = arith.muli %mul3A_32, %mul3A_62 : i32
      %dma_start3A_64 = tpu.memref_slice %arg5[%mul3A_2, %mul3A_63] : memref<1024x5376xf32, #tpu.memory_space<hbm>> -> memref<32x384xf32, #tpu.memory_space<hbm>>
      %dma_start3A_65 = tpu.memref_slice %arg5[%mul3A_2, %mul3A_63] : memref<1024x5376xf32, #tpu.memory_space<hbm>> -> memref<32x384xf32, #tpu.memory_space<hbm>>
      tpu.enqueue_dma source(%arg11 : memref<32x384xf32, #tpu.memory_space<vmem>>) target(%dma_start3A_65 : memref<32x384xf32, #tpu.memory_space<hbm>>) target_semaphore(%arg15 : memref<!tpu.dma_semaphore, #tpu.memory_space<semaphore_mem>>)
      %dma_wait3A_66 = arith.constant 0 : i32
      %dma_wait3A_67 = tpu.memref_slice %arg3[%dma_wait3A_66] : memref<43008xi32, #tpu.memory_space<hbm>> -> memref<3072xi32, #tpu.memory_space<hbm>>
      %dma_wait3A_68 = arith.constant 0 : i32
      %dma_wait3A_69 = tpu.memref_slice %arg3[%dma_wait3A_68] : memref<43008xi32, #tpu.memory_space<hbm>> -> memref<3072xi32, #tpu.memory_space<hbm>>
      tpu.wait_dma2 semaphore(%arg14 : memref<!tpu.dma_semaphore, #tpu.memory_space<semaphore_mem>>) src(%dma_wait3A_69 : memref<3072xi32, #tpu.memory_space<hbm>>) dst(%arg8 : memref<3072xi32, #tpu.memory_space<vmem>>)
      %dma_wait3A_70 = arith.constant 0 : i32
      %dma_wait3A_71 = tpu.memref_slice %arg4[%dma_wait3A_70] : memref<43008xf32, #tpu.memory_space<hbm>> -> memref<3072xf32, #tpu.memory_space<hbm>>
      %dma_wait3A_72 = arith.constant 0 : i32
      %dma_wait3A_73 = tpu.memref_slice %arg4[%dma_wait3A_72] : memref<43008xf32, #tpu.memory_space<hbm>> -> memref<3072xf32, #tpu.memory_space<hbm>>
      tpu.wait_dma2 semaphore(%arg14 : memref<!tpu.dma_semaphore, #tpu.memory_space<semaphore_mem>>) src(%dma_wait3A_73 : memref<3072xf32, #tpu.memory_space<hbm>>) dst(%arg10 : memref<3072xf32, #tpu.memory_space<vmem>>)
      %add3A_74 = arith.constant 1 : i32
      %add3A_75 = arith.addi %scan3A_29, %add3A_74 : i32
      %lt3A = arith.constant 7 : i32
      %lt3A_76 = arith.cmpi slt, %add3A_75, %lt3A : i32
      %convert_element_type3A_77 = arith.extui %lt3A_76 : i1 to i32
      %cond3A_78 = arith.constant 0 : i32
      %cond3A_79 = arith.cmpi ne, %convert_element_type3A_77, %cond3A_78 : i32
      scf.if %cond3A_79 {
        %add3A_99 = arith.constant 2 : i32
        %add3A_100 = arith.addi %mul3A_32, %add3A_99 : i32
        %mul3A_101 = arith.constant 384 : i32
        %mul3A_102 = arith.muli %add3A_100, %mul3A_101 : i32
        %mul3A_103 = arith.constant 8 : i32
        %mul3A_104 = arith.muli %mul3A_102, %mul3A_103 : i32
        %dma_start3A_105 = tpu.memref_slice %arg3[%mul3A_104] : memref<43008xi32, #tpu.memory_space<hbm>> -> memref<3072xi32, #tpu.memory_space<hbm>>
        %dma_start3A_106 = tpu.memref_slice %arg3[%mul3A_104] : memref<43008xi32, #tpu.memory_space<hbm>> -> memref<3072xi32, #tpu.memory_space<hbm>>
        tpu.enqueue_dma source(%dma_start3A_106 : memref<3072xi32, #tpu.memory_space<hbm>>) target(%arg7 : memref<3072xi32, #tpu.memory_space<vmem>>) target_semaphore(%arg13 : memref<!tpu.dma_semaphore, #tpu.memory_space<semaphore_mem>>)
        %mul3A_107 = arith.constant 8 : i32
        %mul3A_108 = arith.muli %mul3A_102, %mul3A_107 : i32
        %dma_start3A_109 = tpu.memref_slice %arg4[%mul3A_108] : memref<43008xf32, #tpu.memory_space<hbm>> -> memref<3072xf32, #tpu.memory_space<hbm>>
        %dma_start3A_110 = tpu.memref_slice %arg4[%mul3A_108] : memref<43008xf32, #tpu.memory_space<hbm>> -> memref<3072xf32, #tpu.memory_space<hbm>>
        tpu.enqueue_dma source(%dma_start3A_110 : memref<3072xf32, #tpu.memory_space<hbm>>) target(%arg9 : memref<3072xf32, #tpu.memory_space<vmem>>) target_semaphore(%arg13 : memref<!tpu.dma_semaphore, #tpu.memory_space<semaphore_mem>>)
      } else {
      }
      %ge3A_80 = arith.constant 1 : i32
      %ge3A_81 = arith.cmpi sge, %scan3A_29, %ge3A_80 : i32
      %convert_element_type3A_82 = arith.extui %ge3A_81 : i1 to i32
      %cond3A_83 = arith.constant 0 : i32
      %cond3A_84 = arith.cmpi ne, %convert_element_type3A_82, %cond3A_83 : i32
      scf.if %cond3A_84 {
        %dma_wait3A_99 = arith.constant 0 : i32
        %dma_wait3A_100 = arith.constant 0 : i32
        %dma_wait3A_101 = tpu.memref_slice %arg5[%dma_wait3A_99, %dma_wait3A_100] : memref<1024x5376xf32, #tpu.memory_space<hbm>> -> memref<32x384xf32, #tpu.memory_space<hbm>>
        %dma_wait3A_102 = arith.constant 0 : i32
        %dma_wait3A_103 = arith.constant 0 : i32
        %dma_wait3A_104 = tpu.memref_slice %arg5[%dma_wait3A_102, %dma_wait3A_103] : memref<1024x5376xf32, #tpu.memory_space<hbm>> -> memref<32x384xf32, #tpu.memory_space<hbm>>
        tpu.wait_dma2 semaphore(%arg16 : memref<!tpu.dma_semaphore, #tpu.memory_space<semaphore_mem>>) src(%arg12 : memref<32x384xf32, #tpu.memory_space<vmem>>) dst(%dma_wait3A_104 : memref<32x384xf32, #tpu.memory_space<hbm>>)
      } else {
      }
      %add3A_85 = arith.constant 1 : i32
      %add3A_86 = arith.addi %mul3A_32, %add3A_85 : i32
      %scan3A_87 = arith.constant 0 : i32
      %scan3A_88 = arith.constant 0 : i32
      %scan3A_89 = arith.constant 24 : i32
      %scan3A_90 = arith.addi %scan3A_88, %scan3A_89 : i32
      %scan3A_91 = arith.constant 1 : i32
      %scan3A_92 = scf.for %scan3A_99 = %scan3A_88 to %scan3A_90 step %scan3A_91 iter_args(%scan3A_100 = %scan3A_87) -> (i32)  : i32 {
        %mul3A_101 = arith.constant 16 : i32
        %mul3A_102 = arith.muli %scan3A_99, %mul3A_101 : i32
        %add3A_103 = vector.broadcast %mul3A_102 : i32 to vector<16xi32>
        %add3A_104 = arith.addi %add3A_103, %iota3A : vector<16xi32>
        %mul3A_105 = arith.constant 8 : i32
        %mul3A_106 = vector.broadcast %mul3A_105 : i32 to vector<16xi32>
        %mul3A_107 = arith.muli %add3A_104, %mul3A_106 : vector<16xi32>
        %add3A_108 = arith.constant 0 : i32
        %add3A_109 = vector.broadcast %add3A_108 : i32 to vector<16xi32>
        %add3A_110 = arith.addi %mul3A_107, %add3A_109 : vector<16xi32>
        %gather3A = tpu.vector_load_idx %arg8[%add3A_110] : memref<3072xi32, #tpu.memory_space<vmem>>[vector<16xi32>], vector<16xi32>,
        %add3A_111 = arith.constant 1 : i32
        %add3A_112 = vector.broadcast %add3A_111 : i32 to vector<16xi32>
        %add3A_113 = arith.addi %mul3A_107, %add3A_112 : vector<16xi32>
        %gather3A_114 = tpu.vector_load_idx %arg8[%add3A_113] : memref<3072xi32, #tpu.memory_space<vmem>>[vector<16xi32>], vector<16xi32>,
        %add3A_115 = arith.constant 2 : i32
        %add3A_116 = vector.broadcast %add3A_115 : i32 to vector<16xi32>
        %add3A_117 = arith.addi %mul3A_107, %add3A_116 : vector<16xi32>
        %gather3A_118 = tpu.vector_load_idx %arg8[%add3A_117] : memref<3072xi32, #tpu.memory_space<vmem>>[vector<16xi32>], vector<16xi32>,
        %add3A_119 = arith.constant 3 : i32
        %add3A_120 = vector.broadcast %add3A_119 : i32 to vector<16xi32>
        %add3A_121 = arith.addi %mul3A_107, %add3A_120 : vector<16xi32>
        %gather3A_122 = tpu.vector_load_idx %arg8[%add3A_121] : memref<3072xi32, #tpu.memory_space<vmem>>[vector<16xi32>], vector<16xi32>,
        %add3A_123 = arith.constant 4 : i32
        %add3A_124 = vector.broadcast %add3A_123 : i32 to vector<16xi32>
        %add3A_125 = arith.addi %mul3A_107, %add3A_124 : vector<16xi32>
        %gather3A_126 = tpu.vector_load_idx %arg8[%add3A_125] : memref<3072xi32, #tpu.memory_space<vmem>>[vector<16xi32>], vector<16xi32>,
        %add3A_127 = arith.constant 5 : i32
        %add3A_128 = vector.broadcast %add3A_127 : i32 to vector<16xi32>
        %add3A_129 = arith.addi %mul3A_107, %add3A_128 : vector<16xi32>
        %gather3A_130 = tpu.vector_load_idx %arg8[%add3A_129] : memref<3072xi32, #tpu.memory_space<vmem>>[vector<16xi32>], vector<16xi32>,
        %add3A_131 = arith.constant 6 : i32
        %add3A_132 = vector.broadcast %add3A_131 : i32 to vector<16xi32>
        %add3A_133 = arith.addi %mul3A_107, %add3A_132 : vector<16xi32>
        %gather3A_134 = tpu.vector_load_idx %arg8[%add3A_133] : memref<3072xi32, #tpu.memory_space<vmem>>[vector<16xi32>], vector<16xi32>,
        %add3A_135 = arith.constant 7 : i32
        %add3A_136 = vector.broadcast %add3A_135 : i32 to vector<16xi32>
        %add3A_137 = arith.addi %mul3A_107, %add3A_136 : vector<16xi32>
        %gather3A_138 = tpu.vector_load_idx %arg8[%add3A_137] : memref<3072xi32, #tpu.memory_space<vmem>>[vector<16xi32>], vector<16xi32>,
        %add3A_139 = arith.constant 0 : i32
        %add3A_140 = vector.broadcast %add3A_139 : i32 to vector<16xi32>
        %add3A_141 = arith.addi %mul3A_107, %add3A_140 : vector<16xi32>
        %gather3A_142 = tpu.vector_load_idx %arg10[%add3A_141] : memref<3072xf32, #tpu.memory_space<vmem>>[vector<16xi32>], vector<16xf32>,
        %add3A_143 = arith.constant 1 : i32
        %add3A_144 = vector.broadcast %add3A_143 : i32 to vector<16xi32>
        %add3A_145 = arith.addi %mul3A_107, %add3A_144 : vector<16xi32>
        %gather3A_146 = tpu.vector_load_idx %arg10[%add3A_145] : memref<3072xf32, #tpu.memory_space<vmem>>[vector<16xi32>], vector<16xf32>,
        %add3A_147 = arith.constant 2 : i32
        %add3A_148 = vector.broadcast %add3A_147 : i32 to vector<16xi32>
        %add3A_149 = arith.addi %mul3A_107, %add3A_148 : vector<16xi32>
        %gather3A_150 = tpu.vector_load_idx %arg10[%add3A_149] : memref<3072xf32, #tpu.memory_space<vmem>>[vector<16xi32>], vector<16xf32>,
        %add3A_151 = arith.constant 3 : i32
        %add3A_152 = vector.broadcast %add3A_151 : i32 to vector<16xi32>
        %add3A_153 = arith.addi %mul3A_107, %add3A_152 : vector<16xi32>
        %gather3A_154 = tpu.vector_load_idx %arg10[%add3A_153] : memref<3072xf32, #tpu.memory_space<vmem>>[vector<16xi32>], vector<16xf32>,
        %add3A_155 = arith.constant 4 : i32
        %add3A_156 = vector.broadcast %add3A_155 : i32 to vector<16xi32>
        %add3A_157 = arith.addi %mul3A_107, %add3A_156 : vector<16xi32>
        %gather3A_158 = tpu.vector_load_idx %arg10[%add3A_157] : memref<3072xf32, #tpu.memory_space<vmem>>[vector<16xi32>], vector<16xf32>,
        %add3A_159 = arith.constant 5 : i32
        %add3A_160 = vector.broadcast %add3A_159 : i32 to vector<16xi32>
        %add3A_161 = arith.addi %mul3A_107, %add3A_160 : vector<16xi32>
        %gather3A_162 = tpu.vector_load_idx %arg10[%add3A_161] : memref<3072xf32, #tpu.memory_space<vmem>>[vector<16xi32>], vector<16xf32>,
        %add3A_163 = arith.constant 6 : i32
        %add3A_164 = vector.broadcast %add3A_163 : i32 to vector<16xi32>
        %add3A_165 = arith.addi %mul3A_107, %add3A_164 : vector<16xi32>
        %gather3A_166 = tpu.vector_load_idx %arg10[%add3A_165] : memref<3072xf32, #tpu.memory_space<vmem>>[vector<16xi32>], vector<16xf32>,
        %add3A_167 = arith.constant 7 : i32
        %add3A_168 = vector.broadcast %add3A_167 : i32 to vector<16xi32>
        %add3A_169 = arith.addi %mul3A_107, %add3A_168 : vector<16xi32>
        %gather3A_170 = tpu.vector_load_idx %arg10[%add3A_169] : memref<3072xf32, #tpu.memory_space<vmem>>[vector<16xi32>], vector<16xf32>,
        %mul3A_171 = arith.constant 16 : i32
        %mul3A_172 = arith.muli %scan3A_99, %mul3A_171 : i32
        %scan3A_173 = arith.constant 0 : i32
        %scan3A_174 = arith.constant 0 : i32
        %scan3A_175 = arith.constant 4 : i32
        %scan3A_176 = arith.addi %scan3A_174, %scan3A_175 : i32
        %scan3A_177 = arith.constant 1 : i32
        %scan3A_178 = scf.for %scan3A_181 = %scan3A_174 to %scan3A_176 step %scan3A_177 iter_args(%scan3A_182 = %scan3A_173) -> (i32)  : i32 {
          %mul3A_183 = arith.constant 8 : i32
          %mul3A_184 = arith.muli %scan3A_181, %mul3A_183 : i32
          %add3A_185 = arith.constant 0 : i32
          %add3A_186 = arith.addi %mul3A_184, %add3A_185 : i32
          %mul3A_187 = arith.constant 2688 : i32
          %mul3A_188 = arith.muli %add3A_186, %mul3A_187 : i32
          %add3A_189 = vector.broadcast %mul3A_188 : i32 to vector<16xi32>
          %add3A_190 = arith.addi %add3A_189, %gather3A : vector<16xi32>
          %gather3A_191 = tpu.vector_load_idx %arg6[%add3A_190] : memref<86016xf32, #tpu.memory_space<vmem>>[vector<16xi32>], vector<16xf32>,
          %mul3A_192 = arith.mulf %gather3A_191, %gather3A_142 : vector<16xf32>
          %add3A_193 = vector.broadcast %mul3A_188 : i32 to vector<16xi32>
          %add3A_194 = arith.addi %add3A_193, %gather3A_114 : vector<16xi32>
          %gather3A_195 = tpu.vector_load_idx %arg6[%add3A_194] : memref<86016xf32, #tpu.memory_space<vmem>>[vector<16xi32>], vector<16xf32>,
          %mul3A_196 = arith.mulf %gather3A_195, %gather3A_146 : vector<16xf32>
          %add3A_197 = arith.addf %mul3A_192, %mul3A_196 : vector<16xf32>
          %add3A_198 = vector.broadcast %mul3A_188 : i32 to vector<16xi32>
          %add3A_199 = arith.addi %add3A_198, %gather3A_118 : vector<16xi32>
          %gather3A_200 = tpu.vector_load_idx %arg6[%add3A_199] : memref<86016xf32, #tpu.memory_space<vmem>>[vector<16xi32>], vector<16xf32>,
          %mul3A_201 = arith.mulf %gather3A_200, %gather3A_150 : vector<16xf32>
          %add3A_202 = arith.addf %add3A_197, %mul3A_201 : vector<16xf32>
          %add3A_203 = vector.broadcast %mul3A_188 : i32 to vector<16xi32>
          %add3A_204 = arith.addi %add3A_203, %gather3A_122 : vector<16xi32>
          %gather3A_205 = tpu.vector_load_idx %arg6[%add3A_204] : memref<86016xf32, #tpu.memory_space<vmem>>[vector<16xi32>], vector<16xf32>,
          %mul3A_206 = arith.mulf %gather3A_205, %gather3A_154 : vector<16xf32>
          %add3A_207 = arith.addf %add3A_202, %mul3A_206 : vector<16xf32>
          %add3A_208 = vector.broadcast %mul3A_188 : i32 to vector<16xi32>
          %add3A_209 = arith.addi %add3A_208, %gather3A_126 : vector<16xi32>
          %gather3A_210 = tpu.vector_load_idx %arg6[%add3A_209] : memref<86016xf32, #tpu.memory_space<vmem>>[vector<16xi32>], vector<16xf32>,
          %mul3A_211 = arith.mulf %gather3A_210, %gather3A_158 : vector<16xf32>
          %add3A_212 = arith.addf %add3A_207, %mul3A_211 : vector<16xf32>
          %add3A_213 = vector.broadcast %mul3A_188 : i32 to vector<16xi32>
          %add3A_214 = arith.addi %add3A_213, %gather3A_130 : vector<16xi32>
          %gather3A_215 = tpu.vector_load_idx %arg6[%add3A_214] : memref<86016xf32, #tpu.memory_space<vmem>>[vector<16xi32>], vector<16xf32>,
          %mul3A_216 = arith.mulf %gather3A_215, %gather3A_162 : vector<16xf32>
          %add3A_217 = arith.addf %add3A_212, %mul3A_216 : vector<16xf32>
          %add3A_218 = vector.broadcast %mul3A_188 : i32 to vector<16xi32>
          %add3A_219 = arith.addi %add3A_218, %gather3A_134 : vector<16xi32>
          %gather3A_220 = tpu.vector_load_idx %arg6[%add3A_219] : memref<86016xf32, #tpu.memory_space<vmem>>[vector<16xi32>], vector<16xf32>,
          %mul3A_221 = arith.mulf %gather3A_220, %gather3A_166 : vector<16xf32>
          %add3A_222 = arith.addf %add3A_217, %mul3A_221 : vector<16xf32>
          %add3A_223 = vector.broadcast %mul3A_188 : i32 to vector<16xi32>
          %add3A_224 = arith.addi %add3A_223, %gather3A_138 : vector<16xi32>
          %gather3A_225 = tpu.vector_load_idx %arg6[%add3A_224] : memref<86016xf32, #tpu.memory_space<vmem>>[vector<16xi32>], vector<16xf32>,
          %mul3A_226 = arith.mulf %gather3A_225, %gather3A_170 : vector<16xf32>
          %add3A_227 = arith.addf %add3A_222, %mul3A_226 : vector<16xf32>
          %swap3A = arith.index_cast %add3A_186 : i32 to index
          %swap3A_228 = arith.index_cast %mul3A_172 : i32 to index
          %swap3A_229 = tpu.vector_load %arg12[%swap3A, %swap3A_228] {strides = array<i32>} : memref<32x384xf32, #tpu.memory_space<vmem>>, vector<16xf32>,
          tpu.vector_store %arg12[%swap3A, %swap3A_228], %add3A_227 {strides = array<i32>} : memref<32x384xf32, #tpu.memory_space<vmem>>, vector<16xf32>,
          %mul3A_230 = arith.constant 8 : i32
          %mul3A_231 = arith.muli %scan3A_181, %mul3A_230 : i32
          %add3A_232 = arith.constant 1 : i32
          %add3A_233 = arith.addi %mul3A_231, %add3A_232 : i32
          %mul3A_234 = arith.constant 2688 : i32
          %mul3A_235 = arith.muli %add3A_233, %mul3A_234 : i32
          %add3A_236 = vector.broadcast %mul3A_235 : i32 to vector<16xi32>
          %add3A_237 = arith.addi %add3A_236, %gather3A : vector<16xi32>
          %gather3A_238 = tpu.vector_load_idx %arg6[%add3A_237] : memref<86016xf32, #tpu.memory_space<vmem>>[vector<16xi32>], vector<16xf32>,
          %mul3A_239 = arith.mulf %gather3A_238, %gather3A_142 : vector<16xf32>
          %add3A_240 = vector.broadcast %mul3A_235 : i32 to vector<16xi32>
          %add3A_241 = arith.addi %add3A_240, %gather3A_114 : vector<16xi32>
          %gather3A_242 = tpu.vector_load_idx %arg6[%add3A_241] : memref<86016xf32, #tpu.memory_space<vmem>>[vector<16xi32>], vector<16xf32>,
          %mul3A_243 = arith.mulf %gather3A_242, %gather3A_146 : vector<16xf32>
          %add3A_244 = arith.addf %mul3A_239, %mul3A_243 : vector<16xf32>
          %add3A_245 = vector.broadcast %mul3A_235 : i32 to vector<16xi32>
          %add3A_246 = arith.addi %add3A_245, %gather3A_118 : vector<16xi32>
          %gather3A_247 = tpu.vector_load_idx %arg6[%add3A_246] : memref<86016xf32, #tpu.memory_space<vmem>>[vector<16xi32>], vector<16xf32>,
          %mul3A_248 = arith.mulf %gather3A_247, %gather3A_150 : vector<16xf32>
          %add3A_249 = arith.addf %add3A_244, %mul3A_248 : vector<16xf32>
          %add3A_250 = vector.broadcast %mul3A_235 : i32 to vector<16xi32>
          %add3A_251 = arith.addi %add3A_250, %gather3A_122 : vector<16xi32>
          %gather3A_252 = tpu.vector_load_idx %arg6[%add3A_251] : memref<86016xf32, #tpu.memory_space<vmem>>[vector<16xi32>], vector<16xf32>,
          %mul3A_253 = arith.mulf %gather3A_252, %gather3A_154 : vector<16xf32>
          %add3A_254 = arith.addf %add3A_249, %mul3A_253 : vector<16xf32>
          %add3A_255 = vector.broadcast %mul3A_235 : i32 to vector<16xi32>
          %add3A_256 = arith.addi %add3A_255, %gather3A_126 : vector<16xi32>
          %gather3A_257 = tpu.vector_load_idx %arg6[%add3A_256] : memref<86016xf32, #tpu.memory_space<vmem>>[vector<16xi32>], vector<16xf32>,
          %mul3A_258 = arith.mulf %gather3A_257, %gather3A_158 : vector<16xf32>
          %add3A_259 = arith.addf %add3A_254, %mul3A_258 : vector<16xf32>
          %add3A_260 = vector.broadcast %mul3A_235 : i32 to vector<16xi32>
          %add3A_261 = arith.addi %add3A_260, %gather3A_130 : vector<16xi32>
          %gather3A_262 = tpu.vector_load_idx %arg6[%add3A_261] : memref<86016xf32, #tpu.memory_space<vmem>>[vector<16xi32>], vector<16xf32>,
          %mul3A_263 = arith.mulf %gather3A_262, %gather3A_162 : vector<16xf32>
          %add3A_264 = arith.addf %add3A_259, %mul3A_263 : vector<16xf32>
          %add3A_265 = vector.broadcast %mul3A_235 : i32 to vector<16xi32>
          %add3A_266 = arith.addi %add3A_265, %gather3A_134 : vector<16xi32>
          %gather3A_267 = tpu.vector_load_idx %arg6[%add3A_266] : memref<86016xf32, #tpu.memory_space<vmem>>[vector<16xi32>], vector<16xf32>,
          %mul3A_268 = arith.mulf %gather3A_267, %gather3A_166 : vector<16xf32>
          %add3A_269 = arith.addf %add3A_264, %mul3A_268 : vector<16xf32>
          %add3A_270 = vector.broadcast %mul3A_235 : i32 to vector<16xi32>
          %add3A_271 = arith.addi %add3A_270, %gather3A_138 : vector<16xi32>
          %gather3A_272 = tpu.vector_load_idx %arg6[%add3A_271] : memref<86016xf32, #tpu.memory_space<vmem>>[vector<16xi32>], vector<16xf32>,
          %mul3A_273 = arith.mulf %gather3A_272, %gather3A_170 : vector<16xf32>
          %add3A_274 = arith.addf %add3A_269, %mul3A_273 : vector<16xf32>
          %swap3A_275 = arith.index_cast %add3A_233 : i32 to index
          %swap3A_276 = arith.index_cast %mul3A_172 : i32 to index
          %swap3A_277 = tpu.vector_load %arg12[%swap3A_275, %swap3A_276] {strides = array<i32>} : memref<32x384xf32, #tpu.memory_space<vmem>>, vector<16xf32>,
          tpu.vector_store %arg12[%swap3A_275, %swap3A_276], %add3A_274 {strides = array<i32>} : memref<32x384xf32, #tpu.memory_space<vmem>>, vector<16xf32>,
          %mul3A_278 = arith.constant 8 : i32
          %mul3A_279 = arith.muli %scan3A_181, %mul3A_278 : i32
          %add3A_280 = arith.constant 2 : i32
          %add3A_281 = arith.addi %mul3A_279, %add3A_280 : i32
          %mul3A_282 = arith.constant 2688 : i32
          %mul3A_283 = arith.muli %add3A_281, %mul3A_282 : i32
          %add3A_284 = vector.broadcast %mul3A_283 : i32 to vector<16xi32>
          %add3A_285 = arith.addi %add3A_284, %gather3A : vector<16xi32>
          %gather3A_286 = tpu.vector_load_idx %arg6[%add3A_285] : memref<86016xf32, #tpu.memory_space<vmem>>[vector<16xi32>], vector<16xf32>,
          %mul3A_287 = arith.mulf %gather3A_286, %gather3A_142 : vector<16xf32>
          %add3A_288 = vector.broadcast %mul3A_283 : i32 to vector<16xi32>
          %add3A_289 = arith.addi %add3A_288, %gather3A_114 : vector<16xi32>
          %gather3A_290 = tpu.vector_load_idx %arg6[%add3A_289] : memref<86016xf32, #tpu.memory_space<vmem>>[vector<16xi32>], vector<16xf32>,
          %mul3A_291 = arith.mulf %gather3A_290, %gather3A_146 : vector<16xf32>
          %add3A_292 = arith.addf %mul3A_287, %mul3A_291 : vector<16xf32>
          %add3A_293 = vector.broadcast %mul3A_283 : i32 to vector<16xi32>
          %add3A_294 = arith.addi %add3A_293, %gather3A_118 : vector<16xi32>
          %gather3A_295 = tpu.vector_load_idx %arg6[%add3A_294] : memref<86016xf32, #tpu.memory_space<vmem>>[vector<16xi32>], vector<16xf32>,
          %mul3A_296 = arith.mulf %gather3A_295, %gather3A_150 : vector<16xf32>
          %add3A_297 = arith.addf %add3A_292, %mul3A_296 : vector<16xf32>
          %add3A_298 = vector.broadcast %mul3A_283 : i32 to vector<16xi32>
          %add3A_299 = arith.addi %add3A_298, %gather3A_122 : vector<16xi32>
          %gather3A_300 = tpu.vector_load_idx %arg6[%add3A_299] : memref<86016xf32, #tpu.memory_space<vmem>>[vector<16xi32>], vector<16xf32>,
          %mul3A_301 = arith.mulf %gather3A_300, %gather3A_154 : vector<16xf32>
          %add3A_302 = arith.addf %add3A_297, %mul3A_301 : vector<16xf32>
          %add3A_303 = vector.broadcast %mul3A_283 : i32 to vector<16xi32>
          %add3A_304 = arith.addi %add3A_303, %gather3A_126 : vector<16xi32>
          %gather3A_305 = tpu.vector_load_idx %arg6[%add3A_304] : memref<86016xf32, #tpu.memory_space<vmem>>[vector<16xi32>], vector<16xf32>,
          %mul3A_306 = arith.mulf %gather3A_305, %gather3A_158 : vector<16xf32>
          %add3A_307 = arith.addf %add3A_302, %mul3A_306 : vector<16xf32>
          %add3A_308 = vector.broadcast %mul3A_283 : i32 to vector<16xi32>
          %add3A_309 = arith.addi %add3A_308, %gather3A_130 : vector<16xi32>
          %gather3A_310 = tpu.vector_load_idx %arg6[%add3A_309] : memref<86016xf32, #tpu.memory_space<vmem>>[vector<16xi32>], vector<16xf32>,
          %mul3A_311 = arith.mulf %gather3A_310, %gather3A_162 : vector<16xf32>
          %add3A_312 = arith.addf %add3A_307, %mul3A_311 : vector<16xf32>
          %add3A_313 = vector.broadcast %mul3A_283 : i32 to vector<16xi32>
          %add3A_314 = arith.addi %add3A_313, %gather3A_134 : vector<16xi32>
          %gather3A_315 = tpu.vector_load_idx %arg6[%add3A_314] : memref<86016xf32, #tpu.memory_space<vmem>>[vector<16xi32>], vector<16xf32>,
          %mul3A_316 = arith.mulf %gather3A_315, %gather3A_166 : vector<16xf32>
          %add3A_317 = arith.addf %add3A_312, %mul3A_316 : vector<16xf32>
          %add3A_318 = vector.broadcast %mul3A_283 : i32 to vector<16xi32>
          %add3A_319 = arith.addi %add3A_318, %gather3A_138 : vector<16xi32>
          %gather3A_320 = tpu.vector_load_idx %arg6[%add3A_319] : memref<86016xf32, #tpu.memory_space<vmem>>[vector<16xi32>], vector<16xf32>,
          %mul3A_321 = arith.mulf %gather3A_320, %gather3A_170 : vector<16xf32>
          %add3A_322 = arith.addf %add3A_317, %mul3A_321 : vector<16xf32>
          %swap3A_323 = arith.index_cast %add3A_281 : i32 to index
          %swap3A_324 = arith.index_cast %mul3A_172 : i32 to index
          %swap3A_325 = tpu.vector_load %arg12[%swap3A_323, %swap3A_324] {strides = array<i32>} : memref<32x384xf32, #tpu.memory_space<vmem>>, vector<16xf32>,
          tpu.vector_store %arg12[%swap3A_323, %swap3A_324], %add3A_322 {strides = array<i32>} : memref<32x384xf32, #tpu.memory_space<vmem>>, vector<16xf32>,
          %mul3A_326 = arith.constant 8 : i32
          %mul3A_327 = arith.muli %scan3A_181, %mul3A_326 : i32
          %add3A_328 = arith.constant 3 : i32
          %add3A_329 = arith.addi %mul3A_327, %add3A_328 : i32
          %mul3A_330 = arith.constant 2688 : i32
          %mul3A_331 = arith.muli %add3A_329, %mul3A_330 : i32
          %add3A_332 = vector.broadcast %mul3A_331 : i32 to vector<16xi32>
          %add3A_333 = arith.addi %add3A_332, %gather3A : vector<16xi32>
          %gather3A_334 = tpu.vector_load_idx %arg6[%add3A_333] : memref<86016xf32, #tpu.memory_space<vmem>>[vector<16xi32>], vector<16xf32>,
          %mul3A_335 = arith.mulf %gather3A_334, %gather3A_142 : vector<16xf32>
          %add3A_336 = vector.broadcast %mul3A_331 : i32 to vector<16xi32>
          %add3A_337 = arith.addi %add3A_336, %gather3A_114 : vector<16xi32>
          %gather3A_338 = tpu.vector_load_idx %arg6[%add3A_337] : memref<86016xf32, #tpu.memory_space<vmem>>[vector<16xi32>], vector<16xf32>,
          %mul3A_339 = arith.mulf %gather3A_338, %gather3A_146 : vector<16xf32>
          %add3A_340 = arith.addf %mul3A_335, %mul3A_339 : vector<16xf32>
          %add3A_341 = vector.broadcast %mul3A_331 : i32 to vector<16xi32>
          %add3A_342 = arith.addi %add3A_341, %gather3A_118 : vector<16xi32>
          %gather3A_343 = tpu.vector_load_idx %arg6[%add3A_342] : memref<86016xf32, #tpu.memory_space<vmem>>[vector<16xi32>], vector<16xf32>,
          %mul3A_344 = arith.mulf %gather3A_343, %gather3A_150 : vector<16xf32>
          %add3A_345 = arith.addf %add3A_340, %mul3A_344 : vector<16xf32>
          %add3A_346 = vector.broadcast %mul3A_331 : i32 to vector<16xi32>
          %add3A_347 = arith.addi %add3A_346, %gather3A_122 : vector<16xi32>
          %gather3A_348 = tpu.vector_load_idx %arg6[%add3A_347] : memref<86016xf32, #tpu.memory_space<vmem>>[vector<16xi32>], vector<16xf32>,
          %mul3A_349 = arith.mulf %gather3A_348, %gather3A_154 : vector<16xf32>
          %add3A_350 = arith.addf %add3A_345, %mul3A_349 : vector<16xf32>
          %add3A_351 = vector.broadcast %mul3A_331 : i32 to vector<16xi32>
          %add3A_352 = arith.addi %add3A_351, %gather3A_126 : vector<16xi32>
          %gather3A_353 = tpu.vector_load_idx %arg6[%add3A_352] : memref<86016xf32, #tpu.memory_space<vmem>>[vector<16xi32>], vector<16xf32>,
          %mul3A_354 = arith.mulf %gather3A_353, %gather3A_158 : vector<16xf32>
          %add3A_355 = arith.addf %add3A_350, %mul3A_354 : vector<16xf32>
          %add3A_356 = vector.broadcast %mul3A_331 : i32 to vector<16xi32>
          %add3A_357 = arith.addi %add3A_356, %gather3A_130 : vector<16xi32>
          %gather3A_358 = tpu.vector_load_idx %arg6[%add3A_357] : memref<86016xf32, #tpu.memory_space<vmem>>[vector<16xi32>], vector<16xf32>,
          %mul3A_359 = arith.mulf %gather3A_358, %gather3A_162 : vector<16xf32>
          %add3A_360 = arith.addf %add3A_355, %mul3A_359 : vector<16xf32>
          %add3A_361 = vector.broadcast %mul3A_331 : i32 to vector<16xi32>
          %add3A_362 = arith.addi %add3A_361, %gather3A_134 : vector<16xi32>
          %gather3A_363 = tpu.vector_load_idx %arg6[%add3A_362] : memref<86016xf32, #tpu.memory_space<vmem>>[vector<16xi32>], vector<16xf32>,
          %mul3A_364 = arith.mulf %gather3A_363, %gather3A_166 : vector<16xf32>
          %add3A_365 = arith.addf %add3A_360, %mul3A_364 : vector<16xf32>
          %add3A_366 = vector.broadcast %mul3A_331 : i32 to vector<16xi32>
          %add3A_367 = arith.addi %add3A_366, %gather3A_138 : vector<16xi32>
          %gather3A_368 = tpu.vector_load_idx %arg6[%add3A_367] : memref<86016xf32, #tpu.memory_space<vmem>>[vector<16xi32>], vector<16xf32>,
          %mul3A_369 = arith.mulf %gather3A_368, %gather3A_170 : vector<16xf32>
          %add3A_370 = arith.addf %add3A_365, %mul3A_369 : vector<16xf32>
          %swap3A_371 = arith.index_cast %add3A_329 : i32 to index
          %swap3A_372 = arith.index_cast %mul3A_172 : i32 to index
          %swap3A_373 = tpu.vector_load %arg12[%swap3A_371, %swap3A_372] {strides = array<i32>} : memref<32x384xf32, #tpu.memory_space<vmem>>, vector<16xf32>,
          tpu.vector_store %arg12[%swap3A_371, %swap3A_372], %add3A_370 {strides = array<i32>} : memref<32x384xf32, #tpu.memory_space<vmem>>, vector<16xf32>,
          %mul3A_374 = arith.constant 8 : i32
          %mul3A_375 = arith.muli %scan3A_181, %mul3A_374 : i32
          %add3A_376 = arith.constant 4 : i32
          %add3A_377 = arith.addi %mul3A_375, %add3A_376 : i32
          %mul3A_378 = arith.constant 2688 : i32
          %mul3A_379 = arith.muli %add3A_377, %mul3A_378 : i32
          %add3A_380 = vector.broadcast %mul3A_379 : i32 to vector<16xi32>
          %add3A_381 = arith.addi %add3A_380, %gather3A : vector<16xi32>
          %gather3A_382 = tpu.vector_load_idx %arg6[%add3A_381] : memref<86016xf32, #tpu.memory_space<vmem>>[vector<16xi32>], vector<16xf32>,
          %mul3A_383 = arith.mulf %gather3A_382, %gather3A_142 : vector<16xf32>
          %add3A_384 = vector.broadcast %mul3A_379 : i32 to vector<16xi32>
          %add3A_385 = arith.addi %add3A_384, %gather3A_114 : vector<16xi32>
          %gather3A_386 = tpu.vector_load_idx %arg6[%add3A_385] : memref<86016xf32, #tpu.memory_space<vmem>>[vector<16xi32>], vector<16xf32>,
          %mul3A_387 = arith.mulf %gather3A_386, %gather3A_146 : vector<16xf32>
          %add3A_388 = arith.addf %mul3A_383, %mul3A_387 : vector<16xf32>
          %add3A_389 = vector.broadcast %mul3A_379 : i32 to vector<16xi32>
          %add3A_390 = arith.addi %add3A_389, %gather3A_118 : vector<16xi32>
          %gather3A_391 = tpu.vector_load_idx %arg6[%add3A_390] : memref<86016xf32, #tpu.memory_space<vmem>>[vector<16xi32>], vector<16xf32>,
          %mul3A_392 = arith.mulf %gather3A_391, %gather3A_150 : vector<16xf32>
          %add3A_393 = arith.addf %add3A_388, %mul3A_392 : vector<16xf32>
          %add3A_394 = vector.broadcast %mul3A_379 : i32 to vector<16xi32>
          %add3A_395 = arith.addi %add3A_394, %gather3A_122 : vector<16xi32>
          %gather3A_396 = tpu.vector_load_idx %arg6[%add3A_395] : memref<86016xf32, #tpu.memory_space<vmem>>[vector<16xi32>], vector<16xf32>,
          %mul3A_397 = arith.mulf %gather3A_396, %gather3A_154 : vector<16xf32>
          %add3A_398 = arith.addf %add3A_393, %mul3A_397 : vector<16xf32>
          %add3A_399 = vector.broadcast %mul3A_379 : i32 to vector<16xi32>
          %add3A_400 = arith.addi %add3A_399, %gather3A_126 : vector<16xi32>
          %gather3A_401 = tpu.vector_load_idx %arg6[%add3A_400] : memref<86016xf32, #tpu.memory_space<vmem>>[vector<16xi32>], vector<16xf32>,
          %mul3A_402 = arith.mulf %gather3A_401, %gather3A_158 : vector<16xf32>
          %add3A_403 = arith.addf %add3A_398, %mul3A_402 : vector<16xf32>
          %add3A_404 = vector.broadcast %mul3A_379 : i32 to vector<16xi32>
          %add3A_405 = arith.addi %add3A_404, %gather3A_130 : vector<16xi32>
          %gather3A_406 = tpu.vector_load_idx %arg6[%add3A_405] : memref<86016xf32, #tpu.memory_space<vmem>>[vector<16xi32>], vector<16xf32>,
          %mul3A_407 = arith.mulf %gather3A_406, %gather3A_162 : vector<16xf32>
          %add3A_408 = arith.addf %add3A_403, %mul3A_407 : vector<16xf32>
          %add3A_409 = vector.broadcast %mul3A_379 : i32 to vector<16xi32>
          %add3A_410 = arith.addi %add3A_409, %gather3A_134 : vector<16xi32>
          %gather3A_411 = tpu.vector_load_idx %arg6[%add3A_410] : memref<86016xf32, #tpu.memory_space<vmem>>[vector<16xi32>], vector<16xf32>,
          %mul3A_412 = arith.mulf %gather3A_411, %gather3A_166 : vector<16xf32>
          %add3A_413 = arith.addf %add3A_408, %mul3A_412 : vector<16xf32>
          %add3A_414 = vector.broadcast %mul3A_379 : i32 to vector<16xi32>
          %add3A_415 = arith.addi %add3A_414, %gather3A_138 : vector<16xi32>
          %gather3A_416 = tpu.vector_load_idx %arg6[%add3A_415] : memref<86016xf32, #tpu.memory_space<vmem>>[vector<16xi32>], vector<16xf32>,
          %mul3A_417 = arith.mulf %gather3A_416, %gather3A_170 : vector<16xf32>
          %add3A_418 = arith.addf %add3A_413, %mul3A_417 : vector<16xf32>
          %swap3A_419 = arith.index_cast %add3A_377 : i32 to index
          %swap3A_420 = arith.index_cast %mul3A_172 : i32 to index
          %swap3A_421 = tpu.vector_load %arg12[%swap3A_419, %swap3A_420] {strides = array<i32>} : memref<32x384xf32, #tpu.memory_space<vmem>>, vector<16xf32>,
          tpu.vector_store %arg12[%swap3A_419, %swap3A_420], %add3A_418 {strides = array<i32>} : memref<32x384xf32, #tpu.memory_space<vmem>>, vector<16xf32>,
          %mul3A_422 = arith.constant 8 : i32
          %mul3A_423 = arith.muli %scan3A_181, %mul3A_422 : i32
          %add3A_424 = arith.constant 5 : i32
          %add3A_425 = arith.addi %mul3A_423, %add3A_424 : i32
          %mul3A_426 = arith.constant 2688 : i32
          %mul3A_427 = arith.muli %add3A_425, %mul3A_426 : i32
          %add3A_428 = vector.broadcast %mul3A_427 : i32 to vector<16xi32>
          %add3A_429 = arith.addi %add3A_428, %gather3A : vector<16xi32>
          %gather3A_430 = tpu.vector_load_idx %arg6[%add3A_429] : memref<86016xf32, #tpu.memory_space<vmem>>[vector<16xi32>], vector<16xf32>,
          %mul3A_431 = arith.mulf %gather3A_430, %gather3A_142 : vector<16xf32>
          %add3A_432 = vector.broadcast %mul3A_427 : i32 to vector<16xi32>
          %add3A_433 = arith.addi %add3A_432, %gather3A_114 : vector<16xi32>
          %gather3A_434 = tpu.vector_load_idx %arg6[%add3A_433] : memref<86016xf32, #tpu.memory_space<vmem>>[vector<16xi32>], vector<16xf32>,
          %mul3A_435 = arith.mulf %gather3A_434, %gather3A_146 : vector<16xf32>
          %add3A_436 = arith.addf %mul3A_431, %mul3A_435 : vector<16xf32>
          %add3A_437 = vector.broadcast %mul3A_427 : i32 to vector<16xi32>
          %add3A_438 = arith.addi %add3A_437, %gather3A_118 : vector<16xi32>
          %gather3A_439 = tpu.vector_load_idx %arg6[%add3A_438] : memref<86016xf32, #tpu.memory_space<vmem>>[vector<16xi32>], vector<16xf32>,
          %mul3A_440 = arith.mulf %gather3A_439, %gather3A_150 : vector<16xf32>
          %add3A_441 = arith.addf %add3A_436, %mul3A_440 : vector<16xf32>
          %add3A_442 = vector.broadcast %mul3A_427 : i32 to vector<16xi32>
          %add3A_443 = arith.addi %add3A_442, %gather3A_122 : vector<16xi32>
          %gather3A_444 = tpu.vector_load_idx %arg6[%add3A_443] : memref<86016xf32, #tpu.memory_space<vmem>>[vector<16xi32>], vector<16xf32>,
          %mul3A_445 = arith.mulf %gather3A_444, %gather3A_154 : vector<16xf32>
          %add3A_446 = arith.addf %add3A_441, %mul3A_445 : vector<16xf32>
          %add3A_447 = vector.broadcast %mul3A_427 : i32 to vector<16xi32>
          %add3A_448 = arith.addi %add3A_447, %gather3A_126 : vector<16xi32>
          %gather3A_449 = tpu.vector_load_idx %arg6[%add3A_448] : memref<86016xf32, #tpu.memory_space<vmem>>[vector<16xi32>], vector<16xf32>,
          %mul3A_450 = arith.mulf %gather3A_449, %gather3A_158 : vector<16xf32>
          %add3A_451 = arith.addf %add3A_446, %mul3A_450 : vector<16xf32>
          %add3A_452 = vector.broadcast %mul3A_427 : i32 to vector<16xi32>
          %add3A_453 = arith.addi %add3A_452, %gather3A_130 : vector<16xi32>
          %gather3A_454 = tpu.vector_load_idx %arg6[%add3A_453] : memref<86016xf32, #tpu.memory_space<vmem>>[vector<16xi32>], vector<16xf32>,
          %mul3A_455 = arith.mulf %gather3A_454, %gather3A_162 : vector<16xf32>
          %add3A_456 = arith.addf %add3A_451, %mul3A_455 : vector<16xf32>
          %add3A_457 = vector.broadcast %mul3A_427 : i32 to vector<16xi32>
          %add3A_458 = arith.addi %add3A_457, %gather3A_134 : vector<16xi32>
          %gather3A_459 = tpu.vector_load_idx %arg6[%add3A_458] : memref<86016xf32, #tpu.memory_space<vmem>>[vector<16xi32>], vector<16xf32>,
          %mul3A_460 = arith.mulf %gather3A_459, %gather3A_166 : vector<16xf32>
          %add3A_461 = arith.addf %add3A_456, %mul3A_460 : vector<16xf32>
          %add3A_462 = vector.broadcast %mul3A_427 : i32 to vector<16xi32>
          %add3A_463 = arith.addi %add3A_462, %gather3A_138 : vector<16xi32>
          %gather3A_464 = tpu.vector_load_idx %arg6[%add3A_463] : memref<86016xf32, #tpu.memory_space<vmem>>[vector<16xi32>], vector<16xf32>,
          %mul3A_465 = arith.mulf %gather3A_464, %gather3A_170 : vector<16xf32>
          %add3A_466 = arith.addf %add3A_461, %mul3A_465 : vector<16xf32>
          %swap3A_467 = arith.index_cast %add3A_425 : i32 to index
          %swap3A_468 = arith.index_cast %mul3A_172 : i32 to index
          %swap3A_469 = tpu.vector_load %arg12[%swap3A_467, %swap3A_468] {strides = array<i32>} : memref<32x384xf32, #tpu.memory_space<vmem>>, vector<16xf32>,
          tpu.vector_store %arg12[%swap3A_467, %swap3A_468], %add3A_466 {strides = array<i32>} : memref<32x384xf32, #tpu.memory_space<vmem>>, vector<16xf32>,
          %mul3A_470 = arith.constant 8 : i32
          %mul3A_471 = arith.muli %scan3A_181, %mul3A_470 : i32
          %add3A_472 = arith.constant 6 : i32
          %add3A_473 = arith.addi %mul3A_471, %add3A_472 : i32
          %mul3A_474 = arith.constant 2688 : i32
          %mul3A_475 = arith.muli %add3A_473, %mul3A_474 : i32
          %add3A_476 = vector.broadcast %mul3A_475 : i32 to vector<16xi32>
          %add3A_477 = arith.addi %add3A_476, %gather3A : vector<16xi32>
          %gather3A_478 = tpu.vector_load_idx %arg6[%add3A_477] : memref<86016xf32, #tpu.memory_space<vmem>>[vector<16xi32>], vector<16xf32>,
          %mul3A_479 = arith.mulf %gather3A_478, %gather3A_142 : vector<16xf32>
          %add3A_480 = vector.broadcast %mul3A_475 : i32 to vector<16xi32>
          %add3A_481 = arith.addi %add3A_480, %gather3A_114 : vector<16xi32>
          %gather3A_482 = tpu.vector_load_idx %arg6[%add3A_481] : memref<86016xf32, #tpu.memory_space<vmem>>[vector<16xi32>], vector<16xf32>,
          %mul3A_483 = arith.mulf %gather3A_482, %gather3A_146 : vector<16xf32>
          %add3A_484 = arith.addf %mul3A_479, %mul3A_483 : vector<16xf32>
          %add3A_485 = vector.broadcast %mul3A_475 : i32 to vector<16xi32>
          %add3A_486 = arith.addi %add3A_485, %gather3A_118 : vector<16xi32>
          %gather3A_487 = tpu.vector_load_idx %arg6[%add3A_486] : memref<86016xf32, #tpu.memory_space<vmem>>[vector<16xi32>], vector<16xf32>,
          %mul3A_488 = arith.mulf %gather3A_487, %gather3A_150 : vector<16xf32>
          %add3A_489 = arith.addf %add3A_484, %mul3A_488 : vector<16xf32>
          %add3A_490 = vector.broadcast %mul3A_475 : i32 to vector<16xi32>
          %add3A_491 = arith.addi %add3A_490, %gather3A_122 : vector<16xi32>
          %gather3A_492 = tpu.vector_load_idx %arg6[%add3A_491] : memref<86016xf32, #tpu.memory_space<vmem>>[vector<16xi32>], vector<16xf32>,
          %mul3A_493 = arith.mulf %gather3A_492, %gather3A_154 : vector<16xf32>
          %add3A_494 = arith.addf %add3A_489, %mul3A_493 : vector<16xf32>
          %add3A_495 = vector.broadcast %mul3A_475 : i32 to vector<16xi32>
          %add3A_496 = arith.addi %add3A_495, %gather3A_126 : vector<16xi32>
          %gather3A_497 = tpu.vector_load_idx %arg6[%add3A_496] : memref<86016xf32, #tpu.memory_space<vmem>>[vector<16xi32>], vector<16xf32>,
          %mul3A_498 = arith.mulf %gather3A_497, %gather3A_158 : vector<16xf32>
          %add3A_499 = arith.addf %add3A_494, %mul3A_498 : vector<16xf32>
          %add3A_500 = vector.broadcast %mul3A_475 : i32 to vector<16xi32>
          %add3A_501 = arith.addi %add3A_500, %gather3A_130 : vector<16xi32>
          %gather3A_502 = tpu.vector_load_idx %arg6[%add3A_501] : memref<86016xf32, #tpu.memory_space<vmem>>[vector<16xi32>], vector<16xf32>,
          %mul3A_503 = arith.mulf %gather3A_502, %gather3A_162 : vector<16xf32>
          %add3A_504 = arith.addf %add3A_499, %mul3A_503 : vector<16xf32>
          %add3A_505 = vector.broadcast %mul3A_475 : i32 to vector<16xi32>
          %add3A_506 = arith.addi %add3A_505, %gather3A_134 : vector<16xi32>
          %gather3A_507 = tpu.vector_load_idx %arg6[%add3A_506] : memref<86016xf32, #tpu.memory_space<vmem>>[vector<16xi32>], vector<16xf32>,
          %mul3A_508 = arith.mulf %gather3A_507, %gather3A_166 : vector<16xf32>
          %add3A_509 = arith.addf %add3A_504, %mul3A_508 : vector<16xf32>
          %add3A_510 = vector.broadcast %mul3A_475 : i32 to vector<16xi32>
          %add3A_511 = arith.addi %add3A_510, %gather3A_138 : vector<16xi32>
          %gather3A_512 = tpu.vector_load_idx %arg6[%add3A_511] : memref<86016xf32, #tpu.memory_space<vmem>>[vector<16xi32>], vector<16xf32>,
          %mul3A_513 = arith.mulf %gather3A_512, %gather3A_170 : vector<16xf32>
          %add3A_514 = arith.addf %add3A_509, %mul3A_513 : vector<16xf32>
          %swap3A_515 = arith.index_cast %add3A_473 : i32 to index
          %swap3A_516 = arith.index_cast %mul3A_172 : i32 to index
          %swap3A_517 = tpu.vector_load %arg12[%swap3A_515, %swap3A_516] {strides = array<i32>} : memref<32x384xf32, #tpu.memory_space<vmem>>, vector<16xf32>,
          tpu.vector_store %arg12[%swap3A_515, %swap3A_516], %add3A_514 {strides = array<i32>} : memref<32x384xf32, #tpu.memory_space<vmem>>, vector<16xf32>,
          %mul3A_518 = arith.constant 8 : i32
          %mul3A_519 = arith.muli %scan3A_181, %mul3A_518 : i32
          %add3A_520 = arith.constant 7 : i32
          %add3A_521 = arith.addi %mul3A_519, %add3A_520 : i32
          %mul3A_522 = arith.constant 2688 : i32
          %mul3A_523 = arith.muli %add3A_521, %mul3A_522 : i32
          %add3A_524 = vector.broadcast %mul3A_523 : i32 to vector<16xi32>
          %add3A_525 = arith.addi %add3A_524, %gather3A : vector<16xi32>
          %gather3A_526 = tpu.vector_load_idx %arg6[%add3A_525] : memref<86016xf32, #tpu.memory_space<vmem>>[vector<16xi32>], vector<16xf32>,
          %mul3A_527 = arith.mulf %gather3A_526, %gather3A_142 : vector<16xf32>
          %add3A_528 = vector.broadcast %mul3A_523 : i32 to vector<16xi32>
          %add3A_529 = arith.addi %add3A_528, %gather3A_114 : vector<16xi32>
          %gather3A_530 = tpu.vector_load_idx %arg6[%add3A_529] : memref<86016xf32, #tpu.memory_space<vmem>>[vector<16xi32>], vector<16xf32>,
          %mul3A_531 = arith.mulf %gather3A_530, %gather3A_146 : vector<16xf32>
          %add3A_532 = arith.addf %mul3A_527, %mul3A_531 : vector<16xf32>
          %add3A_533 = vector.broadcast %mul3A_523 : i32 to vector<16xi32>
          %add3A_534 = arith.addi %add3A_533, %gather3A_118 : vector<16xi32>
          %gather3A_535 = tpu.vector_load_idx %arg6[%add3A_534] : memref<86016xf32, #tpu.memory_space<vmem>>[vector<16xi32>], vector<16xf32>,
          %mul3A_536 = arith.mulf %gather3A_535, %gather3A_150 : vector<16xf32>
          %add3A_537 = arith.addf %add3A_532, %mul3A_536 : vector<16xf32>
          %add3A_538 = vector.broadcast %mul3A_523 : i32 to vector<16xi32>
          %add3A_539 = arith.addi %add3A_538, %gather3A_122 : vector<16xi32>
          %gather3A_540 = tpu.vector_load_idx %arg6[%add3A_539] : memref<86016xf32, #tpu.memory_space<vmem>>[vector<16xi32>], vector<16xf32>,
          %mul3A_541 = arith.mulf %gather3A_540, %gather3A_154 : vector<16xf32>
          %add3A_542 = arith.addf %add3A_537, %mul3A_541 : vector<16xf32>
          %add3A_543 = vector.broadcast %mul3A_523 : i32 to vector<16xi32>
          %add3A_544 = arith.addi %add3A_543, %gather3A_126 : vector<16xi32>
          %gather3A_545 = tpu.vector_load_idx %arg6[%add3A_544] : memref<86016xf32, #tpu.memory_space<vmem>>[vector<16xi32>], vector<16xf32>,
          %mul3A_546 = arith.mulf %gather3A_545, %gather3A_158 : vector<16xf32>
          %add3A_547 = arith.addf %add3A_542, %mul3A_546 : vector<16xf32>
          %add3A_548 = vector.broadcast %mul3A_523 : i32 to vector<16xi32>
          %add3A_549 = arith.addi %add3A_548, %gather3A_130 : vector<16xi32>
          %gather3A_550 = tpu.vector_load_idx %arg6[%add3A_549] : memref<86016xf32, #tpu.memory_space<vmem>>[vector<16xi32>], vector<16xf32>,
          %mul3A_551 = arith.mulf %gather3A_550, %gather3A_162 : vector<16xf32>
          %add3A_552 = arith.addf %add3A_547, %mul3A_551 : vector<16xf32>
          %add3A_553 = vector.broadcast %mul3A_523 : i32 to vector<16xi32>
          %add3A_554 = arith.addi %add3A_553, %gather3A_134 : vector<16xi32>
          %gather3A_555 = tpu.vector_load_idx %arg6[%add3A_554] : memref<86016xf32, #tpu.memory_space<vmem>>[vector<16xi32>], vector<16xf32>,
          %mul3A_556 = arith.mulf %gather3A_555, %gather3A_166 : vector<16xf32>
          %add3A_557 = arith.addf %add3A_552, %mul3A_556 : vector<16xf32>
          %add3A_558 = vector.broadcast %mul3A_523 : i32 to vector<16xi32>
          %add3A_559 = arith.addi %add3A_558, %gather3A_138 : vector<16xi32>
          %gather3A_560 = tpu.vector_load_idx %arg6[%add3A_559] : memref<86016xf32, #tpu.memory_space<vmem>>[vector<16xi32>], vector<16xf32>,
          %mul3A_561 = arith.mulf %gather3A_560, %gather3A_170 : vector<16xf32>
          %add3A_562 = arith.addf %add3A_557, %mul3A_561 : vector<16xf32>
          %swap3A_563 = arith.index_cast %add3A_521 : i32 to index
          %swap3A_564 = arith.index_cast %mul3A_172 : i32 to index
          %swap3A_565 = tpu.vector_load %arg12[%swap3A_563, %swap3A_564] {strides = array<i32>} : memref<32x384xf32, #tpu.memory_space<vmem>>, vector<16xf32>,
          tpu.vector_store %arg12[%swap3A_563, %swap3A_564], %add3A_562 {strides = array<i32>} : memref<32x384xf32, #tpu.memory_space<vmem>>, vector<16xf32>,
          %scan3A_566 = arith.constant 0 : i32
          scf.yield %scan3A_566 : i32
        }
        %scan3A_179 = arith.constant 4 : i32
        %scan3A_180 = arith.constant 0 : i32
        scf.yield %scan3A_180 : i32
      }
      %scan3A_93 = arith.constant 24 : i32
      %mul3A_94 = arith.constant 384 : i32
      %mul3A_95 = arith.muli %add3A_86, %mul3A_94 : i32
      %dma_start3A_96 = tpu.memref_slice %arg5[%mul3A_2, %mul3A_95] : memref<1024x5376xf32, #tpu.memory_space<hbm>> -> memref<32x384xf32, #tpu.memory_space<hbm>>
      %dma_start3A_97 = tpu.memref_slice %arg5[%mul3A_2, %mul3A_95] : memref<1024x5376xf32, #tpu.memory_space<hbm>> -> memref<32x384xf32, #tpu.memory_space<hbm>>
      tpu.enqueue_dma source(%arg12 : memref<32x384xf32, #tpu.memory_space<vmem>>) target(%dma_start3A_97 : memref<32x384xf32, #tpu.memory_space<hbm>>) target_semaphore(%arg16 : memref<!tpu.dma_semaphore, #tpu.memory_space<semaphore_mem>>)
      %scan3A_98 = arith.constant 0 : i32
      scf.yield %scan3A_98 : i32
    }
    %scan3A_17 = arith.constant 7 : i32
    %dma_wait3A = arith.constant 0 : i32
    %dma_wait3A_18 = arith.constant 0 : i32
    %dma_wait3A_19 = tpu.memref_slice %arg5[%dma_wait3A, %dma_wait3A_18] : memref<1024x5376xf32, #tpu.memory_space<hbm>> -> memref<32x384xf32, #tpu.memory_space<hbm>>
    %dma_wait3A_20 = arith.constant 0 : i32
    %dma_wait3A_21 = arith.constant 0 : i32
    %dma_wait3A_22 = tpu.memref_slice %arg5[%dma_wait3A_20, %dma_wait3A_21] : memref<1024x5376xf32, #tpu.memory_space<hbm>> -> memref<32x384xf32, #tpu.memory_space<hbm>>
    tpu.wait_dma2 semaphore(%arg15 : memref<!tpu.dma_semaphore, #tpu.memory_space<semaphore_mem>>) src(%arg11 : memref<32x384xf32, #tpu.memory_space<vmem>>) dst(%dma_wait3A_22 : memref<32x384xf32, #tpu.memory_space<hbm>>)
    %dma_wait3A_23 = arith.constant 0 : i32
    %dma_wait3A_24 = arith.constant 0 : i32
    %dma_wait3A_25 = tpu.memref_slice %arg5[%dma_wait3A_23, %dma_wait3A_24] : memref<1024x5376xf32, #tpu.memory_space<hbm>> -> memref<32x384xf32, #tpu.memory_space<hbm>>
    %dma_wait3A_26 = arith.constant 0 : i32
    %dma_wait3A_27 = arith.constant 0 : i32
    %dma_wait3A_28 = tpu.memref_slice %arg5[%dma_wait3A_26, %dma_wait3A_27] : memref<1024x5376xf32, #tpu.memory_space<hbm>> -> memref<32x384xf32, #tpu.memory_space<hbm>>
    tpu.wait_dma2 semaphore(%arg16 : memref<!tpu.dma_semaphore, #tpu.memory_space<semaphore_mem>>) src(%arg12 : memref<32x384xf32, #tpu.memory_space<vmem>>) dst(%dma_wait3A_28 : memref<32x384xf32, #tpu.memory_space<hbm>>)
    return
  }
}

#map = affine_map<(d0, d1) -> (0)>
#map1 = affine_map<(d0, d1) -> (0, 0)>
module attributes {stable_mosaic.version = 14 : i64} {
  func.func @_sc_gather_body(%arg0: i32, %arg1: i32, %arg2: memref<2752512xf32, #tpu.memory_space<hbm>>, %arg3: memref<43008xi32, #tpu.memory_space<hbm>>, %arg4: memref<43008xf32, #tpu.memory_space<hbm>>, %arg5: memref<1024x5376xf32, #tpu.memory_space<hbm>>, %arg6: memref<86016xf32, #tpu.memory_space<vmem>>, %arg7: memref<3072xi32, #tpu.memory_space<vmem>>, %arg8: memref<3072xi32, #tpu.memory_space<vmem>>, %arg9: memref<3072xf32, #tpu.memory_space<vmem>>, %arg10: memref<3072xf32, #tpu.memory_space<vmem>>, %arg11: memref<32x384xf32, #tpu.memory_space<vmem>>, %arg12: memref<32x384xf32, #tpu.memory_space<vmem>>, %arg13: memref<!tpu.dma_semaphore, #tpu.memory_space<semaphore_mem>>, %arg14: memref<!tpu.dma_semaphore, #tpu.memory_space<semaphore_mem>>, %arg15: memref<!tpu.dma_semaphore, #tpu.memory_space<semaphore_mem>>, %arg16: memref<!tpu.dma_semaphore, #tpu.memory_space<semaphore_mem>>) attributes {dimension_semantics = [#tpu.dimension_semantics<core_parallel>, #tpu.dimension_semantics<subcore_parallel>], iteration_bounds = array<i64: 2, 16>, scalar_prefetch = 0 : i64, scratch_operands = 11 : i64, tpu.core_type = #tpu.core_type<sc_vector_subcore>, window_params = [{transform_indices = #map}, {transform_indices = #map}, {transform_indices = #map}, {transform_indices = #map1}]} {
    %mul3A = arith.constant 2 : i32
    %mul3A_0 = arith.muli %arg1, %mul3A : i32
    %add3A = arith.addi %mul3A_0, %arg0 : i32
    %mul3A_1 = arith.constant 32 : i32
    %mul3A_2 = arith.muli %add3A, %mul3A_1 : i32
    %mul3A_3 = arith.constant 2688 : i32
    %mul3A_4 = arith.muli %mul3A_2, %mul3A_3 : i32
    "tpu.region"() ({
      %run_scoped3A = tpu.sem_alloc : memref<!tpu.dma_semaphore, #tpu.memory_space<semaphore_mem>>
      %dma_start3A_29 = tpu.memref_slice %arg2[%mul3A_4] : memref<2752512xf32, #tpu.memory_space<hbm>> -> memref<86016xf32, #tpu.memory_space<hbm>>
      %dma_start3A_30 = tpu.memref_slice %arg2[%mul3A_4] : memref<2752512xf32, #tpu.memory_space<hbm>> -> memref<86016xf32, #tpu.memory_space<hbm>>
      tpu.enqueue_dma source(%dma_start3A_30 : memref<86016xf32, #tpu.memory_space<hbm>>) target(%arg6 : memref<86016xf32, #tpu.memory_space<vmem>>) target_semaphore(%run_scoped3A : memref<!tpu.dma_semaphore, #tpu.memory_space<semaphore_mem>>)
      %dma_wait3A_31 = tpu.memref_slice %arg2[%mul3A_4] : memref<2752512xf32, #tpu.memory_space<hbm>> -> memref<86016xf32, #tpu.memory_space<hbm>>
      %dma_wait3A_32 = tpu.memref_slice %arg2[%mul3A_4] : memref<2752512xf32, #tpu.memory_space<hbm>> -> memref<86016xf32, #tpu.memory_space<hbm>>
      tpu.wait_dma2 semaphore(%run_scoped3A : memref<!tpu.dma_semaphore, #tpu.memory_space<semaphore_mem>>) src(%dma_wait3A_32 : memref<86016xf32, #tpu.memory_space<hbm>>) dst(%arg6 : memref<86016xf32, #tpu.memory_space<vmem>>)
      tpu.yield
    }) : () -> ()
    %iota3A = tpu.iota {dimensions = array<i32: 0>} : vector<16xi32>
    %dma_start3A = arith.constant 0 : i32
    %dma_start3A_5 = tpu.memref_slice %arg3[%dma_start3A] : memref<43008xi32, #tpu.memory_space<hbm>> -> memref<3072xi32, #tpu.memory_space<hbm>>
    %dma_start3A_6 = arith.constant 0 : i32
    %dma_start3A_7 = tpu.memref_slice %arg3[%dma_start3A_6] : memref<43008xi32, #tpu.memory_space<hbm>> -> memref<3072xi32, #tpu.memory_space<hbm>>
    tpu.enqueue_dma source(%dma_start3A_7 : memref<3072xi32, #tpu.memory_space<hbm>>) target(%arg7 : memref<3072xi32, #tpu.memory_space<vmem>>) target_semaphore(%arg13 : memref<!tpu.dma_semaphore, #tpu.memory_space<semaphore_mem>>)
    %dma_start3A_8 = arith.constant 0 : i32
    %dma_start3A_9 = tpu.memref_slice %arg4[%dma_start3A_8] : memref<43008xf32, #tpu.memory_space<hbm>> -> memref<3072xf32, #tpu.memory_space<hbm>>
    %dma_start3A_10 = arith.constant 0 : i32
    %dma_start3A_11 = tpu.memref_slice %arg4[%dma_start3A_10] : memref<43008xf32, #tpu.memory_space<hbm>> -> memref<3072xf32, #tpu.memory_space<hbm>>
    tpu.enqueue_dma source(%dma_start3A_11 : memref<3072xf32, #tpu.memory_space<hbm>>) target(%arg9 : memref<3072xf32, #tpu.memory_space<vmem>>) target_semaphore(%arg13 : memref<!tpu.dma_semaphore, #tpu.memory_space<semaphore_mem>>)
    %scan3A = arith.constant 0 : i32
    %scan3A_12 = arith.constant 0 : i32
    %scan3A_13 = arith.constant 7 : i32
    %scan3A_14 = arith.addi %scan3A_12, %scan3A_13 : i32
    %scan3A_15 = arith.constant 1 : i32
    %scan3A_16 = scf.for %scan3A_29 = %scan3A_12 to %scan3A_14 step %scan3A_15 iter_args(%scan3A_30 = %scan3A) -> (i32)  : i32 {
      %mul3A_31 = arith.constant 2 : i32
      %mul3A_32 = arith.muli %mul3A_31, %scan3A_29 : i32
      %dma_wait3A_33 = arith.constant 0 : i32
      %dma_wait3A_34 = tpu.memref_slice %arg3[%dma_wait3A_33] : memref<43008xi32, #tpu.memory_space<hbm>> -> memref<3072xi32, #tpu.memory_space<hbm>>
      %dma_wait3A_35 = arith.constant 0 : i32
      %dma_wait3A_36 = tpu.memref_slice %arg3[%dma_wait3A_35] : memref<43008xi32, #tpu.memory_space<hbm>> -> memref<3072xi32, #tpu.memory_space<hbm>>
      tpu.wait_dma2 semaphore(%arg13 : memref<!tpu.dma_semaphore, #tpu.memory_space<semaphore_mem>>) src(%dma_wait3A_36 : memref<3072xi32, #tpu.memory_space<hbm>>) dst(%arg7 : memref<3072xi32, #tpu.memory_space<vmem>>)
      %dma_wait3A_37 = arith.constant 0 : i32
      %dma_wait3A_38 = tpu.memref_slice %arg4[%dma_wait3A_37] : memref<43008xf32, #tpu.memory_space<hbm>> -> memref<3072xf32, #tpu.memory_space<hbm>>
      %dma_wait3A_39 = arith.constant 0 : i32
      %dma_wait3A_40 = tpu.memref_slice %arg4[%dma_wait3A_39] : memref<43008xf32, #tpu.memory_space<hbm>> -> memref<3072xf32, #tpu.memory_space<hbm>>
      tpu.wait_dma2 semaphore(%arg13 : memref<!tpu.dma_semaphore, #tpu.memory_space<semaphore_mem>>) src(%dma_wait3A_40 : memref<3072xf32, #tpu.memory_space<hbm>>) dst(%arg9 : memref<3072xf32, #tpu.memory_space<vmem>>)
      %add3A_41 = arith.constant 1 : i32
      %add3A_42 = arith.addi %mul3A_32, %add3A_41 : i32
      %mul3A_43 = arith.constant 384 : i32
      %mul3A_44 = arith.muli %add3A_42, %mul3A_43 : i32
      %mul3A_45 = arith.constant 8 : i32
      %mul3A_46 = arith.muli %mul3A_44, %mul3A_45 : i32
      %dma_start3A_47 = tpu.memref_slice %arg3[%mul3A_46] : memref<43008xi32, #tpu.memory_space<hbm>> -> memref<3072xi32, #tpu.memory_space<hbm>>
      %dma_start3A_48 = tpu.memref_slice %arg3[%mul3A_46] : memref<43008xi32, #tpu.memory_space<hbm>> -> memref<3072xi32, #tpu.memory_space<hbm>>
      tpu.enqueue_dma source(%dma_start3A_48 : memref<3072xi32, #tpu.memory_space<hbm>>) target(%arg8 : memref<3072xi32, #tpu.memory_space<vmem>>) target_semaphore(%arg14 : memref<!tpu.dma_semaphore, #tpu.memory_space<semaphore_mem>>)
      %mul3A_49 = arith.constant 8 : i32
      %mul3A_50 = arith.muli %mul3A_44, %mul3A_49 : i32
      %dma_start3A_51 = tpu.memref_slice %arg4[%mul3A_50] : memref<43008xf32, #tpu.memory_space<hbm>> -> memref<3072xf32, #tpu.memory_space<hbm>>
      %dma_start3A_52 = tpu.memref_slice %arg4[%mul3A_50] : memref<43008xf32, #tpu.memory_space<hbm>> -> memref<3072xf32, #tpu.memory_space<hbm>>
      tpu.enqueue_dma source(%dma_start3A_52 : memref<3072xf32, #tpu.memory_space<hbm>>) target(%arg10 : memref<3072xf32, #tpu.memory_space<vmem>>) target_semaphore(%arg14 : memref<!tpu.dma_semaphore, #tpu.memory_space<semaphore_mem>>)
      %ge3A = arith.constant 1 : i32
      %ge3A_53 = arith.cmpi sge, %scan3A_29, %ge3A : i32
      %convert_element_type3A = arith.extui %ge3A_53 : i1 to i32
      %cond3A = arith.constant 0 : i32
      %cond3A_54 = arith.cmpi ne, %convert_element_type3A, %cond3A : i32
      scf.if %cond3A_54 {
        %dma_wait3A_99 = arith.constant 0 : i32
        %dma_wait3A_100 = arith.constant 0 : i32
        %dma_wait3A_101 = tpu.memref_slice %arg5[%dma_wait3A_99, %dma_wait3A_100] : memref<1024x5376xf32, #tpu.memory_space<hbm>> -> memref<32x384xf32, #tpu.memory_space<hbm>>
        %dma_wait3A_102 = arith.constant 0 : i32
        %dma_wait3A_103 = arith.constant 0 : i32
        %dma_wait3A_104 = tpu.memref_slice %arg5[%dma_wait3A_102, %dma_wait3A_103] : memref<1024x5376xf32, #tpu.memory_space<hbm>> -> memref<32x384xf32, #tpu.memory_space<hbm>>
        tpu.wait_dma2 semaphore(%arg15 : memref<!tpu.dma_semaphore, #tpu.memory_space<semaphore_mem>>) src(%arg11 : memref<32x384xf32, #tpu.memory_space<vmem>>) dst(%dma_wait3A_104 : memref<32x384xf32, #tpu.memory_space<hbm>>)
      } else {
      }
      %scan3A_55 = arith.constant 0 : i32
      %scan3A_56 = arith.constant 0 : i32
      %scan3A_57 = arith.constant 24 : i32
      %scan3A_58 = arith.addi %scan3A_56, %scan3A_57 : i32
      %scan3A_59 = arith.constant 1 : i32
      %scan3A_60 = scf.for %scan3A_99 = %scan3A_56 to %scan3A_58 step %scan3A_59 iter_args(%scan3A_100 = %scan3A_55) -> (i32)  : i32 {
        %mul3A_101 = arith.constant 16 : i32
        %mul3A_102 = arith.muli %scan3A_99, %mul3A_101 : i32
        %add3A_103 = vector.broadcast %mul3A_102 : i32 to vector<16xi32>
        %add3A_104 = arith.addi %add3A_103, %iota3A : vector<16xi32>
        %mul3A_105 = arith.constant 8 : i32
        %mul3A_106 = vector.broadcast %mul3A_105 : i32 to vector<16xi32>
        %mul3A_107 = arith.muli %add3A_104, %mul3A_106 : vector<16xi32>
        %add3A_108 = arith.constant 0 : i32
        %add3A_109 = vector.broadcast %add3A_108 : i32 to vector<16xi32>
        %add3A_110 = arith.addi %mul3A_107, %add3A_109 : vector<16xi32>
        %gather3A = tpu.vector_load_idx %arg7[%add3A_110] : memref<3072xi32, #tpu.memory_space<vmem>>[vector<16xi32>], vector<16xi32>,
        %add3A_111 = arith.constant 1 : i32
        %add3A_112 = vector.broadcast %add3A_111 : i32 to vector<16xi32>
        %add3A_113 = arith.addi %mul3A_107, %add3A_112 : vector<16xi32>
        %gather3A_114 = tpu.vector_load_idx %arg7[%add3A_113] : memref<3072xi32, #tpu.memory_space<vmem>>[vector<16xi32>], vector<16xi32>,
        %add3A_115 = arith.constant 2 : i32
        %add3A_116 = vector.broadcast %add3A_115 : i32 to vector<16xi32>
        %add3A_117 = arith.addi %mul3A_107, %add3A_116 : vector<16xi32>
        %gather3A_118 = tpu.vector_load_idx %arg7[%add3A_117] : memref<3072xi32, #tpu.memory_space<vmem>>[vector<16xi32>], vector<16xi32>,
        %add3A_119 = arith.constant 3 : i32
        %add3A_120 = vector.broadcast %add3A_119 : i32 to vector<16xi32>
        %add3A_121 = arith.addi %mul3A_107, %add3A_120 : vector<16xi32>
        %gather3A_122 = tpu.vector_load_idx %arg7[%add3A_121] : memref<3072xi32, #tpu.memory_space<vmem>>[vector<16xi32>], vector<16xi32>,
        %add3A_123 = arith.constant 4 : i32
        %add3A_124 = vector.broadcast %add3A_123 : i32 to vector<16xi32>
        %add3A_125 = arith.addi %mul3A_107, %add3A_124 : vector<16xi32>
        %gather3A_126 = tpu.vector_load_idx %arg7[%add3A_125] : memref<3072xi32, #tpu.memory_space<vmem>>[vector<16xi32>], vector<16xi32>,
        %add3A_127 = arith.constant 5 : i32
        %add3A_128 = vector.broadcast %add3A_127 : i32 to vector<16xi32>
        %add3A_129 = arith.addi %mul3A_107, %add3A_128 : vector<16xi32>
        %gather3A_130 = tpu.vector_load_idx %arg7[%add3A_129] : memref<3072xi32, #tpu.memory_space<vmem>>[vector<16xi32>], vector<16xi32>,
        %add3A_131 = arith.constant 6 : i32
        %add3A_132 = vector.broadcast %add3A_131 : i32 to vector<16xi32>
        %add3A_133 = arith.addi %mul3A_107, %add3A_132 : vector<16xi32>
        %gather3A_134 = tpu.vector_load_idx %arg7[%add3A_133] : memref<3072xi32, #tpu.memory_space<vmem>>[vector<16xi32>], vector<16xi32>,
        %add3A_135 = arith.constant 7 : i32
        %add3A_136 = vector.broadcast %add3A_135 : i32 to vector<16xi32>
        %add3A_137 = arith.addi %mul3A_107, %add3A_136 : vector<16xi32>
        %gather3A_138 = tpu.vector_load_idx %arg7[%add3A_137] : memref<3072xi32, #tpu.memory_space<vmem>>[vector<16xi32>], vector<16xi32>,
        %add3A_139 = arith.constant 0 : i32
        %add3A_140 = vector.broadcast %add3A_139 : i32 to vector<16xi32>
        %add3A_141 = arith.addi %mul3A_107, %add3A_140 : vector<16xi32>
        %gather3A_142 = tpu.vector_load_idx %arg9[%add3A_141] : memref<3072xf32, #tpu.memory_space<vmem>>[vector<16xi32>], vector<16xf32>,
        %add3A_143 = arith.constant 1 : i32
        %add3A_144 = vector.broadcast %add3A_143 : i32 to vector<16xi32>
        %add3A_145 = arith.addi %mul3A_107, %add3A_144 : vector<16xi32>
        %gather3A_146 = tpu.vector_load_idx %arg9[%add3A_145] : memref<3072xf32, #tpu.memory_space<vmem>>[vector<16xi32>], vector<16xf32>,
        %add3A_147 = arith.constant 2 : i32
        %add3A_148 = vector.broadcast %add3A_147 : i32 to vector<16xi32>
        %add3A_149 = arith.addi %mul3A_107, %add3A_148 : vector<16xi32>
        %gather3A_150 = tpu.vector_load_idx %arg9[%add3A_149] : memref<3072xf32, #tpu.memory_space<vmem>>[vector<16xi32>], vector<16xf32>,
        %add3A_151 = arith.constant 3 : i32
        %add3A_152 = vector.broadcast %add3A_151 : i32 to vector<16xi32>
        %add3A_153 = arith.addi %mul3A_107, %add3A_152 : vector<16xi32>
        %gather3A_154 = tpu.vector_load_idx %arg9[%add3A_153] : memref<3072xf32, #tpu.memory_space<vmem>>[vector<16xi32>], vector<16xf32>,
        %add3A_155 = arith.constant 4 : i32
        %add3A_156 = vector.broadcast %add3A_155 : i32 to vector<16xi32>
        %add3A_157 = arith.addi %mul3A_107, %add3A_156 : vector<16xi32>
        %gather3A_158 = tpu.vector_load_idx %arg9[%add3A_157] : memref<3072xf32, #tpu.memory_space<vmem>>[vector<16xi32>], vector<16xf32>,
        %add3A_159 = arith.constant 5 : i32
        %add3A_160 = vector.broadcast %add3A_159 : i32 to vector<16xi32>
        %add3A_161 = arith.addi %mul3A_107, %add3A_160 : vector<16xi32>
        %gather3A_162 = tpu.vector_load_idx %arg9[%add3A_161] : memref<3072xf32, #tpu.memory_space<vmem>>[vector<16xi32>], vector<16xf32>,
        %add3A_163 = arith.constant 6 : i32
        %add3A_164 = vector.broadcast %add3A_163 : i32 to vector<16xi32>
        %add3A_165 = arith.addi %mul3A_107, %add3A_164 : vector<16xi32>
        %gather3A_166 = tpu.vector_load_idx %arg9[%add3A_165] : memref<3072xf32, #tpu.memory_space<vmem>>[vector<16xi32>], vector<16xf32>,
        %add3A_167 = arith.constant 7 : i32
        %add3A_168 = vector.broadcast %add3A_167 : i32 to vector<16xi32>
        %add3A_169 = arith.addi %mul3A_107, %add3A_168 : vector<16xi32>
        %gather3A_170 = tpu.vector_load_idx %arg9[%add3A_169] : memref<3072xf32, #tpu.memory_space<vmem>>[vector<16xi32>], vector<16xf32>,
        %mul3A_171 = arith.constant 16 : i32
        %mul3A_172 = arith.muli %scan3A_99, %mul3A_171 : i32
        %scan3A_173 = arith.constant 0 : i32
        %scan3A_174 = arith.constant 0 : i32
        %scan3A_175 = arith.constant 4 : i32
        %scan3A_176 = arith.addi %scan3A_174, %scan3A_175 : i32
        %scan3A_177 = arith.constant 1 : i32
        %scan3A_178 = scf.for %scan3A_181 = %scan3A_174 to %scan3A_176 step %scan3A_177 iter_args(%scan3A_182 = %scan3A_173) -> (i32)  : i32 {
          %mul3A_183 = arith.constant 8 : i32
          %mul3A_184 = arith.muli %scan3A_181, %mul3A_183 : i32
          %add3A_185 = arith.constant 0 : i32
          %add3A_186 = arith.addi %mul3A_184, %add3A_185 : i32
          %mul3A_187 = arith.constant 2688 : i32
          %mul3A_188 = arith.muli %add3A_186, %mul3A_187 : i32
          %add3A_189 = vector.broadcast %mul3A_188 : i32 to vector<16xi32>
          %add3A_190 = arith.addi %add3A_189, %gather3A : vector<16xi32>
          %gather3A_191 = tpu.vector_load_idx %arg6[%add3A_190] : memref<86016xf32, #tpu.memory_space<vmem>>[vector<16xi32>], vector<16xf32>,
          %mul3A_192 = arith.mulf %gather3A_191, %gather3A_142 : vector<16xf32>
          %add3A_193 = vector.broadcast %mul3A_188 : i32 to vector<16xi32>
          %add3A_194 = arith.addi %add3A_193, %gather3A_114 : vector<16xi32>
          %gather3A_195 = tpu.vector_load_idx %arg6[%add3A_194] : memref<86016xf32, #tpu.memory_space<vmem>>[vector<16xi32>], vector<16xf32>,
          %mul3A_196 = arith.mulf %gather3A_195, %gather3A_146 : vector<16xf32>
          %add3A_197 = arith.addf %mul3A_192, %mul3A_196 : vector<16xf32>
          %add3A_198 = vector.broadcast %mul3A_188 : i32 to vector<16xi32>
          %add3A_199 = arith.addi %add3A_198, %gather3A_118 : vector<16xi32>
          %gather3A_200 = tpu.vector_load_idx %arg6[%add3A_199] : memref<86016xf32, #tpu.memory_space<vmem>>[vector<16xi32>], vector<16xf32>,
          %mul3A_201 = arith.mulf %gather3A_200, %gather3A_150 : vector<16xf32>
          %add3A_202 = arith.addf %add3A_197, %mul3A_201 : vector<16xf32>
          %add3A_203 = vector.broadcast %mul3A_188 : i32 to vector<16xi32>
          %add3A_204 = arith.addi %add3A_203, %gather3A_122 : vector<16xi32>
          %gather3A_205 = tpu.vector_load_idx %arg6[%add3A_204] : memref<86016xf32, #tpu.memory_space<vmem>>[vector<16xi32>], vector<16xf32>,
          %mul3A_206 = arith.mulf %gather3A_205, %gather3A_154 : vector<16xf32>
          %add3A_207 = arith.addf %add3A_202, %mul3A_206 : vector<16xf32>
          %add3A_208 = vector.broadcast %mul3A_188 : i32 to vector<16xi32>
          %add3A_209 = arith.addi %add3A_208, %gather3A_126 : vector<16xi32>
          %gather3A_210 = tpu.vector_load_idx %arg6[%add3A_209] : memref<86016xf32, #tpu.memory_space<vmem>>[vector<16xi32>], vector<16xf32>,
          %mul3A_211 = arith.mulf %gather3A_210, %gather3A_158 : vector<16xf32>
          %add3A_212 = arith.addf %add3A_207, %mul3A_211 : vector<16xf32>
          %add3A_213 = vector.broadcast %mul3A_188 : i32 to vector<16xi32>
          %add3A_214 = arith.addi %add3A_213, %gather3A_130 : vector<16xi32>
          %gather3A_215 = tpu.vector_load_idx %arg6[%add3A_214] : memref<86016xf32, #tpu.memory_space<vmem>>[vector<16xi32>], vector<16xf32>,
          %mul3A_216 = arith.mulf %gather3A_215, %gather3A_162 : vector<16xf32>
          %add3A_217 = arith.addf %add3A_212, %mul3A_216 : vector<16xf32>
          %add3A_218 = vector.broadcast %mul3A_188 : i32 to vector<16xi32>
          %add3A_219 = arith.addi %add3A_218, %gather3A_134 : vector<16xi32>
          %gather3A_220 = tpu.vector_load_idx %arg6[%add3A_219] : memref<86016xf32, #tpu.memory_space<vmem>>[vector<16xi32>], vector<16xf32>,
          %mul3A_221 = arith.mulf %gather3A_220, %gather3A_166 : vector<16xf32>
          %add3A_222 = arith.addf %add3A_217, %mul3A_221 : vector<16xf32>
          %add3A_223 = vector.broadcast %mul3A_188 : i32 to vector<16xi32>
          %add3A_224 = arith.addi %add3A_223, %gather3A_138 : vector<16xi32>
          %gather3A_225 = tpu.vector_load_idx %arg6[%add3A_224] : memref<86016xf32, #tpu.memory_space<vmem>>[vector<16xi32>], vector<16xf32>,
          %mul3A_226 = arith.mulf %gather3A_225, %gather3A_170 : vector<16xf32>
          %add3A_227 = arith.addf %add3A_222, %mul3A_226 : vector<16xf32>
          %swap3A = arith.index_cast %add3A_186 : i32 to index
          %swap3A_228 = arith.index_cast %mul3A_172 : i32 to index
          %swap3A_229 = tpu.vector_load %arg11[%swap3A, %swap3A_228] {strides = array<i32>} : memref<32x384xf32, #tpu.memory_space<vmem>>, vector<16xf32>,
          tpu.vector_store %arg11[%swap3A, %swap3A_228], %add3A_227 {strides = array<i32>} : memref<32x384xf32, #tpu.memory_space<vmem>>, vector<16xf32>,
          %mul3A_230 = arith.constant 8 : i32
          %mul3A_231 = arith.muli %scan3A_181, %mul3A_230 : i32
          %add3A_232 = arith.constant 1 : i32
          %add3A_233 = arith.addi %mul3A_231, %add3A_232 : i32
          %mul3A_234 = arith.constant 2688 : i32
          %mul3A_235 = arith.muli %add3A_233, %mul3A_234 : i32
          %add3A_236 = vector.broadcast %mul3A_235 : i32 to vector<16xi32>
          %add3A_237 = arith.addi %add3A_236, %gather3A : vector<16xi32>
          %gather3A_238 = tpu.vector_load_idx %arg6[%add3A_237] : memref<86016xf32, #tpu.memory_space<vmem>>[vector<16xi32>], vector<16xf32>,
          %mul3A_239 = arith.mulf %gather3A_238, %gather3A_142 : vector<16xf32>
          %add3A_240 = vector.broadcast %mul3A_235 : i32 to vector<16xi32>
          %add3A_241 = arith.addi %add3A_240, %gather3A_114 : vector<16xi32>
          %gather3A_242 = tpu.vector_load_idx %arg6[%add3A_241] : memref<86016xf32, #tpu.memory_space<vmem>>[vector<16xi32>], vector<16xf32>,
          %mul3A_243 = arith.mulf %gather3A_242, %gather3A_146 : vector<16xf32>
          %add3A_244 = arith.addf %mul3A_239, %mul3A_243 : vector<16xf32>
          %add3A_245 = vector.broadcast %mul3A_235 : i32 to vector<16xi32>
          %add3A_246 = arith.addi %add3A_245, %gather3A_118 : vector<16xi32>
          %gather3A_247 = tpu.vector_load_idx %arg6[%add3A_246] : memref<86016xf32, #tpu.memory_space<vmem>>[vector<16xi32>], vector<16xf32>,
          %mul3A_248 = arith.mulf %gather3A_247, %gather3A_150 : vector<16xf32>
          %add3A_249 = arith.addf %add3A_244, %mul3A_248 : vector<16xf32>
          %add3A_250 = vector.broadcast %mul3A_235 : i32 to vector<16xi32>
          %add3A_251 = arith.addi %add3A_250, %gather3A_122 : vector<16xi32>
          %gather3A_252 = tpu.vector_load_idx %arg6[%add3A_251] : memref<86016xf32, #tpu.memory_space<vmem>>[vector<16xi32>], vector<16xf32>,
          %mul3A_253 = arith.mulf %gather3A_252, %gather3A_154 : vector<16xf32>
          %add3A_254 = arith.addf %add3A_249, %mul3A_253 : vector<16xf32>
          %add3A_255 = vector.broadcast %mul3A_235 : i32 to vector<16xi32>
          %add3A_256 = arith.addi %add3A_255, %gather3A_126 : vector<16xi32>
          %gather3A_257 = tpu.vector_load_idx %arg6[%add3A_256] : memref<86016xf32, #tpu.memory_space<vmem>>[vector<16xi32>], vector<16xf32>,
          %mul3A_258 = arith.mulf %gather3A_257, %gather3A_158 : vector<16xf32>
          %add3A_259 = arith.addf %add3A_254, %mul3A_258 : vector<16xf32>
          %add3A_260 = vector.broadcast %mul3A_235 : i32 to vector<16xi32>
          %add3A_261 = arith.addi %add3A_260, %gather3A_130 : vector<16xi32>
          %gather3A_262 = tpu.vector_load_idx %arg6[%add3A_261] : memref<86016xf32, #tpu.memory_space<vmem>>[vector<16xi32>], vector<16xf32>,
          %mul3A_263 = arith.mulf %gather3A_262, %gather3A_162 : vector<16xf32>
          %add3A_264 = arith.addf %add3A_259, %mul3A_263 : vector<16xf32>
          %add3A_265 = vector.broadcast %mul3A_235 : i32 to vector<16xi32>
          %add3A_266 = arith.addi %add3A_265, %gather3A_134 : vector<16xi32>
          %gather3A_267 = tpu.vector_load_idx %arg6[%add3A_266] : memref<86016xf32, #tpu.memory_space<vmem>>[vector<16xi32>], vector<16xf32>,
          %mul3A_268 = arith.mulf %gather3A_267, %gather3A_166 : vector<16xf32>
          %add3A_269 = arith.addf %add3A_264, %mul3A_268 : vector<16xf32>
          %add3A_270 = vector.broadcast %mul3A_235 : i32 to vector<16xi32>
          %add3A_271 = arith.addi %add3A_270, %gather3A_138 : vector<16xi32>
          %gather3A_272 = tpu.vector_load_idx %arg6[%add3A_271] : memref<86016xf32, #tpu.memory_space<vmem>>[vector<16xi32>], vector<16xf32>,
          %mul3A_273 = arith.mulf %gather3A_272, %gather3A_170 : vector<16xf32>
          %add3A_274 = arith.addf %add3A_269, %mul3A_273 : vector<16xf32>
          %swap3A_275 = arith.index_cast %add3A_233 : i32 to index
          %swap3A_276 = arith.index_cast %mul3A_172 : i32 to index
          %swap3A_277 = tpu.vector_load %arg11[%swap3A_275, %swap3A_276] {strides = array<i32>} : memref<32x384xf32, #tpu.memory_space<vmem>>, vector<16xf32>,
          tpu.vector_store %arg11[%swap3A_275, %swap3A_276], %add3A_274 {strides = array<i32>} : memref<32x384xf32, #tpu.memory_space<vmem>>, vector<16xf32>,
          %mul3A_278 = arith.constant 8 : i32
          %mul3A_279 = arith.muli %scan3A_181, %mul3A_278 : i32
          %add3A_280 = arith.constant 2 : i32
          %add3A_281 = arith.addi %mul3A_279, %add3A_280 : i32
          %mul3A_282 = arith.constant 2688 : i32
          %mul3A_283 = arith.muli %add3A_281, %mul3A_282 : i32
          %add3A_284 = vector.broadcast %mul3A_283 : i32 to vector<16xi32>
          %add3A_285 = arith.addi %add3A_284, %gather3A : vector<16xi32>
          %gather3A_286 = tpu.vector_load_idx %arg6[%add3A_285] : memref<86016xf32, #tpu.memory_space<vmem>>[vector<16xi32>], vector<16xf32>,
          %mul3A_287 = arith.mulf %gather3A_286, %gather3A_142 : vector<16xf32>
          %add3A_288 = vector.broadcast %mul3A_283 : i32 to vector<16xi32>
          %add3A_289 = arith.addi %add3A_288, %gather3A_114 : vector<16xi32>
          %gather3A_290 = tpu.vector_load_idx %arg6[%add3A_289] : memref<86016xf32, #tpu.memory_space<vmem>>[vector<16xi32>], vector<16xf32>,
          %mul3A_291 = arith.mulf %gather3A_290, %gather3A_146 : vector<16xf32>
          %add3A_292 = arith.addf %mul3A_287, %mul3A_291 : vector<16xf32>
          %add3A_293 = vector.broadcast %mul3A_283 : i32 to vector<16xi32>
          %add3A_294 = arith.addi %add3A_293, %gather3A_118 : vector<16xi32>
          %gather3A_295 = tpu.vector_load_idx %arg6[%add3A_294] : memref<86016xf32, #tpu.memory_space<vmem>>[vector<16xi32>], vector<16xf32>,
          %mul3A_296 = arith.mulf %gather3A_295, %gather3A_150 : vector<16xf32>
          %add3A_297 = arith.addf %add3A_292, %mul3A_296 : vector<16xf32>
          %add3A_298 = vector.broadcast %mul3A_283 : i32 to vector<16xi32>
          %add3A_299 = arith.addi %add3A_298, %gather3A_122 : vector<16xi32>
          %gather3A_300 = tpu.vector_load_idx %arg6[%add3A_299] : memref<86016xf32, #tpu.memory_space<vmem>>[vector<16xi32>], vector<16xf32>,
          %mul3A_301 = arith.mulf %gather3A_300, %gather3A_154 : vector<16xf32>
          %add3A_302 = arith.addf %add3A_297, %mul3A_301 : vector<16xf32>
          %add3A_303 = vector.broadcast %mul3A_283 : i32 to vector<16xi32>
          %add3A_304 = arith.addi %add3A_303, %gather3A_126 : vector<16xi32>
          %gather3A_305 = tpu.vector_load_idx %arg6[%add3A_304] : memref<86016xf32, #tpu.memory_space<vmem>>[vector<16xi32>], vector<16xf32>,
          %mul3A_306 = arith.mulf %gather3A_305, %gather3A_158 : vector<16xf32>
          %add3A_307 = arith.addf %add3A_302, %mul3A_306 : vector<16xf32>
          %add3A_308 = vector.broadcast %mul3A_283 : i32 to vector<16xi32>
          %add3A_309 = arith.addi %add3A_308, %gather3A_130 : vector<16xi32>
          %gather3A_310 = tpu.vector_load_idx %arg6[%add3A_309] : memref<86016xf32, #tpu.memory_space<vmem>>[vector<16xi32>], vector<16xf32>,
          %mul3A_311 = arith.mulf %gather3A_310, %gather3A_162 : vector<16xf32>
          %add3A_312 = arith.addf %add3A_307, %mul3A_311 : vector<16xf32>
          %add3A_313 = vector.broadcast %mul3A_283 : i32 to vector<16xi32>
          %add3A_314 = arith.addi %add3A_313, %gather3A_134 : vector<16xi32>
          %gather3A_315 = tpu.vector_load_idx %arg6[%add3A_314] : memref<86016xf32, #tpu.memory_space<vmem>>[vector<16xi32>], vector<16xf32>,
          %mul3A_316 = arith.mulf %gather3A_315, %gather3A_166 : vector<16xf32>
          %add3A_317 = arith.addf %add3A_312, %mul3A_316 : vector<16xf32>
          %add3A_318 = vector.broadcast %mul3A_283 : i32 to vector<16xi32>
          %add3A_319 = arith.addi %add3A_318, %gather3A_138 : vector<16xi32>
          %gather3A_320 = tpu.vector_load_idx %arg6[%add3A_319] : memref<86016xf32, #tpu.memory_space<vmem>>[vector<16xi32>], vector<16xf32>,
          %mul3A_321 = arith.mulf %gather3A_320, %gather3A_170 : vector<16xf32>
          %add3A_322 = arith.addf %add3A_317, %mul3A_321 : vector<16xf32>
          %swap3A_323 = arith.index_cast %add3A_281 : i32 to index
          %swap3A_324 = arith.index_cast %mul3A_172 : i32 to index
          %swap3A_325 = tpu.vector_load %arg11[%swap3A_323, %swap3A_324] {strides = array<i32>} : memref<32x384xf32, #tpu.memory_space<vmem>>, vector<16xf32>,
          tpu.vector_store %arg11[%swap3A_323, %swap3A_324], %add3A_322 {strides = array<i32>} : memref<32x384xf32, #tpu.memory_space<vmem>>, vector<16xf32>,
          %mul3A_326 = arith.constant 8 : i32
          %mul3A_327 = arith.muli %scan3A_181, %mul3A_326 : i32
          %add3A_328 = arith.constant 3 : i32
          %add3A_329 = arith.addi %mul3A_327, %add3A_328 : i32
          %mul3A_330 = arith.constant 2688 : i32
          %mul3A_331 = arith.muli %add3A_329, %mul3A_330 : i32
          %add3A_332 = vector.broadcast %mul3A_331 : i32 to vector<16xi32>
          %add3A_333 = arith.addi %add3A_332, %gather3A : vector<16xi32>
          %gather3A_334 = tpu.vector_load_idx %arg6[%add3A_333] : memref<86016xf32, #tpu.memory_space<vmem>>[vector<16xi32>], vector<16xf32>,
          %mul3A_335 = arith.mulf %gather3A_334, %gather3A_142 : vector<16xf32>
          %add3A_336 = vector.broadcast %mul3A_331 : i32 to vector<16xi32>
          %add3A_337 = arith.addi %add3A_336, %gather3A_114 : vector<16xi32>
          %gather3A_338 = tpu.vector_load_idx %arg6[%add3A_337] : memref<86016xf32, #tpu.memory_space<vmem>>[vector<16xi32>], vector<16xf32>,
          %mul3A_339 = arith.mulf %gather3A_338, %gather3A_146 : vector<16xf32>
          %add3A_340 = arith.addf %mul3A_335, %mul3A_339 : vector<16xf32>
          %add3A_341 = vector.broadcast %mul3A_331 : i32 to vector<16xi32>
          %add3A_342 = arith.addi %add3A_341, %gather3A_118 : vector<16xi32>
          %gather3A_343 = tpu.vector_load_idx %arg6[%add3A_342] : memref<86016xf32, #tpu.memory_space<vmem>>[vector<16xi32>], vector<16xf32>,
          %mul3A_344 = arith.mulf %gather3A_343, %gather3A_150 : vector<16xf32>
          %add3A_345 = arith.addf %add3A_340, %mul3A_344 : vector<16xf32>
          %add3A_346 = vector.broadcast %mul3A_331 : i32 to vector<16xi32>
          %add3A_347 = arith.addi %add3A_346, %gather3A_122 : vector<16xi32>
          %gather3A_348 = tpu.vector_load_idx %arg6[%add3A_347] : memref<86016xf32, #tpu.memory_space<vmem>>[vector<16xi32>], vector<16xf32>,
          %mul3A_349 = arith.mulf %gather3A_348, %gather3A_154 : vector<16xf32>
          %add3A_350 = arith.addf %add3A_345, %mul3A_349 : vector<16xf32>
          %add3A_351 = vector.broadcast %mul3A_331 : i32 to vector<16xi32>
          %add3A_352 = arith.addi %add3A_351, %gather3A_126 : vector<16xi32>
          %gather3A_353 = tpu.vector_load_idx %arg6[%add3A_352] : memref<86016xf32, #tpu.memory_space<vmem>>[vector<16xi32>], vector<16xf32>,
          %mul3A_354 = arith.mulf %gather3A_353, %gather3A_158 : vector<16xf32>
          %add3A_355 = arith.addf %add3A_350, %mul3A_354 : vector<16xf32>
          %add3A_356 = vector.broadcast %mul3A_331 : i32 to vector<16xi32>
          %add3A_357 = arith.addi %add3A_356, %gather3A_130 : vector<16xi32>
          %gather3A_358 = tpu.vector_load_idx %arg6[%add3A_357] : memref<86016xf32, #tpu.memory_space<vmem>>[vector<16xi32>], vector<16xf32>,
          %mul3A_359 = arith.mulf %gather3A_358, %gather3A_162 : vector<16xf32>
          %add3A_360 = arith.addf %add3A_355, %mul3A_359 : vector<16xf32>
          %add3A_361 = vector.broadcast %mul3A_331 : i32 to vector<16xi32>
          %add3A_362 = arith.addi %add3A_361, %gather3A_134 : vector<16xi32>
          %gather3A_363 = tpu.vector_load_idx %arg6[%add3A_362] : memref<86016xf32, #tpu.memory_space<vmem>>[vector<16xi32>], vector<16xf32>,
          %mul3A_364 = arith.mulf %gather3A_363, %gather3A_166 : vector<16xf32>
          %add3A_365 = arith.addf %add3A_360, %mul3A_364 : vector<16xf32>
          %add3A_366 = vector.broadcast %mul3A_331 : i32 to vector<16xi32>
          %add3A_367 = arith.addi %add3A_366, %gather3A_138 : vector<16xi32>
          %gather3A_368 = tpu.vector_load_idx %arg6[%add3A_367] : memref<86016xf32, #tpu.memory_space<vmem>>[vector<16xi32>], vector<16xf32>,
          %mul3A_369 = arith.mulf %gather3A_368, %gather3A_170 : vector<16xf32>
          %add3A_370 = arith.addf %add3A_365, %mul3A_369 : vector<16xf32>
          %swap3A_371 = arith.index_cast %add3A_329 : i32 to index
          %swap3A_372 = arith.index_cast %mul3A_172 : i32 to index
          %swap3A_373 = tpu.vector_load %arg11[%swap3A_371, %swap3A_372] {strides = array<i32>} : memref<32x384xf32, #tpu.memory_space<vmem>>, vector<16xf32>,
          tpu.vector_store %arg11[%swap3A_371, %swap3A_372], %add3A_370 {strides = array<i32>} : memref<32x384xf32, #tpu.memory_space<vmem>>, vector<16xf32>,
          %mul3A_374 = arith.constant 8 : i32
          %mul3A_375 = arith.muli %scan3A_181, %mul3A_374 : i32
          %add3A_376 = arith.constant 4 : i32
          %add3A_377 = arith.addi %mul3A_375, %add3A_376 : i32
          %mul3A_378 = arith.constant 2688 : i32
          %mul3A_379 = arith.muli %add3A_377, %mul3A_378 : i32
          %add3A_380 = vector.broadcast %mul3A_379 : i32 to vector<16xi32>
          %add3A_381 = arith.addi %add3A_380, %gather3A : vector<16xi32>
          %gather3A_382 = tpu.vector_load_idx %arg6[%add3A_381] : memref<86016xf32, #tpu.memory_space<vmem>>[vector<16xi32>], vector<16xf32>,
          %mul3A_383 = arith.mulf %gather3A_382, %gather3A_142 : vector<16xf32>
          %add3A_384 = vector.broadcast %mul3A_379 : i32 to vector<16xi32>
          %add3A_385 = arith.addi %add3A_384, %gather3A_114 : vector<16xi32>
          %gather3A_386 = tpu.vector_load_idx %arg6[%add3A_385] : memref<86016xf32, #tpu.memory_space<vmem>>[vector<16xi32>], vector<16xf32>,
          %mul3A_387 = arith.mulf %gather3A_386, %gather3A_146 : vector<16xf32>
          %add3A_388 = arith.addf %mul3A_383, %mul3A_387 : vector<16xf32>
          %add3A_389 = vector.broadcast %mul3A_379 : i32 to vector<16xi32>
          %add3A_390 = arith.addi %add3A_389, %gather3A_118 : vector<16xi32>
          %gather3A_391 = tpu.vector_load_idx %arg6[%add3A_390] : memref<86016xf32, #tpu.memory_space<vmem>>[vector<16xi32>], vector<16xf32>,
          %mul3A_392 = arith.mulf %gather3A_391, %gather3A_150 : vector<16xf32>
          %add3A_393 = arith.addf %add3A_388, %mul3A_392 : vector<16xf32>
          %add3A_394 = vector.broadcast %mul3A_379 : i32 to vector<16xi32>
          %add3A_395 = arith.addi %add3A_394, %gather3A_122 : vector<16xi32>
          %gather3A_396 = tpu.vector_load_idx %arg6[%add3A_395] : memref<86016xf32, #tpu.memory_space<vmem>>[vector<16xi32>], vector<16xf32>,
          %mul3A_397 = arith.mulf %gather3A_396, %gather3A_154 : vector<16xf32>
          %add3A_398 = arith.addf %add3A_393, %mul3A_397 : vector<16xf32>
          %add3A_399 = vector.broadcast %mul3A_379 : i32 to vector<16xi32>
          %add3A_400 = arith.addi %add3A_399, %gather3A_126 : vector<16xi32>
          %gather3A_401 = tpu.vector_load_idx %arg6[%add3A_400] : memref<86016xf32, #tpu.memory_space<vmem>>[vector<16xi32>], vector<16xf32>,
          %mul3A_402 = arith.mulf %gather3A_401, %gather3A_158 : vector<16xf32>
          %add3A_403 = arith.addf %add3A_398, %mul3A_402 : vector<16xf32>
          %add3A_404 = vector.broadcast %mul3A_379 : i32 to vector<16xi32>
          %add3A_405 = arith.addi %add3A_404, %gather3A_130 : vector<16xi32>
          %gather3A_406 = tpu.vector_load_idx %arg6[%add3A_405] : memref<86016xf32, #tpu.memory_space<vmem>>[vector<16xi32>], vector<16xf32>,
          %mul3A_407 = arith.mulf %gather3A_406, %gather3A_162 : vector<16xf32>
          %add3A_408 = arith.addf %add3A_403, %mul3A_407 : vector<16xf32>
          %add3A_409 = vector.broadcast %mul3A_379 : i32 to vector<16xi32>
          %add3A_410 = arith.addi %add3A_409, %gather3A_134 : vector<16xi32>
          %gather3A_411 = tpu.vector_load_idx %arg6[%add3A_410] : memref<86016xf32, #tpu.memory_space<vmem>>[vector<16xi32>], vector<16xf32>,
          %mul3A_412 = arith.mulf %gather3A_411, %gather3A_166 : vector<16xf32>
          %add3A_413 = arith.addf %add3A_408, %mul3A_412 : vector<16xf32>
          %add3A_414 = vector.broadcast %mul3A_379 : i32 to vector<16xi32>
          %add3A_415 = arith.addi %add3A_414, %gather3A_138 : vector<16xi32>
          %gather3A_416 = tpu.vector_load_idx %arg6[%add3A_415] : memref<86016xf32, #tpu.memory_space<vmem>>[vector<16xi32>], vector<16xf32>,
          %mul3A_417 = arith.mulf %gather3A_416, %gather3A_170 : vector<16xf32>
          %add3A_418 = arith.addf %add3A_413, %mul3A_417 : vector<16xf32>
          %swap3A_419 = arith.index_cast %add3A_377 : i32 to index
          %swap3A_420 = arith.index_cast %mul3A_172 : i32 to index
          %swap3A_421 = tpu.vector_load %arg11[%swap3A_419, %swap3A_420] {strides = array<i32>} : memref<32x384xf32, #tpu.memory_space<vmem>>, vector<16xf32>,
          tpu.vector_store %arg11[%swap3A_419, %swap3A_420], %add3A_418 {strides = array<i32>} : memref<32x384xf32, #tpu.memory_space<vmem>>, vector<16xf32>,
          %mul3A_422 = arith.constant 8 : i32
          %mul3A_423 = arith.muli %scan3A_181, %mul3A_422 : i32
          %add3A_424 = arith.constant 5 : i32
          %add3A_425 = arith.addi %mul3A_423, %add3A_424 : i32
          %mul3A_426 = arith.constant 2688 : i32
          %mul3A_427 = arith.muli %add3A_425, %mul3A_426 : i32
          %add3A_428 = vector.broadcast %mul3A_427 : i32 to vector<16xi32>
          %add3A_429 = arith.addi %add3A_428, %gather3A : vector<16xi32>
          %gather3A_430 = tpu.vector_load_idx %arg6[%add3A_429] : memref<86016xf32, #tpu.memory_space<vmem>>[vector<16xi32>], vector<16xf32>,
          %mul3A_431 = arith.mulf %gather3A_430, %gather3A_142 : vector<16xf32>
          %add3A_432 = vector.broadcast %mul3A_427 : i32 to vector<16xi32>
          %add3A_433 = arith.addi %add3A_432, %gather3A_114 : vector<16xi32>
          %gather3A_434 = tpu.vector_load_idx %arg6[%add3A_433] : memref<86016xf32, #tpu.memory_space<vmem>>[vector<16xi32>], vector<16xf32>,
          %mul3A_435 = arith.mulf %gather3A_434, %gather3A_146 : vector<16xf32>
          %add3A_436 = arith.addf %mul3A_431, %mul3A_435 : vector<16xf32>
          %add3A_437 = vector.broadcast %mul3A_427 : i32 to vector<16xi32>
          %add3A_438 = arith.addi %add3A_437, %gather3A_118 : vector<16xi32>
          %gather3A_439 = tpu.vector_load_idx %arg6[%add3A_438] : memref<86016xf32, #tpu.memory_space<vmem>>[vector<16xi32>], vector<16xf32>,
          %mul3A_440 = arith.mulf %gather3A_439, %gather3A_150 : vector<16xf32>
          %add3A_441 = arith.addf %add3A_436, %mul3A_440 : vector<16xf32>
          %add3A_442 = vector.broadcast %mul3A_427 : i32 to vector<16xi32>
          %add3A_443 = arith.addi %add3A_442, %gather3A_122 : vector<16xi32>
          %gather3A_444 = tpu.vector_load_idx %arg6[%add3A_443] : memref<86016xf32, #tpu.memory_space<vmem>>[vector<16xi32>], vector<16xf32>,
          %mul3A_445 = arith.mulf %gather3A_444, %gather3A_154 : vector<16xf32>
          %add3A_446 = arith.addf %add3A_441, %mul3A_445 : vector<16xf32>
          %add3A_447 = vector.broadcast %mul3A_427 : i32 to vector<16xi32>
          %add3A_448 = arith.addi %add3A_447, %gather3A_126 : vector<16xi32>
          %gather3A_449 = tpu.vector_load_idx %arg6[%add3A_448] : memref<86016xf32, #tpu.memory_space<vmem>>[vector<16xi32>], vector<16xf32>,
          %mul3A_450 = arith.mulf %gather3A_449, %gather3A_158 : vector<16xf32>
          %add3A_451 = arith.addf %add3A_446, %mul3A_450 : vector<16xf32>
          %add3A_452 = vector.broadcast %mul3A_427 : i32 to vector<16xi32>
          %add3A_453 = arith.addi %add3A_452, %gather3A_130 : vector<16xi32>
          %gather3A_454 = tpu.vector_load_idx %arg6[%add3A_453] : memref<86016xf32, #tpu.memory_space<vmem>>[vector<16xi32>], vector<16xf32>,
          %mul3A_455 = arith.mulf %gather3A_454, %gather3A_162 : vector<16xf32>
          %add3A_456 = arith.addf %add3A_451, %mul3A_455 : vector<16xf32>
          %add3A_457 = vector.broadcast %mul3A_427 : i32 to vector<16xi32>
          %add3A_458 = arith.addi %add3A_457, %gather3A_134 : vector<16xi32>
          %gather3A_459 = tpu.vector_load_idx %arg6[%add3A_458] : memref<86016xf32, #tpu.memory_space<vmem>>[vector<16xi32>], vector<16xf32>,
          %mul3A_460 = arith.mulf %gather3A_459, %gather3A_166 : vector<16xf32>
          %add3A_461 = arith.addf %add3A_456, %mul3A_460 : vector<16xf32>
          %add3A_462 = vector.broadcast %mul3A_427 : i32 to vector<16xi32>
          %add3A_463 = arith.addi %add3A_462, %gather3A_138 : vector<16xi32>
          %gather3A_464 = tpu.vector_load_idx %arg6[%add3A_463] : memref<86016xf32, #tpu.memory_space<vmem>>[vector<16xi32>], vector<16xf32>,
          %mul3A_465 = arith.mulf %gather3A_464, %gather3A_170 : vector<16xf32>
          %add3A_466 = arith.addf %add3A_461, %mul3A_465 : vector<16xf32>
          %swap3A_467 = arith.index_cast %add3A_425 : i32 to index
          %swap3A_468 = arith.index_cast %mul3A_172 : i32 to index
          %swap3A_469 = tpu.vector_load %arg11[%swap3A_467, %swap3A_468] {strides = array<i32>} : memref<32x384xf32, #tpu.memory_space<vmem>>, vector<16xf32>,
          tpu.vector_store %arg11[%swap3A_467, %swap3A_468], %add3A_466 {strides = array<i32>} : memref<32x384xf32, #tpu.memory_space<vmem>>, vector<16xf32>,
          %mul3A_470 = arith.constant 8 : i32
          %mul3A_471 = arith.muli %scan3A_181, %mul3A_470 : i32
          %add3A_472 = arith.constant 6 : i32
          %add3A_473 = arith.addi %mul3A_471, %add3A_472 : i32
          %mul3A_474 = arith.constant 2688 : i32
          %mul3A_475 = arith.muli %add3A_473, %mul3A_474 : i32
          %add3A_476 = vector.broadcast %mul3A_475 : i32 to vector<16xi32>
          %add3A_477 = arith.addi %add3A_476, %gather3A : vector<16xi32>
          %gather3A_478 = tpu.vector_load_idx %arg6[%add3A_477] : memref<86016xf32, #tpu.memory_space<vmem>>[vector<16xi32>], vector<16xf32>,
          %mul3A_479 = arith.mulf %gather3A_478, %gather3A_142 : vector<16xf32>
          %add3A_480 = vector.broadcast %mul3A_475 : i32 to vector<16xi32>
          %add3A_481 = arith.addi %add3A_480, %gather3A_114 : vector<16xi32>
          %gather3A_482 = tpu.vector_load_idx %arg6[%add3A_481] : memref<86016xf32, #tpu.memory_space<vmem>>[vector<16xi32>], vector<16xf32>,
          %mul3A_483 = arith.mulf %gather3A_482, %gather3A_146 : vector<16xf32>
          %add3A_484 = arith.addf %mul3A_479, %mul3A_483 : vector<16xf32>
          %add3A_485 = vector.broadcast %mul3A_475 : i32 to vector<16xi32>
          %add3A_486 = arith.addi %add3A_485, %gather3A_118 : vector<16xi32>
          %gather3A_487 = tpu.vector_load_idx %arg6[%add3A_486] : memref<86016xf32, #tpu.memory_space<vmem>>[vector<16xi32>], vector<16xf32>,
          %mul3A_488 = arith.mulf %gather3A_487, %gather3A_150 : vector<16xf32>
          %add3A_489 = arith.addf %add3A_484, %mul3A_488 : vector<16xf32>
          %add3A_490 = vector.broadcast %mul3A_475 : i32 to vector<16xi32>
          %add3A_491 = arith.addi %add3A_490, %gather3A_122 : vector<16xi32>
          %gather3A_492 = tpu.vector_load_idx %arg6[%add3A_491] : memref<86016xf32, #tpu.memory_space<vmem>>[vector<16xi32>], vector<16xf32>,
          %mul3A_493 = arith.mulf %gather3A_492, %gather3A_154 : vector<16xf32>
          %add3A_494 = arith.addf %add3A_489, %mul3A_493 : vector<16xf32>
          %add3A_495 = vector.broadcast %mul3A_475 : i32 to vector<16xi32>
          %add3A_496 = arith.addi %add3A_495, %gather3A_126 : vector<16xi32>
          %gather3A_497 = tpu.vector_load_idx %arg6[%add3A_496] : memref<86016xf32, #tpu.memory_space<vmem>>[vector<16xi32>], vector<16xf32>,
          %mul3A_498 = arith.mulf %gather3A_497, %gather3A_158 : vector<16xf32>
          %add3A_499 = arith.addf %add3A_494, %mul3A_498 : vector<16xf32>
          %add3A_500 = vector.broadcast %mul3A_475 : i32 to vector<16xi32>
          %add3A_501 = arith.addi %add3A_500, %gather3A_130 : vector<16xi32>
          %gather3A_502 = tpu.vector_load_idx %arg6[%add3A_501] : memref<86016xf32, #tpu.memory_space<vmem>>[vector<16xi32>], vector<16xf32>,
          %mul3A_503 = arith.mulf %gather3A_502, %gather3A_162 : vector<16xf32>
          %add3A_504 = arith.addf %add3A_499, %mul3A_503 : vector<16xf32>
          %add3A_505 = vector.broadcast %mul3A_475 : i32 to vector<16xi32>
          %add3A_506 = arith.addi %add3A_505, %gather3A_134 : vector<16xi32>
          %gather3A_507 = tpu.vector_load_idx %arg6[%add3A_506] : memref<86016xf32, #tpu.memory_space<vmem>>[vector<16xi32>], vector<16xf32>,
          %mul3A_508 = arith.mulf %gather3A_507, %gather3A_166 : vector<16xf32>
          %add3A_509 = arith.addf %add3A_504, %mul3A_508 : vector<16xf32>
          %add3A_510 = vector.broadcast %mul3A_475 : i32 to vector<16xi32>
          %add3A_511 = arith.addi %add3A_510, %gather3A_138 : vector<16xi32>
          %gather3A_512 = tpu.vector_load_idx %arg6[%add3A_511] : memref<86016xf32, #tpu.memory_space<vmem>>[vector<16xi32>], vector<16xf32>,
          %mul3A_513 = arith.mulf %gather3A_512, %gather3A_170 : vector<16xf32>
          %add3A_514 = arith.addf %add3A_509, %mul3A_513 : vector<16xf32>
          %swap3A_515 = arith.index_cast %add3A_473 : i32 to index
          %swap3A_516 = arith.index_cast %mul3A_172 : i32 to index
          %swap3A_517 = tpu.vector_load %arg11[%swap3A_515, %swap3A_516] {strides = array<i32>} : memref<32x384xf32, #tpu.memory_space<vmem>>, vector<16xf32>,
          tpu.vector_store %arg11[%swap3A_515, %swap3A_516], %add3A_514 {strides = array<i32>} : memref<32x384xf32, #tpu.memory_space<vmem>>, vector<16xf32>,
          %mul3A_518 = arith.constant 8 : i32
          %mul3A_519 = arith.muli %scan3A_181, %mul3A_518 : i32
          %add3A_520 = arith.constant 7 : i32
          %add3A_521 = arith.addi %mul3A_519, %add3A_520 : i32
          %mul3A_522 = arith.constant 2688 : i32
          %mul3A_523 = arith.muli %add3A_521, %mul3A_522 : i32
          %add3A_524 = vector.broadcast %mul3A_523 : i32 to vector<16xi32>
          %add3A_525 = arith.addi %add3A_524, %gather3A : vector<16xi32>
          %gather3A_526 = tpu.vector_load_idx %arg6[%add3A_525] : memref<86016xf32, #tpu.memory_space<vmem>>[vector<16xi32>], vector<16xf32>,
          %mul3A_527 = arith.mulf %gather3A_526, %gather3A_142 : vector<16xf32>
          %add3A_528 = vector.broadcast %mul3A_523 : i32 to vector<16xi32>
          %add3A_529 = arith.addi %add3A_528, %gather3A_114 : vector<16xi32>
          %gather3A_530 = tpu.vector_load_idx %arg6[%add3A_529] : memref<86016xf32, #tpu.memory_space<vmem>>[vector<16xi32>], vector<16xf32>,
          %mul3A_531 = arith.mulf %gather3A_530, %gather3A_146 : vector<16xf32>
          %add3A_532 = arith.addf %mul3A_527, %mul3A_531 : vector<16xf32>
          %add3A_533 = vector.broadcast %mul3A_523 : i32 to vector<16xi32>
          %add3A_534 = arith.addi %add3A_533, %gather3A_118 : vector<16xi32>
          %gather3A_535 = tpu.vector_load_idx %arg6[%add3A_534] : memref<86016xf32, #tpu.memory_space<vmem>>[vector<16xi32>], vector<16xf32>,
          %mul3A_536 = arith.mulf %gather3A_535, %gather3A_150 : vector<16xf32>
          %add3A_537 = arith.addf %add3A_532, %mul3A_536 : vector<16xf32>
          %add3A_538 = vector.broadcast %mul3A_523 : i32 to vector<16xi32>
          %add3A_539 = arith.addi %add3A_538, %gather3A_122 : vector<16xi32>
          %gather3A_540 = tpu.vector_load_idx %arg6[%add3A_539] : memref<86016xf32, #tpu.memory_space<vmem>>[vector<16xi32>], vector<16xf32>,
          %mul3A_541 = arith.mulf %gather3A_540, %gather3A_154 : vector<16xf32>
          %add3A_542 = arith.addf %add3A_537, %mul3A_541 : vector<16xf32>
          %add3A_543 = vector.broadcast %mul3A_523 : i32 to vector<16xi32>
          %add3A_544 = arith.addi %add3A_543, %gather3A_126 : vector<16xi32>
          %gather3A_545 = tpu.vector_load_idx %arg6[%add3A_544] : memref<86016xf32, #tpu.memory_space<vmem>>[vector<16xi32>], vector<16xf32>,
          %mul3A_546 = arith.mulf %gather3A_545, %gather3A_158 : vector<16xf32>
          %add3A_547 = arith.addf %add3A_542, %mul3A_546 : vector<16xf32>
          %add3A_548 = vector.broadcast %mul3A_523 : i32 to vector<16xi32>
          %add3A_549 = arith.addi %add3A_548, %gather3A_130 : vector<16xi32>
          %gather3A_550 = tpu.vector_load_idx %arg6[%add3A_549] : memref<86016xf32, #tpu.memory_space<vmem>>[vector<16xi32>], vector<16xf32>,
          %mul3A_551 = arith.mulf %gather3A_550, %gather3A_162 : vector<16xf32>
          %add3A_552 = arith.addf %add3A_547, %mul3A_551 : vector<16xf32>
          %add3A_553 = vector.broadcast %mul3A_523 : i32 to vector<16xi32>
          %add3A_554 = arith.addi %add3A_553, %gather3A_134 : vector<16xi32>
          %gather3A_555 = tpu.vector_load_idx %arg6[%add3A_554] : memref<86016xf32, #tpu.memory_space<vmem>>[vector<16xi32>], vector<16xf32>,
          %mul3A_556 = arith.mulf %gather3A_555, %gather3A_166 : vector<16xf32>
          %add3A_557 = arith.addf %add3A_552, %mul3A_556 : vector<16xf32>
          %add3A_558 = vector.broadcast %mul3A_523 : i32 to vector<16xi32>
          %add3A_559 = arith.addi %add3A_558, %gather3A_138 : vector<16xi32>
          %gather3A_560 = tpu.vector_load_idx %arg6[%add3A_559] : memref<86016xf32, #tpu.memory_space<vmem>>[vector<16xi32>], vector<16xf32>,
          %mul3A_561 = arith.mulf %gather3A_560, %gather3A_170 : vector<16xf32>
          %add3A_562 = arith.addf %add3A_557, %mul3A_561 : vector<16xf32>
          %swap3A_563 = arith.index_cast %add3A_521 : i32 to index
          %swap3A_564 = arith.index_cast %mul3A_172 : i32 to index
          %swap3A_565 = tpu.vector_load %arg11[%swap3A_563, %swap3A_564] {strides = array<i32>} : memref<32x384xf32, #tpu.memory_space<vmem>>, vector<16xf32>,
          tpu.vector_store %arg11[%swap3A_563, %swap3A_564], %add3A_562 {strides = array<i32>} : memref<32x384xf32, #tpu.memory_space<vmem>>, vector<16xf32>,
          %scan3A_566 = arith.constant 0 : i32
          scf.yield %scan3A_566 : i32
        }
        %scan3A_179 = arith.constant 4 : i32
        %scan3A_180 = arith.constant 0 : i32
        scf.yield %scan3A_180 : i32
      }
      %scan3A_61 = arith.constant 24 : i32
      %mul3A_62 = arith.constant 384 : i32
      %mul3A_63 = arith.muli %mul3A_32, %mul3A_62 : i32
      %dma_start3A_64 = tpu.memref_slice %arg5[%mul3A_2, %mul3A_63] : memref<1024x5376xf32, #tpu.memory_space<hbm>> -> memref<32x384xf32, #tpu.memory_space<hbm>>
      %dma_start3A_65 = tpu.memref_slice %arg5[%mul3A_2, %mul3A_63] : memref<1024x5376xf32, #tpu.memory_space<hbm>> -> memref<32x384xf32, #tpu.memory_space<hbm>>
      tpu.enqueue_dma source(%arg11 : memref<32x384xf32, #tpu.memory_space<vmem>>) target(%dma_start3A_65 : memref<32x384xf32, #tpu.memory_space<hbm>>) target_semaphore(%arg15 : memref<!tpu.dma_semaphore, #tpu.memory_space<semaphore_mem>>)
      %dma_wait3A_66 = arith.constant 0 : i32
      %dma_wait3A_67 = tpu.memref_slice %arg3[%dma_wait3A_66] : memref<43008xi32, #tpu.memory_space<hbm>> -> memref<3072xi32, #tpu.memory_space<hbm>>
      %dma_wait3A_68 = arith.constant 0 : i32
      %dma_wait3A_69 = tpu.memref_slice %arg3[%dma_wait3A_68] : memref<43008xi32, #tpu.memory_space<hbm>> -> memref<3072xi32, #tpu.memory_space<hbm>>
      tpu.wait_dma2 semaphore(%arg14 : memref<!tpu.dma_semaphore, #tpu.memory_space<semaphore_mem>>) src(%dma_wait3A_69 : memref<3072xi32, #tpu.memory_space<hbm>>) dst(%arg8 : memref<3072xi32, #tpu.memory_space<vmem>>)
      %dma_wait3A_70 = arith.constant 0 : i32
      %dma_wait3A_71 = tpu.memref_slice %arg4[%dma_wait3A_70] : memref<43008xf32, #tpu.memory_space<hbm>> -> memref<3072xf32, #tpu.memory_space<hbm>>
      %dma_wait3A_72 = arith.constant 0 : i32
      %dma_wait3A_73 = tpu.memref_slice %arg4[%dma_wait3A_72] : memref<43008xf32, #tpu.memory_space<hbm>> -> memref<3072xf32, #tpu.memory_space<hbm>>
      tpu.wait_dma2 semaphore(%arg14 : memref<!tpu.dma_semaphore, #tpu.memory_space<semaphore_mem>>) src(%dma_wait3A_73 : memref<3072xf32, #tpu.memory_space<hbm>>) dst(%arg10 : memref<3072xf32, #tpu.memory_space<vmem>>)
      %add3A_74 = arith.constant 1 : i32
      %add3A_75 = arith.addi %scan3A_29, %add3A_74 : i32
      %lt3A = arith.constant 7 : i32
      %lt3A_76 = arith.cmpi slt, %add3A_75, %lt3A : i32
      %convert_element_type3A_77 = arith.extui %lt3A_76 : i1 to i32
      %cond3A_78 = arith.constant 0 : i32
      %cond3A_79 = arith.cmpi ne, %convert_element_type3A_77, %cond3A_78 : i32
      scf.if %cond3A_79 {
        %add3A_99 = arith.constant 2 : i32
        %add3A_100 = arith.addi %mul3A_32, %add3A_99 : i32
        %mul3A_101 = arith.constant 384 : i32
        %mul3A_102 = arith.muli %add3A_100, %mul3A_101 : i32
        %mul3A_103 = arith.constant 8 : i32
        %mul3A_104 = arith.muli %mul3A_102, %mul3A_103 : i32
        %dma_start3A_105 = tpu.memref_slice %arg3[%mul3A_104] : memref<43008xi32, #tpu.memory_space<hbm>> -> memref<3072xi32, #tpu.memory_space<hbm>>
        %dma_start3A_106 = tpu.memref_slice %arg3[%mul3A_104] : memref<43008xi32, #tpu.memory_space<hbm>> -> memref<3072xi32, #tpu.memory_space<hbm>>
        tpu.enqueue_dma source(%dma_start3A_106 : memref<3072xi32, #tpu.memory_space<hbm>>) target(%arg7 : memref<3072xi32, #tpu.memory_space<vmem>>) target_semaphore(%arg13 : memref<!tpu.dma_semaphore, #tpu.memory_space<semaphore_mem>>)
        %mul3A_107 = arith.constant 8 : i32
        %mul3A_108 = arith.muli %mul3A_102, %mul3A_107 : i32
        %dma_start3A_109 = tpu.memref_slice %arg4[%mul3A_108] : memref<43008xf32, #tpu.memory_space<hbm>> -> memref<3072xf32, #tpu.memory_space<hbm>>
        %dma_start3A_110 = tpu.memref_slice %arg4[%mul3A_108] : memref<43008xf32, #tpu.memory_space<hbm>> -> memref<3072xf32, #tpu.memory_space<hbm>>
        tpu.enqueue_dma source(%dma_start3A_110 : memref<3072xf32, #tpu.memory_space<hbm>>) target(%arg9 : memref<3072xf32, #tpu.memory_space<vmem>>) target_semaphore(%arg13 : memref<!tpu.dma_semaphore, #tpu.memory_space<semaphore_mem>>)
      } else {
      }
      %ge3A_80 = arith.constant 1 : i32
      %ge3A_81 = arith.cmpi sge, %scan3A_29, %ge3A_80 : i32
      %convert_element_type3A_82 = arith.extui %ge3A_81 : i1 to i32
      %cond3A_83 = arith.constant 0 : i32
      %cond3A_84 = arith.cmpi ne, %convert_element_type3A_82, %cond3A_83 : i32
      scf.if %cond3A_84 {
        %dma_wait3A_99 = arith.constant 0 : i32
        %dma_wait3A_100 = arith.constant 0 : i32
        %dma_wait3A_101 = tpu.memref_slice %arg5[%dma_wait3A_99, %dma_wait3A_100] : memref<1024x5376xf32, #tpu.memory_space<hbm>> -> memref<32x384xf32, #tpu.memory_space<hbm>>
        %dma_wait3A_102 = arith.constant 0 : i32
        %dma_wait3A_103 = arith.constant 0 : i32
        %dma_wait3A_104 = tpu.memref_slice %arg5[%dma_wait3A_102, %dma_wait3A_103] : memref<1024x5376xf32, #tpu.memory_space<hbm>> -> memref<32x384xf32, #tpu.memory_space<hbm>>
        tpu.wait_dma2 semaphore(%arg16 : memref<!tpu.dma_semaphore, #tpu.memory_space<semaphore_mem>>) src(%arg12 : memref<32x384xf32, #tpu.memory_space<vmem>>) dst(%dma_wait3A_104 : memref<32x384xf32, #tpu.memory_space<hbm>>)
      } else {
      }
      %add3A_85 = arith.constant 1 : i32
      %add3A_86 = arith.addi %mul3A_32, %add3A_85 : i32
      %scan3A_87 = arith.constant 0 : i32
      %scan3A_88 = arith.constant 0 : i32
      %scan3A_89 = arith.constant 24 : i32
      %scan3A_90 = arith.addi %scan3A_88, %scan3A_89 : i32
      %scan3A_91 = arith.constant 1 : i32
      %scan3A_92 = scf.for %scan3A_99 = %scan3A_88 to %scan3A_90 step %scan3A_91 iter_args(%scan3A_100 = %scan3A_87) -> (i32)  : i32 {
        %mul3A_101 = arith.constant 16 : i32
        %mul3A_102 = arith.muli %scan3A_99, %mul3A_101 : i32
        %add3A_103 = vector.broadcast %mul3A_102 : i32 to vector<16xi32>
        %add3A_104 = arith.addi %add3A_103, %iota3A : vector<16xi32>
        %mul3A_105 = arith.constant 8 : i32
        %mul3A_106 = vector.broadcast %mul3A_105 : i32 to vector<16xi32>
        %mul3A_107 = arith.muli %add3A_104, %mul3A_106 : vector<16xi32>
        %add3A_108 = arith.constant 0 : i32
        %add3A_109 = vector.broadcast %add3A_108 : i32 to vector<16xi32>
        %add3A_110 = arith.addi %mul3A_107, %add3A_109 : vector<16xi32>
        %gather3A = tpu.vector_load_idx %arg8[%add3A_110] : memref<3072xi32, #tpu.memory_space<vmem>>[vector<16xi32>], vector<16xi32>,
        %add3A_111 = arith.constant 1 : i32
        %add3A_112 = vector.broadcast %add3A_111 : i32 to vector<16xi32>
        %add3A_113 = arith.addi %mul3A_107, %add3A_112 : vector<16xi32>
        %gather3A_114 = tpu.vector_load_idx %arg8[%add3A_113] : memref<3072xi32, #tpu.memory_space<vmem>>[vector<16xi32>], vector<16xi32>,
        %add3A_115 = arith.constant 2 : i32
        %add3A_116 = vector.broadcast %add3A_115 : i32 to vector<16xi32>
        %add3A_117 = arith.addi %mul3A_107, %add3A_116 : vector<16xi32>
        %gather3A_118 = tpu.vector_load_idx %arg8[%add3A_117] : memref<3072xi32, #tpu.memory_space<vmem>>[vector<16xi32>], vector<16xi32>,
        %add3A_119 = arith.constant 3 : i32
        %add3A_120 = vector.broadcast %add3A_119 : i32 to vector<16xi32>
        %add3A_121 = arith.addi %mul3A_107, %add3A_120 : vector<16xi32>
        %gather3A_122 = tpu.vector_load_idx %arg8[%add3A_121] : memref<3072xi32, #tpu.memory_space<vmem>>[vector<16xi32>], vector<16xi32>,
        %add3A_123 = arith.constant 4 : i32
        %add3A_124 = vector.broadcast %add3A_123 : i32 to vector<16xi32>
        %add3A_125 = arith.addi %mul3A_107, %add3A_124 : vector<16xi32>
        %gather3A_126 = tpu.vector_load_idx %arg8[%add3A_125] : memref<3072xi32, #tpu.memory_space<vmem>>[vector<16xi32>], vector<16xi32>,
        %add3A_127 = arith.constant 5 : i32
        %add3A_128 = vector.broadcast %add3A_127 : i32 to vector<16xi32>
        %add3A_129 = arith.addi %mul3A_107, %add3A_128 : vector<16xi32>
        %gather3A_130 = tpu.vector_load_idx %arg8[%add3A_129] : memref<3072xi32, #tpu.memory_space<vmem>>[vector<16xi32>], vector<16xi32>,
        %add3A_131 = arith.constant 6 : i32
        %add3A_132 = vector.broadcast %add3A_131 : i32 to vector<16xi32>
        %add3A_133 = arith.addi %mul3A_107, %add3A_132 : vector<16xi32>
        %gather3A_134 = tpu.vector_load_idx %arg8[%add3A_133] : memref<3072xi32, #tpu.memory_space<vmem>>[vector<16xi32>], vector<16xi32>,
        %add3A_135 = arith.constant 7 : i32
        %add3A_136 = vector.broadcast %add3A_135 : i32 to vector<16xi32>
        %add3A_137 = arith.addi %mul3A_107, %add3A_136 : vector<16xi32>
        %gather3A_138 = tpu.vector_load_idx %arg8[%add3A_137] : memref<3072xi32, #tpu.memory_space<vmem>>[vector<16xi32>], vector<16xi32>,
        %add3A_139 = arith.constant 0 : i32
        %add3A_140 = vector.broadcast %add3A_139 : i32 to vector<16xi32>
        %add3A_141 = arith.addi %mul3A_107, %add3A_140 : vector<16xi32>
        %gather3A_142 = tpu.vector_load_idx %arg10[%add3A_141] : memref<3072xf32, #tpu.memory_space<vmem>>[vector<16xi32>], vector<16xf32>,
        %add3A_143 = arith.constant 1 : i32
        %add3A_144 = vector.broadcast %add3A_143 : i32 to vector<16xi32>
        %add3A_145 = arith.addi %mul3A_107, %add3A_144 : vector<16xi32>
        %gather3A_146 = tpu.vector_load_idx %arg10[%add3A_145] : memref<3072xf32, #tpu.memory_space<vmem>>[vector<16xi32>], vector<16xf32>,
        %add3A_147 = arith.constant 2 : i32
        %add3A_148 = vector.broadcast %add3A_147 : i32 to vector<16xi32>
        %add3A_149 = arith.addi %mul3A_107, %add3A_148 : vector<16xi32>
        %gather3A_150 = tpu.vector_load_idx %arg10[%add3A_149] : memref<3072xf32, #tpu.memory_space<vmem>>[vector<16xi32>], vector<16xf32>,
        %add3A_151 = arith.constant 3 : i32
        %add3A_152 = vector.broadcast %add3A_151 : i32 to vector<16xi32>
        %add3A_153 = arith.addi %mul3A_107, %add3A_152 : vector<16xi32>
        %gather3A_154 = tpu.vector_load_idx %arg10[%add3A_153] : memref<3072xf32, #tpu.memory_space<vmem>>[vector<16xi32>], vector<16xf32>,
        %add3A_155 = arith.constant 4 : i32
        %add3A_156 = vector.broadcast %add3A_155 : i32 to vector<16xi32>
        %add3A_157 = arith.addi %mul3A_107, %add3A_156 : vector<16xi32>
        %gather3A_158 = tpu.vector_load_idx %arg10[%add3A_157] : memref<3072xf32, #tpu.memory_space<vmem>>[vector<16xi32>], vector<16xf32>,
        %add3A_159 = arith.constant 5 : i32
        %add3A_160 = vector.broadcast %add3A_159 : i32 to vector<16xi32>
        %add3A_161 = arith.addi %mul3A_107, %add3A_160 : vector<16xi32>
        %gather3A_162 = tpu.vector_load_idx %arg10[%add3A_161] : memref<3072xf32, #tpu.memory_space<vmem>>[vector<16xi32>], vector<16xf32>,
        %add3A_163 = arith.constant 6 : i32
        %add3A_164 = vector.broadcast %add3A_163 : i32 to vector<16xi32>
        %add3A_165 = arith.addi %mul3A_107, %add3A_164 : vector<16xi32>
        %gather3A_166 = tpu.vector_load_idx %arg10[%add3A_165] : memref<3072xf32, #tpu.memory_space<vmem>>[vector<16xi32>], vector<16xf32>,
        %add3A_167 = arith.constant 7 : i32
        %add3A_168 = vector.broadcast %add3A_167 : i32 to vector<16xi32>
        %add3A_169 = arith.addi %mul3A_107, %add3A_168 : vector<16xi32>
        %gather3A_170 = tpu.vector_load_idx %arg10[%add3A_169] : memref<3072xf32, #tpu.memory_space<vmem>>[vector<16xi32>], vector<16xf32>,
        %mul3A_171 = arith.constant 16 : i32
        %mul3A_172 = arith.muli %scan3A_99, %mul3A_171 : i32
        %scan3A_173 = arith.constant 0 : i32
        %scan3A_174 = arith.constant 0 : i32
        %scan3A_175 = arith.constant 4 : i32
        %scan3A_176 = arith.addi %scan3A_174, %scan3A_175 : i32
        %scan3A_177 = arith.constant 1 : i32
        %scan3A_178 = scf.for %scan3A_181 = %scan3A_174 to %scan3A_176 step %scan3A_177 iter_args(%scan3A_182 = %scan3A_173) -> (i32)  : i32 {
          %mul3A_183 = arith.constant 8 : i32
          %mul3A_184 = arith.muli %scan3A_181, %mul3A_183 : i32
          %add3A_185 = arith.constant 0 : i32
          %add3A_186 = arith.addi %mul3A_184, %add3A_185 : i32
          %mul3A_187 = arith.constant 2688 : i32
          %mul3A_188 = arith.muli %add3A_186, %mul3A_187 : i32
          %add3A_189 = vector.broadcast %mul3A_188 : i32 to vector<16xi32>
          %add3A_190 = arith.addi %add3A_189, %gather3A : vector<16xi32>
          %gather3A_191 = tpu.vector_load_idx %arg6[%add3A_190] : memref<86016xf32, #tpu.memory_space<vmem>>[vector<16xi32>], vector<16xf32>,
          %mul3A_192 = arith.mulf %gather3A_191, %gather3A_142 : vector<16xf32>
          %add3A_193 = vector.broadcast %mul3A_188 : i32 to vector<16xi32>
          %add3A_194 = arith.addi %add3A_193, %gather3A_114 : vector<16xi32>
          %gather3A_195 = tpu.vector_load_idx %arg6[%add3A_194] : memref<86016xf32, #tpu.memory_space<vmem>>[vector<16xi32>], vector<16xf32>,
          %mul3A_196 = arith.mulf %gather3A_195, %gather3A_146 : vector<16xf32>
          %add3A_197 = arith.addf %mul3A_192, %mul3A_196 : vector<16xf32>
          %add3A_198 = vector.broadcast %mul3A_188 : i32 to vector<16xi32>
          %add3A_199 = arith.addi %add3A_198, %gather3A_118 : vector<16xi32>
          %gather3A_200 = tpu.vector_load_idx %arg6[%add3A_199] : memref<86016xf32, #tpu.memory_space<vmem>>[vector<16xi32>], vector<16xf32>,
          %mul3A_201 = arith.mulf %gather3A_200, %gather3A_150 : vector<16xf32>
          %add3A_202 = arith.addf %add3A_197, %mul3A_201 : vector<16xf32>
          %add3A_203 = vector.broadcast %mul3A_188 : i32 to vector<16xi32>
          %add3A_204 = arith.addi %add3A_203, %gather3A_122 : vector<16xi32>
          %gather3A_205 = tpu.vector_load_idx %arg6[%add3A_204] : memref<86016xf32, #tpu.memory_space<vmem>>[vector<16xi32>], vector<16xf32>,
          %mul3A_206 = arith.mulf %gather3A_205, %gather3A_154 : vector<16xf32>
          %add3A_207 = arith.addf %add3A_202, %mul3A_206 : vector<16xf32>
          %add3A_208 = vector.broadcast %mul3A_188 : i32 to vector<16xi32>
          %add3A_209 = arith.addi %add3A_208, %gather3A_126 : vector<16xi32>
          %gather3A_210 = tpu.vector_load_idx %arg6[%add3A_209] : memref<86016xf32, #tpu.memory_space<vmem>>[vector<16xi32>], vector<16xf32>,
          %mul3A_211 = arith.mulf %gather3A_210, %gather3A_158 : vector<16xf32>
          %add3A_212 = arith.addf %add3A_207, %mul3A_211 : vector<16xf32>
          %add3A_213 = vector.broadcast %mul3A_188 : i32 to vector<16xi32>
          %add3A_214 = arith.addi %add3A_213, %gather3A_130 : vector<16xi32>
          %gather3A_215 = tpu.vector_load_idx %arg6[%add3A_214] : memref<86016xf32, #tpu.memory_space<vmem>>[vector<16xi32>], vector<16xf32>,
          %mul3A_216 = arith.mulf %gather3A_215, %gather3A_162 : vector<16xf32>
          %add3A_217 = arith.addf %add3A_212, %mul3A_216 : vector<16xf32>
          %add3A_218 = vector.broadcast %mul3A_188 : i32 to vector<16xi32>
          %add3A_219 = arith.addi %add3A_218, %gather3A_134 : vector<16xi32>
          %gather3A_220 = tpu.vector_load_idx %arg6[%add3A_219] : memref<86016xf32, #tpu.memory_space<vmem>>[vector<16xi32>], vector<16xf32>,
          %mul3A_221 = arith.mulf %gather3A_220, %gather3A_166 : vector<16xf32>
          %add3A_222 = arith.addf %add3A_217, %mul3A_221 : vector<16xf32>
          %add3A_223 = vector.broadcast %mul3A_188 : i32 to vector<16xi32>
          %add3A_224 = arith.addi %add3A_223, %gather3A_138 : vector<16xi32>
          %gather3A_225 = tpu.vector_load_idx %arg6[%add3A_224] : memref<86016xf32, #tpu.memory_space<vmem>>[vector<16xi32>], vector<16xf32>,
          %mul3A_226 = arith.mulf %gather3A_225, %gather3A_170 : vector<16xf32>
          %add3A_227 = arith.addf %add3A_222, %mul3A_226 : vector<16xf32>
          %swap3A = arith.index_cast %add3A_186 : i32 to index
          %swap3A_228 = arith.index_cast %mul3A_172 : i32 to index
          %swap3A_229 = tpu.vector_load %arg12[%swap3A, %swap3A_228] {strides = array<i32>} : memref<32x384xf32, #tpu.memory_space<vmem>>, vector<16xf32>,
          tpu.vector_store %arg12[%swap3A, %swap3A_228], %add3A_227 {strides = array<i32>} : memref<32x384xf32, #tpu.memory_space<vmem>>, vector<16xf32>,
          %mul3A_230 = arith.constant 8 : i32
          %mul3A_231 = arith.muli %scan3A_181, %mul3A_230 : i32
          %add3A_232 = arith.constant 1 : i32
          %add3A_233 = arith.addi %mul3A_231, %add3A_232 : i32
          %mul3A_234 = arith.constant 2688 : i32
          %mul3A_235 = arith.muli %add3A_233, %mul3A_234 : i32
          %add3A_236 = vector.broadcast %mul3A_235 : i32 to vector<16xi32>
          %add3A_237 = arith.addi %add3A_236, %gather3A : vector<16xi32>
          %gather3A_238 = tpu.vector_load_idx %arg6[%add3A_237] : memref<86016xf32, #tpu.memory_space<vmem>>[vector<16xi32>], vector<16xf32>,
          %mul3A_239 = arith.mulf %gather3A_238, %gather3A_142 : vector<16xf32>
          %add3A_240 = vector.broadcast %mul3A_235 : i32 to vector<16xi32>
          %add3A_241 = arith.addi %add3A_240, %gather3A_114 : vector<16xi32>
          %gather3A_242 = tpu.vector_load_idx %arg6[%add3A_241] : memref<86016xf32, #tpu.memory_space<vmem>>[vector<16xi32>], vector<16xf32>,
          %mul3A_243 = arith.mulf %gather3A_242, %gather3A_146 : vector<16xf32>
          %add3A_244 = arith.addf %mul3A_239, %mul3A_243 : vector<16xf32>
          %add3A_245 = vector.broadcast %mul3A_235 : i32 to vector<16xi32>
          %add3A_246 = arith.addi %add3A_245, %gather3A_118 : vector<16xi32>
          %gather3A_247 = tpu.vector_load_idx %arg6[%add3A_246] : memref<86016xf32, #tpu.memory_space<vmem>>[vector<16xi32>], vector<16xf32>,
          %mul3A_248 = arith.mulf %gather3A_247, %gather3A_150 : vector<16xf32>
          %add3A_249 = arith.addf %add3A_244, %mul3A_248 : vector<16xf32>
          %add3A_250 = vector.broadcast %mul3A_235 : i32 to vector<16xi32>
          %add3A_251 = arith.addi %add3A_250, %gather3A_122 : vector<16xi32>
          %gather3A_252 = tpu.vector_load_idx %arg6[%add3A_251] : memref<86016xf32, #tpu.memory_space<vmem>>[vector<16xi32>], vector<16xf32>,
          %mul3A_253 = arith.mulf %gather3A_252, %gather3A_154 : vector<16xf32>
          %add3A_254 = arith.addf %add3A_249, %mul3A_253 : vector<16xf32>
          %add3A_255 = vector.broadcast %mul3A_235 : i32 to vector<16xi32>
          %add3A_256 = arith.addi %add3A_255, %gather3A_126 : vector<16xi32>
          %gather3A_257 = tpu.vector_load_idx %arg6[%add3A_256] : memref<86016xf32, #tpu.memory_space<vmem>>[vector<16xi32>], vector<16xf32>,
          %mul3A_258 = arith.mulf %gather3A_257, %gather3A_158 : vector<16xf32>
          %add3A_259 = arith.addf %add3A_254, %mul3A_258 : vector<16xf32>
          %add3A_260 = vector.broadcast %mul3A_235 : i32 to vector<16xi32>
          %add3A_261 = arith.addi %add3A_260, %gather3A_130 : vector<16xi32>
          %gather3A_262 = tpu.vector_load_idx %arg6[%add3A_261] : memref<86016xf32, #tpu.memory_space<vmem>>[vector<16xi32>], vector<16xf32>,
          %mul3A_263 = arith.mulf %gather3A_262, %gather3A_162 : vector<16xf32>
          %add3A_264 = arith.addf %add3A_259, %mul3A_263 : vector<16xf32>
          %add3A_265 = vector.broadcast %mul3A_235 : i32 to vector<16xi32>
          %add3A_266 = arith.addi %add3A_265, %gather3A_134 : vector<16xi32>
          %gather3A_267 = tpu.vector_load_idx %arg6[%add3A_266] : memref<86016xf32, #tpu.memory_space<vmem>>[vector<16xi32>], vector<16xf32>,
          %mul3A_268 = arith.mulf %gather3A_267, %gather3A_166 : vector<16xf32>
          %add3A_269 = arith.addf %add3A_264, %mul3A_268 : vector<16xf32>
          %add3A_270 = vector.broadcast %mul3A_235 : i32 to vector<16xi32>
          %add3A_271 = arith.addi %add3A_270, %gather3A_138 : vector<16xi32>
          %gather3A_272 = tpu.vector_load_idx %arg6[%add3A_271] : memref<86016xf32, #tpu.memory_space<vmem>>[vector<16xi32>], vector<16xf32>,
          %mul3A_273 = arith.mulf %gather3A_272, %gather3A_170 : vector<16xf32>
          %add3A_274 = arith.addf %add3A_269, %mul3A_273 : vector<16xf32>
          %swap3A_275 = arith.index_cast %add3A_233 : i32 to index
          %swap3A_276 = arith.index_cast %mul3A_172 : i32 to index
          %swap3A_277 = tpu.vector_load %arg12[%swap3A_275, %swap3A_276] {strides = array<i32>} : memref<32x384xf32, #tpu.memory_space<vmem>>, vector<16xf32>,
          tpu.vector_store %arg12[%swap3A_275, %swap3A_276], %add3A_274 {strides = array<i32>} : memref<32x384xf32, #tpu.memory_space<vmem>>, vector<16xf32>,
          %mul3A_278 = arith.constant 8 : i32
          %mul3A_279 = arith.muli %scan3A_181, %mul3A_278 : i32
          %add3A_280 = arith.constant 2 : i32
          %add3A_281 = arith.addi %mul3A_279, %add3A_280 : i32
          %mul3A_282 = arith.constant 2688 : i32
          %mul3A_283 = arith.muli %add3A_281, %mul3A_282 : i32
          %add3A_284 = vector.broadcast %mul3A_283 : i32 to vector<16xi32>
          %add3A_285 = arith.addi %add3A_284, %gather3A : vector<16xi32>
          %gather3A_286 = tpu.vector_load_idx %arg6[%add3A_285] : memref<86016xf32, #tpu.memory_space<vmem>>[vector<16xi32>], vector<16xf32>,
          %mul3A_287 = arith.mulf %gather3A_286, %gather3A_142 : vector<16xf32>
          %add3A_288 = vector.broadcast %mul3A_283 : i32 to vector<16xi32>
          %add3A_289 = arith.addi %add3A_288, %gather3A_114 : vector<16xi32>
          %gather3A_290 = tpu.vector_load_idx %arg6[%add3A_289] : memref<86016xf32, #tpu.memory_space<vmem>>[vector<16xi32>], vector<16xf32>,
          %mul3A_291 = arith.mulf %gather3A_290, %gather3A_146 : vector<16xf32>
          %add3A_292 = arith.addf %mul3A_287, %mul3A_291 : vector<16xf32>
          %add3A_293 = vector.broadcast %mul3A_283 : i32 to vector<16xi32>
          %add3A_294 = arith.addi %add3A_293, %gather3A_118 : vector<16xi32>
          %gather3A_295 = tpu.vector_load_idx %arg6[%add3A_294] : memref<86016xf32, #tpu.memory_space<vmem>>[vector<16xi32>], vector<16xf32>,
          %mul3A_296 = arith.mulf %gather3A_295, %gather3A_150 : vector<16xf32>
          %add3A_297 = arith.addf %add3A_292, %mul3A_296 : vector<16xf32>
          %add3A_298 = vector.broadcast %mul3A_283 : i32 to vector<16xi32>
          %add3A_299 = arith.addi %add3A_298, %gather3A_122 : vector<16xi32>
          %gather3A_300 = tpu.vector_load_idx %arg6[%add3A_299] : memref<86016xf32, #tpu.memory_space<vmem>>[vector<16xi32>], vector<16xf32>,
          %mul3A_301 = arith.mulf %gather3A_300, %gather3A_154 : vector<16xf32>
          %add3A_302 = arith.addf %add3A_297, %mul3A_301 : vector<16xf32>
          %add3A_303 = vector.broadcast %mul3A_283 : i32 to vector<16xi32>
          %add3A_304 = arith.addi %add3A_303, %gather3A_126 : vector<16xi32>
          %gather3A_305 = tpu.vector_load_idx %arg6[%add3A_304] : memref<86016xf32, #tpu.memory_space<vmem>>[vector<16xi32>], vector<16xf32>,
          %mul3A_306 = arith.mulf %gather3A_305, %gather3A_158 : vector<16xf32>
          %add3A_307 = arith.addf %add3A_302, %mul3A_306 : vector<16xf32>
          %add3A_308 = vector.broadcast %mul3A_283 : i32 to vector<16xi32>
          %add3A_309 = arith.addi %add3A_308, %gather3A_130 : vector<16xi32>
          %gather3A_310 = tpu.vector_load_idx %arg6[%add3A_309] : memref<86016xf32, #tpu.memory_space<vmem>>[vector<16xi32>], vector<16xf32>,
          %mul3A_311 = arith.mulf %gather3A_310, %gather3A_162 : vector<16xf32>
          %add3A_312 = arith.addf %add3A_307, %mul3A_311 : vector<16xf32>
          %add3A_313 = vector.broadcast %mul3A_283 : i32 to vector<16xi32>
          %add3A_314 = arith.addi %add3A_313, %gather3A_134 : vector<16xi32>
          %gather3A_315 = tpu.vector_load_idx %arg6[%add3A_314] : memref<86016xf32, #tpu.memory_space<vmem>>[vector<16xi32>], vector<16xf32>,
          %mul3A_316 = arith.mulf %gather3A_315, %gather3A_166 : vector<16xf32>
          %add3A_317 = arith.addf %add3A_312, %mul3A_316 : vector<16xf32>
          %add3A_318 = vector.broadcast %mul3A_283 : i32 to vector<16xi32>
          %add3A_319 = arith.addi %add3A_318, %gather3A_138 : vector<16xi32>
          %gather3A_320 = tpu.vector_load_idx %arg6[%add3A_319] : memref<86016xf32, #tpu.memory_space<vmem>>[vector<16xi32>], vector<16xf32>,
          %mul3A_321 = arith.mulf %gather3A_320, %gather3A_170 : vector<16xf32>
          %add3A_322 = arith.addf %add3A_317, %mul3A_321 : vector<16xf32>
          %swap3A_323 = arith.index_cast %add3A_281 : i32 to index
          %swap3A_324 = arith.index_cast %mul3A_172 : i32 to index
          %swap3A_325 = tpu.vector_load %arg12[%swap3A_323, %swap3A_324] {strides = array<i32>} : memref<32x384xf32, #tpu.memory_space<vmem>>, vector<16xf32>,
          tpu.vector_store %arg12[%swap3A_323, %swap3A_324], %add3A_322 {strides = array<i32>} : memref<32x384xf32, #tpu.memory_space<vmem>>, vector<16xf32>,
          %mul3A_326 = arith.constant 8 : i32
          %mul3A_327 = arith.muli %scan3A_181, %mul3A_326 : i32
          %add3A_328 = arith.constant 3 : i32
          %add3A_329 = arith.addi %mul3A_327, %add3A_328 : i32
          %mul3A_330 = arith.constant 2688 : i32
          %mul3A_331 = arith.muli %add3A_329, %mul3A_330 : i32
          %add3A_332 = vector.broadcast %mul3A_331 : i32 to vector<16xi32>
          %add3A_333 = arith.addi %add3A_332, %gather3A : vector<16xi32>
          %gather3A_334 = tpu.vector_load_idx %arg6[%add3A_333] : memref<86016xf32, #tpu.memory_space<vmem>>[vector<16xi32>], vector<16xf32>,
          %mul3A_335 = arith.mulf %gather3A_334, %gather3A_142 : vector<16xf32>
          %add3A_336 = vector.broadcast %mul3A_331 : i32 to vector<16xi32>
          %add3A_337 = arith.addi %add3A_336, %gather3A_114 : vector<16xi32>
          %gather3A_338 = tpu.vector_load_idx %arg6[%add3A_337] : memref<86016xf32, #tpu.memory_space<vmem>>[vector<16xi32>], vector<16xf32>,
          %mul3A_339 = arith.mulf %gather3A_338, %gather3A_146 : vector<16xf32>
          %add3A_340 = arith.addf %mul3A_335, %mul3A_339 : vector<16xf32>
          %add3A_341 = vector.broadcast %mul3A_331 : i32 to vector<16xi32>
          %add3A_342 = arith.addi %add3A_341, %gather3A_118 : vector<16xi32>
          %gather3A_343 = tpu.vector_load_idx %arg6[%add3A_342] : memref<86016xf32, #tpu.memory_space<vmem>>[vector<16xi32>], vector<16xf32>,
          %mul3A_344 = arith.mulf %gather3A_343, %gather3A_150 : vector<16xf32>
          %add3A_345 = arith.addf %add3A_340, %mul3A_344 : vector<16xf32>
          %add3A_346 = vector.broadcast %mul3A_331 : i32 to vector<16xi32>
          %add3A_347 = arith.addi %add3A_346, %gather3A_122 : vector<16xi32>
          %gather3A_348 = tpu.vector_load_idx %arg6[%add3A_347] : memref<86016xf32, #tpu.memory_space<vmem>>[vector<16xi32>], vector<16xf32>,
          %mul3A_349 = arith.mulf %gather3A_348, %gather3A_154 : vector<16xf32>
          %add3A_350 = arith.addf %add3A_345, %mul3A_349 : vector<16xf32>
          %add3A_351 = vector.broadcast %mul3A_331 : i32 to vector<16xi32>
          %add3A_352 = arith.addi %add3A_351, %gather3A_126 : vector<16xi32>
          %gather3A_353 = tpu.vector_load_idx %arg6[%add3A_352] : memref<86016xf32, #tpu.memory_space<vmem>>[vector<16xi32>], vector<16xf32>,
          %mul3A_354 = arith.mulf %gather3A_353, %gather3A_158 : vector<16xf32>
          %add3A_355 = arith.addf %add3A_350, %mul3A_354 : vector<16xf32>
          %add3A_356 = vector.broadcast %mul3A_331 : i32 to vector<16xi32>
          %add3A_357 = arith.addi %add3A_356, %gather3A_130 : vector<16xi32>
          %gather3A_358 = tpu.vector_load_idx %arg6[%add3A_357] : memref<86016xf32, #tpu.memory_space<vmem>>[vector<16xi32>], vector<16xf32>,
          %mul3A_359 = arith.mulf %gather3A_358, %gather3A_162 : vector<16xf32>
          %add3A_360 = arith.addf %add3A_355, %mul3A_359 : vector<16xf32>
          %add3A_361 = vector.broadcast %mul3A_331 : i32 to vector<16xi32>
          %add3A_362 = arith.addi %add3A_361, %gather3A_134 : vector<16xi32>
          %gather3A_363 = tpu.vector_load_idx %arg6[%add3A_362] : memref<86016xf32, #tpu.memory_space<vmem>>[vector<16xi32>], vector<16xf32>,
          %mul3A_364 = arith.mulf %gather3A_363, %gather3A_166 : vector<16xf32>
          %add3A_365 = arith.addf %add3A_360, %mul3A_364 : vector<16xf32>
          %add3A_366 = vector.broadcast %mul3A_331 : i32 to vector<16xi32>
          %add3A_367 = arith.addi %add3A_366, %gather3A_138 : vector<16xi32>
          %gather3A_368 = tpu.vector_load_idx %arg6[%add3A_367] : memref<86016xf32, #tpu.memory_space<vmem>>[vector<16xi32>], vector<16xf32>,
          %mul3A_369 = arith.mulf %gather3A_368, %gather3A_170 : vector<16xf32>
          %add3A_370 = arith.addf %add3A_365, %mul3A_369 : vector<16xf32>
          %swap3A_371 = arith.index_cast %add3A_329 : i32 to index
          %swap3A_372 = arith.index_cast %mul3A_172 : i32 to index
          %swap3A_373 = tpu.vector_load %arg12[%swap3A_371, %swap3A_372] {strides = array<i32>} : memref<32x384xf32, #tpu.memory_space<vmem>>, vector<16xf32>,
          tpu.vector_store %arg12[%swap3A_371, %swap3A_372], %add3A_370 {strides = array<i32>} : memref<32x384xf32, #tpu.memory_space<vmem>>, vector<16xf32>,
          %mul3A_374 = arith.constant 8 : i32
          %mul3A_375 = arith.muli %scan3A_181, %mul3A_374 : i32
          %add3A_376 = arith.constant 4 : i32
          %add3A_377 = arith.addi %mul3A_375, %add3A_376 : i32
          %mul3A_378 = arith.constant 2688 : i32
          %mul3A_379 = arith.muli %add3A_377, %mul3A_378 : i32
          %add3A_380 = vector.broadcast %mul3A_379 : i32 to vector<16xi32>
          %add3A_381 = arith.addi %add3A_380, %gather3A : vector<16xi32>
          %gather3A_382 = tpu.vector_load_idx %arg6[%add3A_381] : memref<86016xf32, #tpu.memory_space<vmem>>[vector<16xi32>], vector<16xf32>,
          %mul3A_383 = arith.mulf %gather3A_382, %gather3A_142 : vector<16xf32>
          %add3A_384 = vector.broadcast %mul3A_379 : i32 to vector<16xi32>
          %add3A_385 = arith.addi %add3A_384, %gather3A_114 : vector<16xi32>
          %gather3A_386 = tpu.vector_load_idx %arg6[%add3A_385] : memref<86016xf32, #tpu.memory_space<vmem>>[vector<16xi32>], vector<16xf32>,
          %mul3A_387 = arith.mulf %gather3A_386, %gather3A_146 : vector<16xf32>
          %add3A_388 = arith.addf %mul3A_383, %mul3A_387 : vector<16xf32>
          %add3A_389 = vector.broadcast %mul3A_379 : i32 to vector<16xi32>
          %add3A_390 = arith.addi %add3A_389, %gather3A_118 : vector<16xi32>
          %gather3A_391 = tpu.vector_load_idx %arg6[%add3A_390] : memref<86016xf32, #tpu.memory_space<vmem>>[vector<16xi32>], vector<16xf32>,
          %mul3A_392 = arith.mulf %gather3A_391, %gather3A_150 : vector<16xf32>
          %add3A_393 = arith.addf %add3A_388, %mul3A_392 : vector<16xf32>
          %add3A_394 = vector.broadcast %mul3A_379 : i32 to vector<16xi32>
          %add3A_395 = arith.addi %add3A_394, %gather3A_122 : vector<16xi32>
          %gather3A_396 = tpu.vector_load_idx %arg6[%add3A_395] : memref<86016xf32, #tpu.memory_space<vmem>>[vector<16xi32>], vector<16xf32>,
          %mul3A_397 = arith.mulf %gather3A_396, %gather3A_154 : vector<16xf32>
          %add3A_398 = arith.addf %add3A_393, %mul3A_397 : vector<16xf32>
          %add3A_399 = vector.broadcast %mul3A_379 : i32 to vector<16xi32>
          %add3A_400 = arith.addi %add3A_399, %gather3A_126 : vector<16xi32>
          %gather3A_401 = tpu.vector_load_idx %arg6[%add3A_400] : memref<86016xf32, #tpu.memory_space<vmem>>[vector<16xi32>], vector<16xf32>,
          %mul3A_402 = arith.mulf %gather3A_401, %gather3A_158 : vector<16xf32>
          %add3A_403 = arith.addf %add3A_398, %mul3A_402 : vector<16xf32>
          %add3A_404 = vector.broadcast %mul3A_379 : i32 to vector<16xi32>
          %add3A_405 = arith.addi %add3A_404, %gather3A_130 : vector<16xi32>
          %gather3A_406 = tpu.vector_load_idx %arg6[%add3A_405] : memref<86016xf32, #tpu.memory_space<vmem>>[vector<16xi32>], vector<16xf32>,
          %mul3A_407 = arith.mulf %gather3A_406, %gather3A_162 : vector<16xf32>
          %add3A_408 = arith.addf %add3A_403, %mul3A_407 : vector<16xf32>
          %add3A_409 = vector.broadcast %mul3A_379 : i32 to vector<16xi32>
          %add3A_410 = arith.addi %add3A_409, %gather3A_134 : vector<16xi32>
          %gather3A_411 = tpu.vector_load_idx %arg6[%add3A_410] : memref<86016xf32, #tpu.memory_space<vmem>>[vector<16xi32>], vector<16xf32>,
          %mul3A_412 = arith.mulf %gather3A_411, %gather3A_166 : vector<16xf32>
          %add3A_413 = arith.addf %add3A_408, %mul3A_412 : vector<16xf32>
          %add3A_414 = vector.broadcast %mul3A_379 : i32 to vector<16xi32>
          %add3A_415 = arith.addi %add3A_414, %gather3A_138 : vector<16xi32>
          %gather3A_416 = tpu.vector_load_idx %arg6[%add3A_415] : memref<86016xf32, #tpu.memory_space<vmem>>[vector<16xi32>], vector<16xf32>,
          %mul3A_417 = arith.mulf %gather3A_416, %gather3A_170 : vector<16xf32>
          %add3A_418 = arith.addf %add3A_413, %mul3A_417 : vector<16xf32>
          %swap3A_419 = arith.index_cast %add3A_377 : i32 to index
          %swap3A_420 = arith.index_cast %mul3A_172 : i32 to index
          %swap3A_421 = tpu.vector_load %arg12[%swap3A_419, %swap3A_420] {strides = array<i32>} : memref<32x384xf32, #tpu.memory_space<vmem>>, vector<16xf32>,
          tpu.vector_store %arg12[%swap3A_419, %swap3A_420], %add3A_418 {strides = array<i32>} : memref<32x384xf32, #tpu.memory_space<vmem>>, vector<16xf32>,
          %mul3A_422 = arith.constant 8 : i32
          %mul3A_423 = arith.muli %scan3A_181, %mul3A_422 : i32
          %add3A_424 = arith.constant 5 : i32
          %add3A_425 = arith.addi %mul3A_423, %add3A_424 : i32
          %mul3A_426 = arith.constant 2688 : i32
          %mul3A_427 = arith.muli %add3A_425, %mul3A_426 : i32
          %add3A_428 = vector.broadcast %mul3A_427 : i32 to vector<16xi32>
          %add3A_429 = arith.addi %add3A_428, %gather3A : vector<16xi32>
          %gather3A_430 = tpu.vector_load_idx %arg6[%add3A_429] : memref<86016xf32, #tpu.memory_space<vmem>>[vector<16xi32>], vector<16xf32>,
          %mul3A_431 = arith.mulf %gather3A_430, %gather3A_142 : vector<16xf32>
          %add3A_432 = vector.broadcast %mul3A_427 : i32 to vector<16xi32>
          %add3A_433 = arith.addi %add3A_432, %gather3A_114 : vector<16xi32>
          %gather3A_434 = tpu.vector_load_idx %arg6[%add3A_433] : memref<86016xf32, #tpu.memory_space<vmem>>[vector<16xi32>], vector<16xf32>,
          %mul3A_435 = arith.mulf %gather3A_434, %gather3A_146 : vector<16xf32>
          %add3A_436 = arith.addf %mul3A_431, %mul3A_435 : vector<16xf32>
          %add3A_437 = vector.broadcast %mul3A_427 : i32 to vector<16xi32>
          %add3A_438 = arith.addi %add3A_437, %gather3A_118 : vector<16xi32>
          %gather3A_439 = tpu.vector_load_idx %arg6[%add3A_438] : memref<86016xf32, #tpu.memory_space<vmem>>[vector<16xi32>], vector<16xf32>,
          %mul3A_440 = arith.mulf %gather3A_439, %gather3A_150 : vector<16xf32>
          %add3A_441 = arith.addf %add3A_436, %mul3A_440 : vector<16xf32>
          %add3A_442 = vector.broadcast %mul3A_427 : i32 to vector<16xi32>
          %add3A_443 = arith.addi %add3A_442, %gather3A_122 : vector<16xi32>
          %gather3A_444 = tpu.vector_load_idx %arg6[%add3A_443] : memref<86016xf32, #tpu.memory_space<vmem>>[vector<16xi32>], vector<16xf32>,
          %mul3A_445 = arith.mulf %gather3A_444, %gather3A_154 : vector<16xf32>
          %add3A_446 = arith.addf %add3A_441, %mul3A_445 : vector<16xf32>
          %add3A_447 = vector.broadcast %mul3A_427 : i32 to vector<16xi32>
          %add3A_448 = arith.addi %add3A_447, %gather3A_126 : vector<16xi32>
          %gather3A_449 = tpu.vector_load_idx %arg6[%add3A_448] : memref<86016xf32, #tpu.memory_space<vmem>>[vector<16xi32>], vector<16xf32>,
          %mul3A_450 = arith.mulf %gather3A_449, %gather3A_158 : vector<16xf32>
          %add3A_451 = arith.addf %add3A_446, %mul3A_450 : vector<16xf32>
          %add3A_452 = vector.broadcast %mul3A_427 : i32 to vector<16xi32>
          %add3A_453 = arith.addi %add3A_452, %gather3A_130 : vector<16xi32>
          %gather3A_454 = tpu.vector_load_idx %arg6[%add3A_453] : memref<86016xf32, #tpu.memory_space<vmem>>[vector<16xi32>], vector<16xf32>,
          %mul3A_455 = arith.mulf %gather3A_454, %gather3A_162 : vector<16xf32>
          %add3A_456 = arith.addf %add3A_451, %mul3A_455 : vector<16xf32>
          %add3A_457 = vector.broadcast %mul3A_427 : i32 to vector<16xi32>
          %add3A_458 = arith.addi %add3A_457, %gather3A_134 : vector<16xi32>
          %gather3A_459 = tpu.vector_load_idx %arg6[%add3A_458] : memref<86016xf32, #tpu.memory_space<vmem>>[vector<16xi32>], vector<16xf32>,
          %mul3A_460 = arith.mulf %gather3A_459, %gather3A_166 : vector<16xf32>
          %add3A_461 = arith.addf %add3A_456, %mul3A_460 : vector<16xf32>
          %add3A_462 = vector.broadcast %mul3A_427 : i32 to vector<16xi32>
          %add3A_463 = arith.addi %add3A_462, %gather3A_138 : vector<16xi32>
          %gather3A_464 = tpu.vector_load_idx %arg6[%add3A_463] : memref<86016xf32, #tpu.memory_space<vmem>>[vector<16xi32>], vector<16xf32>,
          %mul3A_465 = arith.mulf %gather3A_464, %gather3A_170 : vector<16xf32>
          %add3A_466 = arith.addf %add3A_461, %mul3A_465 : vector<16xf32>
          %swap3A_467 = arith.index_cast %add3A_425 : i32 to index
          %swap3A_468 = arith.index_cast %mul3A_172 : i32 to index
          %swap3A_469 = tpu.vector_load %arg12[%swap3A_467, %swap3A_468] {strides = array<i32>} : memref<32x384xf32, #tpu.memory_space<vmem>>, vector<16xf32>,
          tpu.vector_store %arg12[%swap3A_467, %swap3A_468], %add3A_466 {strides = array<i32>} : memref<32x384xf32, #tpu.memory_space<vmem>>, vector<16xf32>,
          %mul3A_470 = arith.constant 8 : i32
          %mul3A_471 = arith.muli %scan3A_181, %mul3A_470 : i32
          %add3A_472 = arith.constant 6 : i32
          %add3A_473 = arith.addi %mul3A_471, %add3A_472 : i32
          %mul3A_474 = arith.constant 2688 : i32
          %mul3A_475 = arith.muli %add3A_473, %mul3A_474 : i32
          %add3A_476 = vector.broadcast %mul3A_475 : i32 to vector<16xi32>
          %add3A_477 = arith.addi %add3A_476, %gather3A : vector<16xi32>
          %gather3A_478 = tpu.vector_load_idx %arg6[%add3A_477] : memref<86016xf32, #tpu.memory_space<vmem>>[vector<16xi32>], vector<16xf32>,
          %mul3A_479 = arith.mulf %gather3A_478, %gather3A_142 : vector<16xf32>
          %add3A_480 = vector.broadcast %mul3A_475 : i32 to vector<16xi32>
          %add3A_481 = arith.addi %add3A_480, %gather3A_114 : vector<16xi32>
          %gather3A_482 = tpu.vector_load_idx %arg6[%add3A_481] : memref<86016xf32, #tpu.memory_space<vmem>>[vector<16xi32>], vector<16xf32>,
          %mul3A_483 = arith.mulf %gather3A_482, %gather3A_146 : vector<16xf32>
          %add3A_484 = arith.addf %mul3A_479, %mul3A_483 : vector<16xf32>
          %add3A_485 = vector.broadcast %mul3A_475 : i32 to vector<16xi32>
          %add3A_486 = arith.addi %add3A_485, %gather3A_118 : vector<16xi32>
          %gather3A_487 = tpu.vector_load_idx %arg6[%add3A_486] : memref<86016xf32, #tpu.memory_space<vmem>>[vector<16xi32>], vector<16xf32>,
          %mul3A_488 = arith.mulf %gather3A_487, %gather3A_150 : vector<16xf32>
          %add3A_489 = arith.addf %add3A_484, %mul3A_488 : vector<16xf32>
          %add3A_490 = vector.broadcast %mul3A_475 : i32 to vector<16xi32>
          %add3A_491 = arith.addi %add3A_490, %gather3A_122 : vector<16xi32>
          %gather3A_492 = tpu.vector_load_idx %arg6[%add3A_491] : memref<86016xf32, #tpu.memory_space<vmem>>[vector<16xi32>], vector<16xf32>,
          %mul3A_493 = arith.mulf %gather3A_492, %gather3A_154 : vector<16xf32>
          %add3A_494 = arith.addf %add3A_489, %mul3A_493 : vector<16xf32>
          %add3A_495 = vector.broadcast %mul3A_475 : i32 to vector<16xi32>
          %add3A_496 = arith.addi %add3A_495, %gather3A_126 : vector<16xi32>
          %gather3A_497 = tpu.vector_load_idx %arg6[%add3A_496] : memref<86016xf32, #tpu.memory_space<vmem>>[vector<16xi32>], vector<16xf32>,
          %mul3A_498 = arith.mulf %gather3A_497, %gather3A_158 : vector<16xf32>
          %add3A_499 = arith.addf %add3A_494, %mul3A_498 : vector<16xf32>
          %add3A_500 = vector.broadcast %mul3A_475 : i32 to vector<16xi32>
          %add3A_501 = arith.addi %add3A_500, %gather3A_130 : vector<16xi32>
          %gather3A_502 = tpu.vector_load_idx %arg6[%add3A_501] : memref<86016xf32, #tpu.memory_space<vmem>>[vector<16xi32>], vector<16xf32>,
          %mul3A_503 = arith.mulf %gather3A_502, %gather3A_162 : vector<16xf32>
          %add3A_504 = arith.addf %add3A_499, %mul3A_503 : vector<16xf32>
          %add3A_505 = vector.broadcast %mul3A_475 : i32 to vector<16xi32>
          %add3A_506 = arith.addi %add3A_505, %gather3A_134 : vector<16xi32>
          %gather3A_507 = tpu.vector_load_idx %arg6[%add3A_506] : memref<86016xf32, #tpu.memory_space<vmem>>[vector<16xi32>], vector<16xf32>,
          %mul3A_508 = arith.mulf %gather3A_507, %gather3A_166 : vector<16xf32>
          %add3A_509 = arith.addf %add3A_504, %mul3A_508 : vector<16xf32>
          %add3A_510 = vector.broadcast %mul3A_475 : i32 to vector<16xi32>
          %add3A_511 = arith.addi %add3A_510, %gather3A_138 : vector<16xi32>
          %gather3A_512 = tpu.vector_load_idx %arg6[%add3A_511] : memref<86016xf32, #tpu.memory_space<vmem>>[vector<16xi32>], vector<16xf32>,
          %mul3A_513 = arith.mulf %gather3A_512, %gather3A_170 : vector<16xf32>
          %add3A_514 = arith.addf %add3A_509, %mul3A_513 : vector<16xf32>
          %swap3A_515 = arith.index_cast %add3A_473 : i32 to index
          %swap3A_516 = arith.index_cast %mul3A_172 : i32 to index
          %swap3A_517 = tpu.vector_load %arg12[%swap3A_515, %swap3A_516] {strides = array<i32>} : memref<32x384xf32, #tpu.memory_space<vmem>>, vector<16xf32>,
          tpu.vector_store %arg12[%swap3A_515, %swap3A_516], %add3A_514 {strides = array<i32>} : memref<32x384xf32, #tpu.memory_space<vmem>>, vector<16xf32>,
          %mul3A_518 = arith.constant 8 : i32
          %mul3A_519 = arith.muli %scan3A_181, %mul3A_518 : i32
          %add3A_520 = arith.constant 7 : i32
          %add3A_521 = arith.addi %mul3A_519, %add3A_520 : i32
          %mul3A_522 = arith.constant 2688 : i32
          %mul3A_523 = arith.muli %add3A_521, %mul3A_522 : i32
          %add3A_524 = vector.broadcast %mul3A_523 : i32 to vector<16xi32>
          %add3A_525 = arith.addi %add3A_524, %gather3A : vector<16xi32>
          %gather3A_526 = tpu.vector_load_idx %arg6[%add3A_525] : memref<86016xf32, #tpu.memory_space<vmem>>[vector<16xi32>], vector<16xf32>,
          %mul3A_527 = arith.mulf %gather3A_526, %gather3A_142 : vector<16xf32>
          %add3A_528 = vector.broadcast %mul3A_523 : i32 to vector<16xi32>
          %add3A_529 = arith.addi %add3A_528, %gather3A_114 : vector<16xi32>
          %gather3A_530 = tpu.vector_load_idx %arg6[%add3A_529] : memref<86016xf32, #tpu.memory_space<vmem>>[vector<16xi32>], vector<16xf32>,
          %mul3A_531 = arith.mulf %gather3A_530, %gather3A_146 : vector<16xf32>
          %add3A_532 = arith.addf %mul3A_527, %mul3A_531 : vector<16xf32>
          %add3A_533 = vector.broadcast %mul3A_523 : i32 to vector<16xi32>
          %add3A_534 = arith.addi %add3A_533, %gather3A_118 : vector<16xi32>
          %gather3A_535 = tpu.vector_load_idx %arg6[%add3A_534] : memref<86016xf32, #tpu.memory_space<vmem>>[vector<16xi32>], vector<16xf32>,
          %mul3A_536 = arith.mulf %gather3A_535, %gather3A_150 : vector<16xf32>
          %add3A_537 = arith.addf %add3A_532, %mul3A_536 : vector<16xf32>
          %add3A_538 = vector.broadcast %mul3A_523 : i32 to vector<16xi32>
          %add3A_539 = arith.addi %add3A_538, %gather3A_122 : vector<16xi32>
          %gather3A_540 = tpu.vector_load_idx %arg6[%add3A_539] : memref<86016xf32, #tpu.memory_space<vmem>>[vector<16xi32>], vector<16xf32>,
          %mul3A_541 = arith.mulf %gather3A_540, %gather3A_154 : vector<16xf32>
          %add3A_542 = arith.addf %add3A_537, %mul3A_541 : vector<16xf32>
          %add3A_543 = vector.broadcast %mul3A_523 : i32 to vector<16xi32>
          %add3A_544 = arith.addi %add3A_543, %gather3A_126 : vector<16xi32>
          %gather3A_545 = tpu.vector_load_idx %arg6[%add3A_544] : memref<86016xf32, #tpu.memory_space<vmem>>[vector<16xi32>], vector<16xf32>,
          %mul3A_546 = arith.mulf %gather3A_545, %gather3A_158 : vector<16xf32>
          %add3A_547 = arith.addf %add3A_542, %mul3A_546 : vector<16xf32>
          %add3A_548 = vector.broadcast %mul3A_523 : i32 to vector<16xi32>
          %add3A_549 = arith.addi %add3A_548, %gather3A_130 : vector<16xi32>
          %gather3A_550 = tpu.vector_load_idx %arg6[%add3A_549] : memref<86016xf32, #tpu.memory_space<vmem>>[vector<16xi32>], vector<16xf32>,
          %mul3A_551 = arith.mulf %gather3A_550, %gather3A_162 : vector<16xf32>
          %add3A_552 = arith.addf %add3A_547, %mul3A_551 : vector<16xf32>
          %add3A_553 = vector.broadcast %mul3A_523 : i32 to vector<16xi32>
          %add3A_554 = arith.addi %add3A_553, %gather3A_134 : vector<16xi32>
          %gather3A_555 = tpu.vector_load_idx %arg6[%add3A_554] : memref<86016xf32, #tpu.memory_space<vmem>>[vector<16xi32>], vector<16xf32>,
          %mul3A_556 = arith.mulf %gather3A_555, %gather3A_166 : vector<16xf32>
          %add3A_557 = arith.addf %add3A_552, %mul3A_556 : vector<16xf32>
          %add3A_558 = vector.broadcast %mul3A_523 : i32 to vector<16xi32>
          %add3A_559 = arith.addi %add3A_558, %gather3A_138 : vector<16xi32>
          %gather3A_560 = tpu.vector_load_idx %arg6[%add3A_559] : memref<86016xf32, #tpu.memory_space<vmem>>[vector<16xi32>], vector<16xf32>,
          %mul3A_561 = arith.mulf %gather3A_560, %gather3A_170 : vector<16xf32>
          %add3A_562 = arith.addf %add3A_557, %mul3A_561 : vector<16xf32>
          %swap3A_563 = arith.index_cast %add3A_521 : i32 to index
          %swap3A_564 = arith.index_cast %mul3A_172 : i32 to index
          %swap3A_565 = tpu.vector_load %arg12[%swap3A_563, %swap3A_564] {strides = array<i32>} : memref<32x384xf32, #tpu.memory_space<vmem>>, vector<16xf32>,
          tpu.vector_store %arg12[%swap3A_563, %swap3A_564], %add3A_562 {strides = array<i32>} : memref<32x384xf32, #tpu.memory_space<vmem>>, vector<16xf32>,
          %scan3A_566 = arith.constant 0 : i32
          scf.yield %scan3A_566 : i32
        }
        %scan3A_179 = arith.constant 4 : i32
        %scan3A_180 = arith.constant 0 : i32
        scf.yield %scan3A_180 : i32
      }
      %scan3A_93 = arith.constant 24 : i32
      %mul3A_94 = arith.constant 384 : i32
      %mul3A_95 = arith.muli %add3A_86, %mul3A_94 : i32
      %dma_start3A_96 = tpu.memref_slice %arg5[%mul3A_2, %mul3A_95] : memref<1024x5376xf32, #tpu.memory_space<hbm>> -> memref<32x384xf32, #tpu.memory_space<hbm>>
      %dma_start3A_97 = tpu.memref_slice %arg5[%mul3A_2, %mul3A_95] : memref<1024x5376xf32, #tpu.memory_space<hbm>> -> memref<32x384xf32, #tpu.memory_space<hbm>>
      tpu.enqueue_dma source(%arg12 : memref<32x384xf32, #tpu.memory_space<vmem>>) target(%dma_start3A_97 : memref<32x384xf32, #tpu.memory_space<hbm>>) target_semaphore(%arg16 : memref<!tpu.dma_semaphore, #tpu.memory_space<semaphore_mem>>)
      %scan3A_98 = arith.constant 0 : i32
      scf.yield %scan3A_98 : i32
    }
    %scan3A_17 = arith.constant 7 : i32
    %dma_wait3A = arith.constant 0 : i32
    %dma_wait3A_18 = arith.constant 0 : i32
    %dma_wait3A_19 = tpu.memref_slice %arg5[%dma_wait3A, %dma_wait3A_18] : memref<1024x5376xf32, #tpu.memory_space<hbm>> -> memref<32x384xf32, #tpu.memory_space<hbm>>
    %dma_wait3A_20 = arith.constant 0 : i32
    %dma_wait3A_21 = arith.constant 0 : i32
    %dma_wait3A_22 = tpu.memref_slice %arg5[%dma_wait3A_20, %dma_wait3A_21] : memref<1024x5376xf32, #tpu.memory_space<hbm>> -> memref<32x384xf32, #tpu.memory_space<hbm>>
    tpu.wait_dma2 semaphore(%arg15 : memref<!tpu.dma_semaphore, #tpu.memory_space<semaphore_mem>>) src(%arg11 : memref<32x384xf32, #tpu.memory_space<vmem>>) dst(%dma_wait3A_22 : memref<32x384xf32, #tpu.memory_space<hbm>>)
    %dma_wait3A_23 = arith.constant 0 : i32
    %dma_wait3A_24 = arith.constant 0 : i32
    %dma_wait3A_25 = tpu.memref_slice %arg5[%dma_wait3A_23, %dma_wait3A_24] : memref<1024x5376xf32, #tpu.memory_space<hbm>> -> memref<32x384xf32, #tpu.memory_space<hbm>>
    %dma_wait3A_26 = arith.constant 0 : i32
    %dma_wait3A_27 = arith.constant 0 : i32
    %dma_wait3A_28 = tpu.memref_slice %arg5[%dma_wait3A_26, %dma_wait3A_27] : memref<1024x5376xf32, #tpu.memory_space<hbm>> -> memref<32x384xf32, #tpu.memory_space<hbm>>
    tpu.wait_dma2 semaphore(%arg16 : memref<!tpu.dma_semaphore, #tpu.memory_space<semaphore_mem>>) src(%arg12 : memref<32x384xf32, #tpu.memory_space<vmem>>) dst(%dma_wait3A_28 : memref<32x384xf32, #tpu.memory_space<hbm>>)
    return
  }
}

module attributes {stable_mosaic.version = 14 : i64} {
  func.func @_knn_kernel(%arg0: i32, %arg1: memref<256x8xf32, #tpu.memory_space<vmem>>, %arg2: memref<8x2688xf32, #tpu.memory_space<vmem>>, %arg3: memref<256x8xi32, #tpu.memory_space<vmem>>, %arg4: memref<256x8xf32, #tpu.memory_space<vmem>>) attributes {dimension_semantics = [#tpu.dimension_semantics<arbitrary>], iteration_bounds = array<i64: 21>, scalar_prefetch = 0 : i64, scratch_operands = 0 : i64, tpu.core_type = #tpu.core_type<tc>, window_params = [{transform_indices = @transform_0, window_bounds = array<i64: 256, 8>}, {pipeline_mode = #tpu.pipeline_mode<synchronous>, transform_indices = @transform_1, window_bounds = array<i64: 8, 2688>}, {transform_indices = @transform_2, window_bounds = array<i64: 256, 8>}, {transform_indices = @transform_3, window_bounds = array<i64: 256, 8>}]} {
    %get3A = arith.constant 0 : index
    %get3A_0 = arith.constant 0 : index
    %get3A_1 = vector.load %arg1[%get3A, %get3A_0] : memref<256x8xf32, #tpu.memory_space<vmem>>, vector<256x8xf32>
    %get3A_2 = arith.constant 0 : index
    %get3A_3 = arith.constant 0 : index
    %get3A_4 = vector.load %arg2[%get3A_2, %get3A_3] : memref<8x2688xf32, #tpu.memory_space<vmem>>, vector<8x2688xf32>
    %slice3A = vector.extract_strided_slice %get3A_1 {offsets = [0, 0], sizes = [256, 1], strides = [1, 1]} : vector<256x8xf32> to vector<256x1xf32>
    %slice3A_5 = vector.extract_strided_slice %get3A_1 {offsets = [0, 1], sizes = [256, 1], strides = [1, 1]} : vector<256x8xf32> to vector<256x1xf32>
    %slice3A_6 = vector.extract_strided_slice %get3A_1 {offsets = [0, 2], sizes = [256, 1], strides = [1, 1]} : vector<256x8xf32> to vector<256x1xf32>
    %slice3A_7 = vector.extract_strided_slice %get3A_4 {offsets = [0, 0], sizes = [1, 2688], strides = [1, 1]} : vector<8x2688xf32> to vector<1x2688xf32>
    %slice3A_8 = vector.extract_strided_slice %get3A_4 {offsets = [1, 0], sizes = [1, 2688], strides = [1, 1]} : vector<8x2688xf32> to vector<1x2688xf32>
    %slice3A_9 = vector.extract_strided_slice %get3A_4 {offsets = [2, 0], sizes = [1, 2688], strides = [1, 1]} : vector<8x2688xf32> to vector<1x2688xf32>
    %mul3A = arith.mulf %slice3A, %slice3A : vector<256x1xf32>
    %mul3A_10 = arith.mulf %slice3A_6, %slice3A_6 : vector<256x1xf32>
    %add3A = arith.addf %mul3A, %mul3A_10 : vector<256x1xf32>
    %mul3A_11 = arith.mulf %slice3A_5, %slice3A_5 : vector<256x1xf32>
    %add3A_12 = arith.addf %add3A, %mul3A_11 : vector<256x1xf32>
    %mul3A_13 = arith.mulf %slice3A_7, %slice3A_7 : vector<1x2688xf32>
    %mul3A_14 = arith.mulf %slice3A_9, %slice3A_9 : vector<1x2688xf32>
    %add3A_15 = arith.addf %mul3A_13, %mul3A_14 : vector<1x2688xf32>
    %mul3A_16 = arith.mulf %slice3A_8, %slice3A_8 : vector<1x2688xf32>
    %add3A_17 = arith.addf %add3A_15, %mul3A_16 : vector<1x2688xf32>
    %dot_general3A = arith.constant dense<0.000000e+00> : vector<256x2688xf32>
    %dot_general3A_18 = tpu.matmul %get3A_1, %get3A_4, %dot_general3A {dimension_numbers = #tpu.dot_dimension_numbers<[1], [0], [0], [1], [0, 0, 1, 1], [], []>, transpose_lhs_hint = false} : vector<256x8xf32>, vector<8x2688xf32>, vector<256x2688xf32> -> vector<256x2688xf32>
    %mul3A_19 = arith.constant 2.000000e+00 : f32
    %mul3A_20 = vector.broadcast %mul3A_19 : f32 to vector<256x2688xf32>
    %mul3A_21 = arith.mulf %mul3A_20, %dot_general3A_18 : vector<256x2688xf32>
    %sub3A = vector.broadcast %add3A_12 : vector<256x1xf32> to vector<256x2688xf32>
    %sub3A_22 = arith.subf %sub3A, %mul3A_21 : vector<256x2688xf32>
    %add3A_23 = vector.broadcast %add3A_17 : vector<1x2688xf32> to vector<256x2688xf32>
    %add3A_24 = arith.addf %sub3A_22, %add3A_23 : vector<256x2688xf32>
    %iota3A = tpu.iota {dimensions = array<i32: 1>} : vector<256x2688xi32>
    %convert_element_type3A = arith.sitofp %iota3A : vector<256x2688xi32> to vector<256x2688xf32>
    %broadcast_in_dim3A = arith.constant 0.000000e+00 : f32
    %broadcast_in_dim3A_25 = vector.broadcast %broadcast_in_dim3A : f32 to vector<256x1xf32>
    %reduce_min3A = arith.constant dense<0x7F800000> : vector<256xf32>
    %reduce_min3A_26 = vector.multi_reduction <minimumf>, %add3A_24, %reduce_min3A [1] : vector<256x2688xf32> to vector<256xf32>
    %broadcast_in_dim3A_27 = vector.shape_cast %reduce_min3A_26 : vector<256xf32> to vector<256x1xf32>
    %le3A = vector.broadcast %broadcast_in_dim3A_27 : vector<256x1xf32> to vector<256x2688xf32>
    %le3A_28 = arith.cmpf ole, %add3A_24, %le3A : vector<256x2688xf32>
    %jit3A = arith.constant 2.688000e+03 : f32
    %broadcast_in_dim3A_29 = vector.broadcast %jit3A : f32 to vector<256x2688xf32>
    %select_n3A = arith.select %le3A_28, %convert_element_type3A, %broadcast_in_dim3A_29 : vector<256x2688xi1>, vector<256x2688xf32>
    %reduce_min3A_30 = arith.constant dense<0x7F800000> : vector<256xf32>
    %reduce_min3A_31 = vector.multi_reduction <minimumf>, %select_n3A, %reduce_min3A_30 [1] : vector<256x2688xf32> to vector<256xf32>
    %broadcast_in_dim3A_32 = vector.shape_cast %reduce_min3A_31 : vector<256xf32> to vector<256x1xf32>
    %eq3A = vector.broadcast %broadcast_in_dim3A_32 : vector<256x1xf32> to vector<256x2688xf32>
    %eq3A_33 = arith.cmpf oeq, %convert_element_type3A, %eq3A : vector<256x2688xf32>
    %jit3A_34 = arith.constant 0x7F800000 : f32
    %broadcast_in_dim3A_35 = vector.broadcast %jit3A_34 : f32 to vector<256x2688xf32>
    %select_n3A_36 = arith.select %eq3A_33, %broadcast_in_dim3A_35, %add3A_24 : vector<256x2688xi1>, vector<256x2688xf32>
    %convert_element_type3A_37 = arith.fptosi %broadcast_in_dim3A_32 : vector<256x1xf32> to vector<256x1xi32>
    %min3A = arith.constant 2561 : i32
    %min3A_38 = vector.broadcast %min3A : i32 to vector<256x1xi32>
    %min3A_39 = arith.minsi %convert_element_type3A_37, %min3A_38 : vector<256x1xi32>
    %max3A = arith.constant 0.000000e+00 : f32
    %max3A_40 = vector.broadcast %max3A : f32 to vector<256x1xf32>
    %max3A_41 = arith.maximumf %broadcast_in_dim3A_27, %max3A_40 : vector<256x1xf32>
    %sqrt3A = math.sqrt %max3A_41 : vector<256x1xf32>
    %add3A_42 = arith.constant 9.99999993E-9 : f32
    %add3A_43 = vector.broadcast %add3A_42 : f32 to vector<256x1xf32>
    %add3A_44 = arith.addf %sqrt3A, %add3A_43 : vector<256x1xf32>
    %div3A = arith.constant 1.000000e+00 : f32
    %div3A_45 = vector.broadcast %div3A : f32 to vector<256x1xf32>
    %div3A_46 = arith.divf %div3A_45, %add3A_44 : vector<256x1xf32>
    %add3A_47 = arith.addf %broadcast_in_dim3A_25, %div3A_46 : vector<256x1xf32>
    %reduce_min3A_48 = arith.constant dense<0x7F800000> : vector<256xf32>
    %reduce_min3A_49 = vector.multi_reduction <minimumf>, %select_n3A_36, %reduce_min3A_48 [1] : vector<256x2688xf32> to vector<256xf32>
    %broadcast_in_dim3A_50 = vector.shape_cast %reduce_min3A_49 : vector<256xf32> to vector<256x1xf32>
    %le3A_51 = vector.broadcast %broadcast_in_dim3A_50 : vector<256x1xf32> to vector<256x2688xf32>
    %le3A_52 = arith.cmpf ole, %select_n3A_36, %le3A_51 : vector<256x2688xf32>
    %jit3A_53 = arith.constant 2.688000e+03 : f32
    %broadcast_in_dim3A_54 = vector.broadcast %jit3A_53 : f32 to vector<256x2688xf32>
    %select_n3A_55 = arith.select %le3A_52, %convert_element_type3A, %broadcast_in_dim3A_54 : vector<256x2688xi1>, vector<256x2688xf32>
    %reduce_min3A_56 = arith.constant dense<0x7F800000> : vector<256xf32>
    %reduce_min3A_57 = vector.multi_reduction <minimumf>, %select_n3A_55, %reduce_min3A_56 [1] : vector<256x2688xf32> to vector<256xf32>
    %broadcast_in_dim3A_58 = vector.shape_cast %reduce_min3A_57 : vector<256xf32> to vector<256x1xf32>
    %eq3A_59 = vector.broadcast %broadcast_in_dim3A_58 : vector<256x1xf32> to vector<256x2688xf32>
    %eq3A_60 = arith.cmpf oeq, %convert_element_type3A, %eq3A_59 : vector<256x2688xf32>
    %jit3A_61 = arith.constant 0x7F800000 : f32
    %broadcast_in_dim3A_62 = vector.broadcast %jit3A_61 : f32 to vector<256x2688xf32>
    %select_n3A_63 = arith.select %eq3A_60, %broadcast_in_dim3A_62, %select_n3A_36 : vector<256x2688xi1>, vector<256x2688xf32>
    %convert_element_type3A_64 = arith.fptosi %broadcast_in_dim3A_58 : vector<256x1xf32> to vector<256x1xi32>
    %min3A_65 = arith.constant 2561 : i32
    %min3A_66 = vector.broadcast %min3A_65 : i32 to vector<256x1xi32>
    %min3A_67 = arith.minsi %convert_element_type3A_64, %min3A_66 : vector<256x1xi32>
    %max3A_68 = arith.constant 0.000000e+00 : f32
    %max3A_69 = vector.broadcast %max3A_68 : f32 to vector<256x1xf32>
    %max3A_70 = arith.maximumf %broadcast_in_dim3A_50, %max3A_69 : vector<256x1xf32>
    %sqrt3A_71 = math.sqrt %max3A_70 : vector<256x1xf32>
    %add3A_72 = arith.constant 9.99999993E-9 : f32
    %add3A_73 = vector.broadcast %add3A_72 : f32 to vector<256x1xf32>
    %add3A_74 = arith.addf %sqrt3A_71, %add3A_73 : vector<256x1xf32>
    %div3A_75 = arith.constant 1.000000e+00 : f32
    %div3A_76 = vector.broadcast %div3A_75 : f32 to vector<256x1xf32>
    %div3A_77 = arith.divf %div3A_76, %add3A_74 : vector<256x1xf32>
    %add3A_78 = arith.addf %add3A_47, %div3A_77 : vector<256x1xf32>
    %reduce_min3A_79 = arith.constant dense<0x7F800000> : vector<256xf32>
    %reduce_min3A_80 = vector.multi_reduction <minimumf>, %select_n3A_63, %reduce_min3A_79 [1] : vector<256x2688xf32> to vector<256xf32>
    %broadcast_in_dim3A_81 = vector.shape_cast %reduce_min3A_80 : vector<256xf32> to vector<256x1xf32>
    %le3A_82 = vector.broadcast %broadcast_in_dim3A_81 : vector<256x1xf32> to vector<256x2688xf32>
    %le3A_83 = arith.cmpf ole, %select_n3A_63, %le3A_82 : vector<256x2688xf32>
    %jit3A_84 = arith.constant 2.688000e+03 : f32
    %broadcast_in_dim3A_85 = vector.broadcast %jit3A_84 : f32 to vector<256x2688xf32>
    %select_n3A_86 = arith.select %le3A_83, %convert_element_type3A, %broadcast_in_dim3A_85 : vector<256x2688xi1>, vector<256x2688xf32>
    %reduce_min3A_87 = arith.constant dense<0x7F800000> : vector<256xf32>
    %reduce_min3A_88 = vector.multi_reduction <minimumf>, %select_n3A_86, %reduce_min3A_87 [1] : vector<256x2688xf32> to vector<256xf32>
    %broadcast_in_dim3A_89 = vector.shape_cast %reduce_min3A_88 : vector<256xf32> to vector<256x1xf32>
    %eq3A_90 = vector.broadcast %broadcast_in_dim3A_89 : vector<256x1xf32> to vector<256x2688xf32>
    %eq3A_91 = arith.cmpf oeq, %convert_element_type3A, %eq3A_90 : vector<256x2688xf32>
    %jit3A_92 = arith.constant 0x7F800000 : f32
    %broadcast_in_dim3A_93 = vector.broadcast %jit3A_92 : f32 to vector<256x2688xf32>
    %select_n3A_94 = arith.select %eq3A_91, %broadcast_in_dim3A_93, %select_n3A_63 : vector<256x2688xi1>, vector<256x2688xf32>
    %convert_element_type3A_95 = arith.fptosi %broadcast_in_dim3A_89 : vector<256x1xf32> to vector<256x1xi32>
    %min3A_96 = arith.constant 2561 : i32
    %min3A_97 = vector.broadcast %min3A_96 : i32 to vector<256x1xi32>
    %min3A_98 = arith.minsi %convert_element_type3A_95, %min3A_97 : vector<256x1xi32>
    %max3A_99 = arith.constant 0.000000e+00 : f32
    %max3A_100 = vector.broadcast %max3A_99 : f32 to vector<256x1xf32>
    %max3A_101 = arith.maximumf %broadcast_in_dim3A_81, %max3A_100 : vector<256x1xf32>
    %sqrt3A_102 = math.sqrt %max3A_101 : vector<256x1xf32>
    %add3A_103 = arith.constant 9.99999993E-9 : f32
    %add3A_104 = vector.broadcast %add3A_103 : f32 to vector<256x1xf32>
    %add3A_105 = arith.addf %sqrt3A_102, %add3A_104 : vector<256x1xf32>
    %div3A_106 = arith.constant 1.000000e+00 : f32
    %div3A_107 = vector.broadcast %div3A_106 : f32 to vector<256x1xf32>
    %div3A_108 = arith.divf %div3A_107, %add3A_105 : vector<256x1xf32>
    %add3A_109 = arith.addf %add3A_78, %div3A_108 : vector<256x1xf32>
    %reduce_min3A_110 = arith.constant dense<0x7F800000> : vector<256xf32>
    %reduce_min3A_111 = vector.multi_reduction <minimumf>, %select_n3A_94, %reduce_min3A_110 [1] : vector<256x2688xf32> to vector<256xf32>
    %broadcast_in_dim3A_112 = vector.shape_cast %reduce_min3A_111 : vector<256xf32> to vector<256x1xf32>
    %le3A_113 = vector.broadcast %broadcast_in_dim3A_112 : vector<256x1xf32> to vector<256x2688xf32>
    %le3A_114 = arith.cmpf ole, %select_n3A_94, %le3A_113 : vector<256x2688xf32>
    %jit3A_115 = arith.constant 2.688000e+03 : f32
    %broadcast_in_dim3A_116 = vector.broadcast %jit3A_115 : f32 to vector<256x2688xf32>
    %select_n3A_117 = arith.select %le3A_114, %convert_element_type3A, %broadcast_in_dim3A_116 : vector<256x2688xi1>, vector<256x2688xf32>
    %reduce_min3A_118 = arith.constant dense<0x7F800000> : vector<256xf32>
    %reduce_min3A_119 = vector.multi_reduction <minimumf>, %select_n3A_117, %reduce_min3A_118 [1] : vector<256x2688xf32> to vector<256xf32>
    %broadcast_in_dim3A_120 = vector.shape_cast %reduce_min3A_119 : vector<256xf32> to vector<256x1xf32>
    %eq3A_121 = vector.broadcast %broadcast_in_dim3A_120 : vector<256x1xf32> to vector<256x2688xf32>
    %eq3A_122 = arith.cmpf oeq, %convert_element_type3A, %eq3A_121 : vector<256x2688xf32>
    %jit3A_123 = arith.constant 0x7F800000 : f32
    %broadcast_in_dim3A_124 = vector.broadcast %jit3A_123 : f32 to vector<256x2688xf32>
    %select_n3A_125 = arith.select %eq3A_122, %broadcast_in_dim3A_124, %select_n3A_94 : vector<256x2688xi1>, vector<256x2688xf32>
    %convert_element_type3A_126 = arith.fptosi %broadcast_in_dim3A_120 : vector<256x1xf32> to vector<256x1xi32>
    %min3A_127 = arith.constant 2561 : i32
    %min3A_128 = vector.broadcast %min3A_127 : i32 to vector<256x1xi32>
    %min3A_129 = arith.minsi %convert_element_type3A_126, %min3A_128 : vector<256x1xi32>
    %max3A_130 = arith.constant 0.000000e+00 : f32
    %max3A_131 = vector.broadcast %max3A_130 : f32 to vector<256x1xf32>
    %max3A_132 = arith.maximumf %broadcast_in_dim3A_112, %max3A_131 : vector<256x1xf32>
    %sqrt3A_133 = math.sqrt %max3A_132 : vector<256x1xf32>
    %add3A_134 = arith.constant 9.99999993E-9 : f32
    %add3A_135 = vector.broadcast %add3A_134 : f32 to vector<256x1xf32>
    %add3A_136 = arith.addf %sqrt3A_133, %add3A_135 : vector<256x1xf32>
    %div3A_137 = arith.constant 1.000000e+00 : f32
    %div3A_138 = vector.broadcast %div3A_137 : f32 to vector<256x1xf32>
    %div3A_139 = arith.divf %div3A_138, %add3A_136 : vector<256x1xf32>
    %add3A_140 = arith.addf %add3A_109, %div3A_139 : vector<256x1xf32>
    %reduce_min3A_141 = arith.constant dense<0x7F800000> : vector<256xf32>
    %reduce_min3A_142 = vector.multi_reduction <minimumf>, %select_n3A_125, %reduce_min3A_141 [1] : vector<256x2688xf32> to vector<256xf32>
    %broadcast_in_dim3A_143 = vector.shape_cast %reduce_min3A_142 : vector<256xf32> to vector<256x1xf32>
    %le3A_144 = vector.broadcast %broadcast_in_dim3A_143 : vector<256x1xf32> to vector<256x2688xf32>
    %le3A_145 = arith.cmpf ole, %select_n3A_125, %le3A_144 : vector<256x2688xf32>
    %jit3A_146 = arith.constant 2.688000e+03 : f32
    %broadcast_in_dim3A_147 = vector.broadcast %jit3A_146 : f32 to vector<256x2688xf32>
    %select_n3A_148 = arith.select %le3A_145, %convert_element_type3A, %broadcast_in_dim3A_147 : vector<256x2688xi1>, vector<256x2688xf32>
    %reduce_min3A_149 = arith.constant dense<0x7F800000> : vector<256xf32>
    %reduce_min3A_150 = vector.multi_reduction <minimumf>, %select_n3A_148, %reduce_min3A_149 [1] : vector<256x2688xf32> to vector<256xf32>
    %broadcast_in_dim3A_151 = vector.shape_cast %reduce_min3A_150 : vector<256xf32> to vector<256x1xf32>
    %eq3A_152 = vector.broadcast %broadcast_in_dim3A_151 : vector<256x1xf32> to vector<256x2688xf32>
    %eq3A_153 = arith.cmpf oeq, %convert_element_type3A, %eq3A_152 : vector<256x2688xf32>
    %jit3A_154 = arith.constant 0x7F800000 : f32
    %broadcast_in_dim3A_155 = vector.broadcast %jit3A_154 : f32 to vector<256x2688xf32>
    %select_n3A_156 = arith.select %eq3A_153, %broadcast_in_dim3A_155, %select_n3A_125 : vector<256x2688xi1>, vector<256x2688xf32>
    %convert_element_type3A_157 = arith.fptosi %broadcast_in_dim3A_151 : vector<256x1xf32> to vector<256x1xi32>
    %min3A_158 = arith.constant 2561 : i32
    %min3A_159 = vector.broadcast %min3A_158 : i32 to vector<256x1xi32>
    %min3A_160 = arith.minsi %convert_element_type3A_157, %min3A_159 : vector<256x1xi32>
    %max3A_161 = arith.constant 0.000000e+00 : f32
    %max3A_162 = vector.broadcast %max3A_161 : f32 to vector<256x1xf32>
    %max3A_163 = arith.maximumf %broadcast_in_dim3A_143, %max3A_162 : vector<256x1xf32>
    %sqrt3A_164 = math.sqrt %max3A_163 : vector<256x1xf32>
    %add3A_165 = arith.constant 9.99999993E-9 : f32
    %add3A_166 = vector.broadcast %add3A_165 : f32 to vector<256x1xf32>
    %add3A_167 = arith.addf %sqrt3A_164, %add3A_166 : vector<256x1xf32>
    %div3A_168 = arith.constant 1.000000e+00 : f32
    %div3A_169 = vector.broadcast %div3A_168 : f32 to vector<256x1xf32>
    %div3A_170 = arith.divf %div3A_169, %add3A_167 : vector<256x1xf32>
    %add3A_171 = arith.addf %add3A_140, %div3A_170 : vector<256x1xf32>
    %reduce_min3A_172 = arith.constant dense<0x7F800000> : vector<256xf32>
    %reduce_min3A_173 = vector.multi_reduction <minimumf>, %select_n3A_156, %reduce_min3A_172 [1] : vector<256x2688xf32> to vector<256xf32>
    %broadcast_in_dim3A_174 = vector.shape_cast %reduce_min3A_173 : vector<256xf32> to vector<256x1xf32>
    %le3A_175 = vector.broadcast %broadcast_in_dim3A_174 : vector<256x1xf32> to vector<256x2688xf32>
    %le3A_176 = arith.cmpf ole, %select_n3A_156, %le3A_175 : vector<256x2688xf32>
    %jit3A_177 = arith.constant 2.688000e+03 : f32
    %broadcast_in_dim3A_178 = vector.broadcast %jit3A_177 : f32 to vector<256x2688xf32>
    %select_n3A_179 = arith.select %le3A_176, %convert_element_type3A, %broadcast_in_dim3A_178 : vector<256x2688xi1>, vector<256x2688xf32>
    %reduce_min3A_180 = arith.constant dense<0x7F800000> : vector<256xf32>
    %reduce_min3A_181 = vector.multi_reduction <minimumf>, %select_n3A_179, %reduce_min3A_180 [1] : vector<256x2688xf32> to vector<256xf32>
    %broadcast_in_dim3A_182 = vector.shape_cast %reduce_min3A_181 : vector<256xf32> to vector<256x1xf32>
    %eq3A_183 = vector.broadcast %broadcast_in_dim3A_182 : vector<256x1xf32> to vector<256x2688xf32>
    %eq3A_184 = arith.cmpf oeq, %convert_element_type3A, %eq3A_183 : vector<256x2688xf32>
    %jit3A_185 = arith.constant 0x7F800000 : f32
    %broadcast_in_dim3A_186 = vector.broadcast %jit3A_185 : f32 to vector<256x2688xf32>
    %select_n3A_187 = arith.select %eq3A_184, %broadcast_in_dim3A_186, %select_n3A_156 : vector<256x2688xi1>, vector<256x2688xf32>
    %convert_element_type3A_188 = arith.fptosi %broadcast_in_dim3A_182 : vector<256x1xf32> to vector<256x1xi32>
    %min3A_189 = arith.constant 2561 : i32
    %min3A_190 = vector.broadcast %min3A_189 : i32 to vector<256x1xi32>
    %min3A_191 = arith.minsi %convert_element_type3A_188, %min3A_190 : vector<256x1xi32>
    %max3A_192 = arith.constant 0.000000e+00 : f32
    %max3A_193 = vector.broadcast %max3A_192 : f32 to vector<256x1xf32>
    %max3A_194 = arith.maximumf %broadcast_in_dim3A_174, %max3A_193 : vector<256x1xf32>
    %sqrt3A_195 = math.sqrt %max3A_194 : vector<256x1xf32>
    %add3A_196 = arith.constant 9.99999993E-9 : f32
    %add3A_197 = vector.broadcast %add3A_196 : f32 to vector<256x1xf32>
    %add3A_198 = arith.addf %sqrt3A_195, %add3A_197 : vector<256x1xf32>
    %div3A_199 = arith.constant 1.000000e+00 : f32
    %div3A_200 = vector.broadcast %div3A_199 : f32 to vector<256x1xf32>
    %div3A_201 = arith.divf %div3A_200, %add3A_198 : vector<256x1xf32>
    %add3A_202 = arith.addf %add3A_171, %div3A_201 : vector<256x1xf32>
    %reduce_min3A_203 = arith.constant dense<0x7F800000> : vector<256xf32>
    %reduce_min3A_204 = vector.multi_reduction <minimumf>, %select_n3A_187, %reduce_min3A_203 [1] : vector<256x2688xf32> to vector<256xf32>
    %broadcast_in_dim3A_205 = vector.shape_cast %reduce_min3A_204 : vector<256xf32> to vector<256x1xf32>
    %le3A_206 = vector.broadcast %broadcast_in_dim3A_205 : vector<256x1xf32> to vector<256x2688xf32>
    %le3A_207 = arith.cmpf ole, %select_n3A_187, %le3A_206 : vector<256x2688xf32>
    %jit3A_208 = arith.constant 2.688000e+03 : f32
    %broadcast_in_dim3A_209 = vector.broadcast %jit3A_208 : f32 to vector<256x2688xf32>
    %select_n3A_210 = arith.select %le3A_207, %convert_element_type3A, %broadcast_in_dim3A_209 : vector<256x2688xi1>, vector<256x2688xf32>
    %reduce_min3A_211 = arith.constant dense<0x7F800000> : vector<256xf32>
    %reduce_min3A_212 = vector.multi_reduction <minimumf>, %select_n3A_210, %reduce_min3A_211 [1] : vector<256x2688xf32> to vector<256xf32>
    %broadcast_in_dim3A_213 = vector.shape_cast %reduce_min3A_212 : vector<256xf32> to vector<256x1xf32>
    %eq3A_214 = vector.broadcast %broadcast_in_dim3A_213 : vector<256x1xf32> to vector<256x2688xf32>
    %eq3A_215 = arith.cmpf oeq, %convert_element_type3A, %eq3A_214 : vector<256x2688xf32>
    %jit3A_216 = arith.constant 0x7F800000 : f32
    %broadcast_in_dim3A_217 = vector.broadcast %jit3A_216 : f32 to vector<256x2688xf32>
    %select_n3A_218 = arith.select %eq3A_215, %broadcast_in_dim3A_217, %select_n3A_187 : vector<256x2688xi1>, vector<256x2688xf32>
    %convert_element_type3A_219 = arith.fptosi %broadcast_in_dim3A_213 : vector<256x1xf32> to vector<256x1xi32>
    %min3A_220 = arith.constant 2561 : i32
    %min3A_221 = vector.broadcast %min3A_220 : i32 to vector<256x1xi32>
    %min3A_222 = arith.minsi %convert_element_type3A_219, %min3A_221 : vector<256x1xi32>
    %max3A_223 = arith.constant 0.000000e+00 : f32
    %max3A_224 = vector.broadcast %max3A_223 : f32 to vector<256x1xf32>
    %max3A_225 = arith.maximumf %broadcast_in_dim3A_205, %max3A_224 : vector<256x1xf32>
    %sqrt3A_226 = math.sqrt %max3A_225 : vector<256x1xf32>
    %add3A_227 = arith.constant 9.99999993E-9 : f32
    %add3A_228 = vector.broadcast %add3A_227 : f32 to vector<256x1xf32>
    %add3A_229 = arith.addf %sqrt3A_226, %add3A_228 : vector<256x1xf32>
    %div3A_230 = arith.constant 1.000000e+00 : f32
    %div3A_231 = vector.broadcast %div3A_230 : f32 to vector<256x1xf32>
    %div3A_232 = arith.divf %div3A_231, %add3A_229 : vector<256x1xf32>
    %add3A_233 = arith.addf %add3A_202, %div3A_232 : vector<256x1xf32>
    %reduce_min3A_234 = arith.constant dense<0x7F800000> : vector<256xf32>
    %reduce_min3A_235 = vector.multi_reduction <minimumf>, %select_n3A_218, %reduce_min3A_234 [1] : vector<256x2688xf32> to vector<256xf32>
    %broadcast_in_dim3A_236 = vector.shape_cast %reduce_min3A_235 : vector<256xf32> to vector<256x1xf32>
    %le3A_237 = vector.broadcast %broadcast_in_dim3A_236 : vector<256x1xf32> to vector<256x2688xf32>
    %le3A_238 = arith.cmpf ole, %select_n3A_218, %le3A_237 : vector<256x2688xf32>
    %jit3A_239 = arith.constant 2.688000e+03 : f32
    %broadcast_in_dim3A_240 = vector.broadcast %jit3A_239 : f32 to vector<256x2688xf32>
    %select_n3A_241 = arith.select %le3A_238, %convert_element_type3A, %broadcast_in_dim3A_240 : vector<256x2688xi1>, vector<256x2688xf32>
    %reduce_min3A_242 = arith.constant dense<0x7F800000> : vector<256xf32>
    %reduce_min3A_243 = vector.multi_reduction <minimumf>, %select_n3A_241, %reduce_min3A_242 [1] : vector<256x2688xf32> to vector<256xf32>
    %broadcast_in_dim3A_244 = vector.shape_cast %reduce_min3A_243 : vector<256xf32> to vector<256x1xf32>
    %convert_element_type3A_245 = arith.fptosi %broadcast_in_dim3A_244 : vector<256x1xf32> to vector<256x1xi32>
    %min3A_246 = arith.constant 2561 : i32
    %min3A_247 = vector.broadcast %min3A_246 : i32 to vector<256x1xi32>
    %min3A_248 = arith.minsi %convert_element_type3A_245, %min3A_247 : vector<256x1xi32>
    %max3A_249 = arith.constant 0.000000e+00 : f32
    %max3A_250 = vector.broadcast %max3A_249 : f32 to vector<256x1xf32>
    %max3A_251 = arith.maximumf %broadcast_in_dim3A_236, %max3A_250 : vector<256x1xf32>
    %sqrt3A_252 = math.sqrt %max3A_251 : vector<256x1xf32>
    %add3A_253 = arith.constant 9.99999993E-9 : f32
    %add3A_254 = vector.broadcast %add3A_253 : f32 to vector<256x1xf32>
    %add3A_255 = arith.addf %sqrt3A_252, %add3A_254 : vector<256x1xf32>
    %div3A_256 = arith.constant 1.000000e+00 : f32
    %div3A_257 = vector.broadcast %div3A_256 : f32 to vector<256x1xf32>
    %div3A_258 = arith.divf %div3A_257, %add3A_255 : vector<256x1xf32>
    %add3A_259 = arith.addf %add3A_233, %div3A_258 : vector<256x1xf32>
    %concatenate3A = tpu.concatenate %min3A_39, %min3A_67, %min3A_98, %min3A_129, %min3A_160, %min3A_191, %min3A_222, %min3A_248 in 1 : vector<256x1xi32>, vector<256x1xi32>, vector<256x1xi32>, vector<256x1xi32>, vector<256x1xi32>, vector<256x1xi32>, vector<256x1xi32>, vector<256x1xi32> -> vector<256x8xi32>
    %swap3A = arith.constant 0 : index
    %swap3A_260 = arith.constant 0 : index
    %swap3A_261 = vector.load %arg3[%swap3A, %swap3A_260] : memref<256x8xi32, #tpu.memory_space<vmem>>, vector<256x8xi32>
    tpu.vector_store %arg3[%swap3A, %swap3A_260], %concatenate3A {strides = array<i32>} : memref<256x8xi32, #tpu.memory_space<vmem>>, vector<256x8xi32>,
    %concatenate3A_262 = tpu.concatenate %div3A_46, %div3A_77, %div3A_108, %div3A_139, %div3A_170, %div3A_201, %div3A_232, %div3A_258 in 1 : vector<256x1xf32>, vector<256x1xf32>, vector<256x1xf32>, vector<256x1xf32>, vector<256x1xf32>, vector<256x1xf32>, vector<256x1xf32>, vector<256x1xf32> -> vector<256x8xf32>
    %div3A_263 = vector.broadcast %add3A_259 : vector<256x1xf32> to vector<256x8xf32>
    %div3A_264 = arith.divf %concatenate3A_262, %div3A_263 : vector<256x8xf32>
    %swap3A_265 = arith.constant 0 : index
    %swap3A_266 = arith.constant 0 : index
    %swap3A_267 = vector.load %arg4[%swap3A_265, %swap3A_266] : memref<256x8xf32, #tpu.memory_space<vmem>>, vector<256x8xf32>
    tpu.vector_store %arg4[%swap3A_265, %swap3A_266], %div3A_264 {strides = array<i32>} : memref<256x8xf32, #tpu.memory_space<vmem>>, vector<256x8xf32>,
    return
  }
  func.func @transform_0(%arg0: i32) -> (i32, i32) {
    %c0_i32 = arith.constant 0 : i32
    %c0_i32_0 = arith.constant 0 : i32
    return %arg0, %c0_i32 : i32, i32
  }
  func.func @transform_1(%arg0: i32) -> (i32, i32) {
    %c0_i32 = arith.constant 0 : i32
    %c0_i32_0 = arith.constant 0 : i32
    %c0_i32_1 = arith.constant 0 : i32
    return %c0_i32, %c0_i32_0 : i32, i32
  }
  func.func @transform_2(%arg0: i32) -> (i32, i32) {
    %c0_i32 = arith.constant 0 : i32
    %c0_i32_0 = arith.constant 0 : i32
    return %arg0, %c0_i32 : i32, i32
  }
  func.func @transform_3(%arg0: i32) -> (i32, i32) {
    %c0_i32 = arith.constant 0 : i32
    %c0_i32_0 = arith.constant 0 : i32
    return %arg0, %c0_i32 : i32, i32
  }
}

</mosaic_0001>

<sc_bundles>
// kernel: kernel.6.cloned.1.call-start
scs
__scs_entry_jumppad:
0x0: {  	(pc) =	sbr.rel $0x88, $3  }
0x1: {  	(tag) =	ssettag $0x0;
	lr =	simm.s32 $0x1  }
0x2: {  	[smem:$0x3F9E] =	sst lr;
	_ =	strace $0xD0000000  }
0x3: {  	_ = 	snop  }
0x4: {  	_ = 	snop  }
0x5: {  	_ = 	snop  }
0x6: {  	_ = 	snop  }
0x7: {  	_ = 	snop  }
__scs_overlays_trampoline_lowered:
0x8: {  	[smem:$0x3FAD] =	sst s0  }
0x9: {  	[smem:$0x3FAE] =	sst s1  }
0xa: {  	[smem:$0x3FAF] =	sst s2  }
0xb: {  	[smem:$0x3FB0] =	sst s3  }
0xc: {  	[smem:$0x3FB1] =	sst s4  }
0xd: {  	[smem:$0x3FB2] =	sst s5  }
0xe: {  	[smem:$0x3FB3] =	sst s6  }
0xf: {  	[smem:$0x3FB4] =	sst s7  }
0x10: {  	[smem:$0x3FB5] =	sst s8  }
0x11: {  	[smem:$0x3FB6] =	sst s9;
	s0 =	simm.s32 @!p0 $0x0  }
0x12: {  	s1 =	sld [smem:$0x3F9C];
	s0 =	simm.s32 @p0 $0x1  }
0x13: {  	[smem:$0x3FB7] =	sst s0;
	s0 =	simm.s32 @!p1 $0x0  }
0x14: {  	s2 =	sld [smem:$0x3F9B];
	s0 =	simm.s32 @p1 $0x1  }
0x15: {  	[smem:$0x3FB8] =	sst s0;
	s0 =	simm.s32 @!p2 $0x0  }
0x16: {  	s3 =	sld [smem:$0x3FDB];
	s0 =	simm.s32 @p2 $0x1  }
0x17: {  	s4 =	simm.s32 $0x1BF5;
	[smem:$0x3FBA] =	sst s0  }
0x18: {  	s0 =	sld [smem:$0x3F9D];
	_ =	swait.ge [sflag:s4], $0x0  }
0x19: {  	s7 =	sld [smem:$0x3F9E]  }
0x1a: {  	s8 =	sadd.s32 $0xFFFFE003, lr  }
0x1b: {  	s9 =	sadd.s32 $0xFFFFFEF7, lr;
	s5 =	simm.s32 $0xFFFFFFFF;
	p2 =	slt.u32 s8, $0xFFFFF086  }
0x1c: {  	p1 =	slt.u32 s9, $0xF7A;
	s5 =	simm.s32 @!p2 $0x0  }
0x1d: {  	s5 =	simm.s32 @p1 $0x1;
	p0 =	seq.s32 s7, s2  }
0x1e: {  	s7 =	smul.u32 @!p0 $0xF7A, s2;
	p2 =	seq.s32 @!p0 s5, $0x0  }
0x1f: {  	s9 =	smul.u32 $0xF7A, s1;
	s8 =	simm.s32 @!p0 $0x1BF5;
	p2 =	por !p2, p0  }
0x20: {  	[sflag:s8] =	ssyncset.s32 @!p0 $0xFFFFF086;
	s6 =	sadd.s32 @!p0 s3, s7;
	s7 =	simm.s32 @!p0 $0x108  }
0x21: {  	s3 =	sadd.s32 s3, s9;
	s6 =	sadd.s32 @!p0 $0x88, s6;
	s7 =	simm.s32 @p2 $0x1082  }
0x22: {  	[simem:s7], [sflag:s8] =	dma.local @!p0 [hbm:s6], $0xF7A  }
0x23: {  	s9 =	sor.u32 $0xD0000000, s2;
	s6 =	simm.s32 $0x108;
	_ =	swait.ge @!p0 [sflag:s8], $0x0  }
0x24: {  	s3 =	sadd.s32 $0x88, s3;
	s6 =	simm.s32 @!p1 $0x1082;
	[sflag:s4] =	ssyncset.s32 $0xFFFFF086  }
0x25: {  	[simem:s6], [sflag:s4] =	dma.local [hbm:s3], $0xF7A  }
0x26: {  	[smem:$0x3F9E] =	sst s1;
	(tag) =	ssettag s2;
	_ =	strace s9  }
0x27: {  	s1 =	sld [smem:$0x3FAE]  }
0x28: {  	s2 =	sld [smem:$0x3FAF]  }
0x29: {  	s4 =	sld [smem:$0x3FB1]  }
0x2a: {  	p0 =	seq.s32 s5, $0x0;
	s5 =	sld [smem:$0x3FB2]  }
0x2b: {  	s6 =	sld [smem:$0x3FB3]  }
0x2c: {  	s7 =	sld [smem:$0x3FB4]  }
0x2d: {  	s3 =	simm.s32 $0x108;
	s8 =	sld [smem:$0x3FB5]  }
0x2e: {  	s3 =	simm.s32 @!p0 $0x1082;
	s9 =	sld [smem:$0x3FB6]  }
0x2f: {  	lr =	sadd.s32 s0, s3;
	s0 =	sld [smem:$0x3FAD]  }
0x30: {  	s3 =	sld [smem:$0x3FB0]  }
0x31: {  	[smem:$0x3FB9] =	sst s10  }
0x32: {  	s10 =	sld [smem:$0x3FB7];
	_ =	sdelay $0x3  }
0x33: {  	p0 =	seq.s32 s10, $0x1;
	s10 =	sld [smem:$0x3FB9];
	_ =	sdelay $0x3  }
0x34: {  	[smem:$0x3FB9] =	sst s10  }
0x35: {  	s10 =	sld [smem:$0x3FB8];
	_ =	sdelay $0x3  }
0x36: {  	p1 =	seq.s32 s10, $0x1;
	s10 =	sld [smem:$0x3FB9];
	_ =	sdelay $0x3  }
0x37: {  	[smem:$0x3FB9] =	sst s10  }
0x38: {  	s10 =	sld [smem:$0x3FBA]  }
0x39: {  	_ = 	snop;
	(pc) =	sbr.ind lr, $3  }
0x3a: {  	_ = 	snop  }
0x3b: {  	_ = 	snop  }
0x3c: {  	p2 =	seq.s32 s10, $0x1;
	s10 =	sld [smem:$0x3FB9]  }
0x3d: {  	_ =	shalt  }
0x3e: {  	_ =	shalt  }
0x3f: {  	_ =	shalt  }
0x40: {  	_ =	shalt  }
0x41: {  	_ =	shalt  }
0x42: {  	_ =	shalt  }
0x43: {  	_ =	shalt  }
0x44: {  	_ =	shalt  }
0x45: {  	_ =	shalt  }
0x46: {  	_ =	shalt  }
0x47: {  	_ =	shalt  }
0x48: {  	_ =	shalt  }
0x49: {  	_ =	shalt  }
0x4a: {  	_ =	shalt  }
0x4b: {  	_ =	shalt  }
0x4c: {  	_ =	shalt  }
0x4d: {  	_ =	shalt  }
0x4e: {  	_ =	shalt  }
0x4f: {  	_ =	shalt  }
0x50: {  	_ =	shalt  }
0x51: {  	_ =	shalt  }
0x52: {  	_ =	shalt  }
0x53: {  	_ =	shalt  }
0x54: {  	_ =	shalt  }
0x55: {  	_ =	shalt  }
0x56: {  	_ =	shalt  }
0x57: {  	_ =	shalt  }
0x58: {  	_ =	shalt  }
0x59: {  	_ =	shalt  }
0x5a: {  	_ =	shalt  }
0x5b: {  	_ =	shalt  }
0x5c: {  	_ =	shalt  }
0x5d: {  	_ =	shalt  }
0x5e: {  	_ =	shalt  }
0x5f: {  	_ =	shalt  }
0x60: {  	_ =	shalt  }
0x61: {  	_ =	shalt  }
0x62: {  	_ =	shalt  }
0x63: {  	_ =	shalt  }
0x64: {  	_ =	shalt  }
0x65: {  	_ =	shalt  }
0x66: {  	_ =	shalt  }
0x67: {  	_ =	shalt  }
0x68: {  	_ =	shalt  }
0x69: {  	_ =	shalt  }
0x6a: {  	_ =	shalt  }
0x6b: {  	_ =	shalt  }
0x6c: {  	_ =	shalt  }
0x6d: {  	_ =	shalt  }
0x6e: {  	_ =	shalt  }
0x6f: {  	_ =	shalt  }
0x70: {  	_ =	shalt  }
0x71: {  	_ =	shalt  }
0x72: {  	_ =	shalt  }
0x73: {  	_ =	shalt  }
0x74: {  	_ =	shalt  }
0x75: {  	_ =	shalt  }
0x76: {  	_ =	shalt  }
0x77: {  	_ =	shalt  }
0x78: {  	_ =	shalt  }
0x79: {  	_ =	shalt  }
0x7a: {  	_ =	shalt  }
0x7b: {  	_ =	shalt  }
0x7c: {  	_ =	shalt  }
0x7d: {  	_ =	shalt  }
0x7e: {  	_ =	shalt  }
0x7f: {  	_ =	shalt  }
0x80: {  	_ =	shalt  }
0x81: {  	_ =	shalt  }
0x82: {  	_ =	shalt  }
0x83: {  	_ =	shalt  }
0x84: {  	_ =	shalt  }
0x85: {  	_ =	shalt  }
0x86: {  	_ =	shalt  }
0x87: {  	_ =	shalt  }
.Lfunc_end0:
.L_simem_size_0:
called_computation.1_lowered:
.L_overlay_start_0:
0x88: {  	s2 =	sld [smem:$0x3FD9]  }
0x89: {  	s3 =	sld [smem:$0x3FFE];
	_ =	sdelay $0x1  }
0x8a: {  	s1 =	srdreg.scid  }
0x8b: {  	s0 =	sand.u32 $0x1, s1  }
0x8c: {  	s17 =	sshll.u32 s0, $0xA;
	s2 =	sadd.s32 s3, s2  }
0x8d: {  	s2 =	sadd.s32 s2, s17  }
0x8e: {  	[smem:$0x3FC5] =	sst s2  }
0x8f: {  	_ = 	snop  }
0x90: {  	s18 =	sld [smem:$0x3FD0];
	(tm) =	ssettm $0x1  }
0x91: {  	s19 =	sld [smem:$0x3FFB];
	_ =	sdelay $0x3  }
0x92: {  	_ =	strace s19  }
0x93: {  	s2 =	sld [smem:$0x3FFC];
	_ =	sdelay $0x3  }
0x94: {  	_ =	strace s2  }
0x95: {  	s2 =	sld [smem:$0x3FFD];
	_ =	sdelay $0x3  }
0x96: {  	_ =	strace s2  }
0x97: {  	_ =	strace $0x8FFFFFFF  }
0x98: {  	s20 =	sld [smem:$0x3FDB];
	_ =	sdelay $0x1  }
0x99: {  	s4 =	simm.s32 $_scs_section_size  }
0x9a: {  	s5 =	simm.s32 $_size__tile_overlayer_lowered;
	s6 =	simm.s32 $_tile_overlayer_lowered  }
0x9b: {  	s7 =	simm.s32 $0x1BFF;
	s21 =	sshll.u32 s6, $0x1;
	s4 =	sadd.s32 s4, s20  }
0x9c: {  	s22 =	simm.s32 $0x0;
	s5 =	sshll.u32 s5, $0x1;
	s6 =	sadd.s32 s21, s4  }
0x9d: {  	[timem:s22], [sflag:s7] =	dma.local [hbm:s6], s5  }
0x9e: {  	_ =	swait.ge [sflag:s7], s5  }
0x9f: {  	s5 =	ssub.s32 $0x0, s5;
	[sflag:s7] =	ssyncset.done $0x0  }
0xa0: {  	[sflag:s7] =	ssyncadd.s32 s5;
	_ =	sdelay $0x1  }
0xa1: {  	s23 =	simm.s32 $0x1B8B  }
0xa2: {  	_ =	swait.ge [sflag:s23], $0x1  }
0xa3: {  	[sflag:s23] =	ssyncset.done $0x0  }
0xa4: {  	[sflag:s23] =	ssyncadd.s32 $0xFFFFFFFF  }
0xa5: {  	s5 =	sld [smem:$0x0]  }
0xa6: {  	s6 =	sand.u32 $0xFFFFFFFE, s1  }
0xa7: {  	p0 =	sne.s32 s1, s6  }
0xa8: {  	s6 =	sshll.u32 @p0 s6, $0xE  }
0xa9: {  	s6 =	sadd.s32 @p0 $0x11B8D, s6;
	s7 =	sshll.u32 @p0 s5, $0x11  }
0xaa: {  	s6 =	sor.u32 @p0 s7, s6  }
0xab: {  	[sflag:s6] =	ssyncadd.remote.s32 @p0 $0x1;
	_ =	sdelay $0x1  }
0xac: {  	s6 =	simm.s32 @p0 $0x1B8D  }
0xad: {  	_ =	swait.eq @p0 [sflag:s6], $0x1  }
0xae: {  	[sflag:s6] =	ssyncadd.s32 @p0 $0xFFFFFFFF  }
0xaf: {  	s7 =	sshll.u32 @!p0 s1, $0xE  }
0xb0: {  	s7 =	sor.u32 @!p0 $0x4000, s7;
	s6 =	simm.s32 @!p0 $0x1B8D  }
0xb1: {  	s5 =	sshll.u32 @!p0 s5, $0x11;
	s7 =	sadd.s32 @!p0 $0x11B8D, s7;
	_ =	swait.eq @!p0 [sflag:s6], $0x1  }
0xb2: {  	s5 =	sor.u32 @!p0 s5, s7;
	[sflag:s6] =	ssyncadd.s32 @!p0 $0xFFFFFFFF  }
0xb3: {  	s25 =	simm.s32 $0x1B8E;
	s24 =	sld [smem:$0x3FFE];
	[sflag:s5] =	ssyncadd.remote.s32 @!p0 $0x1  }
0xb4: {  	s26 =	simm.s32 $execute0_lowered;
	[smem:$0x3FD2] =	sst s25  }
0xb5: {  	s6 =	sshll.u32 s26, $0x1;
	_ =	strace $0x80000049;
	[dreg:$0x1] =	wrdreg $0xFFFFFFFF  }
0xb6: {  	s28 =	simm.s32 $_size_execute0_lowered;
	s4 =	sadd.s32 s4, s6;
	[dreg:$0x0] =	wrdreg $0x0  }
0xb7: {  	s6 =	sshll.u32 s28, $0x1;
	[dreg:$0x2] =	wrdreg s4  }
0xb8: {  	[dreg:$0x3] =	wrdreg s6  }
0xb9: {  	[dreg:$0x4] =	wrdreg $0xC0  }
0xba: {  	_ =	task [dreg:s22], $0x5FFFF  }
0xbb: {  	[dreg:$0x1] =	wrdreg $0xFFFFFFFF  }
0xbc: {  	[dreg:$0x0] =	wrdreg $0x60  }
0xbd: {  	[dreg:$0x2] =	wrdreg s24  }
0xbe: {  	[dreg:$0x3] =	wrdreg s18  }
0xbf: {  	[dreg:$0x4] =	wrdreg $0x9  }
0xc0: {  	_ =	task.clear_ibuf [dreg:s22], $0x5FFFF;
	_ =	strace $0x90000049  }
0xc1: {  	s29 =	simm.s32 $0x9;
	_ =	strace $0x8000004B  }
0xc2: {  	_ =	swait.ge [sflag:s29], $0x1  }
0xc3: {  	[sflag:s29] =	ssyncadd.s32 $0xFFFFFFFF  }
0xc4: {  	_ =	strace $0x9000004B  }
0xc5: {  	_ =	sfence  }
0xc6: {  	s30 =	sld [smem:$0x0];
	_ =	sdelay $0x2  }
0xc7: {  	s31 =	sshll.u32 s1, $0xD;
	s1 =	sshrl.u32 s1, $0x2  }
0xc8: {  	s4 =	sand.u32 $0x4000, s31;
	s1 =	sadd.s32 s1, s30  }
0xc9: {  	s0 =	sor.u32 s4, s0;
	s1 =	sshll.u32 s1, $0x11  }
0xca: {  	s0 =	sor.u32 s1, s0  }
0xcb: {  	s0 =	sadd.s32 $0x8F2B, s0  }
0xcc: {  	[sflag:s0] =	ssyncadd.remote.s32 $0x1  }
0xcd: {  	_ =	sfence.sel $0xFFFF  }
0xce: {  	[dreg:$0x0] =	wrdreg $0xFFFFFFFF;
	(pc) =	sbr.abs _section_cstart, $3  }
0xcf: {  	[dreg:$0x1] =	wrdreg $0xFFFFFFFF  }
0xd0: {  	_ =	task.clear_ibuf [dreg:s22], $0x2FFFF;
	_ =	strace $0x9FFFFFFF  }
0xd1: {  	(tm) =	ssettm $0x7FFFFFFF  }
tec
execute0_lowered:
.L_overlay_start_1:
0x0: {  	(tag) =	ssettag $0x1  }
0x1: {  	s1 =	srdreg.scid;
	s5 =	rddreg [dreg:$0x0]  }
0x2: {  	s0 =	stileid.u32;
	s2 =	rddreg [dreg:$0x1]  }
0x3: {  	s9 =	simm.s32 $0x5;
	s10 =	simm.s32 $0x15000;
	s11 =	simm.s32 $0x16800  }
0x4: {  	s12 =	simm.s32 $0x1;
	s13 =	simm.s32 $0x15C00;
	s14 =	simm.s32 $0x17400  }
0x5: {  	s15 =	simm.s32 $0xC00;
	s16 =	simm.s32 $0xA800;
	s17 =	simm.s32 $0x18000  }
0x6: {  	s18 =	simm.s32 $0x2;
	s19 =	simm.s32 $0x1B000;
	s20 =	simm.s32 $0x3  }
0x7: {  	s21 =	simm.s32 $0x4;
	s1 =	sand.u32 $0x1, s1;
	s3 =	sshll.u32 s0, $0x1  }
0x8: {  	s22 =	simm.s32 $0x0;
	s7 =	sor.u32 s1, s3;
	s3 =	simm.s32 $0x0  }
0x9: {  	s1 =	ssub.s32 $0x2, s1;
	s4 =	smul.u32 $0x2A00, s7;
	[smem:$0x7FF] =	sst s3  }
0xa: {  	s8 =	sshrl.u32 s1, $0x1;
	s7 =	smul.u32 $0x2A000, s7;
	_ =	strace $0x8000004A  }
0xb: {  	v0 =	vlaneseq.u32;
	s1 =	ssub.s32 s1, s8;
	s6 =	sadd.s32 s4, s5;
	s4 =	sadd.s32 $0x100C00, s5  }
0xc: {  	v0 =	vmul.u32 $0x8, v0;
	s5 =	sadd.s32 $0x102200, s5;
	s8 =	smax.u32 s1, $0x1;
	s6 =	sadd.s32 $0x4C00, s6  }
.LBB2_1:
0xd: {  	[tilespmem:s3], [sflag:$0x5] =	stream.linear.gather [hbm4b:s6+s3], $0x15000, $0x38;
	[tilespmem:$0x1E000] =	vst v63  }
0xe: {  	_ =	swait.ge [sflag:s9], $0x15000  }
0xf: {  	[sflag:s9] =	ssyncset.done $0x0  }
0x10: {  	[sflag:s9] =	ssyncadd.s32 $0xFFFEB000  }
0x11: {  	[tilespmem:s10], [sflag:$0x1] =	stream.linear.gather [hbm4b:s4+s3], $0xC00, $0x38;
	[tilespmem:$0x1E000] =	vst v63  }
0x12: {  	s23 =	simm.s32 $0x0  }
0x13: {  	[tilespmem:s11], [sflag:$0x1] =	stream.linear.gather [hbm4b:s5+s3], $0xC00, $0x38;
	[tilespmem:$0x1E000] =	vst v63  }
.LBB2_2:
0x14: {  	_ =	swait.ge [sflag:s12], $0xC00  }
0x15: {  	[sflag:s12] =	ssyncset.done $0x0  }
0x16: {  	s24 =	sshllo.u32 s23, $0x1;
	[sflag:s12] =	ssyncadd.s32 $0xFFFFF400  }
0x17: {  	s1 =	smul.u32 $0x180, s24;
	_ =	swait.ge [sflag:s12], $0xC00  }
0x18: {  	[sflag:s12] =	ssyncset.done $0x0  }
0x19: {  	s25 =	sadd.s32 s4, s1;
	[sflag:s12] =	ssyncadd.s32 $0xFFFFF400  }
0x1a: {  	[tilespmem:s13], [sflag:$0x2] =	stream.linear.gather [hbm4b:s25+s3], $0xC00, $0x38;
	[tilespmem:$0x1E000] =	vst v63  }
0x1b: {  	p0 =	seq.s32 s23, $0x0;
	s1 =	sadd.s32 s5, s1  }
0x1c: {  	[tilespmem:s14], [sflag:$0x2] =	stream.linear.gather [hbm4b:s1+s3], $0xC00, $0x38;
	[tilespmem:$0x1E000] =	vst v63  }
0x1d: {  	s1 =	simm.s32 @!p0 $0x3  }
0x1e: {  	_ =	swait.ge @!p0 [sflag:s1], $0x3000  }
0x1f: {  	s26 =	simm.s32 $0x0;
	[sflag:s1] =	ssyncset.done @!p0 $0x0  }
0x20: {  	s28 =	simm.s32 $0x0;
	s25 =	simm.s32 $0x0;
	[sflag:s1] =	ssyncadd.s32 @!p0 $0xFFFFD000  }
.LBB2_3:
0x21: {  	s1 =	sshll.u32 s28, $0x4  }
0x22: {  	v1 =	vmov s1  }
0x23: {  	v1 =	vshll.u32 v1, $0x3  }
0x24: {  	v9 =	vor.u32 v0, v1  }
0x25: {  	v10 =	vor.u32 $0x1, v9;
	_ =	sdelay $0x1  }
0x26: {  	v11 =	vor.u32 $0x2, v9  }
0x27: {  	v12 =	vor.u32 $0x3, v9  }
0x28: {  	v13 =	vor.u32 $0x4, v9;
	v1 =	vld.idx.msk [tilespmem:v9+s10+$0x0], $0xffff  }
0x29: {  	v14 =	vor.u32 $0x5, v9;
	v2 =	vld.idx.msk [tilespmem:v10+s10+$0x0], $0xffff  }
0x2a: {  	v15 =	vor.u32 $0x6, v9;
	v16 =	vor.u32 $0x7, v9;
	v9 =	vld.idx.msk [tilespmem:v9+s11+$0x0], $0xffff  }
0x2b: {  	v3 =	vld.idx.msk [tilespmem:v11+s10+$0x0], $0xffff  }
0x2c: {  	s0 =	simm.s32 $0x0;
	v4 =	vld.idx.msk [tilespmem:v12+s10+$0x0], $0xffff  }
0x2d: {  	v5 =	vld.idx.msk [tilespmem:v13+s10+$0x0], $0xffff;
	v17 =	vadd.s32 s0, v1  }
0x2e: {  	v6 =	vld.idx.msk [tilespmem:v14+s10+$0x0], $0xffff;
	v18 =	vadd.s32 s0, v2  }
0x2f: {  	v7 =	vld.idx.msk [tilespmem:v15+s10+$0x0], $0xffff  }
0x30: {  	v8 =	vld.idx.msk [tilespmem:v16+s10+$0x0], $0xffff;
	v19 =	vadd.s32 s0, v3  }
0x31: {  	v10 =	vld.idx.msk [tilespmem:v10+s11+$0x0], $0xffff  }
0x32: {  	v20 =	vadd.s32 s0, v4;
	v17 =	vld.idx.msk [tilespmem:v17+s3+$0x0], $0xffff  }
0x33: {  	v18 =	vld.idx.msk [tilespmem:v18+s3+$0x0], $0xffff  }
0x34: {  	v11 =	vld.idx.msk [tilespmem:v11+s11+$0x0], $0xffff;
	v21 =	vadd.s32 s0, v5  }
0x35: {  	v19 =	vld.idx.msk [tilespmem:v19+s3+$0x0], $0xffff  }
0x36: {  	v12 =	vld.idx.msk [tilespmem:v12+s11+$0x0], $0xffff;
	v22 =	vadd.s32 s0, v6  }
0x37: {  	v20 =	vld.idx.msk [tilespmem:v20+s3+$0x0], $0xffff  }
0x38: {  	v13 =	vld.idx.msk [tilespmem:v13+s11+$0x0], $0xffff;
	v23 =	vadd.s32 s0, v7;
	v17 =	vmul.f32 v17, v9;
	v18 =	vmul.f32 v18, v10  }
0x39: {  	v21 =	vld.idx.msk [tilespmem:v21+s3+$0x0], $0xffff  }
0x3a: {  	v14 =	vld.idx.msk [tilespmem:v14+s11+$0x0], $0xffff;
	v24 =	vadd.s32 s0, v8;
	v17 =	vadd.f32 v18, v17;
	v18 =	vmul.f32 v19, v11  }
0x3b: {  	v19 =	vld.idx.msk [tilespmem:v22+s3+$0x0], $0xffff  }
0x3c: {  	v15 =	vld.idx.msk [tilespmem:v15+s11+$0x0], $0xffff;
	v17 =	vadd.f32 v18, v17;
	v18 =	vmul.f32 v20, v12  }
0x3d: {  	v20 =	vld.idx.msk [tilespmem:v23+s3+$0x0], $0xffff  }
0x3e: {  	v16 =	vld.idx.msk [tilespmem:v16+s11+$0x0], $0xffff;
	v17 =	vadd.f32 v18, v17;
	v18 =	vmul.f32 v21, v13  }
0x3f: {  	v21 =	vld.idx.msk [tilespmem:v24+s3+$0x0], $0xffff  }
0x40: {  	v17 =	vadd.f32 v18, v17;
	v18 =	vmul.f32 v19, v14;
	_ =	sdelay $0x1  }
0x41: {  	v17 =	vadd.f32 v18, v17;
	v18 =	vmul.f32 v20, v15  }
0x42: {  	s29 =	sand.u32 $0x7, s25;
	s30 =	simm.s32 $0xA80;
	s0 =	sshll.u32 s26, $0x2  }
0x43: {  	s29 =	sshll.u32 s29, $0x6;
	s1 =	sand.u32 $0xFFFFF000, s0;
	v19 =	vadd.s32 s30, v2;
	v17 =	vadd.f32 v18, v17;
	v18 =	vmul.f32 v21, v16  }
0x44: {  	s1 =	sor.u32 s29, s1;
	v20 =	vadd.s32 s30, v1  }
0x45: {  	s1 =	sshrl.u32 s1, $0x2;
	v17 =	vadd.f32 v18, v17  }
0x46: {  	s29 =	sadd.s32 $0x18200, s1;
	v18 =	vadd.s32 s30, v3  }
0x47: {  	[tilespmem:s29+$0xFFFFFE00] =	vst v17  }
0x48: {  	v17 =	vld.idx.msk [tilespmem:v19+s3+$0x0], $0xffff;
	v19 =	vadd.s32 s30, v4  }
0x49: {  	v20 =	vld.idx.msk [tilespmem:v20+s3+$0x0], $0xffff  }
0x4a: {  	v21 =	vadd.s32 s30, v5  }
0x4b: {  	v18 =	vld.idx.msk [tilespmem:v18+s3+$0x0], $0xffff  }
0x4c: {  	v22 =	vadd.s32 s30, v6  }
0x4d: {  	v19 =	vld.idx.msk [tilespmem:v19+s3+$0x0], $0xffff  }
0x4e: {  	v23 =	vadd.s32 s30, v7;
	v17 =	vmul.f32 v17, v10;
	v20 =	vmul.f32 v20, v9  }
0x4f: {  	v21 =	vld.idx.msk [tilespmem:v21+s3+$0x0], $0xffff  }
0x50: {  	v24 =	vadd.s32 s30, v8;
	v17 =	vadd.f32 v17, v20;
	v18 =	vmul.f32 v18, v11  }
0x51: {  	v20 =	vld.idx.msk [tilespmem:v22+s3+$0x0], $0xffff  }
0x52: {  	v17 =	vadd.f32 v18, v17;
	v18 =	vmul.f32 v19, v12  }
0x53: {  	v19 =	vld.idx.msk [tilespmem:v23+s3+$0x0], $0xffff  }
0x54: {  	v17 =	vadd.f32 v18, v17;
	v18 =	vmul.f32 v21, v13  }
0x55: {  	v21 =	vld.idx.msk [tilespmem:v24+s3+$0x0], $0xffff  }
0x56: {  	v17 =	vadd.f32 v18, v17;
	v18 =	vmul.f32 v20, v14;
	_ =	sdelay $0x1  }
0x57: {  	v17 =	vadd.f32 v18, v17;
	v18 =	vmul.f32 v19, v15  }
0x58: {  	s0 =	simm.s32 $0x1500  }
0x59: {  	v19 =	vadd.s32 s0, v1;
	v17 =	vadd.f32 v18, v17;
	v18 =	vmul.f32 v21, v16  }
0x5a: {  	v20 =	vadd.s32 s0, v2  }
0x5b: {  	v17 =	vadd.f32 v18, v17  }
0x5c: {  	v18 =	vadd.s32 s0, v3  }
0x5d: {  	[tilespmem:s29+$0xFFFFFE80] =	vst v17  }
0x5e: {  	v17 =	vld.idx.msk [tilespmem:v19+s3+$0x0], $0xffff;
	v19 =	vadd.s32 s0, v4  }
0x5f: {  	v20 =	vld.idx.msk [tilespmem:v20+s3+$0x0], $0xffff  }
0x60: {  	v21 =	vadd.s32 s0, v5  }
0x61: {  	v18 =	vld.idx.msk [tilespmem:v18+s3+$0x0], $0xffff  }
0x62: {  	v22 =	vadd.s32 s0, v6  }
0x63: {  	v19 =	vld.idx.msk [tilespmem:v19+s3+$0x0], $0xffff  }
0x64: {  	v23 =	vadd.s32 s0, v7;
	v17 =	vmul.f32 v17, v9;
	v20 =	vmul.f32 v20, v10  }
0x65: {  	v21 =	vld.idx.msk [tilespmem:v21+s3+$0x0], $0xffff  }
0x66: {  	v24 =	vadd.s32 s0, v8;
	v17 =	vadd.f32 v20, v17;
	v18 =	vmul.f32 v18, v11  }
0x67: {  	v20 =	vld.idx.msk [tilespmem:v22+s3+$0x0], $0xffff  }
0x68: {  	v17 =	vadd.f32 v18, v17;
	v18 =	vmul.f32 v19, v12  }
0x69: {  	v19 =	vld.idx.msk [tilespmem:v23+s3+$0x0], $0xffff  }
0x6a: {  	v17 =	vadd.f32 v18, v17;
	v18 =	vmul.f32 v21, v13  }
0x6b: {  	v21 =	vld.idx.msk [tilespmem:v24+s3+$0x0], $0xffff  }
0x6c: {  	v17 =	vadd.f32 v18, v17;
	v18 =	vmul.f32 v20, v14;
	_ =	sdelay $0x1  }
0x6d: {  	v17 =	vadd.f32 v18, v17;
	v18 =	vmul.f32 v19, v15  }
0x6e: {  	s0 =	simm.s32 $0x1F80  }
0x6f: {  	v19 =	vadd.s32 s0, v1;
	v17 =	vadd.f32 v18, v17;
	v18 =	vmul.f32 v21, v16  }
0x70: {  	v20 =	vadd.s32 s0, v2  }
0x71: {  	v17 =	vadd.f32 v18, v17  }
0x72: {  	v18 =	vadd.s32 s0, v3  }
0x73: {  	[tilespmem:s29+$0xFFFFFF00] =	vst v17  }
0x74: {  	v17 =	vld.idx.msk [tilespmem:v19+s3+$0x0], $0xffff;
	v19 =	vadd.s32 s0, v4  }
0x75: {  	v20 =	vld.idx.msk [tilespmem:v20+s3+$0x0], $0xffff  }
0x76: {  	v21 =	vadd.s32 s0, v5  }
0x77: {  	v18 =	vld.idx.msk [tilespmem:v18+s3+$0x0], $0xffff  }
0x78: {  	v22 =	vadd.s32 s0, v6  }
0x79: {  	v19 =	vld.idx.msk [tilespmem:v19+s3+$0x0], $0xffff  }
0x7a: {  	v23 =	vadd.s32 s0, v7;
	v17 =	vmul.f32 v17, v9;
	v20 =	vmul.f32 v20, v10  }
0x7b: {  	v21 =	vld.idx.msk [tilespmem:v21+s3+$0x0], $0xffff  }
0x7c: {  	v24 =	vadd.s32 s0, v8;
	v17 =	vadd.f32 v20, v17;
	v18 =	vmul.f32 v18, v11  }
0x7d: {  	v20 =	vld.idx.msk [tilespmem:v22+s3+$0x0], $0xffff  }
0x7e: {  	v17 =	vadd.f32 v18, v17;
	v18 =	vmul.f32 v19, v12  }
0x7f: {  	v19 =	vld.idx.msk [tilespmem:v23+s3+$0x0], $0xffff  }
0x80: {  	v17 =	vadd.f32 v18, v17;
	v18 =	vmul.f32 v21, v13  }
0x81: {  	v21 =	vld.idx.msk [tilespmem:v24+s3+$0x0], $0xffff  }
0x82: {  	v17 =	vadd.f32 v18, v17;
	v18 =	vmul.f32 v20, v14;
	_ =	sdelay $0x1  }
0x83: {  	v17 =	vadd.f32 v18, v17;
	v18 =	vmul.f32 v19, v15  }
0x84: {  	s0 =	simm.s32 $0x2A00  }
0x85: {  	v19 =	vadd.s32 s0, v1;
	v17 =	vadd.f32 v18, v17;
	v18 =	vmul.f32 v21, v16  }
0x86: {  	v20 =	vadd.s32 s0, v2  }
0x87: {  	v17 =	vadd.f32 v18, v17  }
0x88: {  	v18 =	vadd.s32 s0, v3  }
0x89: {  	[tilespmem:s29+$0xFFFFFF80] =	vst v17  }
0x8a: {  	v17 =	vld.idx.msk [tilespmem:v19+s3+$0x0], $0xffff;
	v19 =	vadd.s32 s0, v4  }
0x8b: {  	v20 =	vld.idx.msk [tilespmem:v20+s3+$0x0], $0xffff  }
0x8c: {  	v21 =	vadd.s32 s0, v5  }
0x8d: {  	v18 =	vld.idx.msk [tilespmem:v18+s3+$0x0], $0xffff  }
0x8e: {  	v22 =	vadd.s32 s0, v6  }
0x8f: {  	v19 =	vld.idx.msk [tilespmem:v19+s3+$0x0], $0xffff  }
0x90: {  	v23 =	vadd.s32 s0, v7;
	v17 =	vmul.f32 v17, v9;
	v20 =	vmul.f32 v20, v10  }
0x91: {  	v21 =	vld.idx.msk [tilespmem:v21+s3+$0x0], $0xffff  }
0x92: {  	v24 =	vadd.s32 s0, v8;
	v17 =	vadd.f32 v20, v17;
	v18 =	vmul.f32 v18, v11  }
0x93: {  	v20 =	vld.idx.msk [tilespmem:v22+s3+$0x0], $0xffff  }
0x94: {  	v17 =	vadd.f32 v18, v17;
	v18 =	vmul.f32 v19, v12  }
0x95: {  	v19 =	vld.idx.msk [tilespmem:v23+s3+$0x0], $0xffff  }
0x96: {  	v17 =	vadd.f32 v18, v17;
	v18 =	vmul.f32 v21, v13  }
0x97: {  	v21 =	vld.idx.msk [tilespmem:v24+s3+$0x0], $0xffff  }
0x98: {  	v17 =	vadd.f32 v18, v17;
	v18 =	vmul.f32 v20, v14;
	_ =	sdelay $0x1  }
0x99: {  	v17 =	vadd.f32 v18, v17;
	v18 =	vmul.f32 v19, v15  }
0x9a: {  	s0 =	simm.s32 $0x3480  }
0x9b: {  	v19 =	vadd.s32 s0, v1;
	v17 =	vadd.f32 v18, v17;
	v18 =	vmul.f32 v21, v16  }
0x9c: {  	v20 =	vadd.s32 s0, v2  }
0x9d: {  	v17 =	vadd.f32 v18, v17  }
0x9e: {  	v18 =	vadd.s32 s0, v3  }
0x9f: {  	[tilespmem:s29+$0x0] =	vst v17  }
0xa0: {  	v17 =	vadd.s32 s0, v4;
	v19 =	vld.idx.msk [tilespmem:v19+s3+$0x0], $0xffff  }
0xa1: {  	v20 =	vld.idx.msk [tilespmem:v20+s3+$0x0], $0xffff  }
0xa2: {  	v21 =	vadd.s32 s0, v5  }
0xa3: {  	v18 =	vld.idx.msk [tilespmem:v18+s3+$0x0], $0xffff  }
0xa4: {  	v22 =	vadd.s32 s0, v6  }
0xa5: {  	v17 =	vld.idx.msk [tilespmem:v17+s3+$0x0], $0xffff  }
0xa6: {  	v23 =	vadd.s32 s0, v7;
	v19 =	vmul.f32 v19, v9;
	v20 =	vmul.f32 v20, v10  }
0xa7: {  	v21 =	vld.idx.msk [tilespmem:v21+s3+$0x0], $0xffff  }
0xa8: {  	v24 =	vadd.s32 s0, v8;
	v19 =	vadd.f32 v20, v19;
	v18 =	vmul.f32 v18, v11  }
0xa9: {  	v20 =	vld.idx.msk [tilespmem:v22+s3+$0x0], $0xffff  }
0xaa: {  	v18 =	vadd.f32 v18, v19;
	v17 =	vmul.f32 v17, v12  }
0xab: {  	v19 =	vld.idx.msk [tilespmem:v23+s3+$0x0], $0xffff  }
0xac: {  	v17 =	vadd.f32 v17, v18;
	v18 =	vmul.f32 v21, v13  }
0xad: {  	v21 =	vld.idx.msk [tilespmem:v24+s3+$0x0], $0xffff  }
0xae: {  	v17 =	vadd.f32 v18, v17;
	v18 =	vmul.f32 v20, v14;
	_ =	sdelay $0x1  }
0xaf: {  	v17 =	vadd.f32 v18, v17;
	v18 =	vmul.f32 v19, v15  }
0xb0: {  	s0 =	simm.s32 $0x3F00  }
0xb1: {  	v19 =	vadd.s32 s0, v1;
	v17 =	vadd.f32 v18, v17;
	v18 =	vmul.f32 v21, v16  }
0xb2: {  	v20 =	vadd.s32 s0, v2  }
0xb3: {  	v17 =	vadd.f32 v18, v17  }
0xb4: {  	v18 =	vadd.s32 s0, v3  }
0xb5: {  	[tilespmem:s29+$0x80] =	vst v17  }
0xb6: {  	v17 =	vadd.s32 s0, v4;
	v19 =	vld.idx.msk [tilespmem:v19+s3+$0x0], $0xffff  }
0xb7: {  	v20 =	vld.idx.msk [tilespmem:v20+s3+$0x0], $0xffff  }
0xb8: {  	v21 =	vadd.s32 s0, v5  }
0xb9: {  	v18 =	vld.idx.msk [tilespmem:v18+s3+$0x0], $0xffff  }
0xba: {  	v22 =	vadd.s32 s0, v6  }
0xbb: {  	v17 =	vld.idx.msk [tilespmem:v17+s3+$0x0], $0xffff  }
0xbc: {  	v23 =	vadd.s32 s0, v7;
	v19 =	vmul.f32 v19, v9;
	v20 =	vmul.f32 v20, v10  }
0xbd: {  	v21 =	vld.idx.msk [tilespmem:v21+s3+$0x0], $0xffff  }
0xbe: {  	v24 =	vadd.s32 s0, v8;
	v19 =	vadd.f32 v20, v19;
	v18 =	vmul.f32 v18, v11  }
0xbf: {  	v20 =	vld.idx.msk [tilespmem:v22+s3+$0x0], $0xffff  }
0xc0: {  	v17 =	vmul.f32 v17, v12;
	v18 =	vadd.f32 v18, v19  }
0xc1: {  	v19 =	vld.idx.msk [tilespmem:v23+s3+$0x0], $0xffff  }
0xc2: {  	v21 =	vmul.f32 v21, v13;
	v17 =	vadd.f32 v17, v18  }
0xc3: {  	v18 =	vld.idx.msk [tilespmem:v24+s3+$0x0], $0xffff  }
0xc4: {  	v20 =	vmul.f32 v20, v14;
	v17 =	vadd.f32 v21, v17;
	_ =	sdelay $0x1  }
0xc5: {  	v19 =	vmul.f32 v19, v15;
	v17 =	vadd.f32 v20, v17  }
0xc6: {  	s0 =	simm.s32 $0x4980  }
0xc7: {  	v18 =	vmul.f32 v18, v16;
	v17 =	vadd.f32 v19, v17;
	v19 =	vadd.s32 s0, v2  }
0xc8: {  	v20 =	vadd.s32 s0, v1  }
0xc9: {  	v17 =	vadd.f32 v18, v17;
	v18 =	vadd.s32 s0, v3  }
0xca: {  	v21 =	vadd.s32 s0, v4  }
0xcb: {  	[tilespmem:s29+$0x100] =	vst v17;
	v17 =	vadd.s32 s0, v5  }
0xcc: {  	v25 =	vadd.s32 s0, v7;
	v24 =	vld.idx.msk [tilespmem:v19+s3+$0x0], $0xffff  }
0xcd: {  	v19 =	vadd.s32 s0, v6;
	v23 =	vld.idx.msk [tilespmem:v20+s3+$0x0], $0xffff  }
0xce: {  	v22 =	vld.idx.msk [tilespmem:v18+s3+$0x0], $0xffff;
	v18 =	vadd.s32 s0, v8  }
0xcf: {  	v21 =	vld.idx.msk [tilespmem:v21+s3+$0x0], $0xffff  }
0xd0: {  	v20 =	vld.idx.msk [tilespmem:v17+s3+$0x0], $0xffff  }
0xd1: {  	v17 =	vld.idx.msk [tilespmem:v25+s3+$0x0], $0xffff  }
0xd2: {  	v19 =	vld.idx.msk [tilespmem:v19+s3+$0x0], $0xffff  }
0xd3: {  	s31 =	simm.s32 $0x9D80;
	s30 =	smov.u32 s29;
	v23 =	vmul.f32 v23, v9;
	v24 =	vmul.f32 v24, v10;
	v18 =	vld.idx.msk [tilespmem:v18+s3+$0x0], $0xffff  }
.LBB2_4:
0xd4: {  	p0 =	sne.s32 s31, $0x14580  }
0xd5: {  	s29 =	sadd.s32 $0xC00, s29;
	s1 =	smov.u32 s31;
	s31 =	sadd.s32 $0x5400, s31  }
0xd6: {  	v22 =	vmul.f32 v22, v11;
	v23 =	vadd.f32 v24, v23;
	_ =	sdelay $0x1  }
0xd7: {  	v21 =	vmul.f32 v21, v12;
	s0 =	sadd.s32 $0xFFFFB680, s1;
	v22 =	vadd.f32 v22, v23  }
0xd8: {  	v24 =	vadd.s32 s0, v2;
	v23 =	vadd.s32 s0, v1  }
0xd9: {  	v20 =	vmul.f32 v20, v13;
	v25 =	vadd.s32 s0, v3;
	v21 =	vadd.f32 v21, v22;
	_ =	sdelay $0x1  }
0xda: {  	v19 =	vmul.f32 v19, v14;
	v20 =	vadd.f32 v20, v21;
	_ =	sdelay $0x1  }
0xdb: {  	v17 =	vmul.f32 v17, v15;
	v19 =	vadd.f32 v19, v20  }
0xdc: {  	v20 =	vadd.s32 s0, v4  }
0xdd: {  	v18 =	vmul.f32 v18, v16;
	v17 =	vadd.f32 v17, v19;
	_ =	sdelay $0x1  }
0xde: {  	v17 =	vadd.f32 v18, v17;
	_ =	sdelay $0x1  }
0xdf: {  	[tilespmem:s30+$0x180] =	vst v17;
	s30 =	smov.u32 s29  }
0xe0: {  	v17 =	vld.idx.msk [tilespmem:v23+s3+$0x0], $0xffff  }
0xe1: {  	v18 =	vld.idx.msk [tilespmem:v24+s3+$0x0], $0xffff  }
0xe2: {  	v19 =	vadd.s32 s0, v5  }
0xe3: {  	v21 =	vld.idx.msk [tilespmem:v25+s3+$0x0], $0xffff  }
0xe4: {  	v22 =	vadd.s32 s0, v6  }
0xe5: {  	v20 =	vld.idx.msk [tilespmem:v20+s3+$0x0], $0xffff  }
0xe6: {  	v23 =	vadd.s32 s0, v7  }
0xe7: {  	v17 =	vmul.f32 v17, v9;
	v18 =	vmul.f32 v18, v10;
	v19 =	vld.idx.msk [tilespmem:v19+s3+$0x0], $0xffff  }
0xe8: {  	v24 =	vadd.s32 s0, v8  }
0xe9: {  	v17 =	vadd.f32 v18, v17;
	v18 =	vmul.f32 v21, v11;
	v21 =	vld.idx.msk [tilespmem:v22+s3+$0x0], $0xffff;
	_ =	sdelay $0x1  }
0xea: {  	v17 =	vadd.f32 v18, v17;
	v18 =	vmul.f32 v20, v12;
	v20 =	vld.idx.msk [tilespmem:v23+s3+$0x0], $0xffff;
	_ =	sdelay $0x1  }
0xeb: {  	v17 =	vadd.f32 v18, v17;
	v18 =	vmul.f32 v19, v13;
	v19 =	vld.idx.msk [tilespmem:v24+s3+$0x0], $0xffff;
	_ =	sdelay $0x1  }
0xec: {  	v17 =	vadd.f32 v18, v17;
	v18 =	vmul.f32 v21, v14;
	_ =	sdelay $0x1  }
0xed: {  	v17 =	vadd.f32 v18, v17;
	v18 =	vmul.f32 v20, v15  }
0xee: {  	s0 =	sadd.s32 $0xFFFFC100, s1  }
0xef: {  	v17 =	vadd.f32 v18, v17;
	v18 =	vmul.f32 v19, v16;
	v19 =	vadd.s32 s0, v2  }
0xf0: {  	v20 =	vadd.s32 s0, v1  }
0xf1: {  	v17 =	vadd.f32 v18, v17  }
0xf2: {  	v18 =	vadd.s32 s0, v3  }
0xf3: {  	[tilespmem:s29+$0xFFFFFE00] =	vst v17  }
0xf4: {  	v17 =	vld.idx.msk [tilespmem:v19+s3+$0x0], $0xffff;
	v19 =	vadd.s32 s0, v4  }
0xf5: {  	v20 =	vld.idx.msk [tilespmem:v20+s3+$0x0], $0xffff  }
0xf6: {  	v21 =	vadd.s32 s0, v5  }
0xf7: {  	v18 =	vld.idx.msk [tilespmem:v18+s3+$0x0], $0xffff  }
0xf8: {  	v22 =	vadd.s32 s0, v6  }
0xf9: {  	v19 =	vld.idx.msk [tilespmem:v19+s3+$0x0], $0xffff  }
0xfa: {  	v23 =	vadd.s32 s0, v7;
	v17 =	vmul.f32 v17, v10  }
0xfb: {  	v20 =	vmul.f32 v20, v9;
	v21 =	vld.idx.msk [tilespmem:v21+s3+$0x0], $0xffff  }
0xfc: {  	v24 =	vadd.s32 s0, v8  }
0xfd: {  	v17 =	vadd.f32 v17, v20;
	v18 =	vmul.f32 v18, v11;
	v20 =	vld.idx.msk [tilespmem:v22+s3+$0x0], $0xffff;
	_ =	sdelay $0x1  }
0xfe: {  	v17 =	vadd.f32 v18, v17;
	v18 =	vmul.f32 v19, v12;
	v19 =	vld.idx.msk [tilespmem:v23+s3+$0x0], $0xffff;
	_ =	sdelay $0x1  }
0xff: {  	v17 =	vadd.f32 v18, v17;
	v18 =	vmul.f32 v21, v13;
	v21 =	vld.idx.msk [tilespmem:v24+s3+$0x0], $0xffff;
	_ =	sdelay $0x1  }
0x100: {  	v17 =	vadd.f32 v18, v17;
	v18 =	vmul.f32 v20, v14;
	_ =	sdelay $0x1  }
0x101: {  	v17 =	vadd.f32 v18, v17;
	v18 =	vmul.f32 v19, v15  }
0x102: {  	s0 =	sadd.s32 $0xFFFFCB80, s1  }
0x103: {  	v19 =	vadd.s32 s0, v1;
	v17 =	vadd.f32 v18, v17;
	v18 =	vmul.f32 v21, v16  }
0x104: {  	v20 =	vadd.s32 s0, v2  }
0x105: {  	v17 =	vadd.f32 v18, v17;
	v18 =	vadd.s32 s0, v3;
	_ =	sdelay $0x1  }
0x106: {  	[tilespmem:s29+$0xFFFFFE80] =	vst v17  }
0x107: {  	v17 =	vld.idx.msk [tilespmem:v19+s3+$0x0], $0xffff;
	v19 =	vadd.s32 s0, v4  }
0x108: {  	v20 =	vld.idx.msk [tilespmem:v20+s3+$0x0], $0xffff  }
0x109: {  	v21 =	vadd.s32 s0, v5;
	v18 =	vld.idx.msk [tilespmem:v18+s3+$0x0], $0xffff;
	_ =	sdelay $0x1  }
0x10a: {  	v22 =	vadd.s32 s0, v6  }
0x10b: {  	v19 =	vld.idx.msk [tilespmem:v19+s3+$0x0], $0xffff  }
0x10c: {  	v23 =	vadd.s32 s0, v7  }
0x10d: {  	v17 =	vmul.f32 v17, v9;
	v20 =	vmul.f32 v20, v10;
	v21 =	vld.idx.msk [tilespmem:v21+s3+$0x0], $0xffff  }
0x10e: {  	v24 =	vadd.s32 s0, v8  }
0x10f: {  	v18 =	vmul.f32 v18, v11;
	v17 =	vadd.f32 v20, v17;
	v20 =	vld.idx.msk [tilespmem:v22+s3+$0x0], $0xffff;
	_ =	sdelay $0x1  }
0x110: {  	v17 =	vadd.f32 v18, v17;
	v18 =	vmul.f32 v19, v12;
	v19 =	vld.idx.msk [tilespmem:v23+s3+$0x0], $0xffff;
	_ =	sdelay $0x1  }
0x111: {  	v17 =	vadd.f32 v18, v17;
	v18 =	vmul.f32 v21, v13;
	v21 =	vld.idx.msk [tilespmem:v24+s3+$0x0], $0xffff;
	_ =	sdelay $0x1  }
0x112: {  	v17 =	vadd.f32 v18, v17;
	v18 =	vmul.f32 v20, v14;
	_ =	sdelay $0x1  }
0x113: {  	v17 =	vadd.f32 v18, v17;
	v18 =	vmul.f32 v19, v15  }
0x114: {  	s0 =	sadd.s32 $0xFFFFD600, s1  }
0x115: {  	v19 =	vadd.s32 s0, v1;
	v17 =	vadd.f32 v18, v17;
	v18 =	vmul.f32 v21, v16  }
0x116: {  	v20 =	vadd.s32 s0, v2  }
0x117: {  	v17 =	vadd.f32 v18, v17  }
0x118: {  	v18 =	vadd.s32 s0, v3  }
0x119: {  	[tilespmem:s29+$0xFFFFFF00] =	vst v17  }
0x11a: {  	v17 =	vld.idx.msk [tilespmem:v19+s3+$0x0], $0xffff;
	v19 =	vadd.s32 s0, v4  }
0x11b: {  	v20 =	vld.idx.msk [tilespmem:v20+s3+$0x0], $0xffff  }
0x11c: {  	v21 =	vadd.s32 s0, v5  }
0x11d: {  	v18 =	vld.idx.msk [tilespmem:v18+s3+$0x0], $0xffff  }
0x11e: {  	v22 =	vadd.s32 s0, v6  }
0x11f: {  	v19 =	vld.idx.msk [tilespmem:v19+s3+$0x0], $0xffff  }
0x120: {  	v23 =	vadd.s32 s0, v7  }
0x121: {  	v17 =	vmul.f32 v17, v9;
	v20 =	vmul.f32 v20, v10;
	v21 =	vld.idx.msk [tilespmem:v21+s3+$0x0], $0xffff  }
0x122: {  	v24 =	vadd.s32 s0, v8  }
0x123: {  	v17 =	vadd.f32 v20, v17;
	v18 =	vmul.f32 v18, v11;
	v20 =	vld.idx.msk [tilespmem:v22+s3+$0x0], $0xffff;
	_ =	sdelay $0x1  }
0x124: {  	v17 =	vadd.f32 v18, v17;
	v18 =	vmul.f32 v19, v12;
	v19 =	vld.idx.msk [tilespmem:v23+s3+$0x0], $0xffff;
	_ =	sdelay $0x1  }
0x125: {  	v17 =	vadd.f32 v18, v17;
	v18 =	vmul.f32 v21, v13;
	v21 =	vld.idx.msk [tilespmem:v24+s3+$0x0], $0xffff;
	_ =	sdelay $0x1  }
0x126: {  	v17 =	vadd.f32 v18, v17;
	v18 =	vmul.f32 v20, v14;
	_ =	sdelay $0x1  }
0x127: {  	v17 =	vadd.f32 v18, v17;
	v18 =	vmul.f32 v19, v15  }
0x128: {  	s0 =	sadd.s32 $0xFFFFE080, s1  }
0x129: {  	v19 =	vadd.s32 s0, v1;
	v17 =	vadd.f32 v18, v17;
	v18 =	vmul.f32 v21, v16  }
0x12a: {  	v20 =	vadd.s32 s0, v2  }
0x12b: {  	v17 =	vadd.f32 v18, v17;
	v18 =	vadd.s32 s0, v3;
	_ =	sdelay $0x1  }
0x12c: {  	[tilespmem:s29+$0xFFFFFF80] =	vst v17  }
0x12d: {  	v17 =	vld.idx.msk [tilespmem:v19+s3+$0x0], $0xffff;
	v19 =	vadd.s32 s0, v4  }
0x12e: {  	v20 =	vld.idx.msk [tilespmem:v20+s3+$0x0], $0xffff  }
0x12f: {  	v21 =	vadd.s32 s0, v5;
	v18 =	vld.idx.msk [tilespmem:v18+s3+$0x0], $0xffff;
	_ =	sdelay $0x1  }
0x130: {  	v22 =	vadd.s32 s0, v6  }
0x131: {  	v19 =	vld.idx.msk [tilespmem:v19+s3+$0x0], $0xffff  }
0x132: {  	v23 =	vadd.s32 s0, v7;
	v17 =	vmul.f32 v17, v9  }
0x133: {  	v20 =	vmul.f32 v20, v10;
	v21 =	vld.idx.msk [tilespmem:v21+s3+$0x0], $0xffff  }
0x134: {  	v24 =	vadd.s32 s0, v8  }
0x135: {  	v18 =	vmul.f32 v18, v11;
	v17 =	vadd.f32 v20, v17;
	v20 =	vld.idx.msk [tilespmem:v22+s3+$0x0], $0xffff;
	_ =	sdelay $0x1  }
0x136: {  	v17 =	vadd.f32 v18, v17;
	v18 =	vmul.f32 v19, v12;
	v19 =	vld.idx.msk [tilespmem:v23+s3+$0x0], $0xffff;
	_ =	sdelay $0x1  }
0x137: {  	v17 =	vadd.f32 v18, v17;
	v18 =	vmul.f32 v21, v13;
	v21 =	vld.idx.msk [tilespmem:v24+s3+$0x0], $0xffff;
	_ =	sdelay $0x1  }
0x138: {  	v17 =	vadd.f32 v18, v17;
	v18 =	vmul.f32 v20, v14;
	_ =	sdelay $0x1  }
0x139: {  	v17 =	vadd.f32 v18, v17;
	v18 =	vmul.f32 v19, v15  }
0x13a: {  	s0 =	sadd.s32 $0xFFFFEB00, s1  }
0x13b: {  	v19 =	vadd.s32 s0, v1;
	v17 =	vadd.f32 v18, v17;
	v18 =	vmul.f32 v21, v16  }
0x13c: {  	v20 =	vadd.s32 s0, v2  }
0x13d: {  	v17 =	vadd.f32 v18, v17;
	v18 =	vadd.s32 s0, v3  }
0x13e: {  	v21 =	vadd.s32 s0, v4  }
0x13f: {  	[tilespmem:s29+$0x0] =	vst v17;
	v17 =	vadd.s32 s0, v5  }
0x140: {  	v22 =	vadd.s32 s0, v6;
	v19 =	vld.idx.msk [tilespmem:v19+s3+$0x0], $0xffff  }
0x141: {  	v23 =	vadd.s32 s0, v7;
	v20 =	vld.idx.msk [tilespmem:v20+s3+$0x0], $0xffff  }
0x142: {  	v24 =	vadd.s32 s0, v8;
	v18 =	vld.idx.msk [tilespmem:v18+s3+$0x0], $0xffff  }
0x143: {  	v21 =	vld.idx.msk [tilespmem:v21+s3+$0x0], $0xffff  }
0x144: {  	v17 =	vld.idx.msk [tilespmem:v17+s3+$0x0], $0xffff  }
0x145: {  	v22 =	vld.idx.msk [tilespmem:v22+s3+$0x0], $0xffff  }
0x146: {  	v19 =	vmul.f32 v19, v9;
	v23 =	vld.idx.msk [tilespmem:v23+s3+$0x0], $0xffff  }
0x147: {  	v20 =	vmul.f32 v20, v10;
	v24 =	vld.idx.msk [tilespmem:v24+s3+$0x0], $0xffff;
	_ =	sdelay $0x1  }
0x148: {  	v18 =	vmul.f32 v18, v11;
	v19 =	vadd.f32 v20, v19;
	_ =	sdelay $0x1  }
0x149: {  	v18 =	vadd.f32 v18, v19;
	v19 =	vmul.f32 v21, v12;
	_ =	sdelay $0x1  }
0x14a: {  	v17 =	vmul.f32 v17, v13;
	v18 =	vadd.f32 v19, v18;
	_ =	sdelay $0x1  }
0x14b: {  	v17 =	vadd.f32 v17, v18;
	v18 =	vmul.f32 v22, v14;
	_ =	sdelay $0x1  }
0x14c: {  	v17 =	vadd.f32 v18, v17;
	v18 =	vmul.f32 v23, v15  }
0x14d: {  	s0 =	sadd.s32 $0xFFFFF580, s1  }
0x14e: {  	v19 =	vadd.s32 s0, v1;
	v17 =	vadd.f32 v18, v17;
	v18 =	vmul.f32 v24, v16  }
0x14f: {  	v20 =	vadd.s32 s0, v2  }
0x150: {  	v17 =	vadd.f32 v18, v17;
	v18 =	vadd.s32 s0, v4  }
0x151: {  	v21 =	vadd.s32 s0, v3  }
0x152: {  	[tilespmem:s29+$0x80] =	vst v17;
	v17 =	vadd.s32 s0, v5  }
0x153: {  	v22 =	vadd.s32 s0, v6;
	v19 =	vld.idx.msk [tilespmem:v19+s3+$0x0], $0xffff  }
0x154: {  	v23 =	vadd.s32 s0, v7;
	v20 =	vld.idx.msk [tilespmem:v20+s3+$0x0], $0xffff  }
0x155: {  	v24 =	vadd.s32 s0, v8;
	v18 =	vld.idx.msk [tilespmem:v18+s3+$0x0], $0xffff  }
0x156: {  	v21 =	vld.idx.msk [tilespmem:v21+s3+$0x0], $0xffff  }
0x157: {  	v17 =	vld.idx.msk [tilespmem:v17+s3+$0x0], $0xffff  }
0x158: {  	v22 =	vld.idx.msk [tilespmem:v22+s3+$0x0], $0xffff  }
0x159: {  	v19 =	vmul.f32 v19, v9;
	v23 =	vld.idx.msk [tilespmem:v23+s3+$0x0], $0xffff  }
0x15a: {  	v20 =	vmul.f32 v20, v10;
	v24 =	vld.idx.msk [tilespmem:v24+s3+$0x0], $0xffff  }
0x15b: {  	v18 =	vmul.f32 v18, v12  }
0x15c: {  	v19 =	vadd.f32 v20, v19;
	v20 =	vmul.f32 v21, v11  }
0x15d: {  	v17 =	vmul.f32 v17, v13  }
0x15e: {  	v19 =	vadd.f32 v20, v19  }
0x15f: {  	v20 =	vmul.f32 v22, v14  }
0x160: {  	v18 =	vadd.f32 v18, v19  }
0x161: {  	v19 =	vmul.f32 v23, v15  }
0x162: {  	v17 =	vadd.f32 v17, v18  }
0x163: {  	v18 =	vmul.f32 v24, v16  }
0x164: {  	v17 =	vadd.f32 v20, v17;
	_ =	sdelay $0x1  }
0x165: {  	v17 =	vadd.f32 v19, v17;
	v19 =	vadd.s32 s1, v2  }
0x166: {  	v20 =	vadd.s32 s1, v1  }
0x167: {  	v17 =	vadd.f32 v18, v17;
	v18 =	vadd.s32 s1, v3  }
0x168: {  	v21 =	vadd.s32 s1, v4  }
0x169: {  	[tilespmem:s29+$0x100] =	vst v17;
	v17 =	vadd.s32 s1, v5  }
0x16a: {  	v24 =	vld.idx.msk [tilespmem:v19+s3+$0x0], $0xffff;
	v19 =	vadd.s32 s1, v6  }
0x16b: {  	v25 =	vadd.s32 s1, v7;
	v23 =	vld.idx.msk [tilespmem:v20+s3+$0x0], $0xffff  }
0x16c: {  	v22 =	vld.idx.msk [tilespmem:v18+s3+$0x0], $0xffff;
	v18 =	vadd.s32 s1, v8  }
.Ltmp0:
0x16d: {  	v21 =	vld.idx.msk [tilespmem:v21+s3+$0x0], $0xffff;
	(pc) =	sbr.rel @p0 .LBB2_4-.Ltmp0, $4  }
0x16e: {  	v20 =	vld.idx.msk [tilespmem:v17+s3+$0x0], $0xffff  }
0x16f: {  	v19 =	vld.idx.msk [tilespmem:v19+s3+$0x0], $0xffff  }
0x170: {  	v17 =	vld.idx.msk [tilespmem:v25+s3+$0x0], $0xffff  }
0x171: {  	v24 =	vmul.f32 v24, v10;
	v23 =	vmul.f32 v23, v9;
	v18 =	vld.idx.msk [tilespmem:v18+s3+$0x0], $0xffff  }
0x172: {  	_ = 	snop  }
0x173: {  	v2 =	vmul.f32 v22, v11;
	v1 =	vadd.f32 v24, v23;
	_ =	sdelay $0x1  }
0x174: {  	v1 =	vadd.f32 v2, v1;
	v2 =	vmul.f32 v21, v12;
	_ =	sdelay $0x1  }
0x175: {  	v1 =	vadd.f32 v2, v1;
	v2 =	vmul.f32 v20, v13;
	_ =	sdelay $0x1  }
0x176: {  	v1 =	vadd.f32 v2, v1;
	v2 =	vmul.f32 v19, v14;
	_ =	sdelay $0x1  }
0x177: {  	s28 =	sadd.s32 $0x1, s28;
	v1 =	vadd.f32 v2, v1;
	v2 =	vmul.f32 v17, v15  }
0x178: {  	p0 =	sne.s32 s28, $0x18  }
.Ltmp1:
0x179: {  	v1 =	vadd.f32 v2, v1;
	v2 =	vmul.f32 v18, v16;
	(pc) =	sbr.rel @p0 .LBB2_3-.Ltmp1, $3  }
0x17a: {  	_ = 	snop  }
0x17b: {  	v1 =	vadd.f32 v2, v1;
	_ =	sdelay $0x1  }
0x17c: {  	s26 =	sadd.s32 $0x80, s26;
	s25 =	sadd.s32 $0x1, s25;
	[tilespmem:s30+$0x180] =	vst v1  }
0x17d: {  	s0 =	smul.u32 $0x1800, s23;
	_ =	sdelay $0x1  }
0x17e: {  	s1 =	sadd.s32 s7, s0  }
0x17f: {  	s1 =	sshrl.u32 s1, $0x3  }
0x180: {  	s1 =	sadd.s32 s2, s1  }
0x181: {  	[hbm4b:s1+s15] =	stream.strided.scatter [tilespmem:s17], [sflag:$0x3], $0x3000, s16, s15, $0x38;
	[tilespmem:$0x1E000] =	vst v63  }
0x182: {  	_ =	swait.ge [sflag:s18], $0xC00  }
0x183: {  	[sflag:s18] =	ssyncset.done $0x0  }
0x184: {  	p0 =	seq.s32 s23, $0x6;
	[sflag:s18] =	ssyncadd.s32 $0xFFFFF400  }
0x185: {  	s0 =	sshrl.u32 @!p0 s0, $0x3;
	_ =	swait.ge [sflag:s18], $0xC00  }
0x186: {  	s25 =	simm.s32 @!p0 $0x0;
	s0 =	sadd.s32 @!p0 $0x300, s0;
	[sflag:s18] =	ssyncset.done $0x0  }
0x187: {  	s26 =	simm.s32 @!p0 $0x15000;
	s1 =	sadd.s32 @!p0 s4, s0;
	[sflag:s18] =	ssyncadd.s32 $0xFFFFF400  }
0x188: {  	[tilespmem:s26], [sflag:$0x1] =	stream.linear.gather @!p0 [hbm4b:s1+s25], $0xC00, $0x38;
	[tilespmem:$0x1E000] =	vst v63  }
0x189: {  	p1 =	seq.s32 @!p0 s23, $0x0;
	s0 =	sadd.s32 @!p0 s5, s0;
	s1 =	simm.s32 @!p0 $0x16800  }
0x18a: {  	[tilespmem:s1], [sflag:$0x1] =	stream.linear.gather @!p0 [hbm4b:s0+s25], $0xC00, $0x38;
	[tilespmem:$0x1E000] =	vst v63  }
0x18b: {  	p0 =	por p0, !p1  }
0x18c: {  	_ =	swait.ge @p0 [sflag:s21], $0x3000  }
0x18d: {  	s28 =	simm.s32 $0x0;
	s23 =	sadd.s32 $0x1, s23;
	[sflag:s21] =	ssyncset.done @p0 $0x0  }
0x18e: {  	s26 =	simm.s32 $0x0;
	s25 =	simm.s32 $0x0;
	[sflag:s21] =	ssyncadd.s32 @p0 $0xFFFFD000  }
.LBB2_7:
0x18f: {  	s0 =	sshll.u32 s28, $0x4  }
0x190: {  	v1 =	vmov s0  }
0x191: {  	v1 =	vshll.u32 v1, $0x3  }
0x192: {  	v9 =	vor.u32 v0, v1  }
0x193: {  	v10 =	vor.u32 $0x1, v9;
	_ =	sdelay $0x1  }
0x194: {  	v11 =	vor.u32 $0x2, v9  }
0x195: {  	v12 =	vor.u32 $0x3, v9  }
0x196: {  	v13 =	vor.u32 $0x4, v9;
	v1 =	vld.idx.msk [tilespmem:v9+s13+$0x0], $0xffff  }
0x197: {  	v14 =	vor.u32 $0x5, v9;
	v2 =	vld.idx.msk [tilespmem:v10+s13+$0x0], $0xffff  }
0x198: {  	v15 =	vor.u32 $0x6, v9;
	v16 =	vor.u32 $0x7, v9;
	v9 =	vld.idx.msk [tilespmem:v9+s14+$0x0], $0xffff  }
0x199: {  	v3 =	vld.idx.msk [tilespmem:v11+s13+$0x0], $0xffff  }
0x19a: {  	s1 =	simm.s32 $0x0;
	v4 =	vld.idx.msk [tilespmem:v12+s13+$0x0], $0xffff  }
0x19b: {  	v5 =	vld.idx.msk [tilespmem:v13+s13+$0x0], $0xffff;
	v17 =	vadd.s32 s1, v1  }
0x19c: {  	v6 =	vld.idx.msk [tilespmem:v14+s13+$0x0], $0xffff;
	v18 =	vadd.s32 s1, v2  }
0x19d: {  	v7 =	vld.idx.msk [tilespmem:v15+s13+$0x0], $0xffff  }
0x19e: {  	v8 =	vld.idx.msk [tilespmem:v16+s13+$0x0], $0xffff;
	v19 =	vadd.s32 s1, v3  }
0x19f: {  	v10 =	vld.idx.msk [tilespmem:v10+s14+$0x0], $0xffff  }
0x1a0: {  	v20 =	vadd.s32 s1, v4;
	v17 =	vld.idx.msk [tilespmem:v17+s3+$0x0], $0xffff  }
0x1a1: {  	v18 =	vld.idx.msk [tilespmem:v18+s3+$0x0], $0xffff  }
0x1a2: {  	v11 =	vld.idx.msk [tilespmem:v11+s14+$0x0], $0xffff;
	v21 =	vadd.s32 s1, v5  }
0x1a3: {  	v19 =	vld.idx.msk [tilespmem:v19+s3+$0x0], $0xffff  }
0x1a4: {  	v12 =	vld.idx.msk [tilespmem:v12+s14+$0x0], $0xffff;
	v22 =	vadd.s32 s1, v6  }
0x1a5: {  	v20 =	vld.idx.msk [tilespmem:v20+s3+$0x0], $0xffff  }
0x1a6: {  	v13 =	vld.idx.msk [tilespmem:v13+s14+$0x0], $0xffff;
	v23 =	vadd.s32 s1, v7;
	v17 =	vmul.f32 v17, v9;
	v18 =	vmul.f32 v18, v10  }
0x1a7: {  	v21 =	vld.idx.msk [tilespmem:v21+s3+$0x0], $0xffff  }
0x1a8: {  	v14 =	vld.idx.msk [tilespmem:v14+s14+$0x0], $0xffff;
	v24 =	vadd.s32 s1, v8;
	v17 =	vadd.f32 v18, v17;
	v18 =	vmul.f32 v19, v11  }
0x1a9: {  	v19 =	vld.idx.msk [tilespmem:v22+s3+$0x0], $0xffff  }
0x1aa: {  	v15 =	vld.idx.msk [tilespmem:v15+s14+$0x0], $0xffff;
	v17 =	vadd.f32 v18, v17;
	v18 =	vmul.f32 v20, v12  }
0x1ab: {  	v20 =	vld.idx.msk [tilespmem:v23+s3+$0x0], $0xffff  }
0x1ac: {  	v16 =	vld.idx.msk [tilespmem:v16+s14+$0x0], $0xffff;
	v17 =	vadd.f32 v18, v17;
	v18 =	vmul.f32 v21, v13  }
0x1ad: {  	v21 =	vld.idx.msk [tilespmem:v24+s3+$0x0], $0xffff  }
0x1ae: {  	v17 =	vadd.f32 v18, v17;
	v18 =	vmul.f32 v19, v14;
	_ =	sdelay $0x1  }
0x1af: {  	v17 =	vadd.f32 v18, v17;
	v18 =	vmul.f32 v20, v15  }
0x1b0: {  	s30 =	simm.s32 $0xA80;
	s0 =	sshll.u32 s26, $0x2;
	s1 =	sand.u32 $0x7, s25  }
0x1b1: {  	s0 =	sand.u32 $0xFFFFF000, s0;
	s1 =	sshll.u32 s1, $0x6;
	v19 =	vadd.s32 s30, v2;
	v17 =	vadd.f32 v18, v17;
	v18 =	vmul.f32 v21, v16  }
0x1b2: {  	s0 =	sor.u32 s1, s0;
	v20 =	vadd.s32 s30, v1  }
0x1b3: {  	s0 =	sshrl.u32 s0, $0x2;
	v17 =	vadd.f32 v18, v17  }
0x1b4: {  	s29 =	sadd.s32 $0x1B200, s0;
	v18 =	vadd.s32 s30, v3  }
0x1b5: {  	[tilespmem:s29+$0xFFFFFE00] =	vst v17  }
0x1b6: {  	v17 =	vld.idx.msk [tilespmem:v19+s3+$0x0], $0xffff;
	v19 =	vadd.s32 s30, v4  }
0x1b7: {  	v20 =	vld.idx.msk [tilespmem:v20+s3+$0x0], $0xffff  }
0x1b8: {  	v21 =	vadd.s32 s30, v5  }
0x1b9: {  	v18 =	vld.idx.msk [tilespmem:v18+s3+$0x0], $0xffff  }
0x1ba: {  	v22 =	vadd.s32 s30, v6  }
0x1bb: {  	v19 =	vld.idx.msk [tilespmem:v19+s3+$0x0], $0xffff  }
0x1bc: {  	v23 =	vadd.s32 s30, v7;
	v17 =	vmul.f32 v17, v10;
	v20 =	vmul.f32 v20, v9  }
0x1bd: {  	v21 =	vld.idx.msk [tilespmem:v21+s3+$0x0], $0xffff  }
0x1be: {  	v24 =	vadd.s32 s30, v8;
	v17 =	vadd.f32 v17, v20;
	v18 =	vmul.f32 v18, v11  }
0x1bf: {  	v20 =	vld.idx.msk [tilespmem:v22+s3+$0x0], $0xffff  }
0x1c0: {  	v17 =	vadd.f32 v18, v17;
	v18 =	vmul.f32 v19, v12  }
0x1c1: {  	v19 =	vld.idx.msk [tilespmem:v23+s3+$0x0], $0xffff  }
0x1c2: {  	v17 =	vadd.f32 v18, v17;
	v18 =	vmul.f32 v21, v13  }
0x1c3: {  	v21 =	vld.idx.msk [tilespmem:v24+s3+$0x0], $0xffff  }
0x1c4: {  	v17 =	vadd.f32 v18, v17;
	v18 =	vmul.f32 v20, v14;
	_ =	sdelay $0x1  }
0x1c5: {  	v17 =	vadd.f32 v18, v17;
	v18 =	vmul.f32 v19, v15  }
0x1c6: {  	s1 =	simm.s32 $0x1500  }
0x1c7: {  	v19 =	vadd.s32 s1, v1;
	v17 =	vadd.f32 v18, v17;
	v18 =	vmul.f32 v21, v16  }
0x1c8: {  	v20 =	vadd.s32 s1, v2  }
0x1c9: {  	v17 =	vadd.f32 v18, v17  }
0x1ca: {  	v18 =	vadd.s32 s1, v3  }
0x1cb: {  	[tilespmem:s29+$0xFFFFFE80] =	vst v17  }
0x1cc: {  	v17 =	vld.idx.msk [tilespmem:v19+s3+$0x0], $0xffff;
	v19 =	vadd.s32 s1, v4  }
0x1cd: {  	v20 =	vld.idx.msk [tilespmem:v20+s3+$0x0], $0xffff  }
0x1ce: {  	v21 =	vadd.s32 s1, v5  }
0x1cf: {  	v18 =	vld.idx.msk [tilespmem:v18+s3+$0x0], $0xffff  }
0x1d0: {  	v22 =	vadd.s32 s1, v6  }
0x1d1: {  	v19 =	vld.idx.msk [tilespmem:v19+s3+$0x0], $0xffff  }
0x1d2: {  	v23 =	vadd.s32 s1, v7;
	v17 =	vmul.f32 v17, v9;
	v20 =	vmul.f32 v20, v10  }
0x1d3: {  	v21 =	vld.idx.msk [tilespmem:v21+s3+$0x0], $0xffff  }
0x1d4: {  	v24 =	vadd.s32 s1, v8;
	v17 =	vadd.f32 v20, v17;
	v18 =	vmul.f32 v18, v11  }
0x1d5: {  	v20 =	vld.idx.msk [tilespmem:v22+s3+$0x0], $0xffff  }
0x1d6: {  	v17 =	vadd.f32 v18, v17;
	v18 =	vmul.f32 v19, v12  }
0x1d7: {  	v19 =	vld.idx.msk [tilespmem:v23+s3+$0x0], $0xffff  }
0x1d8: {  	v17 =	vadd.f32 v18, v17;
	v18 =	vmul.f32 v21, v13  }
0x1d9: {  	v21 =	vld.idx.msk [tilespmem:v24+s3+$0x0], $0xffff  }
0x1da: {  	v17 =	vadd.f32 v18, v17;
	v18 =	vmul.f32 v20, v14;
	_ =	sdelay $0x1  }
0x1db: {  	v17 =	vadd.f32 v18, v17;
	v18 =	vmul.f32 v19, v15  }
0x1dc: {  	s1 =	simm.s32 $0x1F80  }
0x1dd: {  	v19 =	vadd.s32 s1, v1;
	v17 =	vadd.f32 v18, v17;
	v18 =	vmul.f32 v21, v16  }
0x1de: {  	v20 =	vadd.s32 s1, v2  }
0x1df: {  	v17 =	vadd.f32 v18, v17  }
0x1e0: {  	v18 =	vadd.s32 s1, v3  }
0x1e1: {  	[tilespmem:s29+$0xFFFFFF00] =	vst v17  }
0x1e2: {  	v17 =	vld.idx.msk [tilespmem:v19+s3+$0x0], $0xffff;
	v19 =	vadd.s32 s1, v4  }
0x1e3: {  	v20 =	vld.idx.msk [tilespmem:v20+s3+$0x0], $0xffff  }
0x1e4: {  	v21 =	vadd.s32 s1, v5  }
0x1e5: {  	v18 =	vld.idx.msk [tilespmem:v18+s3+$0x0], $0xffff  }
0x1e6: {  	v22 =	vadd.s32 s1, v6  }
0x1e7: {  	v19 =	vld.idx.msk [tilespmem:v19+s3+$0x0], $0xffff  }
0x1e8: {  	v23 =	vadd.s32 s1, v7;
	v17 =	vmul.f32 v17, v9;
	v20 =	vmul.f32 v20, v10  }
0x1e9: {  	v21 =	vld.idx.msk [tilespmem:v21+s3+$0x0], $0xffff  }
0x1ea: {  	v24 =	vadd.s32 s1, v8;
	v17 =	vadd.f32 v20, v17;
	v18 =	vmul.f32 v18, v11  }
0x1eb: {  	v20 =	vld.idx.msk [tilespmem:v22+s3+$0x0], $0xffff  }
0x1ec: {  	v17 =	vadd.f32 v18, v17;
	v18 =	vmul.f32 v19, v12  }
0x1ed: {  	v19 =	vld.idx.msk [tilespmem:v23+s3+$0x0], $0xffff  }
0x1ee: {  	v17 =	vadd.f32 v18, v17;
	v18 =	vmul.f32 v21, v13  }
0x1ef: {  	v21 =	vld.idx.msk [tilespmem:v24+s3+$0x0], $0xffff  }
0x1f0: {  	v17 =	vadd.f32 v18, v17;
	v18 =	vmul.f32 v20, v14;
	_ =	sdelay $0x1  }
0x1f1: {  	v17 =	vadd.f32 v18, v17;
	v18 =	vmul.f32 v19, v15  }
0x1f2: {  	s1 =	simm.s32 $0x2A00  }
0x1f3: {  	v19 =	vadd.s32 s1, v1;
	v17 =	vadd.f32 v18, v17;
	v18 =	vmul.f32 v21, v16  }
0x1f4: {  	v20 =	vadd.s32 s1, v2  }
0x1f5: {  	v17 =	vadd.f32 v18, v17  }
0x1f6: {  	v18 =	vadd.s32 s1, v3  }
0x1f7: {  	[tilespmem:s29+$0xFFFFFF80] =	vst v17  }
0x1f8: {  	v17 =	vld.idx.msk [tilespmem:v19+s3+$0x0], $0xffff;
	v19 =	vadd.s32 s1, v4  }
0x1f9: {  	v20 =	vld.idx.msk [tilespmem:v20+s3+$0x0], $0xffff  }
0x1fa: {  	v21 =	vadd.s32 s1, v5  }
0x1fb: {  	v18 =	vld.idx.msk [tilespmem:v18+s3+$0x0], $0xffff  }
0x1fc: {  	v22 =	vadd.s32 s1, v6  }
0x1fd: {  	v19 =	vld.idx.msk [tilespmem:v19+s3+$0x0], $0xffff  }
0x1fe: {  	v23 =	vadd.s32 s1, v7;
	v17 =	vmul.f32 v17, v9;
	v20 =	vmul.f32 v20, v10  }
0x1ff: {  	v21 =	vld.idx.msk [tilespmem:v21+s3+$0x0], $0xffff  }
0x200: {  	v24 =	vadd.s32 s1, v8;
	v17 =	vadd.f32 v20, v17;
	v18 =	vmul.f32 v18, v11  }
0x201: {  	v20 =	vld.idx.msk [tilespmem:v22+s3+$0x0], $0xffff  }
0x202: {  	v17 =	vadd.f32 v18, v17;
	v18 =	vmul.f32 v19, v12  }
0x203: {  	v19 =	vld.idx.msk [tilespmem:v23+s3+$0x0], $0xffff  }
0x204: {  	v17 =	vadd.f32 v18, v17;
	v18 =	vmul.f32 v21, v13  }
0x205: {  	v21 =	vld.idx.msk [tilespmem:v24+s3+$0x0], $0xffff  }
0x206: {  	v17 =	vadd.f32 v18, v17;
	v18 =	vmul.f32 v20, v14;
	_ =	sdelay $0x1  }
0x207: {  	v17 =	vadd.f32 v18, v17;
	v18 =	vmul.f32 v19, v15  }
0x208: {  	s1 =	simm.s32 $0x3480  }
0x209: {  	v19 =	vadd.s32 s1, v1;
	v17 =	vadd.f32 v18, v17;
	v18 =	vmul.f32 v21, v16  }
0x20a: {  	v20 =	vadd.s32 s1, v2  }
0x20b: {  	v17 =	vadd.f32 v18, v17  }
0x20c: {  	v18 =	vadd.s32 s1, v3  }
0x20d: {  	[tilespmem:s29+$0x0] =	vst v17  }
0x20e: {  	v17 =	vadd.s32 s1, v4;
	v19 =	vld.idx.msk [tilespmem:v19+s3+$0x0], $0xffff  }
0x20f: {  	v20 =	vld.idx.msk [tilespmem:v20+s3+$0x0], $0xffff  }
0x210: {  	v21 =	vadd.s32 s1, v5  }
0x211: {  	v18 =	vld.idx.msk [tilespmem:v18+s3+$0x0], $0xffff  }
0x212: {  	v22 =	vadd.s32 s1, v6  }
0x213: {  	v17 =	vld.idx.msk [tilespmem:v17+s3+$0x0], $0xffff  }
0x214: {  	v23 =	vadd.s32 s1, v7;
	v19 =	vmul.f32 v19, v9;
	v20 =	vmul.f32 v20, v10  }
0x215: {  	v21 =	vld.idx.msk [tilespmem:v21+s3+$0x0], $0xffff  }
0x216: {  	v24 =	vadd.s32 s1, v8;
	v19 =	vadd.f32 v20, v19;
	v18 =	vmul.f32 v18, v11  }
0x217: {  	v20 =	vld.idx.msk [tilespmem:v22+s3+$0x0], $0xffff  }
0x218: {  	v18 =	vadd.f32 v18, v19;
	v17 =	vmul.f32 v17, v12  }
0x219: {  	v19 =	vld.idx.msk [tilespmem:v23+s3+$0x0], $0xffff  }
0x21a: {  	v17 =	vadd.f32 v17, v18;
	v18 =	vmul.f32 v21, v13  }
0x21b: {  	v21 =	vld.idx.msk [tilespmem:v24+s3+$0x0], $0xffff  }
0x21c: {  	v17 =	vadd.f32 v18, v17;
	v18 =	vmul.f32 v20, v14;
	_ =	sdelay $0x1  }
0x21d: {  	v17 =	vadd.f32 v18, v17;
	v18 =	vmul.f32 v19, v15  }
0x21e: {  	s1 =	simm.s32 $0x3F00  }
0x21f: {  	v19 =	vadd.s32 s1, v1;
	v17 =	vadd.f32 v18, v17;
	v18 =	vmul.f32 v21, v16  }
0x220: {  	v20 =	vadd.s32 s1, v2  }
0x221: {  	v17 =	vadd.f32 v18, v17  }
0x222: {  	v18 =	vadd.s32 s1, v3  }
0x223: {  	[tilespmem:s29+$0x80] =	vst v17  }
0x224: {  	v17 =	vadd.s32 s1, v4;
	v19 =	vld.idx.msk [tilespmem:v19+s3+$0x0], $0xffff  }
0x225: {  	v20 =	vld.idx.msk [tilespmem:v20+s3+$0x0], $0xffff  }
0x226: {  	v21 =	vadd.s32 s1, v5  }
0x227: {  	v18 =	vld.idx.msk [tilespmem:v18+s3+$0x0], $0xffff  }
0x228: {  	v22 =	vadd.s32 s1, v6  }
0x229: {  	v17 =	vld.idx.msk [tilespmem:v17+s3+$0x0], $0xffff  }
0x22a: {  	v23 =	vadd.s32 s1, v7;
	v19 =	vmul.f32 v19, v9;
	v20 =	vmul.f32 v20, v10  }
0x22b: {  	v21 =	vld.idx.msk [tilespmem:v21+s3+$0x0], $0xffff  }
0x22c: {  	v24 =	vadd.s32 s1, v8;
	v19 =	vadd.f32 v20, v19;
	v18 =	vmul.f32 v18, v11  }
0x22d: {  	v20 =	vld.idx.msk [tilespmem:v22+s3+$0x0], $0xffff  }
0x22e: {  	v17 =	vmul.f32 v17, v12;
	v18 =	vadd.f32 v18, v19  }
0x22f: {  	v19 =	vld.idx.msk [tilespmem:v23+s3+$0x0], $0xffff  }
0x230: {  	v21 =	vmul.f32 v21, v13;
	v17 =	vadd.f32 v17, v18  }
0x231: {  	v18 =	vld.idx.msk [tilespmem:v24+s3+$0x0], $0xffff  }
0x232: {  	v20 =	vmul.f32 v20, v14;
	v17 =	vadd.f32 v21, v17;
	_ =	sdelay $0x1  }
0x233: {  	v19 =	vmul.f32 v19, v15;
	v17 =	vadd.f32 v20, v17  }
0x234: {  	s1 =	simm.s32 $0x4980  }
0x235: {  	v18 =	vmul.f32 v18, v16;
	v17 =	vadd.f32 v19, v17;
	v19 =	vadd.s32 s1, v2  }
0x236: {  	v20 =	vadd.s32 s1, v1  }
0x237: {  	v17 =	vadd.f32 v18, v17;
	v18 =	vadd.s32 s1, v3  }
0x238: {  	v21 =	vadd.s32 s1, v4  }
0x239: {  	[tilespmem:s29+$0x100] =	vst v17;
	v17 =	vadd.s32 s1, v5  }
0x23a: {  	v25 =	vadd.s32 s1, v7;
	v24 =	vld.idx.msk [tilespmem:v19+s3+$0x0], $0xffff  }
0x23b: {  	v19 =	vadd.s32 s1, v6;
	v23 =	vld.idx.msk [tilespmem:v20+s3+$0x0], $0xffff  }
0x23c: {  	v22 =	vld.idx.msk [tilespmem:v18+s3+$0x0], $0xffff;
	v18 =	vadd.s32 s1, v8  }
0x23d: {  	v21 =	vld.idx.msk [tilespmem:v21+s3+$0x0], $0xffff  }
0x23e: {  	v20 =	vld.idx.msk [tilespmem:v17+s3+$0x0], $0xffff  }
0x23f: {  	v17 =	vld.idx.msk [tilespmem:v25+s3+$0x0], $0xffff  }
0x240: {  	v19 =	vld.idx.msk [tilespmem:v19+s3+$0x0], $0xffff  }
0x241: {  	s31 =	simm.s32 $0x9D80;
	s30 =	smov.u32 s29;
	v23 =	vmul.f32 v23, v9;
	v24 =	vmul.f32 v24, v10;
	v18 =	vld.idx.msk [tilespmem:v18+s3+$0x0], $0xffff  }
.LBB2_8:
0x242: {  	p0 =	sne.s32 s31, $0x14580  }
0x243: {  	s29 =	sadd.s32 $0xC00, s29;
	s1 =	smov.u32 s31;
	s31 =	sadd.s32 $0x5400, s31  }
0x244: {  	v22 =	vmul.f32 v22, v11;
	v23 =	vadd.f32 v24, v23;
	_ =	sdelay $0x1  }
0x245: {  	v21 =	vmul.f32 v21, v12;
	s0 =	sadd.s32 $0xFFFFB680, s1;
	v22 =	vadd.f32 v22, v23  }
0x246: {  	v24 =	vadd.s32 s0, v2;
	v23 =	vadd.s32 s0, v1  }
0x247: {  	v20 =	vmul.f32 v20, v13;
	v25 =	vadd.s32 s0, v3;
	v21 =	vadd.f32 v21, v22;
	_ =	sdelay $0x1  }
0x248: {  	v19 =	vmul.f32 v19, v14;
	v20 =	vadd.f32 v20, v21;
	_ =	sdelay $0x1  }
0x249: {  	v17 =	vmul.f32 v17, v15;
	v19 =	vadd.f32 v19, v20  }
0x24a: {  	v20 =	vadd.s32 s0, v4  }
0x24b: {  	v18 =	vmul.f32 v18, v16;
	v17 =	vadd.f32 v17, v19;
	_ =	sdelay $0x1  }
0x24c: {  	v17 =	vadd.f32 v18, v17;
	_ =	sdelay $0x1  }
0x24d: {  	[tilespmem:s30+$0x180] =	vst v17;
	s30 =	smov.u32 s29  }
0x24e: {  	v17 =	vld.idx.msk [tilespmem:v23+s3+$0x0], $0xffff  }
0x24f: {  	v18 =	vld.idx.msk [tilespmem:v24+s3+$0x0], $0xffff  }
0x250: {  	v19 =	vadd.s32 s0, v5  }
0x251: {  	v21 =	vld.idx.msk [tilespmem:v25+s3+$0x0], $0xffff  }
0x252: {  	v22 =	vadd.s32 s0, v6  }
0x253: {  	v20 =	vld.idx.msk [tilespmem:v20+s3+$0x0], $0xffff  }
0x254: {  	v23 =	vadd.s32 s0, v7  }
0x255: {  	v17 =	vmul.f32 v17, v9;
	v18 =	vmul.f32 v18, v10;
	v19 =	vld.idx.msk [tilespmem:v19+s3+$0x0], $0xffff  }
0x256: {  	v24 =	vadd.s32 s0, v8  }
0x257: {  	v17 =	vadd.f32 v18, v17;
	v18 =	vmul.f32 v21, v11;
	v21 =	vld.idx.msk [tilespmem:v22+s3+$0x0], $0xffff;
	_ =	sdelay $0x1  }
0x258: {  	v17 =	vadd.f32 v18, v17;
	v18 =	vmul.f32 v20, v12;
	v20 =	vld.idx.msk [tilespmem:v23+s3+$0x0], $0xffff;
	_ =	sdelay $0x1  }
0x259: {  	v17 =	vadd.f32 v18, v17;
	v18 =	vmul.f32 v19, v13;
	v19 =	vld.idx.msk [tilespmem:v24+s3+$0x0], $0xffff;
	_ =	sdelay $0x1  }
0x25a: {  	v17 =	vadd.f32 v18, v17;
	v18 =	vmul.f32 v21, v14;
	_ =	sdelay $0x1  }
0x25b: {  	v17 =	vadd.f32 v18, v17;
	v18 =	vmul.f32 v20, v15  }
0x25c: {  	s0 =	sadd.s32 $0xFFFFC100, s1  }
0x25d: {  	v17 =	vadd.f32 v18, v17;
	v18 =	vmul.f32 v19, v16;
	v19 =	vadd.s32 s0, v2  }
0x25e: {  	v20 =	vadd.s32 s0, v1  }
0x25f: {  	v17 =	vadd.f32 v18, v17  }
0x260: {  	v18 =	vadd.s32 s0, v3  }
0x261: {  	[tilespmem:s29+$0xFFFFFE00] =	vst v17  }
0x262: {  	v17 =	vld.idx.msk [tilespmem:v19+s3+$0x0], $0xffff;
	v19 =	vadd.s32 s0, v4  }
0x263: {  	v20 =	vld.idx.msk [tilespmem:v20+s3+$0x0], $0xffff  }
0x264: {  	v21 =	vadd.s32 s0, v5  }
0x265: {  	v18 =	vld.idx.msk [tilespmem:v18+s3+$0x0], $0xffff  }
0x266: {  	v22 =	vadd.s32 s0, v6  }
0x267: {  	v19 =	vld.idx.msk [tilespmem:v19+s3+$0x0], $0xffff  }
0x268: {  	v23 =	vadd.s32 s0, v7;
	v17 =	vmul.f32 v17, v10  }
0x269: {  	v20 =	vmul.f32 v20, v9;
	v21 =	vld.idx.msk [tilespmem:v21+s3+$0x0], $0xffff  }
0x26a: {  	v24 =	vadd.s32 s0, v8  }
0x26b: {  	v17 =	vadd.f32 v17, v20;
	v18 =	vmul.f32 v18, v11;
	v20 =	vld.idx.msk [tilespmem:v22+s3+$0x0], $0xffff;
	_ =	sdelay $0x1  }
0x26c: {  	v17 =	vadd.f32 v18, v17;
	v18 =	vmul.f32 v19, v12;
	v19 =	vld.idx.msk [tilespmem:v23+s3+$0x0], $0xffff;
	_ =	sdelay $0x1  }
0x26d: {  	v17 =	vadd.f32 v18, v17;
	v18 =	vmul.f32 v21, v13;
	v21 =	vld.idx.msk [tilespmem:v24+s3+$0x0], $0xffff;
	_ =	sdelay $0x1  }
0x26e: {  	v17 =	vadd.f32 v18, v17;
	v18 =	vmul.f32 v20, v14;
	_ =	sdelay $0x1  }
0x26f: {  	v17 =	vadd.f32 v18, v17;
	v18 =	vmul.f32 v19, v15  }
0x270: {  	s0 =	sadd.s32 $0xFFFFCB80, s1  }
0x271: {  	v19 =	vadd.s32 s0, v1;
	v17 =	vadd.f32 v18, v17;
	v18 =	vmul.f32 v21, v16  }
0x272: {  	v20 =	vadd.s32 s0, v2  }
0x273: {  	v17 =	vadd.f32 v18, v17;
	v18 =	vadd.s32 s0, v3;
	_ =	sdelay $0x1  }
0x274: {  	[tilespmem:s29+$0xFFFFFE80] =	vst v17  }
0x275: {  	v17 =	vld.idx.msk [tilespmem:v19+s3+$0x0], $0xffff;
	v19 =	vadd.s32 s0, v4  }
0x276: {  	v20 =	vld.idx.msk [tilespmem:v20+s3+$0x0], $0xffff  }
0x277: {  	v21 =	vadd.s32 s0, v5;
	v18 =	vld.idx.msk [tilespmem:v18+s3+$0x0], $0xffff;
	_ =	sdelay $0x1  }
0x278: {  	v22 =	vadd.s32 s0, v6  }
0x279: {  	v19 =	vld.idx.msk [tilespmem:v19+s3+$0x0], $0xffff  }
0x27a: {  	v23 =	vadd.s32 s0, v7  }
0x27b: {  	v17 =	vmul.f32 v17, v9;
	v20 =	vmul.f32 v20, v10;
	v21 =	vld.idx.msk [tilespmem:v21+s3+$0x0], $0xffff  }
0x27c: {  	v24 =	vadd.s32 s0, v8  }
0x27d: {  	v18 =	vmul.f32 v18, v11;
	v17 =	vadd.f32 v20, v17;
	v20 =	vld.idx.msk [tilespmem:v22+s3+$0x0], $0xffff;
	_ =	sdelay $0x1  }
0x27e: {  	v17 =	vadd.f32 v18, v17;
	v18 =	vmul.f32 v19, v12;
	v19 =	vld.idx.msk [tilespmem:v23+s3+$0x0], $0xffff;
	_ =	sdelay $0x1  }
0x27f: {  	v17 =	vadd.f32 v18, v17;
	v18 =	vmul.f32 v21, v13;
	v21 =	vld.idx.msk [tilespmem:v24+s3+$0x0], $0xffff;
	_ =	sdelay $0x1  }
0x280: {  	v17 =	vadd.f32 v18, v17;
	v18 =	vmul.f32 v20, v14;
	_ =	sdelay $0x1  }
0x281: {  	v17 =	vadd.f32 v18, v17;
	v18 =	vmul.f32 v19, v15  }
0x282: {  	s0 =	sadd.s32 $0xFFFFD600, s1  }
0x283: {  	v19 =	vadd.s32 s0, v1;
	v17 =	vadd.f32 v18, v17;
	v18 =	vmul.f32 v21, v16  }
0x284: {  	v20 =	vadd.s32 s0, v2  }
0x285: {  	v17 =	vadd.f32 v18, v17  }
0x286: {  	v18 =	vadd.s32 s0, v3  }
0x287: {  	[tilespmem:s29+$0xFFFFFF00] =	vst v17  }
0x288: {  	v17 =	vld.idx.msk [tilespmem:v19+s3+$0x0], $0xffff;
	v19 =	vadd.s32 s0, v4  }
0x289: {  	v20 =	vld.idx.msk [tilespmem:v20+s3+$0x0], $0xffff  }
0x28a: {  	v21 =	vadd.s32 s0, v5  }
0x28b: {  	v18 =	vld.idx.msk [tilespmem:v18+s3+$0x0], $0xffff  }
0x28c: {  	v22 =	vadd.s32 s0, v6  }
0x28d: {  	v19 =	vld.idx.msk [tilespmem:v19+s3+$0x0], $0xffff  }
0x28e: {  	v23 =	vadd.s32 s0, v7  }
0x28f: {  	v17 =	vmul.f32 v17, v9;
	v20 =	vmul.f32 v20, v10;
	v21 =	vld.idx.msk [tilespmem:v21+s3+$0x0], $0xffff  }
0x290: {  	v24 =	vadd.s32 s0, v8  }
0x291: {  	v17 =	vadd.f32 v20, v17;
	v18 =	vmul.f32 v18, v11;
	v20 =	vld.idx.msk [tilespmem:v22+s3+$0x0], $0xffff;
	_ =	sdelay $0x1  }
0x292: {  	v17 =	vadd.f32 v18, v17;
	v18 =	vmul.f32 v19, v12;
	v19 =	vld.idx.msk [tilespmem:v23+s3+$0x0], $0xffff;
	_ =	sdelay $0x1  }
0x293: {  	v17 =	vadd.f32 v18, v17;
	v18 =	vmul.f32 v21, v13;
	v21 =	vld.idx.msk [tilespmem:v24+s3+$0x0], $0xffff;
	_ =	sdelay $0x1  }
0x294: {  	v17 =	vadd.f32 v18, v17;
	v18 =	vmul.f32 v20, v14;
	_ =	sdelay $0x1  }
0x295: {  	v17 =	vadd.f32 v18, v17;
	v18 =	vmul.f32 v19, v15  }
0x296: {  	s0 =	sadd.s32 $0xFFFFE080, s1  }
0x297: {  	v19 =	vadd.s32 s0, v1;
	v17 =	vadd.f32 v18, v17;
	v18 =	vmul.f32 v21, v16  }
0x298: {  	v20 =	vadd.s32 s0, v2  }
0x299: {  	v17 =	vadd.f32 v18, v17;
	v18 =	vadd.s32 s0, v3;
	_ =	sdelay $0x1  }
0x29a: {  	[tilespmem:s29+$0xFFFFFF80] =	vst v17  }
0x29b: {  	v17 =	vld.idx.msk [tilespmem:v19+s3+$0x0], $0xffff;
	v19 =	vadd.s32 s0, v4  }
0x29c: {  	v20 =	vld.idx.msk [tilespmem:v20+s3+$0x0], $0xffff  }
0x29d: {  	v21 =	vadd.s32 s0, v5;
	v18 =	vld.idx.msk [tilespmem:v18+s3+$0x0], $0xffff;
	_ =	sdelay $0x1  }
0x29e: {  	v22 =	vadd.s32 s0, v6  }
0x29f: {  	v19 =	vld.idx.msk [tilespmem:v19+s3+$0x0], $0xffff  }
0x2a0: {  	v23 =	vadd.s32 s0, v7;
	v17 =	vmul.f32 v17, v9  }
0x2a1: {  	v20 =	vmul.f32 v20, v10;
	v21 =	vld.idx.msk [tilespmem:v21+s3+$0x0], $0xffff  }
0x2a2: {  	v24 =	vadd.s32 s0, v8  }
0x2a3: {  	v18 =	vmul.f32 v18, v11;
	v17 =	vadd.f32 v20, v17;
	v20 =	vld.idx.msk [tilespmem:v22+s3+$0x0], $0xffff;
	_ =	sdelay $0x1  }
0x2a4: {  	v17 =	vadd.f32 v18, v17;
	v18 =	vmul.f32 v19, v12;
	v19 =	vld.idx.msk [tilespmem:v23+s3+$0x0], $0xffff;
	_ =	sdelay $0x1  }
0x2a5: {  	v17 =	vadd.f32 v18, v17;
	v18 =	vmul.f32 v21, v13;
	v21 =	vld.idx.msk [tilespmem:v24+s3+$0x0], $0xffff;
	_ =	sdelay $0x1  }
0x2a6: {  	v17 =	vadd.f32 v18, v17;
	v18 =	vmul.f32 v20, v14;
	_ =	sdelay $0x1  }
0x2a7: {  	v17 =	vadd.f32 v18, v17;
	v18 =	vmul.f32 v19, v15  }
0x2a8: {  	s0 =	sadd.s32 $0xFFFFEB00, s1  }
0x2a9: {  	v19 =	vadd.s32 s0, v1;
	v17 =	vadd.f32 v18, v17;
	v18 =	vmul.f32 v21, v16  }
0x2aa: {  	v20 =	vadd.s32 s0, v2  }
0x2ab: {  	v17 =	vadd.f32 v18, v17;
	v18 =	vadd.s32 s0, v3  }
0x2ac: {  	v21 =	vadd.s32 s0, v4  }
0x2ad: {  	[tilespmem:s29+$0x0] =	vst v17;
	v17 =	vadd.s32 s0, v5  }
0x2ae: {  	v22 =	vadd.s32 s0, v6;
	v19 =	vld.idx.msk [tilespmem:v19+s3+$0x0], $0xffff  }
0x2af: {  	v23 =	vadd.s32 s0, v7;
	v20 =	vld.idx.msk [tilespmem:v20+s3+$0x0], $0xffff  }
0x2b0: {  	v24 =	vadd.s32 s0, v8;
	v18 =	vld.idx.msk [tilespmem:v18+s3+$0x0], $0xffff  }
0x2b1: {  	v21 =	vld.idx.msk [tilespmem:v21+s3+$0x0], $0xffff  }
0x2b2: {  	v17 =	vld.idx.msk [tilespmem:v17+s3+$0x0], $0xffff  }
0x2b3: {  	v22 =	vld.idx.msk [tilespmem:v22+s3+$0x0], $0xffff  }
0x2b4: {  	v19 =	vmul.f32 v19, v9;
	v23 =	vld.idx.msk [tilespmem:v23+s3+$0x0], $0xffff  }
0x2b5: {  	v20 =	vmul.f32 v20, v10;
	v24 =	vld.idx.msk [tilespmem:v24+s3+$0x0], $0xffff;
	_ =	sdelay $0x1  }
0x2b6: {  	v18 =	vmul.f32 v18, v11;
	v19 =	vadd.f32 v20, v19;
	_ =	sdelay $0x1  }
0x2b7: {  	v18 =	vadd.f32 v18, v19;
	v19 =	vmul.f32 v21, v12;
	_ =	sdelay $0x1  }
0x2b8: {  	v17 =	vmul.f32 v17, v13;
	v18 =	vadd.f32 v19, v18;
	_ =	sdelay $0x1  }
0x2b9: {  	v17 =	vadd.f32 v17, v18;
	v18 =	vmul.f32 v22, v14;
	_ =	sdelay $0x1  }
0x2ba: {  	v17 =	vadd.f32 v18, v17;
	v18 =	vmul.f32 v23, v15  }
0x2bb: {  	s0 =	sadd.s32 $0xFFFFF580, s1  }
0x2bc: {  	v19 =	vadd.s32 s0, v1;
	v17 =	vadd.f32 v18, v17;
	v18 =	vmul.f32 v24, v16  }
0x2bd: {  	v20 =	vadd.s32 s0, v2  }
0x2be: {  	v17 =	vadd.f32 v18, v17;
	v18 =	vadd.s32 s0, v4  }
0x2bf: {  	v21 =	vadd.s32 s0, v3  }
0x2c0: {  	[tilespmem:s29+$0x80] =	vst v17;
	v17 =	vadd.s32 s0, v5  }
0x2c1: {  	v22 =	vadd.s32 s0, v6;
	v19 =	vld.idx.msk [tilespmem:v19+s3+$0x0], $0xffff  }
0x2c2: {  	v23 =	vadd.s32 s0, v7;
	v20 =	vld.idx.msk [tilespmem:v20+s3+$0x0], $0xffff  }
0x2c3: {  	v24 =	vadd.s32 s0, v8;
	v18 =	vld.idx.msk [tilespmem:v18+s3+$0x0], $0xffff  }
0x2c4: {  	v21 =	vld.idx.msk [tilespmem:v21+s3+$0x0], $0xffff  }
0x2c5: {  	v17 =	vld.idx.msk [tilespmem:v17+s3+$0x0], $0xffff  }
0x2c6: {  	v22 =	vld.idx.msk [tilespmem:v22+s3+$0x0], $0xffff  }
0x2c7: {  	v19 =	vmul.f32 v19, v9;
	v23 =	vld.idx.msk [tilespmem:v23+s3+$0x0], $0xffff  }
0x2c8: {  	v20 =	vmul.f32 v20, v10;
	v24 =	vld.idx.msk [tilespmem:v24+s3+$0x0], $0xffff  }
0x2c9: {  	v18 =	vmul.f32 v18, v12  }
0x2ca: {  	v19 =	vadd.f32 v20, v19;
	v20 =	vmul.f32 v21, v11  }
0x2cb: {  	v17 =	vmul.f32 v17, v13  }
0x2cc: {  	v19 =	vadd.f32 v20, v19  }
0x2cd: {  	v20 =	vmul.f32 v22, v14  }
0x2ce: {  	v18 =	vadd.f32 v18, v19  }
0x2cf: {  	v19 =	vmul.f32 v23, v15  }
0x2d0: {  	v17 =	vadd.f32 v17, v18  }
0x2d1: {  	v18 =	vmul.f32 v24, v16  }
0x2d2: {  	v17 =	vadd.f32 v20, v17;
	_ =	sdelay $0x1  }
0x2d3: {  	v17 =	vadd.f32 v19, v17;
	v19 =	vadd.s32 s1, v2  }
0x2d4: {  	v20 =	vadd.s32 s1, v1  }
0x2d5: {  	v17 =	vadd.f32 v18, v17;
	v18 =	vadd.s32 s1, v3  }
0x2d6: {  	v21 =	vadd.s32 s1, v4  }
0x2d7: {  	[tilespmem:s29+$0x100] =	vst v17;
	v17 =	vadd.s32 s1, v5  }
0x2d8: {  	v24 =	vld.idx.msk [tilespmem:v19+s3+$0x0], $0xffff;
	v19 =	vadd.s32 s1, v6  }
0x2d9: {  	v25 =	vadd.s32 s1, v7;
	v23 =	vld.idx.msk [tilespmem:v20+s3+$0x0], $0xffff  }
0x2da: {  	v22 =	vld.idx.msk [tilespmem:v18+s3+$0x0], $0xffff;
	v18 =	vadd.s32 s1, v8  }
.Ltmp2:
0x2db: {  	v21 =	vld.idx.msk [tilespmem:v21+s3+$0x0], $0xffff;
	(pc) =	sbr.rel @p0 .LBB2_8-.Ltmp2, $4  }
0x2dc: {  	v20 =	vld.idx.msk [tilespmem:v17+s3+$0x0], $0xffff  }
0x2dd: {  	v19 =	vld.idx.msk [tilespmem:v19+s3+$0x0], $0xffff  }
0x2de: {  	v17 =	vld.idx.msk [tilespmem:v25+s3+$0x0], $0xffff  }
0x2df: {  	v24 =	vmul.f32 v24, v10;
	v23 =	vmul.f32 v23, v9;
	v18 =	vld.idx.msk [tilespmem:v18+s3+$0x0], $0xffff  }
0x2e0: {  	_ = 	snop  }
0x2e1: {  	v2 =	vmul.f32 v22, v11;
	v1 =	vadd.f32 v24, v23;
	_ =	sdelay $0x1  }
0x2e2: {  	v1 =	vadd.f32 v2, v1;
	v2 =	vmul.f32 v21, v12;
	_ =	sdelay $0x1  }
0x2e3: {  	v1 =	vadd.f32 v2, v1;
	v2 =	vmul.f32 v20, v13;
	_ =	sdelay $0x1  }
0x2e4: {  	v1 =	vadd.f32 v2, v1;
	v2 =	vmul.f32 v19, v14;
	_ =	sdelay $0x1  }
0x2e5: {  	s28 =	sadd.s32 $0x1, s28;
	v1 =	vadd.f32 v2, v1;
	v2 =	vmul.f32 v17, v15  }
0x2e6: {  	p0 =	sne.s32 s28, $0x18  }
.Ltmp3:
0x2e7: {  	v1 =	vadd.f32 v2, v1;
	v2 =	vmul.f32 v18, v16;
	(pc) =	sbr.rel @p0 .LBB2_7-.Ltmp3, $3  }
0x2e8: {  	_ = 	snop  }
0x2e9: {  	v1 =	vadd.f32 v2, v1;
	_ =	sdelay $0x1  }
0x2ea: {  	s26 =	sadd.s32 $0x80, s26;
	s25 =	sadd.s32 $0x1, s25;
	[tilespmem:s30+$0x180] =	vst v1  }
0x2eb: {  	s0 =	smul.u32 $0xC00, s24;
	p0 =	sne.s32 s23, $0x7  }
.Ltmp4:
0x2ec: {  	_ = 	snop;
	(pc) =	sbr.rel @p0 .LBB2_2-.Ltmp4, $4  }
0x2ed: {  	s0 =	sadd.s32 s7, s0  }
0x2ee: {  	s0 =	sshrl.u32 s0, $0x3  }
0x2ef: {  	s0 =	sadd.s32 s2, s0  }
0x2f0: {  	[hbm4b:s0+s15] =	stream.strided.scatter [tilespmem:s19], [sflag:$0x4], $0x3000, s16, s15, $0x38;
	[tilespmem:$0x1E000] =	vst v63  }
0x2f1: {  	s22 =	sadd.s32 $0x1, s22  }
0x2f2: {  	_ =	swait.ge [sflag:s20], $0x3000;
	p0 =	sne.s32 s22, s8  }
.Ltmp5:
0x2f3: {  	[sflag:s20] =	ssyncset.done $0x0;
	(pc) =	sbr.rel @p0 .LBB2_1-.Ltmp5, $4  }
0x2f4: {  	[sflag:s20] =	ssyncadd.s32 $0xFFFFD000  }
0x2f5: {  	_ =	swait.ge [sflag:s21], $0x3000  }
0x2f6: {  	[sflag:s21] =	ssyncset.done $0x0  }
0x2f7: {  	[sflag:s21] =	ssyncadd.s32 $0xFFFFD000  }
0x2f8: {  	_ =	sfence.sel $0x180000  }
0x2f9: {  	[bflag:$0x0] =	sbarrier.arrive $0xFFFF  }
0x2fa: {  	_ =	strace $0x9000004A  }
0x2fb: {  	s0 =	stileid.u32;
	[bflag:$0x2] =	sbarrier.arrive $0xFFFF  }
0x2fc: {  	p0 =	sne.s32 s0, $0x0;
	s0 =	rddreg [dreg:$0x2]  }
0x2fd: {  	s0 =	sadd.s32 @!p0 $0x100000, s0  }
0x2fe: {  	[sflag:s0] =	ssyncadd.tile.s32 @!p0 $0x1;
	_ =	shalt  }
.Lfunc_end2:
_tile_overlayer_lowered:
.L_overlay_start_2:
0x2ff: {  	(tag) =	ssettag $0x2  }
0x300: {  	s0 =	rddreg [dreg:$0x0];
	s2 =	stileid.u32  }
0x301: {  	s1 =	rddreg [dreg:$0x1];
	p0 =	sne.s32 s2, $0x0  }
0x302: {  	s3 =	rddreg [dreg:$0x2];
	[bflag:$0x3] =	sbarrier.arrive $0xFFFF;
	s2 =	simm.s32 @!p0 $0x1C05  }
0x303: {  	[timem:s3], [sflag:s2] =	dma.local @!p0 [hbm:s0], s1  }
0x304: {  	s0 =	simm.s32 @!p0 $0x5  }
0x305: {  	_ =	swait.ge @!p0 [sflag:s0], s1  }
0x306: {  	s1 =	ssub.s32 @!p0 $0x0, s1;
	[sflag:s0] =	ssyncset.done @!p0 $0x0  }
0x307: {  	[sflag:s0] =	ssyncadd.s32 @!p0 s1  }
0x308: {  	[bflag:$0x3] =	sbarrier.arrive $0xFFFF  }
0x309: {  	_ =	shalt  }

// kernel: kernel.9.cloned.1.call-start
scs
__scs_entry_jumppad:
0x0: {  	(pc) =	sbr.rel $0x88, $3  }
0x1: {  	(tag) =	ssettag $0x0;
	lr =	simm.s32 $0x1  }
0x2: {  	[smem:$0x3F9E] =	sst lr;
	_ =	strace $0xD0000000  }
0x3: {  	_ = 	snop  }
0x4: {  	_ = 	snop  }
0x5: {  	_ = 	snop  }
0x6: {  	_ = 	snop  }
0x7: {  	_ = 	snop  }
__scs_overlays_trampoline_lowered:
0x8: {  	[smem:$0x3FAD] =	sst s0  }
0x9: {  	[smem:$0x3FAE] =	sst s1  }
0xa: {  	[smem:$0x3FAF] =	sst s2  }
0xb: {  	[smem:$0x3FB0] =	sst s3  }
0xc: {  	[smem:$0x3FB1] =	sst s4  }
0xd: {  	[smem:$0x3FB2] =	sst s5  }
0xe: {  	[smem:$0x3FB3] =	sst s6  }
0xf: {  	[smem:$0x3FB4] =	sst s7  }
0x10: {  	[smem:$0x3FB5] =	sst s8  }
0x11: {  	[smem:$0x3FB6] =	sst s9;
	s0 =	simm.s32 @!p0 $0x0  }
0x12: {  	s1 =	sld [smem:$0x3F9C];
	s0 =	simm.s32 @p0 $0x1  }
0x13: {  	[smem:$0x3FB7] =	sst s0;
	s0 =	simm.s32 @!p1 $0x0  }
0x14: {  	s2 =	sld [smem:$0x3F9B];
	s0 =	simm.s32 @p1 $0x1  }
0x15: {  	[smem:$0x3FB8] =	sst s0;
	s0 =	simm.s32 @!p2 $0x0  }
0x16: {  	s3 =	sld [smem:$0x3FDB];
	s0 =	simm.s32 @p2 $0x1  }
0x17: {  	s4 =	simm.s32 $0x1BF5;
	[smem:$0x3FBA] =	sst s0  }
0x18: {  	s0 =	sld [smem:$0x3F9D];
	_ =	swait.ge [sflag:s4], $0x0  }
0x19: {  	s7 =	sld [smem:$0x3F9E]  }
0x1a: {  	s8 =	sadd.s32 $0xFFFFE003, lr  }
0x1b: {  	s9 =	sadd.s32 $0xFFFFFEF7, lr;
	s5 =	simm.s32 $0xFFFFFFFF;
	p2 =	slt.u32 s8, $0xFFFFF086  }
0x1c: {  	p1 =	slt.u32 s9, $0xF7A;
	s5 =	simm.s32 @!p2 $0x0  }
0x1d: {  	s5 =	simm.s32 @p1 $0x1;
	p0 =	seq.s32 s7, s2  }
0x1e: {  	s7 =	smul.u32 @!p0 $0xF7A, s2;
	p2 =	seq.s32 @!p0 s5, $0x0  }
0x1f: {  	s9 =	smul.u32 $0xF7A, s1;
	s8 =	simm.s32 @!p0 $0x1BF5;
	p2 =	por !p2, p0  }
0x20: {  	[sflag:s8] =	ssyncset.s32 @!p0 $0xFFFFF086;
	s6 =	sadd.s32 @!p0 s3, s7;
	s7 =	simm.s32 @!p0 $0x108  }
0x21: {  	s3 =	sadd.s32 s3, s9;
	s6 =	sadd.s32 @!p0 $0x88, s6;
	s7 =	simm.s32 @p2 $0x1082  }
0x22: {  	[simem:s7], [sflag:s8] =	dma.local @!p0 [hbm:s6], $0xF7A  }
0x23: {  	s9 =	sor.u32 $0xD0000000, s2;
	s6 =	simm.s32 $0x108;
	_ =	swait.ge @!p0 [sflag:s8], $0x0  }
0x24: {  	s3 =	sadd.s32 $0x88, s3;
	s6 =	simm.s32 @!p1 $0x1082;
	[sflag:s4] =	ssyncset.s32 $0xFFFFF086  }
0x25: {  	[simem:s6], [sflag:s4] =	dma.local [hbm:s3], $0xF7A  }
0x26: {  	[smem:$0x3F9E] =	sst s1;
	(tag) =	ssettag s2;
	_ =	strace s9  }
0x27: {  	s1 =	sld [smem:$0x3FAE]  }
0x28: {  	s2 =	sld [smem:$0x3FAF]  }
0x29: {  	s4 =	sld [smem:$0x3FB1]  }
0x2a: {  	p0 =	seq.s32 s5, $0x0;
	s5 =	sld [smem:$0x3FB2]  }
0x2b: {  	s6 =	sld [smem:$0x3FB3]  }
0x2c: {  	s7 =	sld [smem:$0x3FB4]  }
0x2d: {  	s3 =	simm.s32 $0x108;
	s8 =	sld [smem:$0x3FB5]  }
0x2e: {  	s3 =	simm.s32 @!p0 $0x1082;
	s9 =	sld [smem:$0x3FB6]  }
0x2f: {  	lr =	sadd.s32 s0, s3;
	s0 =	sld [smem:$0x3FAD]  }
0x30: {  	s3 =	sld [smem:$0x3FB0]  }
0x31: {  	[smem:$0x3FB9] =	sst s10  }
0x32: {  	s10 =	sld [smem:$0x3FB7];
	_ =	sdelay $0x3  }
0x33: {  	p0 =	seq.s32 s10, $0x1;
	s10 =	sld [smem:$0x3FB9];
	_ =	sdelay $0x3  }
0x34: {  	[smem:$0x3FB9] =	sst s10  }
0x35: {  	s10 =	sld [smem:$0x3FB8];
	_ =	sdelay $0x3  }
0x36: {  	p1 =	seq.s32 s10, $0x1;
	s10 =	sld [smem:$0x3FB9];
	_ =	sdelay $0x3  }
0x37: {  	[smem:$0x3FB9] =	sst s10  }
0x38: {  	s10 =	sld [smem:$0x3FBA]  }
0x39: {  	_ = 	snop;
	(pc) =	sbr.ind lr, $3  }
0x3a: {  	_ = 	snop  }
0x3b: {  	_ = 	snop  }
0x3c: {  	p2 =	seq.s32 s10, $0x1;
	s10 =	sld [smem:$0x3FB9]  }
0x3d: {  	_ =	shalt  }
0x3e: {  	_ =	shalt  }
0x3f: {  	_ =	shalt  }
0x40: {  	_ =	shalt  }
0x41: {  	_ =	shalt  }
0x42: {  	_ =	shalt  }
0x43: {  	_ =	shalt  }
0x44: {  	_ =	shalt  }
0x45: {  	_ =	shalt  }
0x46: {  	_ =	shalt  }
0x47: {  	_ =	shalt  }
0x48: {  	_ =	shalt  }
0x49: {  	_ =	shalt  }
0x4a: {  	_ =	shalt  }
0x4b: {  	_ =	shalt  }
0x4c: {  	_ =	shalt  }
0x4d: {  	_ =	shalt  }
0x4e: {  	_ =	shalt  }
0x4f: {  	_ =	shalt  }
0x50: {  	_ =	shalt  }
0x51: {  	_ =	shalt  }
0x52: {  	_ =	shalt  }
0x53: {  	_ =	shalt  }
0x54: {  	_ =	shalt  }
0x55: {  	_ =	shalt  }
0x56: {  	_ =	shalt  }
0x57: {  	_ =	shalt  }
0x58: {  	_ =	shalt  }
0x59: {  	_ =	shalt  }
0x5a: {  	_ =	shalt  }
0x5b: {  	_ =	shalt  }
0x5c: {  	_ =	shalt  }
0x5d: {  	_ =	shalt  }
0x5e: {  	_ =	shalt  }
0x5f: {  	_ =	shalt  }
0x60: {  	_ =	shalt  }
0x61: {  	_ =	shalt  }
0x62: {  	_ =	shalt  }
0x63: {  	_ =	shalt  }
0x64: {  	_ =	shalt  }
0x65: {  	_ =	shalt  }
0x66: {  	_ =	shalt  }
0x67: {  	_ =	shalt  }
0x68: {  	_ =	shalt  }
0x69: {  	_ =	shalt  }
0x6a: {  	_ =	shalt  }
0x6b: {  	_ =	shalt  }
0x6c: {  	_ =	shalt  }
0x6d: {  	_ =	shalt  }
0x6e: {  	_ =	shalt  }
0x6f: {  	_ =	shalt  }
0x70: {  	_ =	shalt  }
0x71: {  	_ =	shalt  }
0x72: {  	_ =	shalt  }
0x73: {  	_ =	shalt  }
0x74: {  	_ =	shalt  }
0x75: {  	_ =	shalt  }
0x76: {  	_ =	shalt  }
0x77: {  	_ =	shalt  }
0x78: {  	_ =	shalt  }
0x79: {  	_ =	shalt  }
0x7a: {  	_ =	shalt  }
0x7b: {  	_ =	shalt  }
0x7c: {  	_ =	shalt  }
0x7d: {  	_ =	shalt  }
0x7e: {  	_ =	shalt  }
0x7f: {  	_ =	shalt  }
0x80: {  	_ =	shalt  }
0x81: {  	_ =	shalt  }
0x82: {  	_ =	shalt  }
0x83: {  	_ =	shalt  }
0x84: {  	_ =	shalt  }
0x85: {  	_ =	shalt  }
0x86: {  	_ =	shalt  }
0x87: {  	_ =	shalt  }
.Lfunc_end0:
.L_simem_size_0:
called_computation.2_lowered:
.L_overlay_start_0:
0x88: {  	s2 =	sld [smem:$0x3FD9]  }
0x89: {  	s3 =	sld [smem:$0x3FFE];
	_ =	sdelay $0x1  }
0x8a: {  	s1 =	srdreg.scid  }
0x8b: {  	s0 =	sand.u32 $0x1, s1  }
0x8c: {  	s16 =	sshll.u32 s0, $0xA;
	s2 =	sadd.s32 s3, s2  }
0x8d: {  	s2 =	sadd.s32 s2, s16  }
0x8e: {  	[smem:$0x3FC5] =	sst s2  }
0x8f: {  	_ = 	snop  }
0x90: {  	(tm) =	ssettm $0x1  }
0x91: {  	s17 =	sld [smem:$0x3FFB];
	_ =	sdelay $0x3  }
0x92: {  	_ =	strace s17  }
0x93: {  	s2 =	sld [smem:$0x3FFC];
	_ =	sdelay $0x3  }
0x94: {  	_ =	strace s2  }
0x95: {  	s2 =	sld [smem:$0x3FFD];
	_ =	sdelay $0x3  }
0x96: {  	_ =	strace s2  }
0x97: {  	_ =	strace $0x8FFFFFFF  }
0x98: {  	s18 =	sld [smem:$0x3FDB];
	_ =	sdelay $0x1  }
0x99: {  	s19 =	simm.s32 $_scs_section_size  }
0x9a: {  	s4 =	simm.s32 $_size__tile_overlayer_lowered;
	s5 =	simm.s32 $_tile_overlayer_lowered  }
0x9b: {  	s22 =	simm.s32 $0x1BFF;
	s21 =	sshll.u32 s5, $0x1;
	s2 =	sadd.s32 s19, s18  }
0x9c: {  	s6 =	simm.s32 $0x0;
	s20 =	sshll.u32 s4, $0x1;
	s4 =	sadd.s32 s21, s2  }
0x9d: {  	[timem:s6], [sflag:s22] =	dma.local [hbm:s4], s20  }
0x9e: {  	_ =	swait.ge [sflag:s22], s20  }
0x9f: {  	s3 =	ssub.s32 $0x0, s20;
	[sflag:s22] =	ssyncset.done $0x0  }
0xa0: {  	[sflag:s22] =	ssyncadd.s32 s3;
	_ =	sdelay $0x1  }
0xa1: {  	s23 =	simm.s32 $0x1B8B  }
0xa2: {  	_ =	swait.ge [sflag:s23], $0x1  }
0xa3: {  	[sflag:s23] =	ssyncset.done $0x0  }
0xa4: {  	s25 =	simm.s32 $0x1B8E;
	s24 =	sld [smem:$0x3FFE];
	[sflag:s23] =	ssyncadd.s32 $0xFFFFFFFF  }
0xa5: {  	s26 =	simm.s32 $execute0_lowered;
	[smem:$0x3FD2] =	sst s25  }
0xa6: {  	s4 =	sshll.u32 s26, $0x1;
	_ =	strace $0x80000046;
	[dreg:$0x1] =	wrdreg $0xFFFFFFFF  }
0xa7: {  	s28 =	simm.s32 $_size_execute0_lowered;
	s2 =	sadd.s32 s2, s4;
	[dreg:$0x0] =	wrdreg $0x0  }
0xa8: {  	s4 =	sshll.u32 s28, $0x1;
	[dreg:$0x2] =	wrdreg s2  }
0xa9: {  	[dreg:$0x3] =	wrdreg s4  }
0xaa: {  	[dreg:$0x4] =	wrdreg $0xC0  }
0xab: {  	_ =	task [dreg:s6], $0x5FFFF  }
0xac: {  	[dreg:$0x1] =	wrdreg $0xFFFFFFFF  }
0xad: {  	[dreg:$0x0] =	wrdreg $0x60  }
0xae: {  	[dreg:$0x2] =	wrdreg s24  }
0xaf: {  	[dreg:$0x3] =	wrdreg $0xA  }
0xb0: {  	_ =	task.clear_ibuf [dreg:s6], $0x4FFFF;
	_ =	strace $0x90000046  }
0xb1: {  	s29 =	simm.s32 $0xA;
	_ =	strace $0x80000048  }
0xb2: {  	_ =	swait.ge [sflag:s29], $0x1  }
0xb3: {  	[sflag:s29] =	ssyncadd.s32 $0xFFFFFFFF  }
0xb4: {  	_ =	strace $0x90000048  }
0xb5: {  	_ =	sfence  }
0xb6: {  	s30 =	sld [smem:$0x0];
	_ =	sdelay $0x2  }
0xb7: {  	s31 =	sshll.u32 s1, $0xD;
	s1 =	sshrl.u32 s1, $0x2  }
0xb8: {  	s3 =	sand.u32 $0x4000, s31;
	s1 =	sadd.s32 s1, s30  }
0xb9: {  	s0 =	sor.u32 s3, s0;
	s1 =	sshll.u32 s1, $0x11  }
0xba: {  	s0 =	sor.u32 s1, s0  }
0xbb: {  	s0 =	sadd.s32 $0x8F2B, s0  }
0xbc: {  	[sflag:s0] =	ssyncadd.remote.s32 $0x1  }
0xbd: {  	_ =	sfence.sel $0xFFFF  }
0xbe: {  	[dreg:$0x0] =	wrdreg $0xFFFFFFFF;
	(pc) =	sbr.abs _section_cstart, $3  }
0xbf: {  	[dreg:$0x1] =	wrdreg $0xFFFFFFFF  }
0xc0: {  	_ =	task.clear_ibuf [dreg:s6], $0x2FFFF;
	_ =	strace $0x9FFFFFFF  }
0xc1: {  	(tm) =	ssettm $0x7FFFFFFF  }
tec
execute0_lowered:
.L_overlay_start_1:
0x0: {  	(tag) =	ssettag $0x1  }
0x1: {  	s1 =	srdreg.scid  }
0x2: {  	s0 =	stileid.u32;
	s5 =	rddreg [dreg:$0x0];
	s2 =	simm.s32 $0x0  }
0x3: {  	s9 =	simm.s32 $0x5;
	s10 =	simm.s32 $0x15000;
	s11 =	simm.s32 $0x16800  }
0x4: {  	s12 =	simm.s32 $0x1;
	s13 =	simm.s32 $0x15C00;
	s14 =	simm.s32 $0x17400  }
0x5: {  	s15 =	simm.s32 $0xC00;
	s16 =	simm.s32 $0xA800;
	s17 =	simm.s32 $0x18000  }
0x6: {  	s18 =	simm.s32 $0x2;
	s19 =	simm.s32 $0x1B000;
	s20 =	simm.s32 $0x3  }
0x7: {  	s21 =	simm.s32 $0x4;
	s1 =	sand.u32 $0x1, s1;
	s3 =	sshll.u32 s0, $0x1  }
0x8: {  	s22 =	simm.s32 $0x0;
	[smem:$0x7FF] =	sst s2;
	s7 =	sor.u32 s1, s3  }
0x9: {  	s4 =	sadd.s32 $0x3600, s5;
	s1 =	ssub.s32 $0x2, s1;
	s3 =	smul.u32 $0x2A00, s7  }
0xa: {  	_ =	strace $0x80000047;
	s8 =	sshrl.u32 s1, $0x1;
	s7 =	smul.u32 $0x2A000, s7  }
0xb: {  	v0 =	vlaneseq.u32;
	s1 =	ssub.s32 s1, s8;
	s6 =	sadd.s32 s3, s5;
	s3 =	sadd.s32 $0x2000, s5  }
0xc: {  	v0 =	vmul.u32 $0x8, v0;
	s5 =	sadd.s32 $0x58C00, s5;
	s8 =	smax.u32 s1, $0x1;
	s6 =	sadd.s32 $0x4C00, s6  }
.LBB2_1:
0xd: {  	[tilespmem:s2], [sflag:$0x5] =	stream.linear.gather [hbm4b:s6+s2], $0x15000, $0x38;
	[tilespmem:$0x1E000] =	vst v63  }
0xe: {  	_ =	swait.ge [sflag:s9], $0x15000  }
0xf: {  	[sflag:s9] =	ssyncset.done $0x0  }
0x10: {  	[sflag:s9] =	ssyncadd.s32 $0xFFFEB000  }
0x11: {  	[tilespmem:s10], [sflag:$0x1] =	stream.linear.gather [hbm4b:s3+s2], $0xC00, $0x38;
	[tilespmem:$0x1E000] =	vst v63  }
0x12: {  	s23 =	simm.s32 $0x0  }
0x13: {  	[tilespmem:s11], [sflag:$0x1] =	stream.linear.gather [hbm4b:s4+s2], $0xC00, $0x38;
	[tilespmem:$0x1E000] =	vst v63  }
.LBB2_2:
0x14: {  	_ =	swait.ge [sflag:s12], $0xC00  }
0x15: {  	[sflag:s12] =	ssyncset.done $0x0  }
0x16: {  	s24 =	sshllo.u32 s23, $0x1;
	[sflag:s12] =	ssyncadd.s32 $0xFFFFF400  }
0x17: {  	s1 =	smul.u32 $0x180, s24;
	_ =	swait.ge [sflag:s12], $0xC00  }
0x18: {  	[sflag:s12] =	ssyncset.done $0x0  }
0x19: {  	s25 =	sadd.s32 s3, s1;
	[sflag:s12] =	ssyncadd.s32 $0xFFFFF400  }
0x1a: {  	[tilespmem:s13], [sflag:$0x2] =	stream.linear.gather [hbm4b:s25+s2], $0xC00, $0x38;
	[tilespmem:$0x1E000] =	vst v63  }
0x1b: {  	p0 =	seq.s32 s23, $0x0;
	s1 =	sadd.s32 s4, s1  }
0x1c: {  	[tilespmem:s14], [sflag:$0x2] =	stream.linear.gather [hbm4b:s1+s2], $0xC00, $0x38;
	[tilespmem:$0x1E000] =	vst v63  }
0x1d: {  	s1 =	simm.s32 @!p0 $0x3  }
0x1e: {  	_ =	swait.ge @!p0 [sflag:s1], $0x3000  }
0x1f: {  	s26 =	simm.s32 $0x0;
	[sflag:s1] =	ssyncset.done @!p0 $0x0  }
0x20: {  	s28 =	simm.s32 $0x0;
	s25 =	simm.s32 $0x0;
	[sflag:s1] =	ssyncadd.s32 @!p0 $0xFFFFD000  }
.LBB2_3:
0x21: {  	s1 =	sshll.u32 s28, $0x4  }
0x22: {  	v1 =	vmov s1  }
0x23: {  	v1 =	vshll.u32 v1, $0x3  }
0x24: {  	v9 =	vor.u32 v0, v1  }
0x25: {  	v10 =	vor.u32 $0x1, v9;
	_ =	sdelay $0x1  }
0x26: {  	v11 =	vor.u32 $0x2, v9  }
0x27: {  	v12 =	vor.u32 $0x3, v9  }
0x28: {  	v13 =	vor.u32 $0x4, v9;
	v1 =	vld.idx.msk [tilespmem:v9+s10+$0x0], $0xffff  }
0x29: {  	v14 =	vor.u32 $0x5, v9;
	v2 =	vld.idx.msk [tilespmem:v10+s10+$0x0], $0xffff  }
0x2a: {  	v15 =	vor.u32 $0x6, v9;
	v16 =	vor.u32 $0x7, v9;
	v9 =	vld.idx.msk [tilespmem:v9+s11+$0x0], $0xffff  }
0x2b: {  	v3 =	vld.idx.msk [tilespmem:v11+s10+$0x0], $0xffff  }
0x2c: {  	s0 =	simm.s32 $0x0;
	v4 =	vld.idx.msk [tilespmem:v12+s10+$0x0], $0xffff  }
0x2d: {  	v5 =	vld.idx.msk [tilespmem:v13+s10+$0x0], $0xffff;
	v17 =	vadd.s32 s0, v1  }
0x2e: {  	v6 =	vld.idx.msk [tilespmem:v14+s10+$0x0], $0xffff;
	v18 =	vadd.s32 s0, v2  }
0x2f: {  	v7 =	vld.idx.msk [tilespmem:v15+s10+$0x0], $0xffff  }
0x30: {  	v8 =	vld.idx.msk [tilespmem:v16+s10+$0x0], $0xffff;
	v19 =	vadd.s32 s0, v3  }
0x31: {  	v10 =	vld.idx.msk [tilespmem:v10+s11+$0x0], $0xffff  }
0x32: {  	v20 =	vadd.s32 s0, v4;
	v17 =	vld.idx.msk [tilespmem:v17+s2+$0x0], $0xffff  }
0x33: {  	v18 =	vld.idx.msk [tilespmem:v18+s2+$0x0], $0xffff  }
0x34: {  	v11 =	vld.idx.msk [tilespmem:v11+s11+$0x0], $0xffff;
	v21 =	vadd.s32 s0, v5  }
0x35: {  	v19 =	vld.idx.msk [tilespmem:v19+s2+$0x0], $0xffff  }
0x36: {  	v12 =	vld.idx.msk [tilespmem:v12+s11+$0x0], $0xffff;
	v22 =	vadd.s32 s0, v6  }
0x37: {  	v20 =	vld.idx.msk [tilespmem:v20+s2+$0x0], $0xffff  }
0x38: {  	v13 =	vld.idx.msk [tilespmem:v13+s11+$0x0], $0xffff;
	v23 =	vadd.s32 s0, v7;
	v17 =	vmul.f32 v17, v9;
	v18 =	vmul.f32 v18, v10  }
0x39: {  	v21 =	vld.idx.msk [tilespmem:v21+s2+$0x0], $0xffff  }
0x3a: {  	v14 =	vld.idx.msk [tilespmem:v14+s11+$0x0], $0xffff;
	v24 =	vadd.s32 s0, v8;
	v17 =	vadd.f32 v18, v17;
	v18 =	vmul.f32 v19, v11  }
0x3b: {  	v19 =	vld.idx.msk [tilespmem:v22+s2+$0x0], $0xffff  }
0x3c: {  	v15 =	vld.idx.msk [tilespmem:v15+s11+$0x0], $0xffff;
	v17 =	vadd.f32 v18, v17;
	v18 =	vmul.f32 v20, v12  }
0x3d: {  	v20 =	vld.idx.msk [tilespmem:v23+s2+$0x0], $0xffff  }
0x3e: {  	v16 =	vld.idx.msk [tilespmem:v16+s11+$0x0], $0xffff;
	v17 =	vadd.f32 v18, v17;
	v18 =	vmul.f32 v21, v13  }
0x3f: {  	v21 =	vld.idx.msk [tilespmem:v24+s2+$0x0], $0xffff  }
0x40: {  	v17 =	vadd.f32 v18, v17;
	v18 =	vmul.f32 v19, v14;
	_ =	sdelay $0x1  }
0x41: {  	v17 =	vadd.f32 v18, v17;
	v18 =	vmul.f32 v20, v15  }
0x42: {  	s29 =	sand.u32 $0x7, s25;
	s30 =	simm.s32 $0xA80;
	s0 =	sshll.u32 s26, $0x2  }
0x43: {  	s29 =	sshll.u32 s29, $0x6;
	s1 =	sand.u32 $0xFFFFF000, s0;
	v19 =	vadd.s32 s30, v2;
	v17 =	vadd.f32 v18, v17;
	v18 =	vmul.f32 v21, v16  }
0x44: {  	s1 =	sor.u32 s29, s1;
	v20 =	vadd.s32 s30, v1  }
0x45: {  	s1 =	sshrl.u32 s1, $0x2;
	v17 =	vadd.f32 v18, v17  }
0x46: {  	s29 =	sadd.s32 $0x18200, s1;
	v18 =	vadd.s32 s30, v3  }
0x47: {  	[tilespmem:s29+$0xFFFFFE00] =	vst v17  }
0x48: {  	v17 =	vld.idx.msk [tilespmem:v19+s2+$0x0], $0xffff;
	v19 =	vadd.s32 s30, v4  }
0x49: {  	v20 =	vld.idx.msk [tilespmem:v20+s2+$0x0], $0xffff  }
0x4a: {  	v21 =	vadd.s32 s30, v5  }
0x4b: {  	v18 =	vld.idx.msk [tilespmem:v18+s2+$0x0], $0xffff  }
0x4c: {  	v22 =	vadd.s32 s30, v6  }
0x4d: {  	v19 =	vld.idx.msk [tilespmem:v19+s2+$0x0], $0xffff  }
0x4e: {  	v23 =	vadd.s32 s30, v7;
	v17 =	vmul.f32 v17, v10;
	v20 =	vmul.f32 v20, v9  }
0x4f: {  	v21 =	vld.idx.msk [tilespmem:v21+s2+$0x0], $0xffff  }
0x50: {  	v24 =	vadd.s32 s30, v8;
	v17 =	vadd.f32 v17, v20;
	v18 =	vmul.f32 v18, v11  }
0x51: {  	v20 =	vld.idx.msk [tilespmem:v22+s2+$0x0], $0xffff  }
0x52: {  	v17 =	vadd.f32 v18, v17;
	v18 =	vmul.f32 v19, v12  }
0x53: {  	v19 =	vld.idx.msk [tilespmem:v23+s2+$0x0], $0xffff  }
0x54: {  	v17 =	vadd.f32 v18, v17;
	v18 =	vmul.f32 v21, v13  }
0x55: {  	v21 =	vld.idx.msk [tilespmem:v24+s2+$0x0], $0xffff  }
0x56: {  	v17 =	vadd.f32 v18, v17;
	v18 =	vmul.f32 v20, v14;
	_ =	sdelay $0x1  }
0x57: {  	v17 =	vadd.f32 v18, v17;
	v18 =	vmul.f32 v19, v15  }
0x58: {  	s0 =	simm.s32 $0x1500  }
0x59: {  	v19 =	vadd.s32 s0, v1;
	v17 =	vadd.f32 v18, v17;
	v18 =	vmul.f32 v21, v16  }
0x5a: {  	v20 =	vadd.s32 s0, v2  }
0x5b: {  	v17 =	vadd.f32 v18, v17  }
0x5c: {  	v18 =	vadd.s32 s0, v3  }
0x5d: {  	[tilespmem:s29+$0xFFFFFE80] =	vst v17  }
0x5e: {  	v17 =	vld.idx.msk [tilespmem:v19+s2+$0x0], $0xffff;
	v19 =	vadd.s32 s0, v4  }
0x5f: {  	v20 =	vld.idx.msk [tilespmem:v20+s2+$0x0], $0xffff  }
0x60: {  	v21 =	vadd.s32 s0, v5  }
0x61: {  	v18 =	vld.idx.msk [tilespmem:v18+s2+$0x0], $0xffff  }
0x62: {  	v22 =	vadd.s32 s0, v6  }
0x63: {  	v19 =	vld.idx.msk [tilespmem:v19+s2+$0x0], $0xffff  }
0x64: {  	v23 =	vadd.s32 s0, v7;
	v17 =	vmul.f32 v17, v9;
	v20 =	vmul.f32 v20, v10  }
0x65: {  	v21 =	vld.idx.msk [tilespmem:v21+s2+$0x0], $0xffff  }
0x66: {  	v24 =	vadd.s32 s0, v8;
	v17 =	vadd.f32 v20, v17;
	v18 =	vmul.f32 v18, v11  }
0x67: {  	v20 =	vld.idx.msk [tilespmem:v22+s2+$0x0], $0xffff  }
0x68: {  	v17 =	vadd.f32 v18, v17;
	v18 =	vmul.f32 v19, v12  }
0x69: {  	v19 =	vld.idx.msk [tilespmem:v23+s2+$0x0], $0xffff  }
0x6a: {  	v17 =	vadd.f32 v18, v17;
	v18 =	vmul.f32 v21, v13  }
0x6b: {  	v21 =	vld.idx.msk [tilespmem:v24+s2+$0x0], $0xffff  }
0x6c: {  	v17 =	vadd.f32 v18, v17;
	v18 =	vmul.f32 v20, v14;
	_ =	sdelay $0x1  }
0x6d: {  	v17 =	vadd.f32 v18, v17;
	v18 =	vmul.f32 v19, v15  }
0x6e: {  	s0 =	simm.s32 $0x1F80  }
0x6f: {  	v19 =	vadd.s32 s0, v1;
	v17 =	vadd.f32 v18, v17;
	v18 =	vmul.f32 v21, v16  }
0x70: {  	v20 =	vadd.s32 s0, v2  }
0x71: {  	v17 =	vadd.f32 v18, v17  }
0x72: {  	v18 =	vadd.s32 s0, v3  }
0x73: {  	[tilespmem:s29+$0xFFFFFF00] =	vst v17  }
0x74: {  	v17 =	vld.idx.msk [tilespmem:v19+s2+$0x0], $0xffff;
	v19 =	vadd.s32 s0, v4  }
0x75: {  	v20 =	vld.idx.msk [tilespmem:v20+s2+$0x0], $0xffff  }
0x76: {  	v21 =	vadd.s32 s0, v5  }
0x77: {  	v18 =	vld.idx.msk [tilespmem:v18+s2+$0x0], $0xffff  }
0x78: {  	v22 =	vadd.s32 s0, v6  }
0x79: {  	v19 =	vld.idx.msk [tilespmem:v19+s2+$0x0], $0xffff  }
0x7a: {  	v23 =	vadd.s32 s0, v7;
	v17 =	vmul.f32 v17, v9;
	v20 =	vmul.f32 v20, v10  }
0x7b: {  	v21 =	vld.idx.msk [tilespmem:v21+s2+$0x0], $0xffff  }
0x7c: {  	v24 =	vadd.s32 s0, v8;
	v17 =	vadd.f32 v20, v17;
	v18 =	vmul.f32 v18, v11  }
0x7d: {  	v20 =	vld.idx.msk [tilespmem:v22+s2+$0x0], $0xffff  }
0x7e: {  	v17 =	vadd.f32 v18, v17;
	v18 =	vmul.f32 v19, v12  }
0x7f: {  	v19 =	vld.idx.msk [tilespmem:v23+s2+$0x0], $0xffff  }
0x80: {  	v17 =	vadd.f32 v18, v17;
	v18 =	vmul.f32 v21, v13  }
0x81: {  	v21 =	vld.idx.msk [tilespmem:v24+s2+$0x0], $0xffff  }
0x82: {  	v17 =	vadd.f32 v18, v17;
	v18 =	vmul.f32 v20, v14;
	_ =	sdelay $0x1  }
0x83: {  	v17 =	vadd.f32 v18, v17;
	v18 =	vmul.f32 v19, v15  }
0x84: {  	s0 =	simm.s32 $0x2A00  }
0x85: {  	v19 =	vadd.s32 s0, v1;
	v17 =	vadd.f32 v18, v17;
	v18 =	vmul.f32 v21, v16  }
0x86: {  	v20 =	vadd.s32 s0, v2  }
0x87: {  	v17 =	vadd.f32 v18, v17  }
0x88: {  	v18 =	vadd.s32 s0, v3  }
0x89: {  	[tilespmem:s29+$0xFFFFFF80] =	vst v17  }
0x8a: {  	v17 =	vld.idx.msk [tilespmem:v19+s2+$0x0], $0xffff;
	v19 =	vadd.s32 s0, v4  }
0x8b: {  	v20 =	vld.idx.msk [tilespmem:v20+s2+$0x0], $0xffff  }
0x8c: {  	v21 =	vadd.s32 s0, v5  }
0x8d: {  	v18 =	vld.idx.msk [tilespmem:v18+s2+$0x0], $0xffff  }
0x8e: {  	v22 =	vadd.s32 s0, v6  }
0x8f: {  	v19 =	vld.idx.msk [tilespmem:v19+s2+$0x0], $0xffff  }
0x90: {  	v23 =	vadd.s32 s0, v7;
	v17 =	vmul.f32 v17, v9;
	v20 =	vmul.f32 v20, v10  }
0x91: {  	v21 =	vld.idx.msk [tilespmem:v21+s2+$0x0], $0xffff  }
0x92: {  	v24 =	vadd.s32 s0, v8;
	v17 =	vadd.f32 v20, v17;
	v18 =	vmul.f32 v18, v11  }
0x93: {  	v20 =	vld.idx.msk [tilespmem:v22+s2+$0x0], $0xffff  }
0x94: {  	v17 =	vadd.f32 v18, v17;
	v18 =	vmul.f32 v19, v12  }
0x95: {  	v19 =	vld.idx.msk [tilespmem:v23+s2+$0x0], $0xffff  }
0x96: {  	v17 =	vadd.f32 v18, v17;
	v18 =	vmul.f32 v21, v13  }
0x97: {  	v21 =	vld.idx.msk [tilespmem:v24+s2+$0x0], $0xffff  }
0x98: {  	v17 =	vadd.f32 v18, v17;
	v18 =	vmul.f32 v20, v14;
	_ =	sdelay $0x1  }
0x99: {  	v17 =	vadd.f32 v18, v17;
	v18 =	vmul.f32 v19, v15  }
0x9a: {  	s0 =	simm.s32 $0x3480  }
0x9b: {  	v19 =	vadd.s32 s0, v1;
	v17 =	vadd.f32 v18, v17;
	v18 =	vmul.f32 v21, v16  }
0x9c: {  	v20 =	vadd.s32 s0, v2  }
0x9d: {  	v17 =	vadd.f32 v18, v17  }
0x9e: {  	v18 =	vadd.s32 s0, v3  }
0x9f: {  	[tilespmem:s29+$0x0] =	vst v17  }
0xa0: {  	v17 =	vadd.s32 s0, v4;
	v19 =	vld.idx.msk [tilespmem:v19+s2+$0x0], $0xffff  }
0xa1: {  	v20 =	vld.idx.msk [tilespmem:v20+s2+$0x0], $0xffff  }
0xa2: {  	v21 =	vadd.s32 s0, v5  }
0xa3: {  	v18 =	vld.idx.msk [tilespmem:v18+s2+$0x0], $0xffff  }
0xa4: {  	v22 =	vadd.s32 s0, v6  }
0xa5: {  	v17 =	vld.idx.msk [tilespmem:v17+s2+$0x0], $0xffff  }
0xa6: {  	v23 =	vadd.s32 s0, v7;
	v19 =	vmul.f32 v19, v9;
	v20 =	vmul.f32 v20, v10  }
0xa7: {  	v21 =	vld.idx.msk [tilespmem:v21+s2+$0x0], $0xffff  }
0xa8: {  	v24 =	vadd.s32 s0, v8;
	v19 =	vadd.f32 v20, v19;
	v18 =	vmul.f32 v18, v11  }
0xa9: {  	v20 =	vld.idx.msk [tilespmem:v22+s2+$0x0], $0xffff  }
0xaa: {  	v18 =	vadd.f32 v18, v19;
	v17 =	vmul.f32 v17, v12  }
0xab: {  	v19 =	vld.idx.msk [tilespmem:v23+s2+$0x0], $0xffff  }
0xac: {  	v17 =	vadd.f32 v17, v18;
	v18 =	vmul.f32 v21, v13  }
0xad: {  	v21 =	vld.idx.msk [tilespmem:v24+s2+$0x0], $0xffff  }
0xae: {  	v17 =	vadd.f32 v18, v17;
	v18 =	vmul.f32 v20, v14;
	_ =	sdelay $0x1  }
0xaf: {  	v17 =	vadd.f32 v18, v17;
	v18 =	vmul.f32 v19, v15  }
0xb0: {  	s0 =	simm.s32 $0x3F00  }
0xb1: {  	v19 =	vadd.s32 s0, v1;
	v17 =	vadd.f32 v18, v17;
	v18 =	vmul.f32 v21, v16  }
0xb2: {  	v20 =	vadd.s32 s0, v2  }
0xb3: {  	v17 =	vadd.f32 v18, v17  }
0xb4: {  	v18 =	vadd.s32 s0, v3  }
0xb5: {  	[tilespmem:s29+$0x80] =	vst v17  }
0xb6: {  	v17 =	vadd.s32 s0, v4;
	v19 =	vld.idx.msk [tilespmem:v19+s2+$0x0], $0xffff  }
0xb7: {  	v20 =	vld.idx.msk [tilespmem:v20+s2+$0x0], $0xffff  }
0xb8: {  	v21 =	vadd.s32 s0, v5  }
0xb9: {  	v18 =	vld.idx.msk [tilespmem:v18+s2+$0x0], $0xffff  }
0xba: {  	v22 =	vadd.s32 s0, v6  }
0xbb: {  	v17 =	vld.idx.msk [tilespmem:v17+s2+$0x0], $0xffff  }
0xbc: {  	v23 =	vadd.s32 s0, v7;
	v19 =	vmul.f32 v19, v9;
	v20 =	vmul.f32 v20, v10  }
0xbd: {  	v21 =	vld.idx.msk [tilespmem:v21+s2+$0x0], $0xffff  }
0xbe: {  	v24 =	vadd.s32 s0, v8;
	v19 =	vadd.f32 v20, v19;
	v18 =	vmul.f32 v18, v11  }
0xbf: {  	v20 =	vld.idx.msk [tilespmem:v22+s2+$0x0], $0xffff  }
0xc0: {  	v17 =	vmul.f32 v17, v12;
	v18 =	vadd.f32 v18, v19  }
0xc1: {  	v19 =	vld.idx.msk [tilespmem:v23+s2+$0x0], $0xffff  }
0xc2: {  	v21 =	vmul.f32 v21, v13;
	v17 =	vadd.f32 v17, v18  }
0xc3: {  	v18 =	vld.idx.msk [tilespmem:v24+s2+$0x0], $0xffff  }
0xc4: {  	v20 =	vmul.f32 v20, v14;
	v17 =	vadd.f32 v21, v17;
	_ =	sdelay $0x1  }
0xc5: {  	v19 =	vmul.f32 v19, v15;
	v17 =	vadd.f32 v20, v17  }
0xc6: {  	s0 =	simm.s32 $0x4980  }
0xc7: {  	v18 =	vmul.f32 v18, v16;
	v17 =	vadd.f32 v19, v17;
	v19 =	vadd.s32 s0, v2  }
0xc8: {  	v20 =	vadd.s32 s0, v1  }
0xc9: {  	v17 =	vadd.f32 v18, v17;
	v18 =	vadd.s32 s0, v3  }
0xca: {  	v21 =	vadd.s32 s0, v4  }
0xcb: {  	[tilespmem:s29+$0x100] =	vst v17;
	v17 =	vadd.s32 s0, v5  }
0xcc: {  	v25 =	vadd.s32 s0, v7;
	v24 =	vld.idx.msk [tilespmem:v19+s2+$0x0], $0xffff  }
0xcd: {  	v19 =	vadd.s32 s0, v6;
	v23 =	vld.idx.msk [tilespmem:v20+s2+$0x0], $0xffff  }
0xce: {  	v22 =	vld.idx.msk [tilespmem:v18+s2+$0x0], $0xffff;
	v18 =	vadd.s32 s0, v8  }
0xcf: {  	v21 =	vld.idx.msk [tilespmem:v21+s2+$0x0], $0xffff  }
0xd0: {  	v20 =	vld.idx.msk [tilespmem:v17+s2+$0x0], $0xffff  }
0xd1: {  	v17 =	vld.idx.msk [tilespmem:v25+s2+$0x0], $0xffff  }
0xd2: {  	v19 =	vld.idx.msk [tilespmem:v19+s2+$0x0], $0xffff  }
0xd3: {  	s31 =	simm.s32 $0x9D80;
	s30 =	smov.u32 s29;
	v23 =	vmul.f32 v23, v9;
	v24 =	vmul.f32 v24, v10;
	v18 =	vld.idx.msk [tilespmem:v18+s2+$0x0], $0xffff  }
.LBB2_4:
0xd4: {  	p0 =	sne.s32 s31, $0x14580  }
0xd5: {  	s29 =	sadd.s32 $0xC00, s29;
	s1 =	smov.u32 s31;
	s31 =	sadd.s32 $0x5400, s31  }
0xd6: {  	v22 =	vmul.f32 v22, v11;
	v23 =	vadd.f32 v24, v23;
	_ =	sdelay $0x1  }
0xd7: {  	v21 =	vmul.f32 v21, v12;
	s0 =	sadd.s32 $0xFFFFB680, s1;
	v22 =	vadd.f32 v22, v23  }
0xd8: {  	v24 =	vadd.s32 s0, v2;
	v23 =	vadd.s32 s0, v1  }
0xd9: {  	v20 =	vmul.f32 v20, v13;
	v25 =	vadd.s32 s0, v3;
	v21 =	vadd.f32 v21, v22;
	_ =	sdelay $0x1  }
0xda: {  	v19 =	vmul.f32 v19, v14;
	v20 =	vadd.f32 v20, v21;
	_ =	sdelay $0x1  }
0xdb: {  	v17 =	vmul.f32 v17, v15;
	v19 =	vadd.f32 v19, v20  }
0xdc: {  	v20 =	vadd.s32 s0, v4  }
0xdd: {  	v18 =	vmul.f32 v18, v16;
	v17 =	vadd.f32 v17, v19;
	_ =	sdelay $0x1  }
0xde: {  	v17 =	vadd.f32 v18, v17;
	_ =	sdelay $0x1  }
0xdf: {  	[tilespmem:s30+$0x180] =	vst v17;
	s30 =	smov.u32 s29  }
0xe0: {  	v17 =	vld.idx.msk [tilespmem:v23+s2+$0x0], $0xffff  }
0xe1: {  	v18 =	vld.idx.msk [tilespmem:v24+s2+$0x0], $0xffff  }
0xe2: {  	v19 =	vadd.s32 s0, v5  }
0xe3: {  	v21 =	vld.idx.msk [tilespmem:v25+s2+$0x0], $0xffff  }
0xe4: {  	v22 =	vadd.s32 s0, v6  }
0xe5: {  	v20 =	vld.idx.msk [tilespmem:v20+s2+$0x0], $0xffff  }
0xe6: {  	v23 =	vadd.s32 s0, v7  }
0xe7: {  	v17 =	vmul.f32 v17, v9;
	v18 =	vmul.f32 v18, v10;
	v19 =	vld.idx.msk [tilespmem:v19+s2+$0x0], $0xffff  }
0xe8: {  	v24 =	vadd.s32 s0, v8  }
0xe9: {  	v17 =	vadd.f32 v18, v17;
	v18 =	vmul.f32 v21, v11;
	v21 =	vld.idx.msk [tilespmem:v22+s2+$0x0], $0xffff;
	_ =	sdelay $0x1  }
0xea: {  	v17 =	vadd.f32 v18, v17;
	v18 =	vmul.f32 v20, v12;
	v20 =	vld.idx.msk [tilespmem:v23+s2+$0x0], $0xffff;
	_ =	sdelay $0x1  }
0xeb: {  	v17 =	vadd.f32 v18, v17;
	v18 =	vmul.f32 v19, v13;
	v19 =	vld.idx.msk [tilespmem:v24+s2+$0x0], $0xffff;
	_ =	sdelay $0x1  }
0xec: {  	v17 =	vadd.f32 v18, v17;
	v18 =	vmul.f32 v21, v14;
	_ =	sdelay $0x1  }
0xed: {  	v17 =	vadd.f32 v18, v17;
	v18 =	vmul.f32 v20, v15  }
0xee: {  	s0 =	sadd.s32 $0xFFFFC100, s1  }
0xef: {  	v17 =	vadd.f32 v18, v17;
	v18 =	vmul.f32 v19, v16;
	v19 =	vadd.s32 s0, v2  }
0xf0: {  	v20 =	vadd.s32 s0, v1  }
0xf1: {  	v17 =	vadd.f32 v18, v17  }
0xf2: {  	v18 =	vadd.s32 s0, v3  }
0xf3: {  	[tilespmem:s29+$0xFFFFFE00] =	vst v17  }
0xf4: {  	v17 =	vld.idx.msk [tilespmem:v19+s2+$0x0], $0xffff;
	v19 =	vadd.s32 s0, v4  }
0xf5: {  	v20 =	vld.idx.msk [tilespmem:v20+s2+$0x0], $0xffff  }
0xf6: {  	v21 =	vadd.s32 s0, v5  }
0xf7: {  	v18 =	vld.idx.msk [tilespmem:v18+s2+$0x0], $0xffff  }
0xf8: {  	v22 =	vadd.s32 s0, v6  }
0xf9: {  	v19 =	vld.idx.msk [tilespmem:v19+s2+$0x0], $0xffff  }
0xfa: {  	v23 =	vadd.s32 s0, v7;
	v17 =	vmul.f32 v17, v10  }
0xfb: {  	v20 =	vmul.f32 v20, v9;
	v21 =	vld.idx.msk [tilespmem:v21+s2+$0x0], $0xffff  }
0xfc: {  	v24 =	vadd.s32 s0, v8  }
0xfd: {  	v17 =	vadd.f32 v17, v20;
	v18 =	vmul.f32 v18, v11;
	v20 =	vld.idx.msk [tilespmem:v22+s2+$0x0], $0xffff;
	_ =	sdelay $0x1  }
0xfe: {  	v17 =	vadd.f32 v18, v17;
	v18 =	vmul.f32 v19, v12;
	v19 =	vld.idx.msk [tilespmem:v23+s2+$0x0], $0xffff;
	_ =	sdelay $0x1  }
0xff: {  	v17 =	vadd.f32 v18, v17;
	v18 =	vmul.f32 v21, v13;
	v21 =	vld.idx.msk [tilespmem:v24+s2+$0x0], $0xffff;
	_ =	sdelay $0x1  }
0x100: {  	v17 =	vadd.f32 v18, v17;
	v18 =	vmul.f32 v20, v14;
	_ =	sdelay $0x1  }
0x101: {  	v17 =	vadd.f32 v18, v17;
	v18 =	vmul.f32 v19, v15  }
0x102: {  	s0 =	sadd.s32 $0xFFFFCB80, s1  }
0x103: {  	v19 =	vadd.s32 s0, v1;
	v17 =	vadd.f32 v18, v17;
	v18 =	vmul.f32 v21, v16  }
0x104: {  	v20 =	vadd.s32 s0, v2  }
0x105: {  	v17 =	vadd.f32 v18, v17;
	v18 =	vadd.s32 s0, v3;
	_ =	sdelay $0x1  }
0x106: {  	[tilespmem:s29+$0xFFFFFE80] =	vst v17  }
0x107: {  	v17 =	vld.idx.msk [tilespmem:v19+s2+$0x0], $0xffff;
	v19 =	vadd.s32 s0, v4  }
0x108: {  	v20 =	vld.idx.msk [tilespmem:v20+s2+$0x0], $0xffff  }
0x109: {  	v21 =	vadd.s32 s0, v5;
	v18 =	vld.idx.msk [tilespmem:v18+s2+$0x0], $0xffff;
	_ =	sdelay $0x1  }
0x10a: {  	v22 =	vadd.s32 s0, v6  }
0x10b: {  	v19 =	vld.idx.msk [tilespmem:v19+s2+$0x0], $0xffff  }
0x10c: {  	v23 =	vadd.s32 s0, v7  }
0x10d: {  	v17 =	vmul.f32 v17, v9;
	v20 =	vmul.f32 v20, v10;
	v21 =	vld.idx.msk [tilespmem:v21+s2+$0x0], $0xffff  }
0x10e: {  	v24 =	vadd.s32 s0, v8  }
0x10f: {  	v18 =	vmul.f32 v18, v11;
	v17 =	vadd.f32 v20, v17;
	v20 =	vld.idx.msk [tilespmem:v22+s2+$0x0], $0xffff;
	_ =	sdelay $0x1  }
0x110: {  	v17 =	vadd.f32 v18, v17;
	v18 =	vmul.f32 v19, v12;
	v19 =	vld.idx.msk [tilespmem:v23+s2+$0x0], $0xffff;
	_ =	sdelay $0x1  }
0x111: {  	v17 =	vadd.f32 v18, v17;
	v18 =	vmul.f32 v21, v13;
	v21 =	vld.idx.msk [tilespmem:v24+s2+$0x0], $0xffff;
	_ =	sdelay $0x1  }
0x112: {  	v17 =	vadd.f32 v18, v17;
	v18 =	vmul.f32 v20, v14;
	_ =	sdelay $0x1  }
0x113: {  	v17 =	vadd.f32 v18, v17;
	v18 =	vmul.f32 v19, v15  }
0x114: {  	s0 =	sadd.s32 $0xFFFFD600, s1  }
0x115: {  	v19 =	vadd.s32 s0, v1;
	v17 =	vadd.f32 v18, v17;
	v18 =	vmul.f32 v21, v16  }
0x116: {  	v20 =	vadd.s32 s0, v2  }
0x117: {  	v17 =	vadd.f32 v18, v17  }
0x118: {  	v18 =	vadd.s32 s0, v3  }
0x119: {  	[tilespmem:s29+$0xFFFFFF00] =	vst v17  }
0x11a: {  	v17 =	vld.idx.msk [tilespmem:v19+s2+$0x0], $0xffff;
	v19 =	vadd.s32 s0, v4  }
0x11b: {  	v20 =	vld.idx.msk [tilespmem:v20+s2+$0x0], $0xffff  }
0x11c: {  	v21 =	vadd.s32 s0, v5  }
0x11d: {  	v18 =	vld.idx.msk [tilespmem:v18+s2+$0x0], $0xffff  }
0x11e: {  	v22 =	vadd.s32 s0, v6  }
0x11f: {  	v19 =	vld.idx.msk [tilespmem:v19+s2+$0x0], $0xffff  }
0x120: {  	v23 =	vadd.s32 s0, v7  }
0x121: {  	v17 =	vmul.f32 v17, v9;
	v20 =	vmul.f32 v20, v10;
	v21 =	vld.idx.msk [tilespmem:v21+s2+$0x0], $0xffff  }
0x122: {  	v24 =	vadd.s32 s0, v8  }
0x123: {  	v17 =	vadd.f32 v20, v17;
	v18 =	vmul.f32 v18, v11;
	v20 =	vld.idx.msk [tilespmem:v22+s2+$0x0], $0xffff;
	_ =	sdelay $0x1  }
0x124: {  	v17 =	vadd.f32 v18, v17;
	v18 =	vmul.f32 v19, v12;
	v19 =	vld.idx.msk [tilespmem:v23+s2+$0x0], $0xffff;
	_ =	sdelay $0x1  }
0x125: {  	v17 =	vadd.f32 v18, v17;
	v18 =	vmul.f32 v21, v13;
	v21 =	vld.idx.msk [tilespmem:v24+s2+$0x0], $0xffff;
	_ =	sdelay $0x1  }
0x126: {  	v17 =	vadd.f32 v18, v17;
	v18 =	vmul.f32 v20, v14;
	_ =	sdelay $0x1  }
0x127: {  	v17 =	vadd.f32 v18, v17;
	v18 =	vmul.f32 v19, v15  }
0x128: {  	s0 =	sadd.s32 $0xFFFFE080, s1  }
0x129: {  	v19 =	vadd.s32 s0, v1;
	v17 =	vadd.f32 v18, v17;
	v18 =	vmul.f32 v21, v16  }
0x12a: {  	v20 =	vadd.s32 s0, v2  }
0x12b: {  	v17 =	vadd.f32 v18, v17;
	v18 =	vadd.s32 s0, v3;
	_ =	sdelay $0x1  }
0x12c: {  	[tilespmem:s29+$0xFFFFFF80] =	vst v17  }
0x12d: {  	v17 =	vld.idx.msk [tilespmem:v19+s2+$0x0], $0xffff;
	v19 =	vadd.s32 s0, v4  }
0x12e: {  	v20 =	vld.idx.msk [tilespmem:v20+s2+$0x0], $0xffff  }
0x12f: {  	v21 =	vadd.s32 s0, v5;
	v18 =	vld.idx.msk [tilespmem:v18+s2+$0x0], $0xffff;
	_ =	sdelay $0x1  }
0x130: {  	v22 =	vadd.s32 s0, v6  }
0x131: {  	v19 =	vld.idx.msk [tilespmem:v19+s2+$0x0], $0xffff  }
0x132: {  	v23 =	vadd.s32 s0, v7;
	v17 =	vmul.f32 v17, v9  }
0x133: {  	v20 =	vmul.f32 v20, v10;
	v21 =	vld.idx.msk [tilespmem:v21+s2+$0x0], $0xffff  }
0x134: {  	v24 =	vadd.s32 s0, v8  }
0x135: {  	v18 =	vmul.f32 v18, v11;
	v17 =	vadd.f32 v20, v17;
	v20 =	vld.idx.msk [tilespmem:v22+s2+$0x0], $0xffff;
	_ =	sdelay $0x1  }
0x136: {  	v17 =	vadd.f32 v18, v17;
	v18 =	vmul.f32 v19, v12;
	v19 =	vld.idx.msk [tilespmem:v23+s2+$0x0], $0xffff;
	_ =	sdelay $0x1  }
0x137: {  	v17 =	vadd.f32 v18, v17;
	v18 =	vmul.f32 v21, v13;
	v21 =	vld.idx.msk [tilespmem:v24+s2+$0x0], $0xffff;
	_ =	sdelay $0x1  }
0x138: {  	v17 =	vadd.f32 v18, v17;
	v18 =	vmul.f32 v20, v14;
	_ =	sdelay $0x1  }
0x139: {  	v17 =	vadd.f32 v18, v17;
	v18 =	vmul.f32 v19, v15  }
0x13a: {  	s0 =	sadd.s32 $0xFFFFEB00, s1  }
0x13b: {  	v19 =	vadd.s32 s0, v1;
	v17 =	vadd.f32 v18, v17;
	v18 =	vmul.f32 v21, v16  }
0x13c: {  	v20 =	vadd.s32 s0, v2  }
0x13d: {  	v17 =	vadd.f32 v18, v17;
	v18 =	vadd.s32 s0, v3  }
0x13e: {  	v21 =	vadd.s32 s0, v4  }
0x13f: {  	[tilespmem:s29+$0x0] =	vst v17;
	v17 =	vadd.s32 s0, v5  }
0x140: {  	v22 =	vadd.s32 s0, v6;
	v19 =	vld.idx.msk [tilespmem:v19+s2+$0x0], $0xffff  }
0x141: {  	v23 =	vadd.s32 s0, v7;
	v20 =	vld.idx.msk [tilespmem:v20+s2+$0x0], $0xffff  }
0x142: {  	v24 =	vadd.s32 s0, v8;
	v18 =	vld.idx.msk [tilespmem:v18+s2+$0x0], $0xffff  }
0x143: {  	v21 =	vld.idx.msk [tilespmem:v21+s2+$0x0], $0xffff  }
0x144: {  	v17 =	vld.idx.msk [tilespmem:v17+s2+$0x0], $0xffff  }
0x145: {  	v22 =	vld.idx.msk [tilespmem:v22+s2+$0x0], $0xffff  }
0x146: {  	v19 =	vmul.f32 v19, v9;
	v23 =	vld.idx.msk [tilespmem:v23+s2+$0x0], $0xffff  }
0x147: {  	v20 =	vmul.f32 v20, v10;
	v24 =	vld.idx.msk [tilespmem:v24+s2+$0x0], $0xffff;
	_ =	sdelay $0x1  }
0x148: {  	v18 =	vmul.f32 v18, v11;
	v19 =	vadd.f32 v20, v19;
	_ =	sdelay $0x1  }
0x149: {  	v18 =	vadd.f32 v18, v19;
	v19 =	vmul.f32 v21, v12;
	_ =	sdelay $0x1  }
0x14a: {  	v17 =	vmul.f32 v17, v13;
	v18 =	vadd.f32 v19, v18;
	_ =	sdelay $0x1  }
0x14b: {  	v17 =	vadd.f32 v17, v18;
	v18 =	vmul.f32 v22, v14;
	_ =	sdelay $0x1  }
0x14c: {  	v17 =	vadd.f32 v18, v17;
	v18 =	vmul.f32 v23, v15  }
0x14d: {  	s0 =	sadd.s32 $0xFFFFF580, s1  }
0x14e: {  	v19 =	vadd.s32 s0, v1;
	v17 =	vadd.f32 v18, v17;
	v18 =	vmul.f32 v24, v16  }
0x14f: {  	v20 =	vadd.s32 s0, v2  }
0x150: {  	v17 =	vadd.f32 v18, v17;
	v18 =	vadd.s32 s0, v4  }
0x151: {  	v21 =	vadd.s32 s0, v3  }
0x152: {  	[tilespmem:s29+$0x80] =	vst v17;
	v17 =	vadd.s32 s0, v5  }
0x153: {  	v22 =	vadd.s32 s0, v6;
	v19 =	vld.idx.msk [tilespmem:v19+s2+$0x0], $0xffff  }
0x154: {  	v23 =	vadd.s32 s0, v7;
	v20 =	vld.idx.msk [tilespmem:v20+s2+$0x0], $0xffff  }
0x155: {  	v24 =	vadd.s32 s0, v8;
	v18 =	vld.idx.msk [tilespmem:v18+s2+$0x0], $0xffff  }
0x156: {  	v21 =	vld.idx.msk [tilespmem:v21+s2+$0x0], $0xffff  }
0x157: {  	v17 =	vld.idx.msk [tilespmem:v17+s2+$0x0], $0xffff  }
0x158: {  	v22 =	vld.idx.msk [tilespmem:v22+s2+$0x0], $0xffff  }
0x159: {  	v19 =	vmul.f32 v19, v9;
	v23 =	vld.idx.msk [tilespmem:v23+s2+$0x0], $0xffff  }
0x15a: {  	v20 =	vmul.f32 v20, v10;
	v24 =	vld.idx.msk [tilespmem:v24+s2+$0x0], $0xffff  }
0x15b: {  	v18 =	vmul.f32 v18, v12  }
0x15c: {  	v19 =	vadd.f32 v20, v19;
	v20 =	vmul.f32 v21, v11  }
0x15d: {  	v17 =	vmul.f32 v17, v13  }
0x15e: {  	v19 =	vadd.f32 v20, v19  }
0x15f: {  	v20 =	vmul.f32 v22, v14  }
0x160: {  	v18 =	vadd.f32 v18, v19  }
0x161: {  	v19 =	vmul.f32 v23, v15  }
0x162: {  	v17 =	vadd.f32 v17, v18  }
0x163: {  	v18 =	vmul.f32 v24, v16  }
0x164: {  	v17 =	vadd.f32 v20, v17;
	_ =	sdelay $0x1  }
0x165: {  	v17 =	vadd.f32 v19, v17;
	v19 =	vadd.s32 s1, v2  }
0x166: {  	v20 =	vadd.s32 s1, v1  }
0x167: {  	v17 =	vadd.f32 v18, v17;
	v18 =	vadd.s32 s1, v3  }
0x168: {  	v21 =	vadd.s32 s1, v4  }
0x169: {  	[tilespmem:s29+$0x100] =	vst v17;
	v17 =	vadd.s32 s1, v5  }
0x16a: {  	v24 =	vld.idx.msk [tilespmem:v19+s2+$0x0], $0xffff;
	v19 =	vadd.s32 s1, v6  }
0x16b: {  	v25 =	vadd.s32 s1, v7;
	v23 =	vld.idx.msk [tilespmem:v20+s2+$0x0], $0xffff  }
0x16c: {  	v22 =	vld.idx.msk [tilespmem:v18+s2+$0x0], $0xffff;
	v18 =	vadd.s32 s1, v8  }
.Ltmp0:
0x16d: {  	v21 =	vld.idx.msk [tilespmem:v21+s2+$0x0], $0xffff;
	(pc) =	sbr.rel @p0 .LBB2_4-.Ltmp0, $4  }
0x16e: {  	v20 =	vld.idx.msk [tilespmem:v17+s2+$0x0], $0xffff  }
0x16f: {  	v19 =	vld.idx.msk [tilespmem:v19+s2+$0x0], $0xffff  }
0x170: {  	v17 =	vld.idx.msk [tilespmem:v25+s2+$0x0], $0xffff  }
0x171: {  	v24 =	vmul.f32 v24, v10;
	v23 =	vmul.f32 v23, v9;
	v18 =	vld.idx.msk [tilespmem:v18+s2+$0x0], $0xffff  }
0x172: {  	_ = 	snop  }
0x173: {  	v2 =	vmul.f32 v22, v11;
	v1 =	vadd.f32 v24, v23;
	_ =	sdelay $0x1  }
0x174: {  	v1 =	vadd.f32 v2, v1;
	v2 =	vmul.f32 v21, v12;
	_ =	sdelay $0x1  }
0x175: {  	v1 =	vadd.f32 v2, v1;
	v2 =	vmul.f32 v20, v13;
	_ =	sdelay $0x1  }
0x176: {  	v1 =	vadd.f32 v2, v1;
	v2 =	vmul.f32 v19, v14;
	_ =	sdelay $0x1  }
0x177: {  	s28 =	sadd.s32 $0x1, s28;
	v1 =	vadd.f32 v2, v1;
	v2 =	vmul.f32 v17, v15  }
0x178: {  	p0 =	sne.s32 s28, $0x18  }
.Ltmp1:
0x179: {  	v1 =	vadd.f32 v2, v1;
	v2 =	vmul.f32 v18, v16;
	(pc) =	sbr.rel @p0 .LBB2_3-.Ltmp1, $3  }
0x17a: {  	_ = 	snop  }
0x17b: {  	v1 =	vadd.f32 v2, v1;
	_ =	sdelay $0x1  }
0x17c: {  	s26 =	sadd.s32 $0x80, s26;
	s25 =	sadd.s32 $0x1, s25;
	[tilespmem:s30+$0x180] =	vst v1  }
0x17d: {  	s0 =	smul.u32 $0x1800, s23;
	_ =	sdelay $0x1  }
0x17e: {  	s1 =	sadd.s32 s7, s0  }
0x17f: {  	s1 =	sshrl.u32 s1, $0x3  }
0x180: {  	s1 =	sadd.s32 s5, s1  }
0x181: {  	[hbm4b:s1+s15] =	stream.strided.scatter [tilespmem:s17], [sflag:$0x3], $0x3000, s16, s15, $0x38;
	[tilespmem:$0x1E000] =	vst v63  }
0x182: {  	_ =	swait.ge [sflag:s18], $0xC00  }
0x183: {  	[sflag:s18] =	ssyncset.done $0x0  }
0x184: {  	p0 =	seq.s32 s23, $0x6;
	[sflag:s18] =	ssyncadd.s32 $0xFFFFF400  }
0x185: {  	s0 =	sshrl.u32 @!p0 s0, $0x3;
	_ =	swait.ge [sflag:s18], $0xC00  }
0x186: {  	s25 =	simm.s32 @!p0 $0x0;
	s0 =	sadd.s32 @!p0 $0x300, s0;
	[sflag:s18] =	ssyncset.done $0x0  }
0x187: {  	s26 =	simm.s32 @!p0 $0x15000;
	s1 =	sadd.s32 @!p0 s3, s0;
	[sflag:s18] =	ssyncadd.s32 $0xFFFFF400  }
0x188: {  	[tilespmem:s26], [sflag:$0x1] =	stream.linear.gather @!p0 [hbm4b:s1+s25], $0xC00, $0x38;
	[tilespmem:$0x1E000] =	vst v63  }
0x189: {  	p1 =	seq.s32 @!p0 s23, $0x0;
	s0 =	sadd.s32 @!p0 s4, s0;
	s1 =	simm.s32 @!p0 $0x16800  }
0x18a: {  	[tilespmem:s1], [sflag:$0x1] =	stream.linear.gather @!p0 [hbm4b:s0+s25], $0xC00, $0x38;
	[tilespmem:$0x1E000] =	vst v63  }
0x18b: {  	p0 =	por p0, !p1  }
0x18c: {  	_ =	swait.ge @p0 [sflag:s21], $0x3000  }
0x18d: {  	s28 =	simm.s32 $0x0;
	s23 =	sadd.s32 $0x1, s23;
	[sflag:s21] =	ssyncset.done @p0 $0x0  }
0x18e: {  	s26 =	simm.s32 $0x0;
	s25 =	simm.s32 $0x0;
	[sflag:s21] =	ssyncadd.s32 @p0 $0xFFFFD000  }
.LBB2_7:
0x18f: {  	s0 =	sshll.u32 s28, $0x4  }
0x190: {  	v1 =	vmov s0  }
0x191: {  	v1 =	vshll.u32 v1, $0x3  }
0x192: {  	v9 =	vor.u32 v0, v1  }
0x193: {  	v10 =	vor.u32 $0x1, v9;
	_ =	sdelay $0x1  }
0x194: {  	v11 =	vor.u32 $0x2, v9  }
0x195: {  	v12 =	vor.u32 $0x3, v9  }
0x196: {  	v13 =	vor.u32 $0x4, v9;
	v1 =	vld.idx.msk [tilespmem:v9+s13+$0x0], $0xffff  }
0x197: {  	v14 =	vor.u32 $0x5, v9;
	v2 =	vld.idx.msk [tilespmem:v10+s13+$0x0], $0xffff  }
0x198: {  	v15 =	vor.u32 $0x6, v9;
	v16 =	vor.u32 $0x7, v9;
	v9 =	vld.idx.msk [tilespmem:v9+s14+$0x0], $0xffff  }
0x199: {  	v3 =	vld.idx.msk [tilespmem:v11+s13+$0x0], $0xffff  }
0x19a: {  	s1 =	simm.s32 $0x0;
	v4 =	vld.idx.msk [tilespmem:v12+s13+$0x0], $0xffff  }
0x19b: {  	v5 =	vld.idx.msk [tilespmem:v13+s13+$0x0], $0xffff;
	v17 =	vadd.s32 s1, v1  }
0x19c: {  	v6 =	vld.idx.msk [tilespmem:v14+s13+$0x0], $0xffff;
	v18 =	vadd.s32 s1, v2  }
0x19d: {  	v7 =	vld.idx.msk [tilespmem:v15+s13+$0x0], $0xffff  }
0x19e: {  	v8 =	vld.idx.msk [tilespmem:v16+s13+$0x0], $0xffff;
	v19 =	vadd.s32 s1, v3  }
0x19f: {  	v10 =	vld.idx.msk [tilespmem:v10+s14+$0x0], $0xffff  }
0x1a0: {  	v20 =	vadd.s32 s1, v4;
	v17 =	vld.idx.msk [tilespmem:v17+s2+$0x0], $0xffff  }
0x1a1: {  	v18 =	vld.idx.msk [tilespmem:v18+s2+$0x0], $0xffff  }
0x1a2: {  	v11 =	vld.idx.msk [tilespmem:v11+s14+$0x0], $0xffff;
	v21 =	vadd.s32 s1, v5  }
0x1a3: {  	v19 =	vld.idx.msk [tilespmem:v19+s2+$0x0], $0xffff  }
0x1a4: {  	v12 =	vld.idx.msk [tilespmem:v12+s14+$0x0], $0xffff;
	v22 =	vadd.s32 s1, v6  }
0x1a5: {  	v20 =	vld.idx.msk [tilespmem:v20+s2+$0x0], $0xffff  }
0x1a6: {  	v13 =	vld.idx.msk [tilespmem:v13+s14+$0x0], $0xffff;
	v23 =	vadd.s32 s1, v7;
	v17 =	vmul.f32 v17, v9;
	v18 =	vmul.f32 v18, v10  }
0x1a7: {  	v21 =	vld.idx.msk [tilespmem:v21+s2+$0x0], $0xffff  }
0x1a8: {  	v14 =	vld.idx.msk [tilespmem:v14+s14+$0x0], $0xffff;
	v24 =	vadd.s32 s1, v8;
	v17 =	vadd.f32 v18, v17;
	v18 =	vmul.f32 v19, v11  }
0x1a9: {  	v19 =	vld.idx.msk [tilespmem:v22+s2+$0x0], $0xffff  }
0x1aa: {  	v15 =	vld.idx.msk [tilespmem:v15+s14+$0x0], $0xffff;
	v17 =	vadd.f32 v18, v17;
	v18 =	vmul.f32 v20, v12  }
0x1ab: {  	v20 =	vld.idx.msk [tilespmem:v23+s2+$0x0], $0xffff  }
0x1ac: {  	v16 =	vld.idx.msk [tilespmem:v16+s14+$0x0], $0xffff;
	v17 =	vadd.f32 v18, v17;
	v18 =	vmul.f32 v21, v13  }
0x1ad: {  	v21 =	vld.idx.msk [tilespmem:v24+s2+$0x0], $0xffff  }
0x1ae: {  	v17 =	vadd.f32 v18, v17;
	v18 =	vmul.f32 v19, v14;
	_ =	sdelay $0x1  }
0x1af: {  	v17 =	vadd.f32 v18, v17;
	v18 =	vmul.f32 v20, v15  }
0x1b0: {  	s30 =	simm.s32 $0xA80;
	s0 =	sshll.u32 s26, $0x2;
	s1 =	sand.u32 $0x7, s25  }
0x1b1: {  	s0 =	sand.u32 $0xFFFFF000, s0;
	s1 =	sshll.u32 s1, $0x6;
	v19 =	vadd.s32 s30, v2;
	v17 =	vadd.f32 v18, v17;
	v18 =	vmul.f32 v21, v16  }
0x1b2: {  	s0 =	sor.u32 s1, s0;
	v20 =	vadd.s32 s30, v1  }
0x1b3: {  	s0 =	sshrl.u32 s0, $0x2;
	v17 =	vadd.f32 v18, v17  }
0x1b4: {  	s29 =	sadd.s32 $0x1B200, s0;
	v18 =	vadd.s32 s30, v3  }
0x1b5: {  	[tilespmem:s29+$0xFFFFFE00] =	vst v17  }
0x1b6: {  	v17 =	vld.idx.msk [tilespmem:v19+s2+$0x0], $0xffff;
	v19 =	vadd.s32 s30, v4  }
0x1b7: {  	v20 =	vld.idx.msk [tilespmem:v20+s2+$0x0], $0xffff  }
0x1b8: {  	v21 =	vadd.s32 s30, v5  }
0x1b9: {  	v18 =	vld.idx.msk [tilespmem:v18+s2+$0x0], $0xffff  }
0x1ba: {  	v22 =	vadd.s32 s30, v6  }
0x1bb: {  	v19 =	vld.idx.msk [tilespmem:v19+s2+$0x0], $0xffff  }
0x1bc: {  	v23 =	vadd.s32 s30, v7;
	v17 =	vmul.f32 v17, v10;
	v20 =	vmul.f32 v20, v9  }
0x1bd: {  	v21 =	vld.idx.msk [tilespmem:v21+s2+$0x0], $0xffff  }
0x1be: {  	v24 =	vadd.s32 s30, v8;
	v17 =	vadd.f32 v17, v20;
	v18 =	vmul.f32 v18, v11  }
0x1bf: {  	v20 =	vld.idx.msk [tilespmem:v22+s2+$0x0], $0xffff  }
0x1c0: {  	v17 =	vadd.f32 v18, v17;
	v18 =	vmul.f32 v19, v12  }
0x1c1: {  	v19 =	vld.idx.msk [tilespmem:v23+s2+$0x0], $0xffff  }
0x1c2: {  	v17 =	vadd.f32 v18, v17;
	v18 =	vmul.f32 v21, v13  }
0x1c3: {  	v21 =	vld.idx.msk [tilespmem:v24+s2+$0x0], $0xffff  }
0x1c4: {  	v17 =	vadd.f32 v18, v17;
	v18 =	vmul.f32 v20, v14;
	_ =	sdelay $0x1  }
0x1c5: {  	v17 =	vadd.f32 v18, v17;
	v18 =	vmul.f32 v19, v15  }
0x1c6: {  	s1 =	simm.s32 $0x1500  }
0x1c7: {  	v19 =	vadd.s32 s1, v1;
	v17 =	vadd.f32 v18, v17;
	v18 =	vmul.f32 v21, v16  }
0x1c8: {  	v20 =	vadd.s32 s1, v2  }
0x1c9: {  	v17 =	vadd.f32 v18, v17  }
0x1ca: {  	v18 =	vadd.s32 s1, v3  }
0x1cb: {  	[tilespmem:s29+$0xFFFFFE80] =	vst v17  }
0x1cc: {  	v17 =	vld.idx.msk [tilespmem:v19+s2+$0x0], $0xffff;
	v19 =	vadd.s32 s1, v4  }
0x1cd: {  	v20 =	vld.idx.msk [tilespmem:v20+s2+$0x0], $0xffff  }
0x1ce: {  	v21 =	vadd.s32 s1, v5  }
0x1cf: {  	v18 =	vld.idx.msk [tilespmem:v18+s2+$0x0], $0xffff  }
0x1d0: {  	v22 =	vadd.s32 s1, v6  }
0x1d1: {  	v19 =	vld.idx.msk [tilespmem:v19+s2+$0x0], $0xffff  }
0x1d2: {  	v23 =	vadd.s32 s1, v7;
	v17 =	vmul.f32 v17, v9;
	v20 =	vmul.f32 v20, v10  }
0x1d3: {  	v21 =	vld.idx.msk [tilespmem:v21+s2+$0x0], $0xffff  }
0x1d4: {  	v24 =	vadd.s32 s1, v8;
	v17 =	vadd.f32 v20, v17;
	v18 =	vmul.f32 v18, v11  }
0x1d5: {  	v20 =	vld.idx.msk [tilespmem:v22+s2+$0x0], $0xffff  }
0x1d6: {  	v17 =	vadd.f32 v18, v17;
	v18 =	vmul.f32 v19, v12  }
0x1d7: {  	v19 =	vld.idx.msk [tilespmem:v23+s2+$0x0], $0xffff  }
0x1d8: {  	v17 =	vadd.f32 v18, v17;
	v18 =	vmul.f32 v21, v13  }
0x1d9: {  	v21 =	vld.idx.msk [tilespmem:v24+s2+$0x0], $0xffff  }
0x1da: {  	v17 =	vadd.f32 v18, v17;
	v18 =	vmul.f32 v20, v14;
	_ =	sdelay $0x1  }
0x1db: {  	v17 =	vadd.f32 v18, v17;
	v18 =	vmul.f32 v19, v15  }
0x1dc: {  	s1 =	simm.s32 $0x1F80  }
0x1dd: {  	v19 =	vadd.s32 s1, v1;
	v17 =	vadd.f32 v18, v17;
	v18 =	vmul.f32 v21, v16  }
0x1de: {  	v20 =	vadd.s32 s1, v2  }
0x1df: {  	v17 =	vadd.f32 v18, v17  }
0x1e0: {  	v18 =	vadd.s32 s1, v3  }
0x1e1: {  	[tilespmem:s29+$0xFFFFFF00] =	vst v17  }
0x1e2: {  	v17 =	vld.idx.msk [tilespmem:v19+s2+$0x0], $0xffff;
	v19 =	vadd.s32 s1, v4  }
0x1e3: {  	v20 =	vld.idx.msk [tilespmem:v20+s2+$0x0], $0xffff  }
0x1e4: {  	v21 =	vadd.s32 s1, v5  }
0x1e5: {  	v18 =	vld.idx.msk [tilespmem:v18+s2+$0x0], $0xffff  }
0x1e6: {  	v22 =	vadd.s32 s1, v6  }
0x1e7: {  	v19 =	vld.idx.msk [tilespmem:v19+s2+$0x0], $0xffff  }
0x1e8: {  	v23 =	vadd.s32 s1, v7;
	v17 =	vmul.f32 v17, v9;
	v20 =	vmul.f32 v20, v10  }
0x1e9: {  	v21 =	vld.idx.msk [tilespmem:v21+s2+$0x0], $0xffff  }
0x1ea: {  	v24 =	vadd.s32 s1, v8;
	v17 =	vadd.f32 v20, v17;
	v18 =	vmul.f32 v18, v11  }
0x1eb: {  	v20 =	vld.idx.msk [tilespmem:v22+s2+$0x0], $0xffff  }
0x1ec: {  	v17 =	vadd.f32 v18, v17;
	v18 =	vmul.f32 v19, v12  }
0x1ed: {  	v19 =	vld.idx.msk [tilespmem:v23+s2+$0x0], $0xffff  }
0x1ee: {  	v17 =	vadd.f32 v18, v17;
	v18 =	vmul.f32 v21, v13  }
0x1ef: {  	v21 =	vld.idx.msk [tilespmem:v24+s2+$0x0], $0xffff  }
0x1f0: {  	v17 =	vadd.f32 v18, v17;
	v18 =	vmul.f32 v20, v14;
	_ =	sdelay $0x1  }
0x1f1: {  	v17 =	vadd.f32 v18, v17;
	v18 =	vmul.f32 v19, v15  }
0x1f2: {  	s1 =	simm.s32 $0x2A00  }
0x1f3: {  	v19 =	vadd.s32 s1, v1;
	v17 =	vadd.f32 v18, v17;
	v18 =	vmul.f32 v21, v16  }
0x1f4: {  	v20 =	vadd.s32 s1, v2  }
0x1f5: {  	v17 =	vadd.f32 v18, v17  }
0x1f6: {  	v18 =	vadd.s32 s1, v3  }
0x1f7: {  	[tilespmem:s29+$0xFFFFFF80] =	vst v17  }
0x1f8: {  	v17 =	vld.idx.msk [tilespmem:v19+s2+$0x0], $0xffff;
	v19 =	vadd.s32 s1, v4  }
0x1f9: {  	v20 =	vld.idx.msk [tilespmem:v20+s2+$0x0], $0xffff  }
0x1fa: {  	v21 =	vadd.s32 s1, v5  }
0x1fb: {  	v18 =	vld.idx.msk [tilespmem:v18+s2+$0x0], $0xffff  }
0x1fc: {  	v22 =	vadd.s32 s1, v6  }
0x1fd: {  	v19 =	vld.idx.msk [tilespmem:v19+s2+$0x0], $0xffff  }
0x1fe: {  	v23 =	vadd.s32 s1, v7;
	v17 =	vmul.f32 v17, v9;
	v20 =	vmul.f32 v20, v10  }
0x1ff: {  	v21 =	vld.idx.msk [tilespmem:v21+s2+$0x0], $0xffff  }
0x200: {  	v24 =	vadd.s32 s1, v8;
	v17 =	vadd.f32 v20, v17;
	v18 =	vmul.f32 v18, v11  }
0x201: {  	v20 =	vld.idx.msk [tilespmem:v22+s2+$0x0], $0xffff  }
0x202: {  	v17 =	vadd.f32 v18, v17;
	v18 =	vmul.f32 v19, v12  }
0x203: {  	v19 =	vld.idx.msk [tilespmem:v23+s2+$0x0], $0xffff  }
0x204: {  	v17 =	vadd.f32 v18, v17;
	v18 =	vmul.f32 v21, v13  }
0x205: {  	v21 =	vld.idx.msk [tilespmem:v24+s2+$0x0], $0xffff  }
0x206: {  	v17 =	vadd.f32 v18, v17;
	v18 =	vmul.f32 v20, v14;
	_ =	sdelay $0x1  }
0x207: {  	v17 =	vadd.f32 v18, v17;
	v18 =	vmul.f32 v19, v15  }
0x208: {  	s1 =	simm.s32 $0x3480  }
0x209: {  	v19 =	vadd.s32 s1, v1;
	v17 =	vadd.f32 v18, v17;
	v18 =	vmul.f32 v21, v16  }
0x20a: {  	v20 =	vadd.s32 s1, v2  }
0x20b: {  	v17 =	vadd.f32 v18, v17  }
0x20c: {  	v18 =	vadd.s32 s1, v3  }
0x20d: {  	[tilespmem:s29+$0x0] =	vst v17  }
0x20e: {  	v17 =	vadd.s32 s1, v4;
	v19 =	vld.idx.msk [tilespmem:v19+s2+$0x0], $0xffff  }
0x20f: {  	v20 =	vld.idx.msk [tilespmem:v20+s2+$0x0], $0xffff  }
0x210: {  	v21 =	vadd.s32 s1, v5  }
0x211: {  	v18 =	vld.idx.msk [tilespmem:v18+s2+$0x0], $0xffff  }
0x212: {  	v22 =	vadd.s32 s1, v6  }
0x213: {  	v17 =	vld.idx.msk [tilespmem:v17+s2+$0x0], $0xffff  }
0x214: {  	v23 =	vadd.s32 s1, v7;
	v19 =	vmul.f32 v19, v9;
	v20 =	vmul.f32 v20, v10  }
0x215: {  	v21 =	vld.idx.msk [tilespmem:v21+s2+$0x0], $0xffff  }
0x216: {  	v24 =	vadd.s32 s1, v8;
	v19 =	vadd.f32 v20, v19;
	v18 =	vmul.f32 v18, v11  }
0x217: {  	v20 =	vld.idx.msk [tilespmem:v22+s2+$0x0], $0xffff  }
0x218: {  	v18 =	vadd.f32 v18, v19;
	v17 =	vmul.f32 v17, v12  }
0x219: {  	v19 =	vld.idx.msk [tilespmem:v23+s2+$0x0], $0xffff  }
0x21a: {  	v17 =	vadd.f32 v17, v18;
	v18 =	vmul.f32 v21, v13  }
0x21b: {  	v21 =	vld.idx.msk [tilespmem:v24+s2+$0x0], $0xffff  }
0x21c: {  	v17 =	vadd.f32 v18, v17;
	v18 =	vmul.f32 v20, v14;
	_ =	sdelay $0x1  }
0x21d: {  	v17 =	vadd.f32 v18, v17;
	v18 =	vmul.f32 v19, v15  }
0x21e: {  	s1 =	simm.s32 $0x3F00  }
0x21f: {  	v19 =	vadd.s32 s1, v1;
	v17 =	vadd.f32 v18, v17;
	v18 =	vmul.f32 v21, v16  }
0x220: {  	v20 =	vadd.s32 s1, v2  }
0x221: {  	v17 =	vadd.f32 v18, v17  }
0x222: {  	v18 =	vadd.s32 s1, v3  }
0x223: {  	[tilespmem:s29+$0x80] =	vst v17  }
0x224: {  	v17 =	vadd.s32 s1, v4;
	v19 =	vld.idx.msk [tilespmem:v19+s2+$0x0], $0xffff  }
0x225: {  	v20 =	vld.idx.msk [tilespmem:v20+s2+$0x0], $0xffff  }
0x226: {  	v21 =	vadd.s32 s1, v5  }
0x227: {  	v18 =	vld.idx.msk [tilespmem:v18+s2+$0x0], $0xffff  }
0x228: {  	v22 =	vadd.s32 s1, v6  }
0x229: {  	v17 =	vld.idx.msk [tilespmem:v17+s2+$0x0], $0xffff  }
0x22a: {  	v23 =	vadd.s32 s1, v7;
	v19 =	vmul.f32 v19, v9;
	v20 =	vmul.f32 v20, v10  }
0x22b: {  	v21 =	vld.idx.msk [tilespmem:v21+s2+$0x0], $0xffff  }
0x22c: {  	v24 =	vadd.s32 s1, v8;
	v19 =	vadd.f32 v20, v19;
	v18 =	vmul.f32 v18, v11  }
0x22d: {  	v20 =	vld.idx.msk [tilespmem:v22+s2+$0x0], $0xffff  }
0x22e: {  	v17 =	vmul.f32 v17, v12;
	v18 =	vadd.f32 v18, v19  }
0x22f: {  	v19 =	vld.idx.msk [tilespmem:v23+s2+$0x0], $0xffff  }
0x230: {  	v21 =	vmul.f32 v21, v13;
	v17 =	vadd.f32 v17, v18  }
0x231: {  	v18 =	vld.idx.msk [tilespmem:v24+s2+$0x0], $0xffff  }
0x232: {  	v20 =	vmul.f32 v20, v14;
	v17 =	vadd.f32 v21, v17;
	_ =	sdelay $0x1  }
0x233: {  	v19 =	vmul.f32 v19, v15;
	v17 =	vadd.f32 v20, v17  }
0x234: {  	s1 =	simm.s32 $0x4980  }
0x235: {  	v18 =	vmul.f32 v18, v16;
	v17 =	vadd.f32 v19, v17;
	v19 =	vadd.s32 s1, v2  }
0x236: {  	v20 =	vadd.s32 s1, v1  }
0x237: {  	v17 =	vadd.f32 v18, v17;
	v18 =	vadd.s32 s1, v3  }
0x238: {  	v21 =	vadd.s32 s1, v4  }
0x239: {  	[tilespmem:s29+$0x100] =	vst v17;
	v17 =	vadd.s32 s1, v5  }
0x23a: {  	v25 =	vadd.s32 s1, v7;
	v24 =	vld.idx.msk [tilespmem:v19+s2+$0x0], $0xffff  }
0x23b: {  	v19 =	vadd.s32 s1, v6;
	v23 =	vld.idx.msk [tilespmem:v20+s2+$0x0], $0xffff  }
0x23c: {  	v22 =	vld.idx.msk [tilespmem:v18+s2+$0x0], $0xffff;
	v18 =	vadd.s32 s1, v8  }
0x23d: {  	v21 =	vld.idx.msk [tilespmem:v21+s2+$0x0], $0xffff  }
0x23e: {  	v20 =	vld.idx.msk [tilespmem:v17+s2+$0x0], $0xffff  }
0x23f: {  	v17 =	vld.idx.msk [tilespmem:v25+s2+$0x0], $0xffff  }
0x240: {  	v19 =	vld.idx.msk [tilespmem:v19+s2+$0x0], $0xffff  }
0x241: {  	s31 =	simm.s32 $0x9D80;
	s30 =	smov.u32 s29;
	v23 =	vmul.f32 v23, v9;
	v24 =	vmul.f32 v24, v10;
	v18 =	vld.idx.msk [tilespmem:v18+s2+$0x0], $0xffff  }
.LBB2_8:
0x242: {  	p0 =	sne.s32 s31, $0x14580  }
0x243: {  	s29 =	sadd.s32 $0xC00, s29;
	s1 =	smov.u32 s31;
	s31 =	sadd.s32 $0x5400, s31  }
0x244: {  	v22 =	vmul.f32 v22, v11;
	v23 =	vadd.f32 v24, v23;
	_ =	sdelay $0x1  }
0x245: {  	v21 =	vmul.f32 v21, v12;
	s0 =	sadd.s32 $0xFFFFB680, s1;
	v22 =	vadd.f32 v22, v23  }
0x246: {  	v24 =	vadd.s32 s0, v2;
	v23 =	vadd.s32 s0, v1  }
0x247: {  	v20 =	vmul.f32 v20, v13;
	v25 =	vadd.s32 s0, v3;
	v21 =	vadd.f32 v21, v22;
	_ =	sdelay $0x1  }
0x248: {  	v19 =	vmul.f32 v19, v14;
	v20 =	vadd.f32 v20, v21;
	_ =	sdelay $0x1  }
0x249: {  	v17 =	vmul.f32 v17, v15;
	v19 =	vadd.f32 v19, v20  }
0x24a: {  	v20 =	vadd.s32 s0, v4  }
0x24b: {  	v18 =	vmul.f32 v18, v16;
	v17 =	vadd.f32 v17, v19;
	_ =	sdelay $0x1  }
0x24c: {  	v17 =	vadd.f32 v18, v17;
	_ =	sdelay $0x1  }
0x24d: {  	[tilespmem:s30+$0x180] =	vst v17;
	s30 =	smov.u32 s29  }
0x24e: {  	v17 =	vld.idx.msk [tilespmem:v23+s2+$0x0], $0xffff  }
0x24f: {  	v18 =	vld.idx.msk [tilespmem:v24+s2+$0x0], $0xffff  }
0x250: {  	v19 =	vadd.s32 s0, v5  }
0x251: {  	v21 =	vld.idx.msk [tilespmem:v25+s2+$0x0], $0xffff  }
0x252: {  	v22 =	vadd.s32 s0, v6  }
0x253: {  	v20 =	vld.idx.msk [tilespmem:v20+s2+$0x0], $0xffff  }
0x254: {  	v23 =	vadd.s32 s0, v7  }
0x255: {  	v17 =	vmul.f32 v17, v9;
	v18 =	vmul.f32 v18, v10;
	v19 =	vld.idx.msk [tilespmem:v19+s2+$0x0], $0xffff  }
0x256: {  	v24 =	vadd.s32 s0, v8  }
0x257: {  	v17 =	vadd.f32 v18, v17;
	v18 =	vmul.f32 v21, v11;
	v21 =	vld.idx.msk [tilespmem:v22+s2+$0x0], $0xffff;
	_ =	sdelay $0x1  }
0x258: {  	v17 =	vadd.f32 v18, v17;
	v18 =	vmul.f32 v20, v12;
	v20 =	vld.idx.msk [tilespmem:v23+s2+$0x0], $0xffff;
	_ =	sdelay $0x1  }
0x259: {  	v17 =	vadd.f32 v18, v17;
	v18 =	vmul.f32 v19, v13;
	v19 =	vld.idx.msk [tilespmem:v24+s2+$0x0], $0xffff;
	_ =	sdelay $0x1  }
0x25a: {  	v17 =	vadd.f32 v18, v17;
	v18 =	vmul.f32 v21, v14;
	_ =	sdelay $0x1  }
0x25b: {  	v17 =	vadd.f32 v18, v17;
	v18 =	vmul.f32 v20, v15  }
0x25c: {  	s0 =	sadd.s32 $0xFFFFC100, s1  }
0x25d: {  	v17 =	vadd.f32 v18, v17;
	v18 =	vmul.f32 v19, v16;
	v19 =	vadd.s32 s0, v2  }
0x25e: {  	v20 =	vadd.s32 s0, v1  }
0x25f: {  	v17 =	vadd.f32 v18, v17  }
0x260: {  	v18 =	vadd.s32 s0, v3  }
0x261: {  	[tilespmem:s29+$0xFFFFFE00] =	vst v17  }
0x262: {  	v17 =	vld.idx.msk [tilespmem:v19+s2+$0x0], $0xffff;
	v19 =	vadd.s32 s0, v4  }
0x263: {  	v20 =	vld.idx.msk [tilespmem:v20+s2+$0x0], $0xffff  }
0x264: {  	v21 =	vadd.s32 s0, v5  }
0x265: {  	v18 =	vld.idx.msk [tilespmem:v18+s2+$0x0], $0xffff  }
0x266: {  	v22 =	vadd.s32 s0, v6  }
0x267: {  	v19 =	vld.idx.msk [tilespmem:v19+s2+$0x0], $0xffff  }
0x268: {  	v23 =	vadd.s32 s0, v7;
	v17 =	vmul.f32 v17, v10  }
0x269: {  	v20 =	vmul.f32 v20, v9;
	v21 =	vld.idx.msk [tilespmem:v21+s2+$0x0], $0xffff  }
0x26a: {  	v24 =	vadd.s32 s0, v8  }
0x26b: {  	v17 =	vadd.f32 v17, v20;
	v18 =	vmul.f32 v18, v11;
	v20 =	vld.idx.msk [tilespmem:v22+s2+$0x0], $0xffff;
	_ =	sdelay $0x1  }
0x26c: {  	v17 =	vadd.f32 v18, v17;
	v18 =	vmul.f32 v19, v12;
	v19 =	vld.idx.msk [tilespmem:v23+s2+$0x0], $0xffff;
	_ =	sdelay $0x1  }
0x26d: {  	v17 =	vadd.f32 v18, v17;
	v18 =	vmul.f32 v21, v13;
	v21 =	vld.idx.msk [tilespmem:v24+s2+$0x0], $0xffff;
	_ =	sdelay $0x1  }
0x26e: {  	v17 =	vadd.f32 v18, v17;
	v18 =	vmul.f32 v20, v14;
	_ =	sdelay $0x1  }
0x26f: {  	v17 =	vadd.f32 v18, v17;
	v18 =	vmul.f32 v19, v15  }
0x270: {  	s0 =	sadd.s32 $0xFFFFCB80, s1  }
0x271: {  	v19 =	vadd.s32 s0, v1;
	v17 =	vadd.f32 v18, v17;
	v18 =	vmul.f32 v21, v16  }
0x272: {  	v20 =	vadd.s32 s0, v2  }
0x273: {  	v17 =	vadd.f32 v18, v17;
	v18 =	vadd.s32 s0, v3;
	_ =	sdelay $0x1  }
0x274: {  	[tilespmem:s29+$0xFFFFFE80] =	vst v17  }
0x275: {  	v17 =	vld.idx.msk [tilespmem:v19+s2+$0x0], $0xffff;
	v19 =	vadd.s32 s0, v4  }
0x276: {  	v20 =	vld.idx.msk [tilespmem:v20+s2+$0x0], $0xffff  }
0x277: {  	v21 =	vadd.s32 s0, v5;
	v18 =	vld.idx.msk [tilespmem:v18+s2+$0x0], $0xffff;
	_ =	sdelay $0x1  }
0x278: {  	v22 =	vadd.s32 s0, v6  }
0x279: {  	v19 =	vld.idx.msk [tilespmem:v19+s2+$0x0], $0xffff  }
0x27a: {  	v23 =	vadd.s32 s0, v7  }
0x27b: {  	v17 =	vmul.f32 v17, v9;
	v20 =	vmul.f32 v20, v10;
	v21 =	vld.idx.msk [tilespmem:v21+s2+$0x0], $0xffff  }
0x27c: {  	v24 =	vadd.s32 s0, v8  }
0x27d: {  	v18 =	vmul.f32 v18, v11;
	v17 =	vadd.f32 v20, v17;
	v20 =	vld.idx.msk [tilespmem:v22+s2+$0x0], $0xffff;
	_ =	sdelay $0x1  }
0x27e: {  	v17 =	vadd.f32 v18, v17;
	v18 =	vmul.f32 v19, v12;
	v19 =	vld.idx.msk [tilespmem:v23+s2+$0x0], $0xffff;
	_ =	sdelay $0x1  }
0x27f: {  	v17 =	vadd.f32 v18, v17;
	v18 =	vmul.f32 v21, v13;
	v21 =	vld.idx.msk [tilespmem:v24+s2+$0x0], $0xffff;
	_ =	sdelay $0x1  }
0x280: {  	v17 =	vadd.f32 v18, v17;
	v18 =	vmul.f32 v20, v14;
	_ =	sdelay $0x1  }
0x281: {  	v17 =	vadd.f32 v18, v17;
	v18 =	vmul.f32 v19, v15  }
0x282: {  	s0 =	sadd.s32 $0xFFFFD600, s1  }
0x283: {  	v19 =	vadd.s32 s0, v1;
	v17 =	vadd.f32 v18, v17;
	v18 =	vmul.f32 v21, v16  }
0x284: {  	v20 =	vadd.s32 s0, v2  }
0x285: {  	v17 =	vadd.f32 v18, v17  }
0x286: {  	v18 =	vadd.s32 s0, v3  }
0x287: {  	[tilespmem:s29+$0xFFFFFF00] =	vst v17  }
0x288: {  	v17 =	vld.idx.msk [tilespmem:v19+s2+$0x0], $0xffff;
	v19 =	vadd.s32 s0, v4  }
0x289: {  	v20 =	vld.idx.msk [tilespmem:v20+s2+$0x0], $0xffff  }
0x28a: {  	v21 =	vadd.s32 s0, v5  }
0x28b: {  	v18 =	vld.idx.msk [tilespmem:v18+s2+$0x0], $0xffff  }
0x28c: {  	v22 =	vadd.s32 s0, v6  }
0x28d: {  	v19 =	vld.idx.msk [tilespmem:v19+s2+$0x0], $0xffff  }
0x28e: {  	v23 =	vadd.s32 s0, v7  }
0x28f: {  	v17 =	vmul.f32 v17, v9;
	v20 =	vmul.f32 v20, v10;
	v21 =	vld.idx.msk [tilespmem:v21+s2+$0x0], $0xffff  }
0x290: {  	v24 =	vadd.s32 s0, v8  }
0x291: {  	v17 =	vadd.f32 v20, v17;
	v18 =	vmul.f32 v18, v11;
	v20 =	vld.idx.msk [tilespmem:v22+s2+$0x0], $0xffff;
	_ =	sdelay $0x1  }
0x292: {  	v17 =	vadd.f32 v18, v17;
	v18 =	vmul.f32 v19, v12;
	v19 =	vld.idx.msk [tilespmem:v23+s2+$0x0], $0xffff;
	_ =	sdelay $0x1  }
0x293: {  	v17 =	vadd.f32 v18, v17;
	v18 =	vmul.f32 v21, v13;
	v21 =	vld.idx.msk [tilespmem:v24+s2+$0x0], $0xffff;
	_ =	sdelay $0x1  }
0x294: {  	v17 =	vadd.f32 v18, v17;
	v18 =	vmul.f32 v20, v14;
	_ =	sdelay $0x1  }
0x295: {  	v17 =	vadd.f32 v18, v17;
	v18 =	vmul.f32 v19, v15  }
0x296: {  	s0 =	sadd.s32 $0xFFFFE080, s1  }
0x297: {  	v19 =	vadd.s32 s0, v1;
	v17 =	vadd.f32 v18, v17;
	v18 =	vmul.f32 v21, v16  }
0x298: {  	v20 =	vadd.s32 s0, v2  }
0x299: {  	v17 =	vadd.f32 v18, v17;
	v18 =	vadd.s32 s0, v3;
	_ =	sdelay $0x1  }
0x29a: {  	[tilespmem:s29+$0xFFFFFF80] =	vst v17  }
0x29b: {  	v17 =	vld.idx.msk [tilespmem:v19+s2+$0x0], $0xffff;
	v19 =	vadd.s32 s0, v4  }
0x29c: {  	v20 =	vld.idx.msk [tilespmem:v20+s2+$0x0], $0xffff  }
0x29d: {  	v21 =	vadd.s32 s0, v5;
	v18 =	vld.idx.msk [tilespmem:v18+s2+$0x0], $0xffff;
	_ =	sdelay $0x1  }
0x29e: {  	v22 =	vadd.s32 s0, v6  }
0x29f: {  	v19 =	vld.idx.msk [tilespmem:v19+s2+$0x0], $0xffff  }
0x2a0: {  	v23 =	vadd.s32 s0, v7;
	v17 =	vmul.f32 v17, v9  }
0x2a1: {  	v20 =	vmul.f32 v20, v10;
	v21 =	vld.idx.msk [tilespmem:v21+s2+$0x0], $0xffff  }
0x2a2: {  	v24 =	vadd.s32 s0, v8  }
0x2a3: {  	v18 =	vmul.f32 v18, v11;
	v17 =	vadd.f32 v20, v17;
	v20 =	vld.idx.msk [tilespmem:v22+s2+$0x0], $0xffff;
	_ =	sdelay $0x1  }
0x2a4: {  	v17 =	vadd.f32 v18, v17;
	v18 =	vmul.f32 v19, v12;
	v19 =	vld.idx.msk [tilespmem:v23+s2+$0x0], $0xffff;
	_ =	sdelay $0x1  }
0x2a5: {  	v17 =	vadd.f32 v18, v17;
	v18 =	vmul.f32 v21, v13;
	v21 =	vld.idx.msk [tilespmem:v24+s2+$0x0], $0xffff;
	_ =	sdelay $0x1  }
0x2a6: {  	v17 =	vadd.f32 v18, v17;
	v18 =	vmul.f32 v20, v14;
	_ =	sdelay $0x1  }
0x2a7: {  	v17 =	vadd.f32 v18, v17;
	v18 =	vmul.f32 v19, v15  }
0x2a8: {  	s0 =	sadd.s32 $0xFFFFEB00, s1  }
0x2a9: {  	v19 =	vadd.s32 s0, v1;
	v17 =	vadd.f32 v18, v17;
	v18 =	vmul.f32 v21, v16  }
0x2aa: {  	v20 =	vadd.s32 s0, v2  }
0x2ab: {  	v17 =	vadd.f32 v18, v17;
	v18 =	vadd.s32 s0, v3  }
0x2ac: {  	v21 =	vadd.s32 s0, v4  }
0x2ad: {  	[tilespmem:s29+$0x0] =	vst v17;
	v17 =	vadd.s32 s0, v5  }
0x2ae: {  	v22 =	vadd.s32 s0, v6;
	v19 =	vld.idx.msk [tilespmem:v19+s2+$0x0], $0xffff  }
0x2af: {  	v23 =	vadd.s32 s0, v7;
	v20 =	vld.idx.msk [tilespmem:v20+s2+$0x0], $0xffff  }
0x2b0: {  	v24 =	vadd.s32 s0, v8;
	v18 =	vld.idx.msk [tilespmem:v18+s2+$0x0], $0xffff  }
0x2b1: {  	v21 =	vld.idx.msk [tilespmem:v21+s2+$0x0], $0xffff  }
0x2b2: {  	v17 =	vld.idx.msk [tilespmem:v17+s2+$0x0], $0xffff  }
0x2b3: {  	v22 =	vld.idx.msk [tilespmem:v22+s2+$0x0], $0xffff  }
0x2b4: {  	v19 =	vmul.f32 v19, v9;
	v23 =	vld.idx.msk [tilespmem:v23+s2+$0x0], $0xffff  }
0x2b5: {  	v20 =	vmul.f32 v20, v10;
	v24 =	vld.idx.msk [tilespmem:v24+s2+$0x0], $0xffff;
	_ =	sdelay $0x1  }
0x2b6: {  	v18 =	vmul.f32 v18, v11;
	v19 =	vadd.f32 v20, v19;
	_ =	sdelay $0x1  }
0x2b7: {  	v18 =	vadd.f32 v18, v19;
	v19 =	vmul.f32 v21, v12;
	_ =	sdelay $0x1  }
0x2b8: {  	v17 =	vmul.f32 v17, v13;
	v18 =	vadd.f32 v19, v18;
	_ =	sdelay $0x1  }
0x2b9: {  	v17 =	vadd.f32 v17, v18;
	v18 =	vmul.f32 v22, v14;
	_ =	sdelay $0x1  }
0x2ba: {  	v17 =	vadd.f32 v18, v17;
	v18 =	vmul.f32 v23, v15  }
0x2bb: {  	s0 =	sadd.s32 $0xFFFFF580, s1  }
0x2bc: {  	v19 =	vadd.s32 s0, v1;
	v17 =	vadd.f32 v18, v17;
	v18 =	vmul.f32 v24, v16  }
0x2bd: {  	v20 =	vadd.s32 s0, v2  }
0x2be: {  	v17 =	vadd.f32 v18, v17;
	v18 =	vadd.s32 s0, v4  }
0x2bf: {  	v21 =	vadd.s32 s0, v3  }
0x2c0: {  	[tilespmem:s29+$0x80] =	vst v17;
	v17 =	vadd.s32 s0, v5  }
0x2c1: {  	v22 =	vadd.s32 s0, v6;
	v19 =	vld.idx.msk [tilespmem:v19+s2+$0x0], $0xffff  }
0x2c2: {  	v23 =	vadd.s32 s0, v7;
	v20 =	vld.idx.msk [tilespmem:v20+s2+$0x0], $0xffff  }
0x2c3: {  	v24 =	vadd.s32 s0, v8;
	v18 =	vld.idx.msk [tilespmem:v18+s2+$0x0], $0xffff  }
0x2c4: {  	v21 =	vld.idx.msk [tilespmem:v21+s2+$0x0], $0xffff  }
0x2c5: {  	v17 =	vld.idx.msk [tilespmem:v17+s2+$0x0], $0xffff  }
0x2c6: {  	v22 =	vld.idx.msk [tilespmem:v22+s2+$0x0], $0xffff  }
0x2c7: {  	v19 =	vmul.f32 v19, v9;
	v23 =	vld.idx.msk [tilespmem:v23+s2+$0x0], $0xffff  }
0x2c8: {  	v20 =	vmul.f32 v20, v10;
	v24 =	vld.idx.msk [tilespmem:v24+s2+$0x0], $0xffff  }
0x2c9: {  	v18 =	vmul.f32 v18, v12  }
0x2ca: {  	v19 =	vadd.f32 v20, v19;
	v20 =	vmul.f32 v21, v11  }
0x2cb: {  	v17 =	vmul.f32 v17, v13  }
0x2cc: {  	v19 =	vadd.f32 v20, v19  }
0x2cd: {  	v20 =	vmul.f32 v22, v14  }
0x2ce: {  	v18 =	vadd.f32 v18, v19  }
0x2cf: {  	v19 =	vmul.f32 v23, v15  }
0x2d0: {  	v17 =	vadd.f32 v17, v18  }
0x2d1: {  	v18 =	vmul.f32 v24, v16  }
0x2d2: {  	v17 =	vadd.f32 v20, v17;
	_ =	sdelay $0x1  }
0x2d3: {  	v17 =	vadd.f32 v19, v17;
	v19 =	vadd.s32 s1, v2  }
0x2d4: {  	v20 =	vadd.s32 s1, v1  }
0x2d5: {  	v17 =	vadd.f32 v18, v17;
	v18 =	vadd.s32 s1, v3  }
0x2d6: {  	v21 =	vadd.s32 s1, v4  }
0x2d7: {  	[tilespmem:s29+$0x100] =	vst v17;
	v17 =	vadd.s32 s1, v5  }
0x2d8: {  	v24 =	vld.idx.msk [tilespmem:v19+s2+$0x0], $0xffff;
	v19 =	vadd.s32 s1, v6  }
0x2d9: {  	v25 =	vadd.s32 s1, v7;
	v23 =	vld.idx.msk [tilespmem:v20+s2+$0x0], $0xffff  }
0x2da: {  	v22 =	vld.idx.msk [tilespmem:v18+s2+$0x0], $0xffff;
	v18 =	vadd.s32 s1, v8  }
.Ltmp2:
0x2db: {  	v21 =	vld.idx.msk [tilespmem:v21+s2+$0x0], $0xffff;
	(pc) =	sbr.rel @p0 .LBB2_8-.Ltmp2, $4  }
0x2dc: {  	v20 =	vld.idx.msk [tilespmem:v17+s2+$0x0], $0xffff  }
0x2dd: {  	v19 =	vld.idx.msk [tilespmem:v19+s2+$0x0], $0xffff  }
0x2de: {  	v17 =	vld.idx.msk [tilespmem:v25+s2+$0x0], $0xffff  }
0x2df: {  	v24 =	vmul.f32 v24, v10;
	v23 =	vmul.f32 v23, v9;
	v18 =	vld.idx.msk [tilespmem:v18+s2+$0x0], $0xffff  }
0x2e0: {  	_ = 	snop  }
0x2e1: {  	v2 =	vmul.f32 v22, v11;
	v1 =	vadd.f32 v24, v23;
	_ =	sdelay $0x1  }
0x2e2: {  	v1 =	vadd.f32 v2, v1;
	v2 =	vmul.f32 v21, v12;
	_ =	sdelay $0x1  }
0x2e3: {  	v1 =	vadd.f32 v2, v1;
	v2 =	vmul.f32 v20, v13;
	_ =	sdelay $0x1  }
0x2e4: {  	v1 =	vadd.f32 v2, v1;
	v2 =	vmul.f32 v19, v14;
	_ =	sdelay $0x1  }
0x2e5: {  	s28 =	sadd.s32 $0x1, s28;
	v1 =	vadd.f32 v2, v1;
	v2 =	vmul.f32 v17, v15  }
0x2e6: {  	p0 =	sne.s32 s28, $0x18  }
.Ltmp3:
0x2e7: {  	v1 =	vadd.f32 v2, v1;
	v2 =	vmul.f32 v18, v16;
	(pc) =	sbr.rel @p0 .LBB2_7-.Ltmp3, $3  }
0x2e8: {  	_ = 	snop  }
0x2e9: {  	v1 =	vadd.f32 v2, v1;
	_ =	sdelay $0x1  }
0x2ea: {  	s26 =	sadd.s32 $0x80, s26;
	s25 =	sadd.s32 $0x1, s25;
	[tilespmem:s30+$0x180] =	vst v1  }
0x2eb: {  	s0 =	smul.u32 $0xC00, s24;
	p0 =	sne.s32 s23, $0x7  }
.Ltmp4:
0x2ec: {  	_ = 	snop;
	(pc) =	sbr.rel @p0 .LBB2_2-.Ltmp4, $4  }
0x2ed: {  	s0 =	sadd.s32 s7, s0  }
0x2ee: {  	s0 =	sshrl.u32 s0, $0x3  }
0x2ef: {  	s0 =	sadd.s32 s5, s0  }
0x2f0: {  	[hbm4b:s0+s15] =	stream.strided.scatter [tilespmem:s19], [sflag:$0x4], $0x3000, s16, s15, $0x38;
	[tilespmem:$0x1E000] =	vst v63  }
0x2f1: {  	s22 =	sadd.s32 $0x1, s22  }
0x2f2: {  	_ =	swait.ge [sflag:s20], $0x3000;
	p0 =	sne.s32 s22, s8  }
.Ltmp5:
0x2f3: {  	[sflag:s20] =	ssyncset.done $0x0;
	(pc) =	sbr.rel @p0 .LBB2_1-.Ltmp5, $4  }
0x2f4: {  	[sflag:s20] =	ssyncadd.s32 $0xFFFFD000  }
0x2f5: {  	_ =	swait.ge [sflag:s21], $0x3000  }
0x2f6: {  	[sflag:s21] =	ssyncset.done $0x0  }
0x2f7: {  	[sflag:s21] =	ssyncadd.s32 $0xFFFFD000  }
0x2f8: {  	_ =	sfence.sel $0x180000  }
0x2f9: {  	[bflag:$0x0] =	sbarrier.arrive $0xFFFF  }
0x2fa: {  	_ =	strace $0x90000047  }
0x2fb: {  	s0 =	stileid.u32;
	[bflag:$0x2] =	sbarrier.arrive $0xFFFF  }
0x2fc: {  	p0 =	sne.s32 s0, $0x0;
	s0 =	rddreg [dreg:$0x1]  }
0x2fd: {  	s0 =	sadd.s32 @!p0 $0x100000, s0  }
0x2fe: {  	[sflag:s0] =	ssyncadd.tile.s32 @!p0 $0x1;
	_ =	shalt  }
.Lfunc_end2:
_tile_overlayer_lowered:
.L_overlay_start_2:
0x2ff: {  	(tag) =	ssettag $0x2  }
0x300: {  	s0 =	rddreg [dreg:$0x0];
	s2 =	stileid.u32  }
0x301: {  	s1 =	rddreg [dreg:$0x1];
	p0 =	sne.s32 s2, $0x0  }
0x302: {  	s3 =	rddreg [dreg:$0x2];
	[bflag:$0x3] =	sbarrier.arrive $0xFFFF;
	s2 =	simm.s32 @!p0 $0x1C05  }
0x303: {  	[timem:s3], [sflag:s2] =	dma.local @!p0 [hbm:s0], s1  }
0x304: {  	s0 =	simm.s32 @!p0 $0x5  }
0x305: {  	_ =	swait.ge @!p0 [sflag:s0], s1  }
0x306: {  	s1 =	ssub.s32 @!p0 $0x0, s1;
	[sflag:s0] =	ssyncset.done @!p0 $0x0  }
0x307: {  	[sflag:s0] =	ssyncadd.s32 @!p0 s1  }
0x308: {  	[bflag:$0x3] =	sbarrier.arrive $0xFFFF  }
0x309: {  	_ =	shalt  }

// kernel: sparse-core-data-format-call.cloned.1.call-start
scs
called_computation_lowered:
.L_overlay_start_0:
0x0: {  	s2 =	sld [smem:$0x3FD9]  }
0x1: {  	s3 =	sld [smem:$0x3FFE];
	_ =	sdelay $0x1  }
0x2: {  	s1 =	srdreg.scid  }
0x3: {  	s0 =	sand.u32 $0x1, s1  }
0x4: {  	s18 =	sshll.u32 s0, $0xA;
	s2 =	sadd.s32 s3, s2  }
0x5: {  	s2 =	sadd.s32 s2, s18  }
0x6: {  	[smem:$0x3FC5] =	sst s2  }
0x7: {  	_ = 	snop  }
0x8: {  	s2 =	sld [smem:$0x3FD0];
	(tm) =	ssettm $0x1  }
0x9: {  	s19 =	sld [smem:$0x3FFB];
	_ =	sdelay $0x3  }
0xa: {  	_ =	strace s19  }
0xb: {  	s3 =	sld [smem:$0x3FFC];
	_ =	sdelay $0x3  }
0xc: {  	_ =	strace s3  }
0xd: {  	s3 =	sld [smem:$0x3FFD];
	_ =	sdelay $0x3  }
0xe: {  	_ =	strace s3  }
0xf: {  	_ =	strace $0x8FFFFFFF  }
0x10: {  	s20 =	sld [smem:$0x3FDB];
	_ =	sdelay $0x1  }
0x11: {  	s4 =	simm.s32 $_scs_section_size  }
0x12: {  	s5 =	simm.s32 $_size__tile_overlayer_lowered;
	s6 =	simm.s32 $_tile_overlayer_lowered  }
0x13: {  	s23 =	simm.s32 $0x1BFF;
	s22 =	sshll.u32 s6, $0x1;
	s3 =	sadd.s32 s4, s20  }
0x14: {  	s7 =	simm.s32 $0x0;
	s21 =	sshll.u32 s5, $0x1;
	s5 =	sadd.s32 s22, s3  }
0x15: {  	[timem:s7], [sflag:s23] =	dma.local [hbm:s5], s21  }
0x16: {  	_ =	swait.ge [sflag:s23], s21  }
0x17: {  	s4 =	ssub.s32 $0x0, s21;
	[sflag:s23] =	ssyncset.done $0x0  }
0x18: {  	[sflag:s23] =	ssyncadd.s32 s4;
	_ =	sdelay $0x1  }
0x19: {  	s24 =	simm.s32 $0x1B8B  }
0x1a: {  	_ =	swait.ge [sflag:s24], $0x1  }
0x1b: {  	[sflag:s24] =	ssyncset.done $0x0  }
0x1c: {  	s26 =	simm.s32 $0x1B8E;
	s25 =	sld [smem:$0x3FFE];
	[sflag:s24] =	ssyncadd.s32 $0xFFFFFFFF  }
0x1d: {  	s27 =	simm.s32 $execute0_lowered;
	[smem:$0x3FD2] =	sst s26  }
0x1e: {  	s5 =	sshll.u32 s27, $0x1;
	_ =	strace $0x8000004C;
	[dreg:$0x1] =	wrdreg $0xFFFFFFFF  }
0x1f: {  	s28 =	simm.s32 $_size_execute0_lowered;
	s3 =	sadd.s32 s3, s5;
	[dreg:$0x0] =	wrdreg $0x0  }
0x20: {  	s5 =	sshll.u32 s28, $0x1;
	[dreg:$0x2] =	wrdreg s3  }
0x21: {  	[dreg:$0x3] =	wrdreg s5  }
0x22: {  	[dreg:$0x4] =	wrdreg $0xC0  }
0x23: {  	_ =	task [dreg:s7], $0x5FFFF  }
0x24: {  	[dreg:$0x1] =	wrdreg $0xFFFFFFFF  }
0x25: {  	[dreg:$0x0] =	wrdreg $0x60  }
0x26: {  	[dreg:$0x2] =	wrdreg s25  }
0x27: {  	[dreg:$0x3] =	wrdreg s2  }
0x28: {  	[dreg:$0x4] =	wrdreg $0x9  }
0x29: {  	_ =	task.clear_ibuf [dreg:s7], $0x5FFFF;
	_ =	strace $0x9000004C  }
0x2a: {  	s29 =	simm.s32 $0x9;
	_ =	strace $0x8000004E  }
0x2b: {  	_ =	swait.ge [sflag:s29], $0x1  }
0x2c: {  	[sflag:s29] =	ssyncadd.s32 $0xFFFFFFFF  }
0x2d: {  	_ =	strace $0x9000004E  }
0x2e: {  	_ =	sfence  }
0x2f: {  	s30 =	sld [smem:$0x0];
	_ =	sdelay $0x2  }
0x30: {  	s31 =	sshll.u32 s1, $0xD;
	s1 =	sshrl.u32 s1, $0x2  }
0x31: {  	s3 =	sand.u32 $0x4000, s31;
	s1 =	sadd.s32 s1, s30  }
0x32: {  	s0 =	sor.u32 s3, s0;
	s1 =	sshll.u32 s1, $0x11  }
0x33: {  	s0 =	sor.u32 s1, s0  }
0x34: {  	s0 =	sadd.s32 $0x8F2B, s0  }
0x35: {  	[sflag:s0] =	ssyncadd.remote.s32 $0x1  }
0x36: {  	_ =	sfence.sel $0xFFFF  }
0x37: {  	[dreg:$0x0] =	wrdreg $0xFFFFFFFF;
	(pc) =	sbr.abs _section_cstart, $3  }
0x38: {  	[dreg:$0x1] =	wrdreg $0xFFFFFFFF  }
0x39: {  	_ =	task.clear_ibuf [dreg:s7], $0x2FFFF;
	_ =	strace $0x9FFFFFFF  }
0x3a: {  	(tm) =	ssettm $0x7FFFFFFF  }
0x3b: {  	_ =	shalt  }
tec
execute0_lowered:
.L_overlay_start_1:
0x0: {  	(tag) =	ssettag $0x1  }
0x1: {  	s0 =	stileid.u32;
	s1 =	srdreg.scid  }
0x2: {  	s7 =	rddreg [dreg:$0x0];
	s9 =	simm.s32 $0x2;
	s19 =	simm.s32 $0x0  }
0x3: {  	p0 =	por $0x0, $0x0;
	s10 =	simm.s32 $0x400;
	s18 =	simm.s32 $0x0  }
0x4: {  	s20 =	simm.s32 $0x0;
	s11 =	simm.s32 $0x0;
	s12 =	simm.s32 $0x0  }
0x5: {  	s13 =	simm.s32 $0x0;
	s17 =	simm.s32 $0x0;
	s2 =	sshll.u32 s0, $0x5  }
0x6: {  	s3 =	sshll.u32 s0, $0x4;
	s4 =	sshll.u32 s1, $0x8;
	s7 =	sadd.s32 $0x100C00, s7  }
0x7: {  	s1 =	sand.u32 $0x80, s2;
	s30 =	sor.u32 s3, s4;
	s4 =	rddreg [dreg:$0x1]  }
0x8: {  	s2 =	rddreg [dreg:$0x2];
	s3 =	sand.u32 $0x180, s30;
	s31 =	ssub.s32 $0x100, s1  }
0x9: {  	s5 =	sshrl.u32 s31, $0x7;
	s6 =	ssub.s32 $0x2800, s3;
	s8 =	sshrl.u32 s31, $0x8  }
.Ltmp0:
0xa: {  	s5 =	sand.u32 $0x1, s5;
	s6 =	sshrl.u32 s6, $0x9;
	(pc) =	sbr.rel .LBB1_1-.Ltmp0, $4  }
0xb: {  	_ =	strace $0x8000004D;
	s8 =	sadd.s32 s8, s5;
	s6 =	sadd.s32 $0x1, s6  }
0xc: {  	s15 =	smov.u32 s1;
	s5 =	simm.s32 $0x1;
	s6 =	smul.u32 s8, s6  }
0xd: {  	s14 =	smov.u32 s3;
	[sflag:s5] =	ssyncpa.u1 $0x0;
	s8 =	sand.u32 $0x3, s0  }
0xe: {  	[sflag:s9] =	ssyncpa.u1 $0x0;
	s16 =	smov.u32 s8;
	s9 =	sadd.s32 $0x1, s6  }
.LBB1_4:
0xf: {  	s25 =	sshra.s32 s25, $0x2  }
0x10: {  	p1 =	sgt.s32 s11, $0x2782;
	s26 =	sshra.s32 s11, $0x1F;
	s27 =	smov.u32 s13;
	v5 =	vld [tilespmem:s22+$0xFFFFFFD0]  }
0x11: {  	s29 =	sshra.s32 s13, $0x1F;
	v58 =	vld [tilespmem:s22+$0xFFFFFFE0];
	s24 =	sadd.s32 s25, s24;
	s25 =	smov.u32 s11  }
0x12: {  	v59 =	vld [tilespmem:s22+$0xFFFFFFF0];
	s26 =	sand.u32 s26, s11;
	s25 =	simm.s32 @!p1 $0x2782;
	p1 =	sgt.s32 s13, $0x3  }
0x13: {  	s28 =	smov.u32 s12;
	v60 =	vld [tilespmem:s22+$0x0];
	s25 =	ssub.s32 s25, s26;
	s27 =	simm.s32 @!p1 $0x3  }
0x14: {  	[tilespmem:s23+$0x2040 ss:$0x81] =	vst.msk $0xffff, v4;
	v61 =	vld [tilespmem:s22+$0x10];
	s26 =	sand.u32 s29, s13;
	p1 =	sgt.s32 s12, $0x80;
	s29 =	sshra.s32 s12, $0x1F  }
0x15: {  	[tilespmem:s23+$0x2850 ss:$0x81] =	vst.msk $0xffff, v3;
	v62 =	vld [tilespmem:s22+$0x20];
	s26 =	ssub.s32 s27, s26;
	s28 =	simm.s32 @!p1 $0x80;
	s30 =	sand.u32 s29, s12  }
0x16: {  	[tilespmem:s23+$0x3060 ss:$0x81] =	vst.msk $0xffff, v2;
	v63 =	vld [tilespmem:s22+$0xFFFFFFC0];
	s29 =	sand.u32 $0x78, s12;
	s22 =	ssub.s32 $0x2802, s25;
	s27 =	ssub.s32 s28, s30  }
0x17: {  	[tilespmem:s23+$0x0 ss:$0x81] =	vst.msk $0xffff, v0;
	s31 =	sadd.s32 $0xFFFFFFFD, s26;
	s23 =	ssub.s32 $0x4, s26;
	s30 =	sshll.u32 s13, $0x7  }
0x18: {  	[tilespmem:s24+$0x3870 ss:$0x81] =	vst.msk $0xffff, v1;
	p1 =	sgt.s32 s31, $0x0;
	s28 =	sadd.s32 $0xFFFFFF80, s27;
	s26 =	ssub.s32 $0x100, s27  }
0x19: {  	[tilespmem:s24+$0x810 ss:$0x81] =	vst.msk $0xffff, v5;
	s31 =	sadd.s32 $0xFFFFD87E, s25;
	s23 =	simm.s32 @p1 $0x0;
	p1 =	sgt.s32 s28, $0x7F  }
0x1a: {  	[tilespmem:s24+$0x1020 ss:$0x81] =	vst.msk $0xffff, v58;
	s27 =	sand.u32 $0x180, s30;
	s30 =	sand.u32 $0x7, s12;
	s26 =	simm.s32 @p1 $0x0  }
0x1b: {  	[tilespmem:s24+$0x1830 ss:$0x81] =	vst.msk $0xffff, v59;
	p1 =	sgt.s32 s31, $0x7F;
	s23 =	smul.u32 s23, s26;
	s26 =	sshll.u32 s12, $0x2  }
0x1c: {  	[tilespmem:s24+$0x2040 ss:$0x81] =	vst.msk $0xffff, v60;
	s28 =	sor.u32 s29, s27;
	s22 =	simm.s32 @p1 $0x0;
	s25 =	sand.u32 $0x200, s26  }
0x1d: {  	[tilespmem:s24+$0x2850 ss:$0x81] =	vst.msk $0xffff, v61;
	s29 =	sshll.u32 s11, $0x7;
	s22 =	smul.u32 s22, s23;
	s23 =	sor.u32 s25, s28  }
0x1e: {  	[tilespmem:s24+$0x3060 ss:$0x81] =	vst.msk $0xffff, v62;
	s26 =	sadd.s32 s4, s29;
	s25 =	sshll.u32 s30, $0x12;
	s23 =	sshrl.u32 s23, $0x3  }
0x1f: {  	[tilespmem:s24+$0x0 ss:$0x81] =	vst.msk $0xffff, v63;
	s31 =	sor.u32 $0x80, s25;
	s22 =	sand.u32 $0x3FFFFFFF, s22;
	s23 =	sadd.s32 s23, s26  }
0x20: {  	[hbm4b:s23+s31] =	stream.strided.scatter [tilespmem:s21], [sflag:$0x2], s22, s10, s31, $0x20;
	[tilespmem:$0x10100] =	vst v63  }
.LBB1_5:
0x21: {  	p1 =	slt.u32 s17, $0x2;
	s22 =	smov.u32 s20  }
0x22: {  	p2 =	sgt.s32 @!p1 s19, $0x2782;
	s21 =	sshra.s32 @!p1 s19, $0x1F;
	p3 =	sgt.s32 @!p1 s20, $0x3  }
0x23: {  	s23 =	sshra.s32 @!p1 s20, $0x1F;
	p2 =	por !p2, p1;
	s21 =	sand.u32 @!p1 s21, s19  }
0x24: {  	p3 =	por !p3, p1;
	s20 =	sand.u32 @!p1 s23, s20;
	s23 =	sshra.s32 @!p1 s18, $0x1F  }
0x25: {  	s22 =	simm.s32 @p3 $0x3;
	p3 =	sgt.s32 @!p1 s18, $0x80;
	s19 =	simm.s32 @p2 $0x2782  }
0x26: {  	s20 =	ssub.s32 @!p1 s22, s20;
	p3 =	por !p3, p1;
	s22 =	smov.u32 s18  }
0x27: {  	s18 =	sand.u32 @!p1 s23, s18;
	s19 =	ssub.s32 @!p1 s19, s21;
	s22 =	simm.s32 @p3 $0x80  }
0x28: {  	s21 =	sadd.s32 @!p1 $0xFFFFFFFD, s20;
	s20 =	ssub.s32 @!p1 $0x4, s20;
	s18 =	ssub.s32 @!p1 s22, s18  }
0x29: {  	s22 =	sadd.s32 @!p1 $0xFFFFD87E, s19;
	p2 =	sgt.s32 @!p1 s21, $0x0;
	s21 =	sadd.s32 @!p1 $0xFFFFFF80, s18  }
0x2a: {  	s19 =	ssub.s32 @!p1 $0x2802, s19;
	p2 =	por !p2, p1;
	p3 =	sgt.s32 @!p1 s21, $0x7F  }
0x2b: {  	s18 =	ssub.s32 @!p1 $0x100, s18;
	s20 =	simm.s32 @!p2 $0x0;
	p2 =	por !p3, p1  }
0x2c: {  	s21 =	sadd.s32 $0x200, s14;
	p3 =	sgt.s32 @!p1 s22, $0x7F;
	s18 =	simm.s32 @!p2 $0x0  }
0x2d: {  	s22 =	smov.u32 s15;
	p2 =	por !p3, p1;
	s18 =	smul.u32 @!p1 s20, s18  }
0x2e: {  	s19 =	simm.s32 @!p2 $0x0;
	p2 =	sgt.s32 s21, $0x2801;
	s20 =	sadd.s32 $0x100, s15  }
0x2f: {  	s23 =	smov.u32 s16;
	s22 =	smov.u32 @p2 s20  }
0x30: {  	s18 =	smul.u32 @!p1 s19, s18;
	p3 =	sgt.s32 s22, $0xFF;
	s19 =	sadd.s32 $0x4, s16  }
0x31: {  	p0 =	por !p0, !p0;
	s24 =	simm.s32 @!p1 $0x2;
	s23 =	smov.u32 @p3 s19  }
0x32: {  	s21 =	smov.u32 @p2 s3;
	s20 =	smov.u32 s13;
	p2 =	sgt.s32 s23, $0x3  }
0x33: {  	s13 =	smov.u32 s16;
	s23 =	smov.u32 @p2 s8;
	p2 =	sne.s32 s17, s9  }
.Ltmp1:
0x34: {  	s22 =	smov.u32 @p3 s1;
	s19 =	smov.u32 s11;
	(pc) =	sbr.rel @!p2 .LBB1_6-.Ltmp1, $4  }
0x35: {  	s11 =	smov.u32 s14;
	s14 =	smov.u32 s21;
	s18 =	sand.u32 @!p1 $0x3FFFFFFF, s18  }
0x36: {  	_ =	swait.ge @!p1 [sflag:s24], s18;
	s25 =	ssub.s32 @!p1 $0x0, s18;
	s18 =	smov.u32 s12  }
0x37: {  	s17 =	sadd.s32 $0x1, s17;
	s12 =	smov.u32 s15;
	[sflag:s24] =	ssyncset.done @!p1 $0x0  }
0x38: {  	s15 =	smov.u32 s22;
	s16 =	smov.u32 s23;
	[sflag:s24] =	ssyncadd.s32 @!p1 s25  }
.LBB1_1:
0x39: {  	p1 =	sge.u32 s17, s6  }
0x3a: {  	s21 =	sshrl.u32 @!p1 s15, $0x3  }
0x3b: {  	s22 =	sshll.u32 @!p1 s14, $0x3;
	s21 =	smul.u32 @!p1 $0x14400, s21  }
0x3c: {  	s23 =	sshll.u32 @!p1 s15, $0x7;
	s22 =	sand.u32 @!p1 $0xFFFFFC00, s22  }
0x3d: {  	s21 =	sadd.s32 @!p1 s21, s22;
	s22 =	sand.u32 @!p1 $0x380, s23  }
0x3e: {  	s23 =	sand.u32 @!p1 $0x7F, s14;
	s21 =	sor.u32 @!p1 s22, s21  }
0x3f: {  	s22 =	sor.u32 @!p1 s23, s21  }
0x40: {  	s23 =	smulhi.u32 @!p1 $0xCA4587E7, s22  }
0x41: {  	s21 =	smulhi.u32 @!p1 $0xCA4587E7, s21  }
0x42: {  	s23 =	sshrl.u32 @!p1 s23, $0xD  }
0x43: {  	s31 =	sadd.s32 $0xFFFFFFFF, s17;
	s21 =	sshrl.u32 @!p1 s21, $0xD;
	s23 =	smul.u32 @!p1 $0x2880, s23  }
0x44: {  	s24 =	sxor.u32 @!p1 $0xFFFFFFFF, s17;
	s25 =	smul.u32 @!p1 $0x51000, s16;
	s21 =	sand.u32 @!p1 $0xFF, s21  }
0x45: {  	s24 =	sshll.u32 @!p1 s24, $0xE;
	s21 =	smul.u32 @!p1 $0x510, s21;
	s22 =	ssub.s32 @!p1 s22, s23  }
0x46: {  	s23 =	sand.u32 @!p1 $0x4000, s24;
	s24 =	sadd.s32 @!p1 s7, s25;
	s25 =	sand.u32 @!p1 $0x7, s22  }
0x47: {  	s22 =	sshrl.u32 @!p1 s22, $0x3;
	s21 =	sadd.s32 @!p1 s21, s24;
	s24 =	sshll.u32 @!p1 s25, $0x12  }
0x48: {  	s21 =	sadd.s32 @!p1 s22, s21;
	s22 =	sor.u32 @!p1 $0x400, s24;
	s24 =	simm.s32 @!p1 $0x14400  }
0x49: {  	[tilespmem:s23], [sflag:$0x1] =	stream.strided.gather @!p1 [hbm4b:s21+s22], $0x4000, s24, s22, $0x38;
	[tilespmem:$0x10100] =	vst v63  }
0x4a: {  	p1 =	sge.u32 s31, s6  }
.Ltmp2:
0x4b: {  	_ = 	snop;
	(pc) =	sbr.rel @p1 .LBB1_5-.Ltmp2, $1  }
0x4c: {  	_ =	sdelay $0x3  }
0x4d: {  	s21 =	simm.s32 $0x1  }
0x4e: {  	_ =	swait.ge [sflag:s5], $0x4000;
	s21 =	simm.s32 @!p0 $0x0  }
0x4f: {  	[sflag:s5] =	ssyncset.done $0x0;
	s22 =	sshll.u32 s21, $0xE  }
0x50: {  	[sflag:s5] =	ssyncadd.s32 $0xFFFFC000;
	s22 =	sor.u32 $0x40, s22  }
0x51: {  	s21 =	smul.u32 $0x10200, s21;
	v0 =	vld [tilespmem:s22+$0x30]  }
0x52: {  	v1 =	vld [tilespmem:s22+$0xFFFFFFD0]  }
0x53: {  	s21 =	sshrl.u32 s21, $0x2;
	v5 =	vld [tilespmem:s22+$0xFFFFFFE0]  }
0x54: {  	v6 =	vld [tilespmem:s22+$0xFFFFFFF0];
	s24 =	sor.u32 $0x8000, s21  }
0x55: {  	s31 =	sand.u32 $0x1, s17;
	v4 =	vld [tilespmem:s22+$0x0];
	s23 =	sadd.s32 $0x0, s24  }
0x56: {  	v3 =	vld [tilespmem:s22+$0x10];
	s21 =	smul.u32 $0x10200, s31;
	[tilespmem:s23+$0x3870 ss:$0x81] =	vst.msk $0xffff, v0  }
0x57: {  	v2 =	vld [tilespmem:s22+$0x20];
	[tilespmem:s23+$0x810 ss:$0x81] =	vst.msk $0xffff, v1  }
0x58: {  	s21 =	sshrl.u32 s21, $0x2;
	v0 =	vld [tilespmem:s22+$0xFFFFFFC0];
	[tilespmem:s23+$0x1020 ss:$0x81] =	vst.msk $0xffff, v5;
	s22 =	sadd.s32 $0x80, s22  }
0x59: {  	s25 =	simm.s32 $0x4;
	s26 =	simm.s32 $0x8;
	s21 =	sor.u32 $0x8000, s21;
	[tilespmem:s23+$0x1830 ss:$0x81] =	vst.msk $0xffff, v6;
	v1 =	vld [tilespmem:s22+$0x30]  }
.LBB1_3:
0x5a: {  	p1 =	sne.s32 s26, $0x1FC;
	v5 =	vld [tilespmem:s22+$0xFFFFFFD0];
	[tilespmem:s23+$0x2040 ss:$0x81] =	vst.msk $0xffff, v4  }
0x5b: {  	v6 =	vld [tilespmem:s22+$0xFFFFFFE0];
	[tilespmem:s23+$0x2850 ss:$0x81] =	vst.msk $0xffff, v3  }
0x5c: {  	s27 =	sshra.s32 s25, $0x2;
	s25 =	smov.u32 s26;
	v7 =	vld [tilespmem:s22+$0xFFFFFFF0];
	[tilespmem:s23+$0x3060 ss:$0x81] =	vst.msk $0xffff, v2  }
.Ltmp3:
0x5d: {  	v4 =	vld [tilespmem:s22+$0x0];
	[tilespmem:s23+$0x0 ss:$0x81] =	vst.msk $0xffff, v0;
	s23 =	sadd.s32 s27, s24;
	(pc) =	sbr.rel @p1 .LBB1_3-.Ltmp3, $4  }
0x5e: {  	v3 =	vld [tilespmem:s22+$0x10];
	[tilespmem:s23+$0x3870 ss:$0x81] =	vst.msk $0xffff, v1  }
0x5f: {  	[tilespmem:s23+$0x810 ss:$0x81] =	vst.msk $0xffff, v5;
	v2 =	vld [tilespmem:s22+$0x20]  }
0x60: {  	v0 =	vld [tilespmem:s22+$0xFFFFFFC0];
	[tilespmem:s23+$0x1020 ss:$0x81] =	vst.msk $0xffff, v6;
	s22 =	sadd.s32 $0x80, s22  }
0x61: {  	s26 =	sadd.s32 $0x4, s26;
	v1 =	vld [tilespmem:s22+$0x30];
	[tilespmem:s23+$0x1830 ss:$0x81] =	vst.msk $0xffff, v7  }
.Ltmp4:
0x62: {  	_ = 	snop;
	(pc) =	sbr.rel .LBB1_4-.Ltmp4, $1  }
0x63: {  	_ =	sdelay $0x3  }
.LBB1_6:
0x64: {  	_ =	sfence.sel $0x180000  }
0x65: {  	s1 =	simm.s32 $0x1;
	[bflag:$0x0] =	sbarrier.arrive $0xFFFF  }
0x66: {  	s31 =	simm.s32 $0x2;
	[sflag:s1] =	ssyncpa.u1 $0x1  }
0x67: {  	[sflag:s31] =	ssyncpa.u1 $0x1  }
0x68: {  	p0 =	sne.s32 s0, $0x0;
	_ =	strace $0x9000004D  }
0x69: {  	s0 =	sadd.s32 @!p0 $0x100000, s2;
	[bflag:$0x2] =	sbarrier.arrive $0xFFFF  }
0x6a: {  	[sflag:s0] =	ssyncadd.tile.s32 @!p0 $0x1;
	_ =	shalt  }
.Lfunc_end1:
_tile_overlayer_lowered:
.L_overlay_start_2:
0x6b: {  	(tag) =	ssettag $0x2  }
0x6c: {  	s0 =	rddreg [dreg:$0x0];
	s2 =	stileid.u32  }
0x6d: {  	s1 =	rddreg [dreg:$0x1];
	p0 =	sne.s32 s2, $0x0  }
0x6e: {  	s3 =	rddreg [dreg:$0x2];
	[bflag:$0x3] =	sbarrier.arrive $0xFFFF;
	s2 =	simm.s32 @!p0 $0x1C01  }
0x6f: {  	[timem:s3], [sflag:s2] =	dma.local @!p0 [hbm:s0], s1  }
0x70: {  	s0 =	simm.s32 @!p0 $0x1  }
0x71: {  	_ =	swait.ge @!p0 [sflag:s0], s1  }
0x72: {  	s1 =	ssub.s32 @!p0 $0x0, s1;
	[sflag:s0] =	ssyncset.done @!p0 $0x0  }
0x73: {  	[sflag:s0] =	ssyncadd.s32 @!p0 s1  }
0x74: {  	[bflag:$0x3] =	sbarrier.arrive $0xFFFF  }
0x75: {  	_ =	shalt  }

</sc_bundles>
